<compile_context>
chip_gen: v7x
topology: tpu7x:2x2x1
jax: 0.10.2.dev20260603
libtpu: 0.0.44.dev20260713+nightly
codegen_flags: <defaults>
</compile_context>

<pallas_src>
import functools

import jax
import jax.numpy as jnp
from jax import lax
from jax.experimental import pallas as pl
from jax.experimental.pallas import tpu as pltpu
from jax.experimental.pallas import tpu_sc as plsc

NN = 10000
CC = 128
EE = 320000
NC = 2
NS = 16
NW = NC * NS
CHUNK = 80
KT = 256
K0 = 168
K1 = 88
IBLK = 8
NRING = 3
E_PAD = NS * KT * CHUNK
IDX_ROWS = E_PAD // CHUNK
CHUNKC = 128
IDX_ROWS_C = E_PAD // CHUNKC
CPWC = IDX_ROWS_C // NW
N_ACC = 10112
STRIPE = N_ACC // NS

_MESH = dict(core_axis_name="c", subcore_axis_name="s", num_cores=NC,
             num_subcores=NS)


def _agg_body(t1, t2, t3, t4, t5, t6, srcm, dstm, zacc,
              acc_out,
              acc_sh, src_v, dst_v, r0, r1, r2, s0, s1, s2):
    c = lax.axis_index("c")
    s = lax.axis_index("s")
    pltpu.sync_copy(zacc.at[pl.ds(s * STRIPE, STRIPE)],
                    acc_sh.at[pl.ds(s * STRIPE, STRIPE)])
    plsc.subcore_barrier()

    base0 = s * KT + jnp.where(c == 0, 0, K0)
    rows = (r0, r1, r2)
    sems = (s0, s1, s2)

    def run(tabs, my_nblk):
        def g(b, j):
            return pltpu.make_async_copy(tabs[b].at[src_v.at[j]], rows[b],
                                         sems[b])

        def outer(bi, carry):
            base = base0 + bi * IBLK
            pltpu.sync_copy(srcm.at[pl.ds(base, IBLK)], src_v)
            pltpu.sync_copy(dstm.at[pl.ds(base, IBLK)], dst_v)
            for j in range(NRING):
                g(j, j).start()
            for j in range(IBLK):
                b = j % NRING
                g(b, j).wait()
                pltpu.sync_copy(rows[b], acc_sh.at[dst_v.at[j]], add=True)
                if j + NRING < IBLK:
                    g(b, j + NRING).start()
            return carry

        lax.fori_loop(0, my_nblk, outer, 0)

    @pl.when(c == 0)
    def _():
        run((t1, t3, t5), K0 // IBLK)

    @pl.when(c != 0)
    def _():
        run((t2, t4, t6), K1 // IBLK)

    plsc.subcore_barrier()
    pltpu.sync_copy(acc_sh.at[pl.ds(s * STRIPE, STRIPE)],
                    acc_out.at[c, pl.ds(s * STRIPE, STRIPE)])


def _cnt_body(dstm, zcnt, ones_hbm,
              cnt_out,
              cnt_sh, dst_v, ones_v):
    c = lax.axis_index("c")
    s = lax.axis_index("s")
    w = s * NC + c
    pltpu.sync_copy(zcnt.at[pl.ds(s * STRIPE, STRIPE)],
                    cnt_sh.at[pl.ds(s * STRIPE, STRIPE)])
    pltpu.sync_copy(ones_hbm, ones_v)
    plsc.subcore_barrier()

    def outer(bi, carry):
        base = w * CPWC + bi * IBLK
        pltpu.sync_copy(dstm.at[pl.ds(base, IBLK)], dst_v)

        def inner(j, c2):
            pltpu.sync_copy(ones_v, cnt_sh.at[dst_v.at[j]], add=True)
            return c2

        lax.fori_loop(0, IBLK, inner, 0)
        return carry

    lax.fori_loop(0, CPWC // IBLK, outer, 0)
    plsc.subcore_barrier()
    pltpu.sync_copy(cnt_sh.at[pl.ds(s * STRIPE, STRIPE)],
                    cnt_out.at[c, pl.ds(s * STRIPE, STRIPE)])


_sc_agg = pl.kernel(
    _agg_body,
    out_type=jax.ShapeDtypeStruct((NC, N_ACC, CC), jnp.float32),
    mesh=plsc.VectorSubcoreMesh(**_MESH),
    scratch_types=[
        pltpu.VMEM_SHARED((N_ACC, CC), jnp.float32),
        pltpu.VMEM((IBLK, CHUNK), jnp.int32),
        pltpu.VMEM((IBLK, CHUNK), jnp.int32),
        pltpu.VMEM((CHUNK, CC), jnp.float32),
        pltpu.VMEM((CHUNK, CC), jnp.float32),
        pltpu.VMEM((CHUNK, CC), jnp.float32),
        pltpu.SemaphoreType.DMA,
        pltpu.SemaphoreType.DMA,
        pltpu.SemaphoreType.DMA,
    ],
)

_sc_cnt = pl.kernel(
    _cnt_body,
    out_type=jax.ShapeDtypeStruct((NC, N_ACC, CC), jnp.float32),
    mesh=plsc.VectorSubcoreMesh(**_MESH),
    scratch_types=[
        pltpu.VMEM_SHARED((N_ACC, CC), jnp.float32),
        pltpu.VMEM((IBLK, CHUNKC), jnp.int32),
        pltpu.VMEM((CHUNKC, CC), jnp.float32),
    ],
)


def _tc_layer_body(relu, ncopies, acc_ref, cnt_ref, x_ref, wl_ref, wr_ref,
                   b_ref, *o_refs):
    acc = acc_ref[0] + acc_ref[1]
    cnt = cnt_ref[0] + cnt_ref[1]
    denom = jnp.maximum(cnt[:, 0:1], 1.0)
    agg = acc / denom
    h = (jnp.dot(agg, wl_ref[...], preferred_element_type=jnp.float32)
         + jnp.dot(x_ref[...], wr_ref[...], preferred_element_type=jnp.float32)
         + b_ref[...])
    h = jnp.maximum(h, 0.0) if relu else h
    for o_ref in o_refs:
        o_ref[...] = h


def _tc_layer(relu, ncopies, acc, cnt, x, wl, wr, b):
    blk = 1000
    grid = (NN // blk,)
    out = pl.pallas_call(
        functools.partial(_tc_layer_body, relu, ncopies),
        grid=grid,
        in_specs=[
            pl.BlockSpec((NC, blk, CC), lambda i: (0, i, 0)),
            pl.BlockSpec((NC, blk, CC), lambda i: (0, i, 0)),
            pl.BlockSpec((blk, CC), lambda i: (i, 0)),
            pl.BlockSpec((CC, CC), lambda i: (0, 0)),
            pl.BlockSpec((CC, CC), lambda i: (0, 0)),
            pl.BlockSpec((1, CC), lambda i: (0, 0)),
        ],
        out_specs=[pl.BlockSpec((blk, CC), lambda i: (i, 0))] * ncopies,
        out_shape=[jax.ShapeDtypeStruct((NN, CC), jnp.float32)] * ncopies,
    )(acc, cnt, x, wl, wr, b)
    return out


def kernel(x, edge_index, W1_l, W1_r, b1, W2_l, W2_r, b2):
    src = edge_index[0]
    dst = edge_index[1]
    pad = E_PAD - EE
    srcm = jnp.concatenate([src, jnp.zeros((pad,), jnp.int32)]).reshape(
        IDX_ROWS, CHUNK)
    dst_pad = jnp.concatenate([dst, jnp.full((pad,), NN, jnp.int32)])
    dstm = dst_pad.reshape(IDX_ROWS, CHUNK)
    dstmc = dst_pad.reshape(IDX_ROWS_C, CHUNKC)
    zacc = jnp.zeros((N_ACC, CC), jnp.float32)
    ones = jnp.ones((CHUNKC, CC), jnp.float32)

    zs = lax.optimization_barrier(tuple(jnp.float32(0.0) for _ in range(5)))
    xs = tuple(x + z for z in zs)
    cnt = _sc_cnt(dstmc, zacc, ones)
    acc1 = _sc_agg(x, *xs, srcm, dstm, zacc)
    h, = _tc_layer(True, 1, acc1, cnt, x, W1_l, W1_r, b1.reshape(1, CC))
    hs = tuple(h + z for z in zs)
    acc2 = _sc_agg(h, *hs, srcm, dstm, zacc)
    out, = _tc_layer(False, 1, acc2, cnt, h, W2_l, W2_r, b2.reshape(1, CC))
    return out

# --- scband reference (transcript-rebuilt; emitter-appended) ---
"""Pipeline reference for scband-bi-sage-53996328845505 (READ-ONLY COPY).

The authoritative reference and input builder live on the scoring server;
editing this copy changes nothing except your own understanding.
"""

import jax, jax.numpy as jnp
import numpy as np

N = 10000
E = 320000
IN_C = 128
HID_C = 128
OUT_C = 128


def mean_agg(x, edge_index, num_nodes):
    # PyG SAGEConv default: messages flow src (row 0) -> dst (row 1), mean aggregation
    src = edge_index[0]
    dst = edge_index[1]
    msgs = x[src]
    summed = jax.ops.segment_sum(msgs, dst, num_segments=num_nodes)
    cnt = jax.ops.segment_sum(jnp.ones((src.shape[0], 1), x.dtype), dst, num_segments=num_nodes)
    return summed / jnp.maximum(cnt, 1.0)


def setup_inputs(seed: int = 0) -> dict:
    key = jax.random.key(seed)
    ks = jax.random.split(key, 10)
    x = jax.random.normal(ks[0], (N, IN_C), dtype=jnp.float32)
    edge_index = jax.random.randint(ks[1], (2, E), 0, N, dtype=jnp.int32)
    # SAGEConv params: lin_l acts on aggregated neighbors, lin_r on root; bias on lin_l
    W1_l = jax.random.normal(ks[2], (IN_C, HID_C), dtype=jnp.float32) * 0.05
    W1_r = jax.random.normal(ks[3], (IN_C, HID_C), dtype=jnp.float32) * 0.05
    b1 = jax.random.normal(ks[4], (HID_C,), dtype=jnp.float32) * 0.05
    W2_l = jax.random.normal(ks[5], (HID_C, OUT_C), dtype=jnp.float32) * 0.05
    W2_r = jax.random.normal(ks[6], (HID_C, OUT_C), dtype=jnp.float32) * 0.05
    b2 = jax.random.normal(ks[7], (OUT_C,), dtype=jnp.float32) * 0.05
    return {"x": x, "edge_index": edge_index, "W1_l": W1_l, "W1_r": W1_r, "b1": b1,
            "W2_l": W2_l, "W2_r": W2_r, "b2": b2}


def reference(x, edge_index, W1_l, W1_r, b1, W2_l, W2_r, b2):
    num_nodes = x.shape[0]
    # conv1: SAGEConv(in_c, hid_c)
    agg1 = mean_agg(x, edge_index, num_nodes)
    h = agg1 @ W1_l + x @ W1_r + b1
    h = jax.nn.relu(h)
    # dropout: eval mode (training=False) -> identity
    # conv2: SAGEConv(hid_c, out_c)
    agg2 = mean_agg(h, edge_index, num_nodes)
    out = agg2 @ W2_l + h @ W2_r + b2
    return out

if __name__ == "__main__":
    import jax
    _d = setup_inputs()
    print(jax.jit(kernel)(*tuple(_d.values())))

</pallas_src>

<mosaic_0001>
#map = affine_map<(d0, d1) -> (0, 0)>
#map1 = affine_map<(d0, d1) -> (0, 0, 0)>
module attributes {stable_mosaic.version = 14 : i64} {
  func.func @_agg_body(%arg0: i32, %arg1: i32, %arg2: memref<10000x128xf32, #tpu.memory_space<hbm>>, %arg3: memref<10000x128xf32, #tpu.memory_space<hbm>>, %arg4: memref<10000x128xf32, #tpu.memory_space<hbm>>, %arg5: memref<10000x128xf32, #tpu.memory_space<hbm>>, %arg6: memref<10000x128xf32, #tpu.memory_space<hbm>>, %arg7: memref<10000x128xf32, #tpu.memory_space<hbm>>, %arg8: memref<4096x80xi32, #tpu.memory_space<hbm>>, %arg9: memref<4096x80xi32, #tpu.memory_space<hbm>>, %arg10: memref<10112x128xf32, #tpu.memory_space<hbm>>, %arg11: memref<2x10112x128xf32, #tpu.memory_space<hbm>>, %arg12: memref<10112x128xf32, #tpu.memory_space<vmem_shared>>, %arg13: memref<8x80xi32, #tpu.memory_space<vmem>>, %arg14: memref<8x80xi32, #tpu.memory_space<vmem>>, %arg15: memref<80x128xf32, #tpu.memory_space<vmem>>, %arg16: memref<80x128xf32, #tpu.memory_space<vmem>>, %arg17: memref<80x128xf32, #tpu.memory_space<vmem>>, %arg18: memref<!tpu.dma_semaphore, #tpu.memory_space<semaphore_mem>>, %arg19: memref<!tpu.dma_semaphore, #tpu.memory_space<semaphore_mem>>, %arg20: memref<!tpu.dma_semaphore, #tpu.memory_space<semaphore_mem>>) attributes {dimension_semantics = [#tpu.dimension_semantics<core_parallel>, #tpu.dimension_semantics<subcore_parallel>], iteration_bounds = array<i64: 2, 16>, scalar_prefetch = 0 : i64, scratch_operands = 9 : i64, tpu.core_type = #tpu.core_type<sc_vector_subcore>, window_params = [{transform_indices = #map}, {transform_indices = #map}, {transform_indices = #map}, {transform_indices = #map}, {transform_indices = #map}, {transform_indices = #map}, {transform_indices = #map}, {transform_indices = #map}, {transform_indices = #map}, {transform_indices = #map1}]} {
    %mul3A = arith.constant 632 : i32
    %mul3A_0 = arith.muli %arg1, %mul3A : i32
    %mul3A_1 = arith.constant 632 : i32
    %mul3A_2 = arith.muli %arg1, %mul3A_1 : i32
    "tpu.region"() ({
      %run_scoped3A = tpu.sem_alloc : memref<!tpu.dma_semaphore, #tpu.memory_space<semaphore_mem>>
      %dma_start3A = arith.constant 0 : i32
      %dma_start3A_19 = tpu.memref_slice %arg12[%mul3A_2, %dma_start3A] : memref<10112x128xf32, #tpu.memory_space<vmem_shared>> -> memref<632x128xf32, #tpu.memory_space<vmem_shared>>
      %dma_start3A_20 = arith.constant 0 : i32
      %dma_start3A_21 = tpu.memref_slice %arg10[%mul3A_0, %dma_start3A_20] : memref<10112x128xf32, #tpu.memory_space<hbm>> -> memref<632x128xf32, #tpu.memory_space<hbm>>
      tpu.enqueue_dma source(%dma_start3A_21 : memref<632x128xf32, #tpu.memory_space<hbm>>) target(%dma_start3A_19 : memref<632x128xf32, #tpu.memory_space<vmem_shared>>) target_semaphore(%run_scoped3A : memref<!tpu.dma_semaphore, #tpu.memory_space<semaphore_mem>>)
      %dma_wait3A = arith.constant 0 : i32
      %dma_wait3A_22 = tpu.memref_slice %arg12[%mul3A_2, %dma_wait3A] : memref<10112x128xf32, #tpu.memory_space<vmem_shared>> -> memref<632x128xf32, #tpu.memory_space<vmem_shared>>
      %dma_wait3A_23 = arith.constant 0 : i32
      %dma_wait3A_24 = tpu.memref_slice %arg10[%mul3A_0, %dma_wait3A_23] : memref<10112x128xf32, #tpu.memory_space<hbm>> -> memref<632x128xf32, #tpu.memory_space<hbm>>
      tpu.wait_dma2 semaphore(%run_scoped3A : memref<!tpu.dma_semaphore, #tpu.memory_space<semaphore_mem>>) src(%dma_wait3A_24 : memref<632x128xf32, #tpu.memory_space<hbm>>) dst(%dma_wait3A_22 : memref<632x128xf32, #tpu.memory_space<vmem_shared>>)
      tpu.yield
    }) : () -> ()
    %barrier3A = arith.constant 0 : index
    tpu.barrier barrier_id(%barrier3A)
    %mul3A_3 = arith.constant 256 : i32
    %mul3A_4 = arith.muli %arg1, %mul3A_3 : i32
    %eq3A = arith.constant 0 : i32
    %eq3A_5 = arith.cmpi eq, %arg0, %eq3A : i32
    %jit3A = arith.constant 0 : i32
    %jit3A_6 = arith.constant 168 : i32
    %select_n3A = arith.select %eq3A_5, %jit3A, %jit3A_6 : i32
    %add3A = arith.addi %mul3A_4, %select_n3A : i32
    %eq3A_7 = arith.constant 0 : i32
    %eq3A_8 = arith.cmpi eq, %arg0, %eq3A_7 : i32
    %convert_element_type3A = arith.extui %eq3A_8 : i1 to i32
    %cond3A = arith.constant 0 : i32
    %cond3A_9 = arith.cmpi ne, %convert_element_type3A, %cond3A : i32
    scf.if %cond3A_9 {
      %scan3A = arith.constant 0 : i32
      %scan3A_19 = arith.constant 0 : i32
      %scan3A_20 = arith.constant 21 : i32
      %scan3A_21 = arith.addi %scan3A_19, %scan3A_20 : i32
      %scan3A_22 = arith.constant 1 : i32
      scf.for %scan3A_24 = %scan3A_19 to %scan3A_21 step %scan3A_22  : i32 {
        %mul3A_25 = arith.constant 8 : i32
        %mul3A_26 = arith.muli %scan3A_24, %mul3A_25 : i32
        %add3A_27 = arith.addi %add3A, %mul3A_26 : i32
        "tpu.region"() ({
          %run_scoped3A_145 = tpu.sem_alloc : memref<!tpu.dma_semaphore, #tpu.memory_space<semaphore_mem>>
          %dma_start3A_146 = arith.constant 0 : i32
          %dma_start3A_147 = tpu.memref_slice %arg8[%add3A_27, %dma_start3A_146] : memref<4096x80xi32, #tpu.memory_space<hbm>> -> memref<8x80xi32, #tpu.memory_space<hbm>>
          %dma_start3A_148 = arith.constant 0 : i32
          %dma_start3A_149 = tpu.memref_slice %arg8[%add3A_27, %dma_start3A_148] : memref<4096x80xi32, #tpu.memory_space<hbm>> -> memref<8x80xi32, #tpu.memory_space<hbm>>
          tpu.enqueue_dma source(%dma_start3A_149 : memref<8x80xi32, #tpu.memory_space<hbm>>) target(%arg13 : memref<8x80xi32, #tpu.memory_space<vmem>>) target_semaphore(%run_scoped3A_145 : memref<!tpu.dma_semaphore, #tpu.memory_space<semaphore_mem>>)
          %dma_wait3A_150 = arith.constant 0 : i32
          %dma_wait3A_151 = tpu.memref_slice %arg8[%add3A_27, %dma_wait3A_150] : memref<4096x80xi32, #tpu.memory_space<hbm>> -> memref<8x80xi32, #tpu.memory_space<hbm>>
          %dma_wait3A_152 = arith.constant 0 : i32
          %dma_wait3A_153 = tpu.memref_slice %arg8[%add3A_27, %dma_wait3A_152] : memref<4096x80xi32, #tpu.memory_space<hbm>> -> memref<8x80xi32, #tpu.memory_space<hbm>>
          tpu.wait_dma2 semaphore(%run_scoped3A_145 : memref<!tpu.dma_semaphore, #tpu.memory_space<semaphore_mem>>) src(%dma_wait3A_153 : memref<8x80xi32, #tpu.memory_space<hbm>>) dst(%arg13 : memref<8x80xi32, #tpu.memory_space<vmem>>)
          tpu.yield
        }) : () -> ()
        "tpu.region"() ({
          %run_scoped3A_145 = tpu.sem_alloc : memref<!tpu.dma_semaphore, #tpu.memory_space<semaphore_mem>>
          %dma_start3A_146 = arith.constant 0 : i32
          %dma_start3A_147 = tpu.memref_slice %arg9[%add3A_27, %dma_start3A_146] : memref<4096x80xi32, #tpu.memory_space<hbm>> -> memref<8x80xi32, #tpu.memory_space<hbm>>
          %dma_start3A_148 = arith.constant 0 : i32
          %dma_start3A_149 = tpu.memref_slice %arg9[%add3A_27, %dma_start3A_148] : memref<4096x80xi32, #tpu.memory_space<hbm>> -> memref<8x80xi32, #tpu.memory_space<hbm>>
          tpu.enqueue_dma source(%dma_start3A_149 : memref<8x80xi32, #tpu.memory_space<hbm>>) target(%arg14 : memref<8x80xi32, #tpu.memory_space<vmem>>) target_semaphore(%run_scoped3A_145 : memref<!tpu.dma_semaphore, #tpu.memory_space<semaphore_mem>>)
          %dma_wait3A_150 = arith.constant 0 : i32
          %dma_wait3A_151 = tpu.memref_slice %arg9[%add3A_27, %dma_wait3A_150] : memref<4096x80xi32, #tpu.memory_space<hbm>> -> memref<8x80xi32, #tpu.memory_space<hbm>>
          %dma_wait3A_152 = arith.constant 0 : i32
          %dma_wait3A_153 = tpu.memref_slice %arg9[%add3A_27, %dma_wait3A_152] : memref<4096x80xi32, #tpu.memory_space<hbm>> -> memref<8x80xi32, #tpu.memory_space<hbm>>
          tpu.wait_dma2 semaphore(%run_scoped3A_145 : memref<!tpu.dma_semaphore, #tpu.memory_space<semaphore_mem>>) src(%dma_wait3A_153 : memref<8x80xi32, #tpu.memory_space<hbm>>) dst(%arg14 : memref<8x80xi32, #tpu.memory_space<vmem>>)
          tpu.yield
        }) : () -> ()
        %dma_start3A = arith.constant 0 : i32
        %dma_start3A_28 = arith.constant 0 : i32
        %dma_start3A_29 = tpu.memref_slice %arg13[%dma_start3A, %dma_start3A_28] : memref<8x80xi32, #tpu.memory_space<vmem>> -> memref<1x80xi32, #tpu.memory_space<vmem>>
        %dma_start3A_30 = tpu.memref_squeeze %dma_start3A_29 : memref<1x80xi32, #tpu.memory_space<vmem>> -> memref<80xi32, #tpu.memory_space<vmem>>
        %dma_start3A_31 = arith.constant 0 : i32
        %dma_start3A_32 = arith.constant 0 : i32
        %dma_start3A_33 = tpu.memref_slice %arg2[%dma_start3A_31, %dma_start3A_32] : memref<10000x128xf32, #tpu.memory_space<hbm>> -> memref<10000x128xf32, #tpu.memory_space<hbm>>
        tpu.enqueue_indirect_dma source(%dma_start3A_33 : memref<10000x128xf32, #tpu.memory_space<hbm>>) target(%arg15 : memref<80x128xf32, #tpu.memory_space<vmem>>) offsets(%dma_start3A_30 : memref<80xi32, #tpu.memory_space<vmem>>) semaphore(%arg18 : memref<!tpu.dma_semaphore, #tpu.memory_space<semaphore_mem>>)
        %dma_start3A_34 = arith.constant 1 : i32
        %dma_start3A_35 = arith.constant 0 : i32
        %dma_start3A_36 = tpu.memref_slice %arg13[%dma_start3A_34, %dma_start3A_35] : memref<8x80xi32, #tpu.memory_space<vmem>> -> memref<1x80xi32, #tpu.memory_space<vmem>>
        %dma_start3A_37 = tpu.memref_squeeze %dma_start3A_36 : memref<1x80xi32, #tpu.memory_space<vmem>> -> memref<80xi32, #tpu.memory_space<vmem>>
        %dma_start3A_38 = arith.constant 0 : i32
        %dma_start3A_39 = arith.constant 0 : i32
        %dma_start3A_40 = tpu.memref_slice %arg4[%dma_start3A_38, %dma_start3A_39] : memref<10000x128xf32, #tpu.memory_space<hbm>> -> memref<10000x128xf32, #tpu.memory_space<hbm>>
        tpu.enqueue_indirect_dma source(%dma_start3A_40 : memref<10000x128xf32, #tpu.memory_space<hbm>>) target(%arg16 : memref<80x128xf32, #tpu.memory_space<vmem>>) offsets(%dma_start3A_37 : memref<80xi32, #tpu.memory_space<vmem>>) semaphore(%arg19 : memref<!tpu.dma_semaphore, #tpu.memory_space<semaphore_mem>>)
        %dma_start3A_41 = arith.constant 2 : i32
        %dma_start3A_42 = arith.constant 0 : i32
        %dma_start3A_43 = tpu.memref_slice %arg13[%dma_start3A_41, %dma_start3A_42] : memref<8x80xi32, #tpu.memory_space<vmem>> -> memref<1x80xi32, #tpu.memory_space<vmem>>
        %dma_start3A_44 = tpu.memref_squeeze %dma_start3A_43 : memref<1x80xi32, #tpu.memory_space<vmem>> -> memref<80xi32, #tpu.memory_space<vmem>>
        %dma_start3A_45 = arith.constant 0 : i32
        %dma_start3A_46 = arith.constant 0 : i32
        %dma_start3A_47 = tpu.memref_slice %arg6[%dma_start3A_45, %dma_start3A_46] : memref<10000x128xf32, #tpu.memory_space<hbm>> -> memref<10000x128xf32, #tpu.memory_space<hbm>>
        tpu.enqueue_indirect_dma source(%dma_start3A_47 : memref<10000x128xf32, #tpu.memory_space<hbm>>) target(%arg17 : memref<80x128xf32, #tpu.memory_space<vmem>>) offsets(%dma_start3A_44 : memref<80xi32, #tpu.memory_space<vmem>>) semaphore(%arg20 : memref<!tpu.dma_semaphore, #tpu.memory_space<semaphore_mem>>)
        %dma_wait3A = arith.constant 0 : i32
        %dma_wait3A_48 = arith.constant 0 : i32
        %dma_wait3A_49 = tpu.memref_slice %arg13[%dma_wait3A, %dma_wait3A_48] : memref<8x80xi32, #tpu.memory_space<vmem>> -> memref<1x80xi32, #tpu.memory_space<vmem>>
        %dma_wait3A_50 = tpu.memref_squeeze %dma_wait3A_49 : memref<1x80xi32, #tpu.memory_space<vmem>> -> memref<80xi32, #tpu.memory_space<vmem>>
        %dma_wait3A_51 = arith.constant 0 : i32
        %dma_wait3A_52 = arith.constant 0 : i32
        %dma_wait3A_53 = tpu.memref_slice %arg2[%dma_wait3A_51, %dma_wait3A_52] : memref<10000x128xf32, #tpu.memory_space<hbm>> -> memref<10000x128xf32, #tpu.memory_space<hbm>>
        tpu.wait_indirect_dma semaphore(%arg18 : memref<!tpu.dma_semaphore, #tpu.memory_space<semaphore_mem>>) src(%dma_wait3A_53 : memref<10000x128xf32, #tpu.memory_space<hbm>>) dst(%arg15 : memref<80x128xf32, #tpu.memory_space<vmem>>)
        %run_scoped3A = arith.constant 0 : i32
        "tpu.region"() ({
          %run_scoped3A_145 = tpu.sem_alloc : memref<!tpu.dma_semaphore, #tpu.memory_space<semaphore_mem>>
          %dma_start3A_146 = arith.constant 0 : i32
          %dma_start3A_147 = tpu.memref_slice %arg14[%run_scoped3A, %dma_start3A_146] : memref<8x80xi32, #tpu.memory_space<vmem>> -> memref<1x80xi32, #tpu.memory_space<vmem>>
          %dma_start3A_148 = tpu.memref_squeeze %dma_start3A_147 : memref<1x80xi32, #tpu.memory_space<vmem>> -> memref<80xi32, #tpu.memory_space<vmem>>
          %dma_start3A_149 = arith.constant 0 : i32
          %dma_start3A_150 = arith.constant 0 : i32
          %dma_start3A_151 = tpu.memref_slice %arg12[%dma_start3A_149, %dma_start3A_150] : memref<10112x128xf32, #tpu.memory_space<vmem_shared>> -> memref<10112x128xf32, #tpu.memory_space<vmem_shared>>
          tpu.enqueue_indirect_dma source(%arg15 : memref<80x128xf32, #tpu.memory_space<vmem>>) target(%dma_start3A_151 : memref<10112x128xf32, #tpu.memory_space<vmem_shared>>) offsets(%dma_start3A_148 : memref<80xi32, #tpu.memory_space<vmem>>) semaphore(%run_scoped3A_145 : memref<!tpu.dma_semaphore, #tpu.memory_space<semaphore_mem>>) {add = true}
          %dma_wait3A_152 = arith.constant 0 : i32
          %dma_wait3A_153 = tpu.memref_slice %arg14[%run_scoped3A, %dma_wait3A_152] : memref<8x80xi32, #tpu.memory_space<vmem>> -> memref<1x80xi32, #tpu.memory_space<vmem>>
          %dma_wait3A_154 = tpu.memref_squeeze %dma_wait3A_153 : memref<1x80xi32, #tpu.memory_space<vmem>> -> memref<80xi32, #tpu.memory_space<vmem>>
          %dma_wait3A_155 = arith.constant 0 : i32
          %dma_wait3A_156 = arith.constant 0 : i32
          %dma_wait3A_157 = tpu.memref_slice %arg12[%dma_wait3A_155, %dma_wait3A_156] : memref<10112x128xf32, #tpu.memory_space<vmem_shared>> -> memref<10112x128xf32, #tpu.memory_space<vmem_shared>>
          tpu.wait_indirect_dma semaphore(%run_scoped3A_145 : memref<!tpu.dma_semaphore, #tpu.memory_space<semaphore_mem>>) src(%arg15 : memref<80x128xf32, #tpu.memory_space<vmem>>) dst(%dma_wait3A_157 : memref<10112x128xf32, #tpu.memory_space<vmem_shared>>)
          tpu.yield
        }) : () -> ()
        %dma_start3A_54 = arith.constant 3 : i32
        %dma_start3A_55 = arith.constant 0 : i32
        %dma_start3A_56 = tpu.memref_slice %arg13[%dma_start3A_54, %dma_start3A_55] : memref<8x80xi32, #tpu.memory_space<vmem>> -> memref<1x80xi32, #tpu.memory_space<vmem>>
        %dma_start3A_57 = tpu.memref_squeeze %dma_start3A_56 : memref<1x80xi32, #tpu.memory_space<vmem>> -> memref<80xi32, #tpu.memory_space<vmem>>
        %dma_start3A_58 = arith.constant 0 : i32
        %dma_start3A_59 = arith.constant 0 : i32
        %dma_start3A_60 = tpu.memref_slice %arg2[%dma_start3A_58, %dma_start3A_59] : memref<10000x128xf32, #tpu.memory_space<hbm>> -> memref<10000x128xf32, #tpu.memory_space<hbm>>
        tpu.enqueue_indirect_dma source(%dma_start3A_60 : memref<10000x128xf32, #tpu.memory_space<hbm>>) target(%arg15 : memref<80x128xf32, #tpu.memory_space<vmem>>) offsets(%dma_start3A_57 : memref<80xi32, #tpu.memory_space<vmem>>) semaphore(%arg18 : memref<!tpu.dma_semaphore, #tpu.memory_space<semaphore_mem>>)
        %dma_wait3A_61 = arith.constant 1 : i32
        %dma_wait3A_62 = arith.constant 0 : i32
        %dma_wait3A_63 = tpu.memref_slice %arg13[%dma_wait3A_61, %dma_wait3A_62] : memref<8x80xi32, #tpu.memory_space<vmem>> -> memref<1x80xi32, #tpu.memory_space<vmem>>
        %dma_wait3A_64 = tpu.memref_squeeze %dma_wait3A_63 : memref<1x80xi32, #tpu.memory_space<vmem>> -> memref<80xi32, #tpu.memory_space<vmem>>
        %dma_wait3A_65 = arith.constant 0 : i32
        %dma_wait3A_66 = arith.constant 0 : i32
        %dma_wait3A_67 = tpu.memref_slice %arg4[%dma_wait3A_65, %dma_wait3A_66] : memref<10000x128xf32, #tpu.memory_space<hbm>> -> memref<10000x128xf32, #tpu.memory_space<hbm>>
        tpu.wait_indirect_dma semaphore(%arg19 : memref<!tpu.dma_semaphore, #tpu.memory_space<semaphore_mem>>) src(%dma_wait3A_67 : memref<10000x128xf32, #tpu.memory_space<hbm>>) dst(%arg16 : memref<80x128xf32, #tpu.memory_space<vmem>>)
        %run_scoped3A_68 = arith.constant 1 : i32
        "tpu.region"() ({
          %run_scoped3A_145 = tpu.sem_alloc : memref<!tpu.dma_semaphore, #tpu.memory_space<semaphore_mem>>
          %dma_start3A_146 = arith.constant 0 : i32
          %dma_start3A_147 = tpu.memref_slice %arg14[%run_scoped3A_68, %dma_start3A_146] : memref<8x80xi32, #tpu.memory_space<vmem>> -> memref<1x80xi32, #tpu.memory_space<vmem>>
          %dma_start3A_148 = tpu.memref_squeeze %dma_start3A_147 : memref<1x80xi32, #tpu.memory_space<vmem>> -> memref<80xi32, #tpu.memory_space<vmem>>
          %dma_start3A_149 = arith.constant 0 : i32
          %dma_start3A_150 = arith.constant 0 : i32
          %dma_start3A_151 = tpu.memref_slice %arg12[%dma_start3A_149, %dma_start3A_150] : memref<10112x128xf32, #tpu.memory_space<vmem_shared>> -> memref<10112x128xf32, #tpu.memory_space<vmem_shared>>
          tpu.enqueue_indirect_dma source(%arg16 : memref<80x128xf32, #tpu.memory_space<vmem>>) target(%dma_start3A_151 : memref<10112x128xf32, #tpu.memory_space<vmem_shared>>) offsets(%dma_start3A_148 : memref<80xi32, #tpu.memory_space<vmem>>) semaphore(%run_scoped3A_145 : memref<!tpu.dma_semaphore, #tpu.memory_space<semaphore_mem>>) {add = true}
          %dma_wait3A_152 = arith.constant 0 : i32
          %dma_wait3A_153 = tpu.memref_slice %arg14[%run_scoped3A_68, %dma_wait3A_152] : memref<8x80xi32, #tpu.memory_space<vmem>> -> memref<1x80xi32, #tpu.memory_space<vmem>>
          %dma_wait3A_154 = tpu.memref_squeeze %dma_wait3A_153 : memref<1x80xi32, #tpu.memory_space<vmem>> -> memref<80xi32, #tpu.memory_space<vmem>>
          %dma_wait3A_155 = arith.constant 0 : i32
          %dma_wait3A_156 = arith.constant 0 : i32
          %dma_wait3A_157 = tpu.memref_slice %arg12[%dma_wait3A_155, %dma_wait3A_156] : memref<10112x128xf32, #tpu.memory_space<vmem_shared>> -> memref<10112x128xf32, #tpu.memory_space<vmem_shared>>
          tpu.wait_indirect_dma semaphore(%run_scoped3A_145 : memref<!tpu.dma_semaphore, #tpu.memory_space<semaphore_mem>>) src(%arg16 : memref<80x128xf32, #tpu.memory_space<vmem>>) dst(%dma_wait3A_157 : memref<10112x128xf32, #tpu.memory_space<vmem_shared>>)
          tpu.yield
        }) : () -> ()
        %dma_start3A_69 = arith.constant 4 : i32
        %dma_start3A_70 = arith.constant 0 : i32
        %dma_start3A_71 = tpu.memref_slice %arg13[%dma_start3A_69, %dma_start3A_70] : memref<8x80xi32, #tpu.memory_space<vmem>> -> memref<1x80xi32, #tpu.memory_space<vmem>>
        %dma_start3A_72 = tpu.memref_squeeze %dma_start3A_71 : memref<1x80xi32, #tpu.memory_space<vmem>> -> memref<80xi32, #tpu.memory_space<vmem>>
        %dma_start3A_73 = arith.constant 0 : i32
        %dma_start3A_74 = arith.constant 0 : i32
        %dma_start3A_75 = tpu.memref_slice %arg4[%dma_start3A_73, %dma_start3A_74] : memref<10000x128xf32, #tpu.memory_space<hbm>> -> memref<10000x128xf32, #tpu.memory_space<hbm>>
        tpu.enqueue_indirect_dma source(%dma_start3A_75 : memref<10000x128xf32, #tpu.memory_space<hbm>>) target(%arg16 : memref<80x128xf32, #tpu.memory_space<vmem>>) offsets(%dma_start3A_72 : memref<80xi32, #tpu.memory_space<vmem>>) semaphore(%arg19 : memref<!tpu.dma_semaphore, #tpu.memory_space<semaphore_mem>>)
        %dma_wait3A_76 = arith.constant 2 : i32
        %dma_wait3A_77 = arith.constant 0 : i32
        %dma_wait3A_78 = tpu.memref_slice %arg13[%dma_wait3A_76, %dma_wait3A_77] : memref<8x80xi32, #tpu.memory_space<vmem>> -> memref<1x80xi32, #tpu.memory_space<vmem>>
        %dma_wait3A_79 = tpu.memref_squeeze %dma_wait3A_78 : memref<1x80xi32, #tpu.memory_space<vmem>> -> memref<80xi32, #tpu.memory_space<vmem>>
        %dma_wait3A_80 = arith.constant 0 : i32
        %dma_wait3A_81 = arith.constant 0 : i32
        %dma_wait3A_82 = tpu.memref_slice %arg6[%dma_wait3A_80, %dma_wait3A_81] : memref<10000x128xf32, #tpu.memory_space<hbm>> -> memref<10000x128xf32, #tpu.memory_space<hbm>>
        tpu.wait_indirect_dma semaphore(%arg20 : memref<!tpu.dma_semaphore, #tpu.memory_space<semaphore_mem>>) src(%dma_wait3A_82 : memref<10000x128xf32, #tpu.memory_space<hbm>>) dst(%arg17 : memref<80x128xf32, #tpu.memory_space<vmem>>)
        %run_scoped3A_83 = arith.constant 2 : i32
        "tpu.region"() ({
          %run_scoped3A_145 = tpu.sem_alloc : memref<!tpu.dma_semaphore, #tpu.memory_space<semaphore_mem>>
          %dma_start3A_146 = arith.constant 0 : i32
          %dma_start3A_147 = tpu.memref_slice %arg14[%run_scoped3A_83, %dma_start3A_146] : memref<8x80xi32, #tpu.memory_space<vmem>> -> memref<1x80xi32, #tpu.memory_space<vmem>>
          %dma_start3A_148 = tpu.memref_squeeze %dma_start3A_147 : memref<1x80xi32, #tpu.memory_space<vmem>> -> memref<80xi32, #tpu.memory_space<vmem>>
          %dma_start3A_149 = arith.constant 0 : i32
          %dma_start3A_150 = arith.constant 0 : i32
          %dma_start3A_151 = tpu.memref_slice %arg12[%dma_start3A_149, %dma_start3A_150] : memref<10112x128xf32, #tpu.memory_space<vmem_shared>> -> memref<10112x128xf32, #tpu.memory_space<vmem_shared>>
          tpu.enqueue_indirect_dma source(%arg17 : memref<80x128xf32, #tpu.memory_space<vmem>>) target(%dma_start3A_151 : memref<10112x128xf32, #tpu.memory_space<vmem_shared>>) offsets(%dma_start3A_148 : memref<80xi32, #tpu.memory_space<vmem>>) semaphore(%run_scoped3A_145 : memref<!tpu.dma_semaphore, #tpu.memory_space<semaphore_mem>>) {add = true}
          %dma_wait3A_152 = arith.constant 0 : i32
          %dma_wait3A_153 = tpu.memref_slice %arg14[%run_scoped3A_83, %dma_wait3A_152] : memref<8x80xi32, #tpu.memory_space<vmem>> -> memref<1x80xi32, #tpu.memory_space<vmem>>
          %dma_wait3A_154 = tpu.memref_squeeze %dma_wait3A_153 : memref<1x80xi32, #tpu.memory_space<vmem>> -> memref<80xi32, #tpu.memory_space<vmem>>
          %dma_wait3A_155 = arith.constant 0 : i32
          %dma_wait3A_156 = arith.constant 0 : i32
          %dma_wait3A_157 = tpu.memref_slice %arg12[%dma_wait3A_155, %dma_wait3A_156] : memref<10112x128xf32, #tpu.memory_space<vmem_shared>> -> memref<10112x128xf32, #tpu.memory_space<vmem_shared>>
          tpu.wait_indirect_dma semaphore(%run_scoped3A_145 : memref<!tpu.dma_semaphore, #tpu.memory_space<semaphore_mem>>) src(%arg17 : memref<80x128xf32, #tpu.memory_space<vmem>>) dst(%dma_wait3A_157 : memref<10112x128xf32, #tpu.memory_space<vmem_shared>>)
          tpu.yield
        }) : () -> ()
        %dma_start3A_84 = arith.constant 5 : i32
        %dma_start3A_85 = arith.constant 0 : i32
        %dma_start3A_86 = tpu.memref_slice %arg13[%dma_start3A_84, %dma_start3A_85] : memref<8x80xi32, #tpu.memory_space<vmem>> -> memref<1x80xi32, #tpu.memory_space<vmem>>
        %dma_start3A_87 = tpu.memref_squeeze %dma_start3A_86 : memref<1x80xi32, #tpu.memory_space<vmem>> -> memref<80xi32, #tpu.memory_space<vmem>>
        %dma_start3A_88 = arith.constant 0 : i32
        %dma_start3A_89 = arith.constant 0 : i32
        %dma_start3A_90 = tpu.memref_slice %arg6[%dma_start3A_88, %dma_start3A_89] : memref<10000x128xf32, #tpu.memory_space<hbm>> -> memref<10000x128xf32, #tpu.memory_space<hbm>>
        tpu.enqueue_indirect_dma source(%dma_start3A_90 : memref<10000x128xf32, #tpu.memory_space<hbm>>) target(%arg17 : memref<80x128xf32, #tpu.memory_space<vmem>>) offsets(%dma_start3A_87 : memref<80xi32, #tpu.memory_space<vmem>>) semaphore(%arg20 : memref<!tpu.dma_semaphore, #tpu.memory_space<semaphore_mem>>)
        %dma_wait3A_91 = arith.constant 3 : i32
        %dma_wait3A_92 = arith.constant 0 : i32
        %dma_wait3A_93 = tpu.memref_slice %arg13[%dma_wait3A_91, %dma_wait3A_92] : memref<8x80xi32, #tpu.memory_space<vmem>> -> memref<1x80xi32, #tpu.memory_space<vmem>>
        %dma_wait3A_94 = tpu.memref_squeeze %dma_wait3A_93 : memref<1x80xi32, #tpu.memory_space<vmem>> -> memref<80xi32, #tpu.memory_space<vmem>>
        %dma_wait3A_95 = arith.constant 0 : i32
        %dma_wait3A_96 = arith.constant 0 : i32
        %dma_wait3A_97 = tpu.memref_slice %arg2[%dma_wait3A_95, %dma_wait3A_96] : memref<10000x128xf32, #tpu.memory_space<hbm>> -> memref<10000x128xf32, #tpu.memory_space<hbm>>
        tpu.wait_indirect_dma semaphore(%arg18 : memref<!tpu.dma_semaphore, #tpu.memory_space<semaphore_mem>>) src(%dma_wait3A_97 : memref<10000x128xf32, #tpu.memory_space<hbm>>) dst(%arg15 : memref<80x128xf32, #tpu.memory_space<vmem>>)
        %run_scoped3A_98 = arith.constant 3 : i32
        "tpu.region"() ({
          %run_scoped3A_145 = tpu.sem_alloc : memref<!tpu.dma_semaphore, #tpu.memory_space<semaphore_mem>>
          %dma_start3A_146 = arith.constant 0 : i32
          %dma_start3A_147 = tpu.memref_slice %arg14[%run_scoped3A_98, %dma_start3A_146] : memref<8x80xi32, #tpu.memory_space<vmem>> -> memref<1x80xi32, #tpu.memory_space<vmem>>
          %dma_start3A_148 = tpu.memref_squeeze %dma_start3A_147 : memref<1x80xi32, #tpu.memory_space<vmem>> -> memref<80xi32, #tpu.memory_space<vmem>>
          %dma_start3A_149 = arith.constant 0 : i32
          %dma_start3A_150 = arith.constant 0 : i32
          %dma_start3A_151 = tpu.memref_slice %arg12[%dma_start3A_149, %dma_start3A_150] : memref<10112x128xf32, #tpu.memory_space<vmem_shared>> -> memref<10112x128xf32, #tpu.memory_space<vmem_shared>>
          tpu.enqueue_indirect_dma source(%arg15 : memref<80x128xf32, #tpu.memory_space<vmem>>) target(%dma_start3A_151 : memref<10112x128xf32, #tpu.memory_space<vmem_shared>>) offsets(%dma_start3A_148 : memref<80xi32, #tpu.memory_space<vmem>>) semaphore(%run_scoped3A_145 : memref<!tpu.dma_semaphore, #tpu.memory_space<semaphore_mem>>) {add = true}
          %dma_wait3A_152 = arith.constant 0 : i32
          %dma_wait3A_153 = tpu.memref_slice %arg14[%run_scoped3A_98, %dma_wait3A_152] : memref<8x80xi32, #tpu.memory_space<vmem>> -> memref<1x80xi32, #tpu.memory_space<vmem>>
          %dma_wait3A_154 = tpu.memref_squeeze %dma_wait3A_153 : memref<1x80xi32, #tpu.memory_space<vmem>> -> memref<80xi32, #tpu.memory_space<vmem>>
          %dma_wait3A_155 = arith.constant 0 : i32
          %dma_wait3A_156 = arith.constant 0 : i32
          %dma_wait3A_157 = tpu.memref_slice %arg12[%dma_wait3A_155, %dma_wait3A_156] : memref<10112x128xf32, #tpu.memory_space<vmem_shared>> -> memref<10112x128xf32, #tpu.memory_space<vmem_shared>>
          tpu.wait_indirect_dma semaphore(%run_scoped3A_145 : memref<!tpu.dma_semaphore, #tpu.memory_space<semaphore_mem>>) src(%arg15 : memref<80x128xf32, #tpu.memory_space<vmem>>) dst(%dma_wait3A_157 : memref<10112x128xf32, #tpu.memory_space<vmem_shared>>)
          tpu.yield
        }) : () -> ()
        %dma_start3A_99 = arith.constant 6 : i32
        %dma_start3A_100 = arith.constant 0 : i32
        %dma_start3A_101 = tpu.memref_slice %arg13[%dma_start3A_99, %dma_start3A_100] : memref<8x80xi32, #tpu.memory_space<vmem>> -> memref<1x80xi32, #tpu.memory_space<vmem>>
        %dma_start3A_102 = tpu.memref_squeeze %dma_start3A_101 : memref<1x80xi32, #tpu.memory_space<vmem>> -> memref<80xi32, #tpu.memory_space<vmem>>
        %dma_start3A_103 = arith.constant 0 : i32
        %dma_start3A_104 = arith.constant 0 : i32
        %dma_start3A_105 = tpu.memref_slice %arg2[%dma_start3A_103, %dma_start3A_104] : memref<10000x128xf32, #tpu.memory_space<hbm>> -> memref<10000x128xf32, #tpu.memory_space<hbm>>
        tpu.enqueue_indirect_dma source(%dma_start3A_105 : memref<10000x128xf32, #tpu.memory_space<hbm>>) target(%arg15 : memref<80x128xf32, #tpu.memory_space<vmem>>) offsets(%dma_start3A_102 : memref<80xi32, #tpu.memory_space<vmem>>) semaphore(%arg18 : memref<!tpu.dma_semaphore, #tpu.memory_space<semaphore_mem>>)
        %dma_wait3A_106 = arith.constant 4 : i32
        %dma_wait3A_107 = arith.constant 0 : i32
        %dma_wait3A_108 = tpu.memref_slice %arg13[%dma_wait3A_106, %dma_wait3A_107] : memref<8x80xi32, #tpu.memory_space<vmem>> -> memref<1x80xi32, #tpu.memory_space<vmem>>
        %dma_wait3A_109 = tpu.memref_squeeze %dma_wait3A_108 : memref<1x80xi32, #tpu.memory_space<vmem>> -> memref<80xi32, #tpu.memory_space<vmem>>
        %dma_wait3A_110 = arith.constant 0 : i32
        %dma_wait3A_111 = arith.constant 0 : i32
        %dma_wait3A_112 = tpu.memref_slice %arg4[%dma_wait3A_110, %dma_wait3A_111] : memref<10000x128xf32, #tpu.memory_space<hbm>> -> memref<10000x128xf32, #tpu.memory_space<hbm>>
        tpu.wait_indirect_dma semaphore(%arg19 : memref<!tpu.dma_semaphore, #tpu.memory_space<semaphore_mem>>) src(%dma_wait3A_112 : memref<10000x128xf32, #tpu.memory_space<hbm>>) dst(%arg16 : memref<80x128xf32, #tpu.memory_space<vmem>>)
        %run_scoped3A_113 = arith.constant 4 : i32
        "tpu.region"() ({
          %run_scoped3A_145 = tpu.sem_alloc : memref<!tpu.dma_semaphore, #tpu.memory_space<semaphore_mem>>
          %dma_start3A_146 = arith.constant 0 : i32
          %dma_start3A_147 = tpu.memref_slice %arg14[%run_scoped3A_113, %dma_start3A_146] : memref<8x80xi32, #tpu.memory_space<vmem>> -> memref<1x80xi32, #tpu.memory_space<vmem>>
          %dma_start3A_148 = tpu.memref_squeeze %dma_start3A_147 : memref<1x80xi32, #tpu.memory_space<vmem>> -> memref<80xi32, #tpu.memory_space<vmem>>
          %dma_start3A_149 = arith.constant 0 : i32
          %dma_start3A_150 = arith.constant 0 : i32
          %dma_start3A_151 = tpu.memref_slice %arg12[%dma_start3A_149, %dma_start3A_150] : memref<10112x128xf32, #tpu.memory_space<vmem_shared>> -> memref<10112x128xf32, #tpu.memory_space<vmem_shared>>
          tpu.enqueue_indirect_dma source(%arg16 : memref<80x128xf32, #tpu.memory_space<vmem>>) target(%dma_start3A_151 : memref<10112x128xf32, #tpu.memory_space<vmem_shared>>) offsets(%dma_start3A_148 : memref<80xi32, #tpu.memory_space<vmem>>) semaphore(%run_scoped3A_145 : memref<!tpu.dma_semaphore, #tpu.memory_space<semaphore_mem>>) {add = true}
          %dma_wait3A_152 = arith.constant 0 : i32
          %dma_wait3A_153 = tpu.memref_slice %arg14[%run_scoped3A_113, %dma_wait3A_152] : memref<8x80xi32, #tpu.memory_space<vmem>> -> memref<1x80xi32, #tpu.memory_space<vmem>>
          %dma_wait3A_154 = tpu.memref_squeeze %dma_wait3A_153 : memref<1x80xi32, #tpu.memory_space<vmem>> -> memref<80xi32, #tpu.memory_space<vmem>>
          %dma_wait3A_155 = arith.constant 0 : i32
          %dma_wait3A_156 = arith.constant 0 : i32
          %dma_wait3A_157 = tpu.memref_slice %arg12[%dma_wait3A_155, %dma_wait3A_156] : memref<10112x128xf32, #tpu.memory_space<vmem_shared>> -> memref<10112x128xf32, #tpu.memory_space<vmem_shared>>
          tpu.wait_indirect_dma semaphore(%run_scoped3A_145 : memref<!tpu.dma_semaphore, #tpu.memory_space<semaphore_mem>>) src(%arg16 : memref<80x128xf32, #tpu.memory_space<vmem>>) dst(%dma_wait3A_157 : memref<10112x128xf32, #tpu.memory_space<vmem_shared>>)
          tpu.yield
        }) : () -> ()
        %dma_start3A_114 = arith.constant 7 : i32
        %dma_start3A_115 = arith.constant 0 : i32
        %dma_start3A_116 = tpu.memref_slice %arg13[%dma_start3A_114, %dma_start3A_115] : memref<8x80xi32, #tpu.memory_space<vmem>> -> memref<1x80xi32, #tpu.memory_space<vmem>>
        %dma_start3A_117 = tpu.memref_squeeze %dma_start3A_116 : memref<1x80xi32, #tpu.memory_space<vmem>> -> memref<80xi32, #tpu.memory_space<vmem>>
        %dma_start3A_118 = arith.constant 0 : i32
        %dma_start3A_119 = arith.constant 0 : i32
        %dma_start3A_120 = tpu.memref_slice %arg4[%dma_start3A_118, %dma_start3A_119] : memref<10000x128xf32, #tpu.memory_space<hbm>> -> memref<10000x128xf32, #tpu.memory_space<hbm>>
        tpu.enqueue_indirect_dma source(%dma_start3A_120 : memref<10000x128xf32, #tpu.memory_space<hbm>>) target(%arg16 : memref<80x128xf32, #tpu.memory_space<vmem>>) offsets(%dma_start3A_117 : memref<80xi32, #tpu.memory_space<vmem>>) semaphore(%arg19 : memref<!tpu.dma_semaphore, #tpu.memory_space<semaphore_mem>>)
        %dma_wait3A_121 = arith.constant 5 : i32
        %dma_wait3A_122 = arith.constant 0 : i32
        %dma_wait3A_123 = tpu.memref_slice %arg13[%dma_wait3A_121, %dma_wait3A_122] : memref<8x80xi32, #tpu.memory_space<vmem>> -> memref<1x80xi32, #tpu.memory_space<vmem>>
        %dma_wait3A_124 = tpu.memref_squeeze %dma_wait3A_123 : memref<1x80xi32, #tpu.memory_space<vmem>> -> memref<80xi32, #tpu.memory_space<vmem>>
        %dma_wait3A_125 = arith.constant 0 : i32
        %dma_wait3A_126 = arith.constant 0 : i32
        %dma_wait3A_127 = tpu.memref_slice %arg6[%dma_wait3A_125, %dma_wait3A_126] : memref<10000x128xf32, #tpu.memory_space<hbm>> -> memref<10000x128xf32, #tpu.memory_space<hbm>>
        tpu.wait_indirect_dma semaphore(%arg20 : memref<!tpu.dma_semaphore, #tpu.memory_space<semaphore_mem>>) src(%dma_wait3A_127 : memref<10000x128xf32, #tpu.memory_space<hbm>>) dst(%arg17 : memref<80x128xf32, #tpu.memory_space<vmem>>)
        %run_scoped3A_128 = arith.constant 5 : i32
        "tpu.region"() ({
          %run_scoped3A_145 = tpu.sem_alloc : memref<!tpu.dma_semaphore, #tpu.memory_space<semaphore_mem>>
          %dma_start3A_146 = arith.constant 0 : i32
          %dma_start3A_147 = tpu.memref_slice %arg14[%run_scoped3A_128, %dma_start3A_146] : memref<8x80xi32, #tpu.memory_space<vmem>> -> memref<1x80xi32, #tpu.memory_space<vmem>>
          %dma_start3A_148 = tpu.memref_squeeze %dma_start3A_147 : memref<1x80xi32, #tpu.memory_space<vmem>> -> memref<80xi32, #tpu.memory_space<vmem>>
          %dma_start3A_149 = arith.constant 0 : i32
          %dma_start3A_150 = arith.constant 0 : i32
          %dma_start3A_151 = tpu.memref_slice %arg12[%dma_start3A_149, %dma_start3A_150] : memref<10112x128xf32, #tpu.memory_space<vmem_shared>> -> memref<10112x128xf32, #tpu.memory_space<vmem_shared>>
          tpu.enqueue_indirect_dma source(%arg17 : memref<80x128xf32, #tpu.memory_space<vmem>>) target(%dma_start3A_151 : memref<10112x128xf32, #tpu.memory_space<vmem_shared>>) offsets(%dma_start3A_148 : memref<80xi32, #tpu.memory_space<vmem>>) semaphore(%run_scoped3A_145 : memref<!tpu.dma_semaphore, #tpu.memory_space<semaphore_mem>>) {add = true}
          %dma_wait3A_152 = arith.constant 0 : i32
          %dma_wait3A_153 = tpu.memref_slice %arg14[%run_scoped3A_128, %dma_wait3A_152] : memref<8x80xi32, #tpu.memory_space<vmem>> -> memref<1x80xi32, #tpu.memory_space<vmem>>
          %dma_wait3A_154 = tpu.memref_squeeze %dma_wait3A_153 : memref<1x80xi32, #tpu.memory_space<vmem>> -> memref<80xi32, #tpu.memory_space<vmem>>
          %dma_wait3A_155 = arith.constant 0 : i32
          %dma_wait3A_156 = arith.constant 0 : i32
          %dma_wait3A_157 = tpu.memref_slice %arg12[%dma_wait3A_155, %dma_wait3A_156] : memref<10112x128xf32, #tpu.memory_space<vmem_shared>> -> memref<10112x128xf32, #tpu.memory_space<vmem_shared>>
          tpu.wait_indirect_dma semaphore(%run_scoped3A_145 : memref<!tpu.dma_semaphore, #tpu.memory_space<semaphore_mem>>) src(%arg17 : memref<80x128xf32, #tpu.memory_space<vmem>>) dst(%dma_wait3A_157 : memref<10112x128xf32, #tpu.memory_space<vmem_shared>>)
          tpu.yield
        }) : () -> ()
        %dma_wait3A_129 = arith.constant 6 : i32
        %dma_wait3A_130 = arith.constant 0 : i32
        %dma_wait3A_131 = tpu.memref_slice %arg13[%dma_wait3A_129, %dma_wait3A_130] : memref<8x80xi32, #tpu.memory_space<vmem>> -> memref<1x80xi32, #tpu.memory_space<vmem>>
        %dma_wait3A_132 = tpu.memref_squeeze %dma_wait3A_131 : memref<1x80xi32, #tpu.memory_space<vmem>> -> memref<80xi32, #tpu.memory_space<vmem>>
        %dma_wait3A_133 = arith.constant 0 : i32
        %dma_wait3A_134 = arith.constant 0 : i32
        %dma_wait3A_135 = tpu.memref_slice %arg2[%dma_wait3A_133, %dma_wait3A_134] : memref<10000x128xf32, #tpu.memory_space<hbm>> -> memref<10000x128xf32, #tpu.memory_space<hbm>>
        tpu.wait_indirect_dma semaphore(%arg18 : memref<!tpu.dma_semaphore, #tpu.memory_space<semaphore_mem>>) src(%dma_wait3A_135 : memref<10000x128xf32, #tpu.memory_space<hbm>>) dst(%arg15 : memref<80x128xf32, #tpu.memory_space<vmem>>)
        %run_scoped3A_136 = arith.constant 6 : i32
        "tpu.region"() ({
          %run_scoped3A_145 = tpu.sem_alloc : memref<!tpu.dma_semaphore, #tpu.memory_space<semaphore_mem>>
          %dma_start3A_146 = arith.constant 0 : i32
          %dma_start3A_147 = tpu.memref_slice %arg14[%run_scoped3A_136, %dma_start3A_146] : memref<8x80xi32, #tpu.memory_space<vmem>> -> memref<1x80xi32, #tpu.memory_space<vmem>>
          %dma_start3A_148 = tpu.memref_squeeze %dma_start3A_147 : memref<1x80xi32, #tpu.memory_space<vmem>> -> memref<80xi32, #tpu.memory_space<vmem>>
          %dma_start3A_149 = arith.constant 0 : i32
          %dma_start3A_150 = arith.constant 0 : i32
          %dma_start3A_151 = tpu.memref_slice %arg12[%dma_start3A_149, %dma_start3A_150] : memref<10112x128xf32, #tpu.memory_space<vmem_shared>> -> memref<10112x128xf32, #tpu.memory_space<vmem_shared>>
          tpu.enqueue_indirect_dma source(%arg15 : memref<80x128xf32, #tpu.memory_space<vmem>>) target(%dma_start3A_151 : memref<10112x128xf32, #tpu.memory_space<vmem_shared>>) offsets(%dma_start3A_148 : memref<80xi32, #tpu.memory_space<vmem>>) semaphore(%run_scoped3A_145 : memref<!tpu.dma_semaphore, #tpu.memory_space<semaphore_mem>>) {add = true}
          %dma_wait3A_152 = arith.constant 0 : i32
          %dma_wait3A_153 = tpu.memref_slice %arg14[%run_scoped3A_136, %dma_wait3A_152] : memref<8x80xi32, #tpu.memory_space<vmem>> -> memref<1x80xi32, #tpu.memory_space<vmem>>
          %dma_wait3A_154 = tpu.memref_squeeze %dma_wait3A_153 : memref<1x80xi32, #tpu.memory_space<vmem>> -> memref<80xi32, #tpu.memory_space<vmem>>
          %dma_wait3A_155 = arith.constant 0 : i32
          %dma_wait3A_156 = arith.constant 0 : i32
          %dma_wait3A_157 = tpu.memref_slice %arg12[%dma_wait3A_155, %dma_wait3A_156] : memref<10112x128xf32, #tpu.memory_space<vmem_shared>> -> memref<10112x128xf32, #tpu.memory_space<vmem_shared>>
          tpu.wait_indirect_dma semaphore(%run_scoped3A_145 : memref<!tpu.dma_semaphore, #tpu.memory_space<semaphore_mem>>) src(%arg15 : memref<80x128xf32, #tpu.memory_space<vmem>>) dst(%dma_wait3A_157 : memref<10112x128xf32, #tpu.memory_space<vmem_shared>>)
          tpu.yield
        }) : () -> ()
        %dma_wait3A_137 = arith.constant 7 : i32
        %dma_wait3A_138 = arith.constant 0 : i32
        %dma_wait3A_139 = tpu.memref_slice %arg13[%dma_wait3A_137, %dma_wait3A_138] : memref<8x80xi32, #tpu.memory_space<vmem>> -> memref<1x80xi32, #tpu.memory_space<vmem>>
        %dma_wait3A_140 = tpu.memref_squeeze %dma_wait3A_139 : memref<1x80xi32, #tpu.memory_space<vmem>> -> memref<80xi32, #tpu.memory_space<vmem>>
        %dma_wait3A_141 = arith.constant 0 : i32
        %dma_wait3A_142 = arith.constant 0 : i32
        %dma_wait3A_143 = tpu.memref_slice %arg4[%dma_wait3A_141, %dma_wait3A_142] : memref<10000x128xf32, #tpu.memory_space<hbm>> -> memref<10000x128xf32, #tpu.memory_space<hbm>>
        tpu.wait_indirect_dma semaphore(%arg19 : memref<!tpu.dma_semaphore, #tpu.memory_space<semaphore_mem>>) src(%dma_wait3A_143 : memref<10000x128xf32, #tpu.memory_space<hbm>>) dst(%arg16 : memref<80x128xf32, #tpu.memory_space<vmem>>)
        %run_scoped3A_144 = arith.constant 7 : i32
        "tpu.region"() ({
          %run_scoped3A_145 = tpu.sem_alloc : memref<!tpu.dma_semaphore, #tpu.memory_space<semaphore_mem>>
          %dma_start3A_146 = arith.constant 0 : i32
          %dma_start3A_147 = tpu.memref_slice %arg14[%run_scoped3A_144, %dma_start3A_146] : memref<8x80xi32, #tpu.memory_space<vmem>> -> memref<1x80xi32, #tpu.memory_space<vmem>>
          %dma_start3A_148 = tpu.memref_squeeze %dma_start3A_147 : memref<1x80xi32, #tpu.memory_space<vmem>> -> memref<80xi32, #tpu.memory_space<vmem>>
          %dma_start3A_149 = arith.constant 0 : i32
          %dma_start3A_150 = arith.constant 0 : i32
          %dma_start3A_151 = tpu.memref_slice %arg12[%dma_start3A_149, %dma_start3A_150] : memref<10112x128xf32, #tpu.memory_space<vmem_shared>> -> memref<10112x128xf32, #tpu.memory_space<vmem_shared>>
          tpu.enqueue_indirect_dma source(%arg16 : memref<80x128xf32, #tpu.memory_space<vmem>>) target(%dma_start3A_151 : memref<10112x128xf32, #tpu.memory_space<vmem_shared>>) offsets(%dma_start3A_148 : memref<80xi32, #tpu.memory_space<vmem>>) semaphore(%run_scoped3A_145 : memref<!tpu.dma_semaphore, #tpu.memory_space<semaphore_mem>>) {add = true}
          %dma_wait3A_152 = arith.constant 0 : i32
          %dma_wait3A_153 = tpu.memref_slice %arg14[%run_scoped3A_144, %dma_wait3A_152] : memref<8x80xi32, #tpu.memory_space<vmem>> -> memref<1x80xi32, #tpu.memory_space<vmem>>
          %dma_wait3A_154 = tpu.memref_squeeze %dma_wait3A_153 : memref<1x80xi32, #tpu.memory_space<vmem>> -> memref<80xi32, #tpu.memory_space<vmem>>
          %dma_wait3A_155 = arith.constant 0 : i32
          %dma_wait3A_156 = arith.constant 0 : i32
          %dma_wait3A_157 = tpu.memref_slice %arg12[%dma_wait3A_155, %dma_wait3A_156] : memref<10112x128xf32, #tpu.memory_space<vmem_shared>> -> memref<10112x128xf32, #tpu.memory_space<vmem_shared>>
          tpu.wait_indirect_dma semaphore(%run_scoped3A_145 : memref<!tpu.dma_semaphore, #tpu.memory_space<semaphore_mem>>) src(%arg16 : memref<80x128xf32, #tpu.memory_space<vmem>>) dst(%dma_wait3A_157 : memref<10112x128xf32, #tpu.memory_space<vmem_shared>>)
          tpu.yield
        }) : () -> ()
      }
      %scan3A_23 = arith.constant 21 : i32
    } else {
    }
    %ne3A = arith.constant 0 : i32
    %ne3A_10 = arith.cmpi ne, %arg0, %ne3A : i32
    %convert_element_type3A_11 = arith.extui %ne3A_10 : i1 to i32
    %cond3A_12 = arith.constant 0 : i32
    %cond3A_13 = arith.cmpi ne, %convert_element_type3A_11, %cond3A_12 : i32
    scf.if %cond3A_13 {
      %scan3A = arith.constant 0 : i32
      %scan3A_19 = arith.constant 0 : i32
      %scan3A_20 = arith.constant 11 : i32
      %scan3A_21 = arith.addi %scan3A_19, %scan3A_20 : i32
      %scan3A_22 = arith.constant 1 : i32
      scf.for %scan3A_24 = %scan3A_19 to %scan3A_21 step %scan3A_22  : i32 {
        %mul3A_25 = arith.constant 8 : i32
        %mul3A_26 = arith.muli %scan3A_24, %mul3A_25 : i32
        %add3A_27 = arith.addi %add3A, %mul3A_26 : i32
        "tpu.region"() ({
          %run_scoped3A_145 = tpu.sem_alloc : memref<!tpu.dma_semaphore, #tpu.memory_space<semaphore_mem>>
          %dma_start3A_146 = arith.constant 0 : i32
          %dma_start3A_147 = tpu.memref_slice %arg8[%add3A_27, %dma_start3A_146] : memref<4096x80xi32, #tpu.memory_space<hbm>> -> memref<8x80xi32, #tpu.memory_space<hbm>>
          %dma_start3A_148 = arith.constant 0 : i32
          %dma_start3A_149 = tpu.memref_slice %arg8[%add3A_27, %dma_start3A_148] : memref<4096x80xi32, #tpu.memory_space<hbm>> -> memref<8x80xi32, #tpu.memory_space<hbm>>
          tpu.enqueue_dma source(%dma_start3A_149 : memref<8x80xi32, #tpu.memory_space<hbm>>) target(%arg13 : memref<8x80xi32, #tpu.memory_space<vmem>>) target_semaphore(%run_scoped3A_145 : memref<!tpu.dma_semaphore, #tpu.memory_space<semaphore_mem>>)
          %dma_wait3A_150 = arith.constant 0 : i32
          %dma_wait3A_151 = tpu.memref_slice %arg8[%add3A_27, %dma_wait3A_150] : memref<4096x80xi32, #tpu.memory_space<hbm>> -> memref<8x80xi32, #tpu.memory_space<hbm>>
          %dma_wait3A_152 = arith.constant 0 : i32
          %dma_wait3A_153 = tpu.memref_slice %arg8[%add3A_27, %dma_wait3A_152] : memref<4096x80xi32, #tpu.memory_space<hbm>> -> memref<8x80xi32, #tpu.memory_space<hbm>>
          tpu.wait_dma2 semaphore(%run_scoped3A_145 : memref<!tpu.dma_semaphore, #tpu.memory_space<semaphore_mem>>) src(%dma_wait3A_153 : memref<8x80xi32, #tpu.memory_space<hbm>>) dst(%arg13 : memref<8x80xi32, #tpu.memory_space<vmem>>)
          tpu.yield
        }) : () -> ()
        "tpu.region"() ({
          %run_scoped3A_145 = tpu.sem_alloc : memref<!tpu.dma_semaphore, #tpu.memory_space<semaphore_mem>>
          %dma_start3A_146 = arith.constant 0 : i32
          %dma_start3A_147 = tpu.memref_slice %arg9[%add3A_27, %dma_start3A_146] : memref<4096x80xi32, #tpu.memory_space<hbm>> -> memref<8x80xi32, #tpu.memory_space<hbm>>
          %dma_start3A_148 = arith.constant 0 : i32
          %dma_start3A_149 = tpu.memref_slice %arg9[%add3A_27, %dma_start3A_148] : memref<4096x80xi32, #tpu.memory_space<hbm>> -> memref<8x80xi32, #tpu.memory_space<hbm>>
          tpu.enqueue_dma source(%dma_start3A_149 : memref<8x80xi32, #tpu.memory_space<hbm>>) target(%arg14 : memref<8x80xi32, #tpu.memory_space<vmem>>) target_semaphore(%run_scoped3A_145 : memref<!tpu.dma_semaphore, #tpu.memory_space<semaphore_mem>>)
          %dma_wait3A_150 = arith.constant 0 : i32
          %dma_wait3A_151 = tpu.memref_slice %arg9[%add3A_27, %dma_wait3A_150] : memref<4096x80xi32, #tpu.memory_space<hbm>> -> memref<8x80xi32, #tpu.memory_space<hbm>>
          %dma_wait3A_152 = arith.constant 0 : i32
          %dma_wait3A_153 = tpu.memref_slice %arg9[%add3A_27, %dma_wait3A_152] : memref<4096x80xi32, #tpu.memory_space<hbm>> -> memref<8x80xi32, #tpu.memory_space<hbm>>
          tpu.wait_dma2 semaphore(%run_scoped3A_145 : memref<!tpu.dma_semaphore, #tpu.memory_space<semaphore_mem>>) src(%dma_wait3A_153 : memref<8x80xi32, #tpu.memory_space<hbm>>) dst(%arg14 : memref<8x80xi32, #tpu.memory_space<vmem>>)
          tpu.yield
        }) : () -> ()
        %dma_start3A = arith.constant 0 : i32
        %dma_start3A_28 = arith.constant 0 : i32
        %dma_start3A_29 = tpu.memref_slice %arg13[%dma_start3A, %dma_start3A_28] : memref<8x80xi32, #tpu.memory_space<vmem>> -> memref<1x80xi32, #tpu.memory_space<vmem>>
        %dma_start3A_30 = tpu.memref_squeeze %dma_start3A_29 : memref<1x80xi32, #tpu.memory_space<vmem>> -> memref<80xi32, #tpu.memory_space<vmem>>
        %dma_start3A_31 = arith.constant 0 : i32
        %dma_start3A_32 = arith.constant 0 : i32
        %dma_start3A_33 = tpu.memref_slice %arg3[%dma_start3A_31, %dma_start3A_32] : memref<10000x128xf32, #tpu.memory_space<hbm>> -> memref<10000x128xf32, #tpu.memory_space<hbm>>
        tpu.enqueue_indirect_dma source(%dma_start3A_33 : memref<10000x128xf32, #tpu.memory_space<hbm>>) target(%arg15 : memref<80x128xf32, #tpu.memory_space<vmem>>) offsets(%dma_start3A_30 : memref<80xi32, #tpu.memory_space<vmem>>) semaphore(%arg18 : memref<!tpu.dma_semaphore, #tpu.memory_space<semaphore_mem>>)
        %dma_start3A_34 = arith.constant 1 : i32
        %dma_start3A_35 = arith.constant 0 : i32
        %dma_start3A_36 = tpu.memref_slice %arg13[%dma_start3A_34, %dma_start3A_35] : memref<8x80xi32, #tpu.memory_space<vmem>> -> memref<1x80xi32, #tpu.memory_space<vmem>>
        %dma_start3A_37 = tpu.memref_squeeze %dma_start3A_36 : memref<1x80xi32, #tpu.memory_space<vmem>> -> memref<80xi32, #tpu.memory_space<vmem>>
        %dma_start3A_38 = arith.constant 0 : i32
        %dma_start3A_39 = arith.constant 0 : i32
        %dma_start3A_40 = tpu.memref_slice %arg5[%dma_start3A_38, %dma_start3A_39] : memref<10000x128xf32, #tpu.memory_space<hbm>> -> memref<10000x128xf32, #tpu.memory_space<hbm>>
        tpu.enqueue_indirect_dma source(%dma_start3A_40 : memref<10000x128xf32, #tpu.memory_space<hbm>>) target(%arg16 : memref<80x128xf32, #tpu.memory_space<vmem>>) offsets(%dma_start3A_37 : memref<80xi32, #tpu.memory_space<vmem>>) semaphore(%arg19 : memref<!tpu.dma_semaphore, #tpu.memory_space<semaphore_mem>>)
        %dma_start3A_41 = arith.constant 2 : i32
        %dma_start3A_42 = arith.constant 0 : i32
        %dma_start3A_43 = tpu.memref_slice %arg13[%dma_start3A_41, %dma_start3A_42] : memref<8x80xi32, #tpu.memory_space<vmem>> -> memref<1x80xi32, #tpu.memory_space<vmem>>
        %dma_start3A_44 = tpu.memref_squeeze %dma_start3A_43 : memref<1x80xi32, #tpu.memory_space<vmem>> -> memref<80xi32, #tpu.memory_space<vmem>>
        %dma_start3A_45 = arith.constant 0 : i32
        %dma_start3A_46 = arith.constant 0 : i32
        %dma_start3A_47 = tpu.memref_slice %arg7[%dma_start3A_45, %dma_start3A_46] : memref<10000x128xf32, #tpu.memory_space<hbm>> -> memref<10000x128xf32, #tpu.memory_space<hbm>>
        tpu.enqueue_indirect_dma source(%dma_start3A_47 : memref<10000x128xf32, #tpu.memory_space<hbm>>) target(%arg17 : memref<80x128xf32, #tpu.memory_space<vmem>>) offsets(%dma_start3A_44 : memref<80xi32, #tpu.memory_space<vmem>>) semaphore(%arg20 : memref<!tpu.dma_semaphore, #tpu.memory_space<semaphore_mem>>)
        %dma_wait3A = arith.constant 0 : i32
        %dma_wait3A_48 = arith.constant 0 : i32
        %dma_wait3A_49 = tpu.memref_slice %arg13[%dma_wait3A, %dma_wait3A_48] : memref<8x80xi32, #tpu.memory_space<vmem>> -> memref<1x80xi32, #tpu.memory_space<vmem>>
        %dma_wait3A_50 = tpu.memref_squeeze %dma_wait3A_49 : memref<1x80xi32, #tpu.memory_space<vmem>> -> memref<80xi32, #tpu.memory_space<vmem>>
        %dma_wait3A_51 = arith.constant 0 : i32
        %dma_wait3A_52 = arith.constant 0 : i32
        %dma_wait3A_53 = tpu.memref_slice %arg3[%dma_wait3A_51, %dma_wait3A_52] : memref<10000x128xf32, #tpu.memory_space<hbm>> -> memref<10000x128xf32, #tpu.memory_space<hbm>>
        tpu.wait_indirect_dma semaphore(%arg18 : memref<!tpu.dma_semaphore, #tpu.memory_space<semaphore_mem>>) src(%dma_wait3A_53 : memref<10000x128xf32, #tpu.memory_space<hbm>>) dst(%arg15 : memref<80x128xf32, #tpu.memory_space<vmem>>)
        %run_scoped3A = arith.constant 0 : i32
        "tpu.region"() ({
          %run_scoped3A_145 = tpu.sem_alloc : memref<!tpu.dma_semaphore, #tpu.memory_space<semaphore_mem>>
          %dma_start3A_146 = arith.constant 0 : i32
          %dma_start3A_147 = tpu.memref_slice %arg14[%run_scoped3A, %dma_start3A_146] : memref<8x80xi32, #tpu.memory_space<vmem>> -> memref<1x80xi32, #tpu.memory_space<vmem>>
          %dma_start3A_148 = tpu.memref_squeeze %dma_start3A_147 : memref<1x80xi32, #tpu.memory_space<vmem>> -> memref<80xi32, #tpu.memory_space<vmem>>
          %dma_start3A_149 = arith.constant 0 : i32
          %dma_start3A_150 = arith.constant 0 : i32
          %dma_start3A_151 = tpu.memref_slice %arg12[%dma_start3A_149, %dma_start3A_150] : memref<10112x128xf32, #tpu.memory_space<vmem_shared>> -> memref<10112x128xf32, #tpu.memory_space<vmem_shared>>
          tpu.enqueue_indirect_dma source(%arg15 : memref<80x128xf32, #tpu.memory_space<vmem>>) target(%dma_start3A_151 : memref<10112x128xf32, #tpu.memory_space<vmem_shared>>) offsets(%dma_start3A_148 : memref<80xi32, #tpu.memory_space<vmem>>) semaphore(%run_scoped3A_145 : memref<!tpu.dma_semaphore, #tpu.memory_space<semaphore_mem>>) {add = true}
          %dma_wait3A_152 = arith.constant 0 : i32
          %dma_wait3A_153 = tpu.memref_slice %arg14[%run_scoped3A, %dma_wait3A_152] : memref<8x80xi32, #tpu.memory_space<vmem>> -> memref<1x80xi32, #tpu.memory_space<vmem>>
          %dma_wait3A_154 = tpu.memref_squeeze %dma_wait3A_153 : memref<1x80xi32, #tpu.memory_space<vmem>> -> memref<80xi32, #tpu.memory_space<vmem>>
          %dma_wait3A_155 = arith.constant 0 : i32
          %dma_wait3A_156 = arith.constant 0 : i32
          %dma_wait3A_157 = tpu.memref_slice %arg12[%dma_wait3A_155, %dma_wait3A_156] : memref<10112x128xf32, #tpu.memory_space<vmem_shared>> -> memref<10112x128xf32, #tpu.memory_space<vmem_shared>>
          tpu.wait_indirect_dma semaphore(%run_scoped3A_145 : memref<!tpu.dma_semaphore, #tpu.memory_space<semaphore_mem>>) src(%arg15 : memref<80x128xf32, #tpu.memory_space<vmem>>) dst(%dma_wait3A_157 : memref<10112x128xf32, #tpu.memory_space<vmem_shared>>)
          tpu.yield
        }) : () -> ()
        %dma_start3A_54 = arith.constant 3 : i32
        %dma_start3A_55 = arith.constant 0 : i32
        %dma_start3A_56 = tpu.memref_slice %arg13[%dma_start3A_54, %dma_start3A_55] : memref<8x80xi32, #tpu.memory_space<vmem>> -> memref<1x80xi32, #tpu.memory_space<vmem>>
        %dma_start3A_57 = tpu.memref_squeeze %dma_start3A_56 : memref<1x80xi32, #tpu.memory_space<vmem>> -> memref<80xi32, #tpu.memory_space<vmem>>
        %dma_start3A_58 = arith.constant 0 : i32
        %dma_start3A_59 = arith.constant 0 : i32
        %dma_start3A_60 = tpu.memref_slice %arg3[%dma_start3A_58, %dma_start3A_59] : memref<10000x128xf32, #tpu.memory_space<hbm>> -> memref<10000x128xf32, #tpu.memory_space<hbm>>
        tpu.enqueue_indirect_dma source(%dma_start3A_60 : memref<10000x128xf32, #tpu.memory_space<hbm>>) target(%arg15 : memref<80x128xf32, #tpu.memory_space<vmem>>) offsets(%dma_start3A_57 : memref<80xi32, #tpu.memory_space<vmem>>) semaphore(%arg18 : memref<!tpu.dma_semaphore, #tpu.memory_space<semaphore_mem>>)
        %dma_wait3A_61 = arith.constant 1 : i32
        %dma_wait3A_62 = arith.constant 0 : i32
        %dma_wait3A_63 = tpu.memref_slice %arg13[%dma_wait3A_61, %dma_wait3A_62] : memref<8x80xi32, #tpu.memory_space<vmem>> -> memref<1x80xi32, #tpu.memory_space<vmem>>
        %dma_wait3A_64 = tpu.memref_squeeze %dma_wait3A_63 : memref<1x80xi32, #tpu.memory_space<vmem>> -> memref<80xi32, #tpu.memory_space<vmem>>
        %dma_wait3A_65 = arith.constant 0 : i32
        %dma_wait3A_66 = arith.constant 0 : i32
        %dma_wait3A_67 = tpu.memref_slice %arg5[%dma_wait3A_65, %dma_wait3A_66] : memref<10000x128xf32, #tpu.memory_space<hbm>> -> memref<10000x128xf32, #tpu.memory_space<hbm>>
        tpu.wait_indirect_dma semaphore(%arg19 : memref<!tpu.dma_semaphore, #tpu.memory_space<semaphore_mem>>) src(%dma_wait3A_67 : memref<10000x128xf32, #tpu.memory_space<hbm>>) dst(%arg16 : memref<80x128xf32, #tpu.memory_space<vmem>>)
        %run_scoped3A_68 = arith.constant 1 : i32
        "tpu.region"() ({
          %run_scoped3A_145 = tpu.sem_alloc : memref<!tpu.dma_semaphore, #tpu.memory_space<semaphore_mem>>
          %dma_start3A_146 = arith.constant 0 : i32
          %dma_start3A_147 = tpu.memref_slice %arg14[%run_scoped3A_68, %dma_start3A_146] : memref<8x80xi32, #tpu.memory_space<vmem>> -> memref<1x80xi32, #tpu.memory_space<vmem>>
          %dma_start3A_148 = tpu.memref_squeeze %dma_start3A_147 : memref<1x80xi32, #tpu.memory_space<vmem>> -> memref<80xi32, #tpu.memory_space<vmem>>
          %dma_start3A_149 = arith.constant 0 : i32
          %dma_start3A_150 = arith.constant 0 : i32
          %dma_start3A_151 = tpu.memref_slice %arg12[%dma_start3A_149, %dma_start3A_150] : memref<10112x128xf32, #tpu.memory_space<vmem_shared>> -> memref<10112x128xf32, #tpu.memory_space<vmem_shared>>
          tpu.enqueue_indirect_dma source(%arg16 : memref<80x128xf32, #tpu.memory_space<vmem>>) target(%dma_start3A_151 : memref<10112x128xf32, #tpu.memory_space<vmem_shared>>) offsets(%dma_start3A_148 : memref<80xi32, #tpu.memory_space<vmem>>) semaphore(%run_scoped3A_145 : memref<!tpu.dma_semaphore, #tpu.memory_space<semaphore_mem>>) {add = true}
          %dma_wait3A_152 = arith.constant 0 : i32
          %dma_wait3A_153 = tpu.memref_slice %arg14[%run_scoped3A_68, %dma_wait3A_152] : memref<8x80xi32, #tpu.memory_space<vmem>> -> memref<1x80xi32, #tpu.memory_space<vmem>>
          %dma_wait3A_154 = tpu.memref_squeeze %dma_wait3A_153 : memref<1x80xi32, #tpu.memory_space<vmem>> -> memref<80xi32, #tpu.memory_space<vmem>>
          %dma_wait3A_155 = arith.constant 0 : i32
          %dma_wait3A_156 = arith.constant 0 : i32
          %dma_wait3A_157 = tpu.memref_slice %arg12[%dma_wait3A_155, %dma_wait3A_156] : memref<10112x128xf32, #tpu.memory_space<vmem_shared>> -> memref<10112x128xf32, #tpu.memory_space<vmem_shared>>
          tpu.wait_indirect_dma semaphore(%run_scoped3A_145 : memref<!tpu.dma_semaphore, #tpu.memory_space<semaphore_mem>>) src(%arg16 : memref<80x128xf32, #tpu.memory_space<vmem>>) dst(%dma_wait3A_157 : memref<10112x128xf32, #tpu.memory_space<vmem_shared>>)
          tpu.yield
        }) : () -> ()
        %dma_start3A_69 = arith.constant 4 : i32
        %dma_start3A_70 = arith.constant 0 : i32
        %dma_start3A_71 = tpu.memref_slice %arg13[%dma_start3A_69, %dma_start3A_70] : memref<8x80xi32, #tpu.memory_space<vmem>> -> memref<1x80xi32, #tpu.memory_space<vmem>>
        %dma_start3A_72 = tpu.memref_squeeze %dma_start3A_71 : memref<1x80xi32, #tpu.memory_space<vmem>> -> memref<80xi32, #tpu.memory_space<vmem>>
        %dma_start3A_73 = arith.constant 0 : i32
        %dma_start3A_74 = arith.constant 0 : i32
        %dma_start3A_75 = tpu.memref_slice %arg5[%dma_start3A_73, %dma_start3A_74] : memref<10000x128xf32, #tpu.memory_space<hbm>> -> memref<10000x128xf32, #tpu.memory_space<hbm>>
        tpu.enqueue_indirect_dma source(%dma_start3A_75 : memref<10000x128xf32, #tpu.memory_space<hbm>>) target(%arg16 : memref<80x128xf32, #tpu.memory_space<vmem>>) offsets(%dma_start3A_72 : memref<80xi32, #tpu.memory_space<vmem>>) semaphore(%arg19 : memref<!tpu.dma_semaphore, #tpu.memory_space<semaphore_mem>>)
        %dma_wait3A_76 = arith.constant 2 : i32
        %dma_wait3A_77 = arith.constant 0 : i32
        %dma_wait3A_78 = tpu.memref_slice %arg13[%dma_wait3A_76, %dma_wait3A_77] : memref<8x80xi32, #tpu.memory_space<vmem>> -> memref<1x80xi32, #tpu.memory_space<vmem>>
        %dma_wait3A_79 = tpu.memref_squeeze %dma_wait3A_78 : memref<1x80xi32, #tpu.memory_space<vmem>> -> memref<80xi32, #tpu.memory_space<vmem>>
        %dma_wait3A_80 = arith.constant 0 : i32
        %dma_wait3A_81 = arith.constant 0 : i32
        %dma_wait3A_82 = tpu.memref_slice %arg7[%dma_wait3A_80, %dma_wait3A_81] : memref<10000x128xf32, #tpu.memory_space<hbm>> -> memref<10000x128xf32, #tpu.memory_space<hbm>>
        tpu.wait_indirect_dma semaphore(%arg20 : memref<!tpu.dma_semaphore, #tpu.memory_space<semaphore_mem>>) src(%dma_wait3A_82 : memref<10000x128xf32, #tpu.memory_space<hbm>>) dst(%arg17 : memref<80x128xf32, #tpu.memory_space<vmem>>)
        %run_scoped3A_83 = arith.constant 2 : i32
        "tpu.region"() ({
          %run_scoped3A_145 = tpu.sem_alloc : memref<!tpu.dma_semaphore, #tpu.memory_space<semaphore_mem>>
          %dma_start3A_146 = arith.constant 0 : i32
          %dma_start3A_147 = tpu.memref_slice %arg14[%run_scoped3A_83, %dma_start3A_146] : memref<8x80xi32, #tpu.memory_space<vmem>> -> memref<1x80xi32, #tpu.memory_space<vmem>>
          %dma_start3A_148 = tpu.memref_squeeze %dma_start3A_147 : memref<1x80xi32, #tpu.memory_space<vmem>> -> memref<80xi32, #tpu.memory_space<vmem>>
          %dma_start3A_149 = arith.constant 0 : i32
          %dma_start3A_150 = arith.constant 0 : i32
          %dma_start3A_151 = tpu.memref_slice %arg12[%dma_start3A_149, %dma_start3A_150] : memref<10112x128xf32, #tpu.memory_space<vmem_shared>> -> memref<10112x128xf32, #tpu.memory_space<vmem_shared>>
          tpu.enqueue_indirect_dma source(%arg17 : memref<80x128xf32, #tpu.memory_space<vmem>>) target(%dma_start3A_151 : memref<10112x128xf32, #tpu.memory_space<vmem_shared>>) offsets(%dma_start3A_148 : memref<80xi32, #tpu.memory_space<vmem>>) semaphore(%run_scoped3A_145 : memref<!tpu.dma_semaphore, #tpu.memory_space<semaphore_mem>>) {add = true}
          %dma_wait3A_152 = arith.constant 0 : i32
          %dma_wait3A_153 = tpu.memref_slice %arg14[%run_scoped3A_83, %dma_wait3A_152] : memref<8x80xi32, #tpu.memory_space<vmem>> -> memref<1x80xi32, #tpu.memory_space<vmem>>
          %dma_wait3A_154 = tpu.memref_squeeze %dma_wait3A_153 : memref<1x80xi32, #tpu.memory_space<vmem>> -> memref<80xi32, #tpu.memory_space<vmem>>
          %dma_wait3A_155 = arith.constant 0 : i32
          %dma_wait3A_156 = arith.constant 0 : i32
          %dma_wait3A_157 = tpu.memref_slice %arg12[%dma_wait3A_155, %dma_wait3A_156] : memref<10112x128xf32, #tpu.memory_space<vmem_shared>> -> memref<10112x128xf32, #tpu.memory_space<vmem_shared>>
          tpu.wait_indirect_dma semaphore(%run_scoped3A_145 : memref<!tpu.dma_semaphore, #tpu.memory_space<semaphore_mem>>) src(%arg17 : memref<80x128xf32, #tpu.memory_space<vmem>>) dst(%dma_wait3A_157 : memref<10112x128xf32, #tpu.memory_space<vmem_shared>>)
          tpu.yield
        }) : () -> ()
        %dma_start3A_84 = arith.constant 5 : i32
        %dma_start3A_85 = arith.constant 0 : i32
        %dma_start3A_86 = tpu.memref_slice %arg13[%dma_start3A_84, %dma_start3A_85] : memref<8x80xi32, #tpu.memory_space<vmem>> -> memref<1x80xi32, #tpu.memory_space<vmem>>
        %dma_start3A_87 = tpu.memref_squeeze %dma_start3A_86 : memref<1x80xi32, #tpu.memory_space<vmem>> -> memref<80xi32, #tpu.memory_space<vmem>>
        %dma_start3A_88 = arith.constant 0 : i32
        %dma_start3A_89 = arith.constant 0 : i32
        %dma_start3A_90 = tpu.memref_slice %arg7[%dma_start3A_88, %dma_start3A_89] : memref<10000x128xf32, #tpu.memory_space<hbm>> -> memref<10000x128xf32, #tpu.memory_space<hbm>>
        tpu.enqueue_indirect_dma source(%dma_start3A_90 : memref<10000x128xf32, #tpu.memory_space<hbm>>) target(%arg17 : memref<80x128xf32, #tpu.memory_space<vmem>>) offsets(%dma_start3A_87 : memref<80xi32, #tpu.memory_space<vmem>>) semaphore(%arg20 : memref<!tpu.dma_semaphore, #tpu.memory_space<semaphore_mem>>)
        %dma_wait3A_91 = arith.constant 3 : i32
        %dma_wait3A_92 = arith.constant 0 : i32
        %dma_wait3A_93 = tpu.memref_slice %arg13[%dma_wait3A_91, %dma_wait3A_92] : memref<8x80xi32, #tpu.memory_space<vmem>> -> memref<1x80xi32, #tpu.memory_space<vmem>>
        %dma_wait3A_94 = tpu.memref_squeeze %dma_wait3A_93 : memref<1x80xi32, #tpu.memory_space<vmem>> -> memref<80xi32, #tpu.memory_space<vmem>>
        %dma_wait3A_95 = arith.constant 0 : i32
        %dma_wait3A_96 = arith.constant 0 : i32
        %dma_wait3A_97 = tpu.memref_slice %arg3[%dma_wait3A_95, %dma_wait3A_96] : memref<10000x128xf32, #tpu.memory_space<hbm>> -> memref<10000x128xf32, #tpu.memory_space<hbm>>
        tpu.wait_indirect_dma semaphore(%arg18 : memref<!tpu.dma_semaphore, #tpu.memory_space<semaphore_mem>>) src(%dma_wait3A_97 : memref<10000x128xf32, #tpu.memory_space<hbm>>) dst(%arg15 : memref<80x128xf32, #tpu.memory_space<vmem>>)
        %run_scoped3A_98 = arith.constant 3 : i32
        "tpu.region"() ({
          %run_scoped3A_145 = tpu.sem_alloc : memref<!tpu.dma_semaphore, #tpu.memory_space<semaphore_mem>>
          %dma_start3A_146 = arith.constant 0 : i32
          %dma_start3A_147 = tpu.memref_slice %arg14[%run_scoped3A_98, %dma_start3A_146] : memref<8x80xi32, #tpu.memory_space<vmem>> -> memref<1x80xi32, #tpu.memory_space<vmem>>
          %dma_start3A_148 = tpu.memref_squeeze %dma_start3A_147 : memref<1x80xi32, #tpu.memory_space<vmem>> -> memref<80xi32, #tpu.memory_space<vmem>>
          %dma_start3A_149 = arith.constant 0 : i32
          %dma_start3A_150 = arith.constant 0 : i32
          %dma_start3A_151 = tpu.memref_slice %arg12[%dma_start3A_149, %dma_start3A_150] : memref<10112x128xf32, #tpu.memory_space<vmem_shared>> -> memref<10112x128xf32, #tpu.memory_space<vmem_shared>>
          tpu.enqueue_indirect_dma source(%arg15 : memref<80x128xf32, #tpu.memory_space<vmem>>) target(%dma_start3A_151 : memref<10112x128xf32, #tpu.memory_space<vmem_shared>>) offsets(%dma_start3A_148 : memref<80xi32, #tpu.memory_space<vmem>>) semaphore(%run_scoped3A_145 : memref<!tpu.dma_semaphore, #tpu.memory_space<semaphore_mem>>) {add = true}
          %dma_wait3A_152 = arith.constant 0 : i32
          %dma_wait3A_153 = tpu.memref_slice %arg14[%run_scoped3A_98, %dma_wait3A_152] : memref<8x80xi32, #tpu.memory_space<vmem>> -> memref<1x80xi32, #tpu.memory_space<vmem>>
          %dma_wait3A_154 = tpu.memref_squeeze %dma_wait3A_153 : memref<1x80xi32, #tpu.memory_space<vmem>> -> memref<80xi32, #tpu.memory_space<vmem>>
          %dma_wait3A_155 = arith.constant 0 : i32
          %dma_wait3A_156 = arith.constant 0 : i32
          %dma_wait3A_157 = tpu.memref_slice %arg12[%dma_wait3A_155, %dma_wait3A_156] : memref<10112x128xf32, #tpu.memory_space<vmem_shared>> -> memref<10112x128xf32, #tpu.memory_space<vmem_shared>>
          tpu.wait_indirect_dma semaphore(%run_scoped3A_145 : memref<!tpu.dma_semaphore, #tpu.memory_space<semaphore_mem>>) src(%arg15 : memref<80x128xf32, #tpu.memory_space<vmem>>) dst(%dma_wait3A_157 : memref<10112x128xf32, #tpu.memory_space<vmem_shared>>)
          tpu.yield
        }) : () -> ()
        %dma_start3A_99 = arith.constant 6 : i32
        %dma_start3A_100 = arith.constant 0 : i32
        %dma_start3A_101 = tpu.memref_slice %arg13[%dma_start3A_99, %dma_start3A_100] : memref<8x80xi32, #tpu.memory_space<vmem>> -> memref<1x80xi32, #tpu.memory_space<vmem>>
        %dma_start3A_102 = tpu.memref_squeeze %dma_start3A_101 : memref<1x80xi32, #tpu.memory_space<vmem>> -> memref<80xi32, #tpu.memory_space<vmem>>
        %dma_start3A_103 = arith.constant 0 : i32
        %dma_start3A_104 = arith.constant 0 : i32
        %dma_start3A_105 = tpu.memref_slice %arg3[%dma_start3A_103, %dma_start3A_104] : memref<10000x128xf32, #tpu.memory_space<hbm>> -> memref<10000x128xf32, #tpu.memory_space<hbm>>
        tpu.enqueue_indirect_dma source(%dma_start3A_105 : memref<10000x128xf32, #tpu.memory_space<hbm>>) target(%arg15 : memref<80x128xf32, #tpu.memory_space<vmem>>) offsets(%dma_start3A_102 : memref<80xi32, #tpu.memory_space<vmem>>) semaphore(%arg18 : memref<!tpu.dma_semaphore, #tpu.memory_space<semaphore_mem>>)
        %dma_wait3A_106 = arith.constant 4 : i32
        %dma_wait3A_107 = arith.constant 0 : i32
        %dma_wait3A_108 = tpu.memref_slice %arg13[%dma_wait3A_106, %dma_wait3A_107] : memref<8x80xi32, #tpu.memory_space<vmem>> -> memref<1x80xi32, #tpu.memory_space<vmem>>
        %dma_wait3A_109 = tpu.memref_squeeze %dma_wait3A_108 : memref<1x80xi32, #tpu.memory_space<vmem>> -> memref<80xi32, #tpu.memory_space<vmem>>
        %dma_wait3A_110 = arith.constant 0 : i32
        %dma_wait3A_111 = arith.constant 0 : i32
        %dma_wait3A_112 = tpu.memref_slice %arg5[%dma_wait3A_110, %dma_wait3A_111] : memref<10000x128xf32, #tpu.memory_space<hbm>> -> memref<10000x128xf32, #tpu.memory_space<hbm>>
        tpu.wait_indirect_dma semaphore(%arg19 : memref<!tpu.dma_semaphore, #tpu.memory_space<semaphore_mem>>) src(%dma_wait3A_112 : memref<10000x128xf32, #tpu.memory_space<hbm>>) dst(%arg16 : memref<80x128xf32, #tpu.memory_space<vmem>>)
        %run_scoped3A_113 = arith.constant 4 : i32
        "tpu.region"() ({
          %run_scoped3A_145 = tpu.sem_alloc : memref<!tpu.dma_semaphore, #tpu.memory_space<semaphore_mem>>
          %dma_start3A_146 = arith.constant 0 : i32
          %dma_start3A_147 = tpu.memref_slice %arg14[%run_scoped3A_113, %dma_start3A_146] : memref<8x80xi32, #tpu.memory_space<vmem>> -> memref<1x80xi32, #tpu.memory_space<vmem>>
          %dma_start3A_148 = tpu.memref_squeeze %dma_start3A_147 : memref<1x80xi32, #tpu.memory_space<vmem>> -> memref<80xi32, #tpu.memory_space<vmem>>
          %dma_start3A_149 = arith.constant 0 : i32
          %dma_start3A_150 = arith.constant 0 : i32
          %dma_start3A_151 = tpu.memref_slice %arg12[%dma_start3A_149, %dma_start3A_150] : memref<10112x128xf32, #tpu.memory_space<vmem_shared>> -> memref<10112x128xf32, #tpu.memory_space<vmem_shared>>
          tpu.enqueue_indirect_dma source(%arg16 : memref<80x128xf32, #tpu.memory_space<vmem>>) target(%dma_start3A_151 : memref<10112x128xf32, #tpu.memory_space<vmem_shared>>) offsets(%dma_start3A_148 : memref<80xi32, #tpu.memory_space<vmem>>) semaphore(%run_scoped3A_145 : memref<!tpu.dma_semaphore, #tpu.memory_space<semaphore_mem>>) {add = true}
          %dma_wait3A_152 = arith.constant 0 : i32
          %dma_wait3A_153 = tpu.memref_slice %arg14[%run_scoped3A_113, %dma_wait3A_152] : memref<8x80xi32, #tpu.memory_space<vmem>> -> memref<1x80xi32, #tpu.memory_space<vmem>>
          %dma_wait3A_154 = tpu.memref_squeeze %dma_wait3A_153 : memref<1x80xi32, #tpu.memory_space<vmem>> -> memref<80xi32, #tpu.memory_space<vmem>>
          %dma_wait3A_155 = arith.constant 0 : i32
          %dma_wait3A_156 = arith.constant 0 : i32
          %dma_wait3A_157 = tpu.memref_slice %arg12[%dma_wait3A_155, %dma_wait3A_156] : memref<10112x128xf32, #tpu.memory_space<vmem_shared>> -> memref<10112x128xf32, #tpu.memory_space<vmem_shared>>
          tpu.wait_indirect_dma semaphore(%run_scoped3A_145 : memref<!tpu.dma_semaphore, #tpu.memory_space<semaphore_mem>>) src(%arg16 : memref<80x128xf32, #tpu.memory_space<vmem>>) dst(%dma_wait3A_157 : memref<10112x128xf32, #tpu.memory_space<vmem_shared>>)
          tpu.yield
        }) : () -> ()
        %dma_start3A_114 = arith.constant 7 : i32
        %dma_start3A_115 = arith.constant 0 : i32
        %dma_start3A_116 = tpu.memref_slice %arg13[%dma_start3A_114, %dma_start3A_115] : memref<8x80xi32, #tpu.memory_space<vmem>> -> memref<1x80xi32, #tpu.memory_space<vmem>>
        %dma_start3A_117 = tpu.memref_squeeze %dma_start3A_116 : memref<1x80xi32, #tpu.memory_space<vmem>> -> memref<80xi32, #tpu.memory_space<vmem>>
        %dma_start3A_118 = arith.constant 0 : i32
        %dma_start3A_119 = arith.constant 0 : i32
        %dma_start3A_120 = tpu.memref_slice %arg5[%dma_start3A_118, %dma_start3A_119] : memref<10000x128xf32, #tpu.memory_space<hbm>> -> memref<10000x128xf32, #tpu.memory_space<hbm>>
        tpu.enqueue_indirect_dma source(%dma_start3A_120 : memref<10000x128xf32, #tpu.memory_space<hbm>>) target(%arg16 : memref<80x128xf32, #tpu.memory_space<vmem>>) offsets(%dma_start3A_117 : memref<80xi32, #tpu.memory_space<vmem>>) semaphore(%arg19 : memref<!tpu.dma_semaphore, #tpu.memory_space<semaphore_mem>>)
        %dma_wait3A_121 = arith.constant 5 : i32
        %dma_wait3A_122 = arith.constant 0 : i32
        %dma_wait3A_123 = tpu.memref_slice %arg13[%dma_wait3A_121, %dma_wait3A_122] : memref<8x80xi32, #tpu.memory_space<vmem>> -> memref<1x80xi32, #tpu.memory_space<vmem>>
        %dma_wait3A_124 = tpu.memref_squeeze %dma_wait3A_123 : memref<1x80xi32, #tpu.memory_space<vmem>> -> memref<80xi32, #tpu.memory_space<vmem>>
        %dma_wait3A_125 = arith.constant 0 : i32
        %dma_wait3A_126 = arith.constant 0 : i32
        %dma_wait3A_127 = tpu.memref_slice %arg7[%dma_wait3A_125, %dma_wait3A_126] : memref<10000x128xf32, #tpu.memory_space<hbm>> -> memref<10000x128xf32, #tpu.memory_space<hbm>>
        tpu.wait_indirect_dma semaphore(%arg20 : memref<!tpu.dma_semaphore, #tpu.memory_space<semaphore_mem>>) src(%dma_wait3A_127 : memref<10000x128xf32, #tpu.memory_space<hbm>>) dst(%arg17 : memref<80x128xf32, #tpu.memory_space<vmem>>)
        %run_scoped3A_128 = arith.constant 5 : i32
        "tpu.region"() ({
          %run_scoped3A_145 = tpu.sem_alloc : memref<!tpu.dma_semaphore, #tpu.memory_space<semaphore_mem>>
          %dma_start3A_146 = arith.constant 0 : i32
          %dma_start3A_147 = tpu.memref_slice %arg14[%run_scoped3A_128, %dma_start3A_146] : memref<8x80xi32, #tpu.memory_space<vmem>> -> memref<1x80xi32, #tpu.memory_space<vmem>>
          %dma_start3A_148 = tpu.memref_squeeze %dma_start3A_147 : memref<1x80xi32, #tpu.memory_space<vmem>> -> memref<80xi32, #tpu.memory_space<vmem>>
          %dma_start3A_149 = arith.constant 0 : i32
          %dma_start3A_150 = arith.constant 0 : i32
          %dma_start3A_151 = tpu.memref_slice %arg12[%dma_start3A_149, %dma_start3A_150] : memref<10112x128xf32, #tpu.memory_space<vmem_shared>> -> memref<10112x128xf32, #tpu.memory_space<vmem_shared>>
          tpu.enqueue_indirect_dma source(%arg17 : memref<80x128xf32, #tpu.memory_space<vmem>>) target(%dma_start3A_151 : memref<10112x128xf32, #tpu.memory_space<vmem_shared>>) offsets(%dma_start3A_148 : memref<80xi32, #tpu.memory_space<vmem>>) semaphore(%run_scoped3A_145 : memref<!tpu.dma_semaphore, #tpu.memory_space<semaphore_mem>>) {add = true}
          %dma_wait3A_152 = arith.constant 0 : i32
          %dma_wait3A_153 = tpu.memref_slice %arg14[%run_scoped3A_128, %dma_wait3A_152] : memref<8x80xi32, #tpu.memory_space<vmem>> -> memref<1x80xi32, #tpu.memory_space<vmem>>
          %dma_wait3A_154 = tpu.memref_squeeze %dma_wait3A_153 : memref<1x80xi32, #tpu.memory_space<vmem>> -> memref<80xi32, #tpu.memory_space<vmem>>
          %dma_wait3A_155 = arith.constant 0 : i32
          %dma_wait3A_156 = arith.constant 0 : i32
          %dma_wait3A_157 = tpu.memref_slice %arg12[%dma_wait3A_155, %dma_wait3A_156] : memref<10112x128xf32, #tpu.memory_space<vmem_shared>> -> memref<10112x128xf32, #tpu.memory_space<vmem_shared>>
          tpu.wait_indirect_dma semaphore(%run_scoped3A_145 : memref<!tpu.dma_semaphore, #tpu.memory_space<semaphore_mem>>) src(%arg17 : memref<80x128xf32, #tpu.memory_space<vmem>>) dst(%dma_wait3A_157 : memref<10112x128xf32, #tpu.memory_space<vmem_shared>>)
          tpu.yield
        }) : () -> ()
        %dma_wait3A_129 = arith.constant 6 : i32
        %dma_wait3A_130 = arith.constant 0 : i32
        %dma_wait3A_131 = tpu.memref_slice %arg13[%dma_wait3A_129, %dma_wait3A_130] : memref<8x80xi32, #tpu.memory_space<vmem>> -> memref<1x80xi32, #tpu.memory_space<vmem>>
        %dma_wait3A_132 = tpu.memref_squeeze %dma_wait3A_131 : memref<1x80xi32, #tpu.memory_space<vmem>> -> memref<80xi32, #tpu.memory_space<vmem>>
        %dma_wait3A_133 = arith.constant 0 : i32
        %dma_wait3A_134 = arith.constant 0 : i32
        %dma_wait3A_135 = tpu.memref_slice %arg3[%dma_wait3A_133, %dma_wait3A_134] : memref<10000x128xf32, #tpu.memory_space<hbm>> -> memref<10000x128xf32, #tpu.memory_space<hbm>>
        tpu.wait_indirect_dma semaphore(%arg18 : memref<!tpu.dma_semaphore, #tpu.memory_space<semaphore_mem>>) src(%dma_wait3A_135 : memref<10000x128xf32, #tpu.memory_space<hbm>>) dst(%arg15 : memref<80x128xf32, #tpu.memory_space<vmem>>)
        %run_scoped3A_136 = arith.constant 6 : i32
        "tpu.region"() ({
          %run_scoped3A_145 = tpu.sem_alloc : memref<!tpu.dma_semaphore, #tpu.memory_space<semaphore_mem>>
          %dma_start3A_146 = arith.constant 0 : i32
          %dma_start3A_147 = tpu.memref_slice %arg14[%run_scoped3A_136, %dma_start3A_146] : memref<8x80xi32, #tpu.memory_space<vmem>> -> memref<1x80xi32, #tpu.memory_space<vmem>>
          %dma_start3A_148 = tpu.memref_squeeze %dma_start3A_147 : memref<1x80xi32, #tpu.memory_space<vmem>> -> memref<80xi32, #tpu.memory_space<vmem>>
          %dma_start3A_149 = arith.constant 0 : i32
          %dma_start3A_150 = arith.constant 0 : i32
          %dma_start3A_151 = tpu.memref_slice %arg12[%dma_start3A_149, %dma_start3A_150] : memref<10112x128xf32, #tpu.memory_space<vmem_shared>> -> memref<10112x128xf32, #tpu.memory_space<vmem_shared>>
          tpu.enqueue_indirect_dma source(%arg15 : memref<80x128xf32, #tpu.memory_space<vmem>>) target(%dma_start3A_151 : memref<10112x128xf32, #tpu.memory_space<vmem_shared>>) offsets(%dma_start3A_148 : memref<80xi32, #tpu.memory_space<vmem>>) semaphore(%run_scoped3A_145 : memref<!tpu.dma_semaphore, #tpu.memory_space<semaphore_mem>>) {add = true}
          %dma_wait3A_152 = arith.constant 0 : i32
          %dma_wait3A_153 = tpu.memref_slice %arg14[%run_scoped3A_136, %dma_wait3A_152] : memref<8x80xi32, #tpu.memory_space<vmem>> -> memref<1x80xi32, #tpu.memory_space<vmem>>
          %dma_wait3A_154 = tpu.memref_squeeze %dma_wait3A_153 : memref<1x80xi32, #tpu.memory_space<vmem>> -> memref<80xi32, #tpu.memory_space<vmem>>
          %dma_wait3A_155 = arith.constant 0 : i32
          %dma_wait3A_156 = arith.constant 0 : i32
          %dma_wait3A_157 = tpu.memref_slice %arg12[%dma_wait3A_155, %dma_wait3A_156] : memref<10112x128xf32, #tpu.memory_space<vmem_shared>> -> memref<10112x128xf32, #tpu.memory_space<vmem_shared>>
          tpu.wait_indirect_dma semaphore(%run_scoped3A_145 : memref<!tpu.dma_semaphore, #tpu.memory_space<semaphore_mem>>) src(%arg15 : memref<80x128xf32, #tpu.memory_space<vmem>>) dst(%dma_wait3A_157 : memref<10112x128xf32, #tpu.memory_space<vmem_shared>>)
          tpu.yield
        }) : () -> ()
        %dma_wait3A_137 = arith.constant 7 : i32
        %dma_wait3A_138 = arith.constant 0 : i32
        %dma_wait3A_139 = tpu.memref_slice %arg13[%dma_wait3A_137, %dma_wait3A_138] : memref<8x80xi32, #tpu.memory_space<vmem>> -> memref<1x80xi32, #tpu.memory_space<vmem>>
        %dma_wait3A_140 = tpu.memref_squeeze %dma_wait3A_139 : memref<1x80xi32, #tpu.memory_space<vmem>> -> memref<80xi32, #tpu.memory_space<vmem>>
        %dma_wait3A_141 = arith.constant 0 : i32
        %dma_wait3A_142 = arith.constant 0 : i32
        %dma_wait3A_143 = tpu.memref_slice %arg5[%dma_wait3A_141, %dma_wait3A_142] : memref<10000x128xf32, #tpu.memory_space<hbm>> -> memref<10000x128xf32, #tpu.memory_space<hbm>>
        tpu.wait_indirect_dma semaphore(%arg19 : memref<!tpu.dma_semaphore, #tpu.memory_space<semaphore_mem>>) src(%dma_wait3A_143 : memref<10000x128xf32, #tpu.memory_space<hbm>>) dst(%arg16 : memref<80x128xf32, #tpu.memory_space<vmem>>)
        %run_scoped3A_144 = arith.constant 7 : i32
        "tpu.region"() ({
          %run_scoped3A_145 = tpu.sem_alloc : memref<!tpu.dma_semaphore, #tpu.memory_space<semaphore_mem>>
          %dma_start3A_146 = arith.constant 0 : i32
          %dma_start3A_147 = tpu.memref_slice %arg14[%run_scoped3A_144, %dma_start3A_146] : memref<8x80xi32, #tpu.memory_space<vmem>> -> memref<1x80xi32, #tpu.memory_space<vmem>>
          %dma_start3A_148 = tpu.memref_squeeze %dma_start3A_147 : memref<1x80xi32, #tpu.memory_space<vmem>> -> memref<80xi32, #tpu.memory_space<vmem>>
          %dma_start3A_149 = arith.constant 0 : i32
          %dma_start3A_150 = arith.constant 0 : i32
          %dma_start3A_151 = tpu.memref_slice %arg12[%dma_start3A_149, %dma_start3A_150] : memref<10112x128xf32, #tpu.memory_space<vmem_shared>> -> memref<10112x128xf32, #tpu.memory_space<vmem_shared>>
          tpu.enqueue_indirect_dma source(%arg16 : memref<80x128xf32, #tpu.memory_space<vmem>>) target(%dma_start3A_151 : memref<10112x128xf32, #tpu.memory_space<vmem_shared>>) offsets(%dma_start3A_148 : memref<80xi32, #tpu.memory_space<vmem>>) semaphore(%run_scoped3A_145 : memref<!tpu.dma_semaphore, #tpu.memory_space<semaphore_mem>>) {add = true}
          %dma_wait3A_152 = arith.constant 0 : i32
          %dma_wait3A_153 = tpu.memref_slice %arg14[%run_scoped3A_144, %dma_wait3A_152] : memref<8x80xi32, #tpu.memory_space<vmem>> -> memref<1x80xi32, #tpu.memory_space<vmem>>
          %dma_wait3A_154 = tpu.memref_squeeze %dma_wait3A_153 : memref<1x80xi32, #tpu.memory_space<vmem>> -> memref<80xi32, #tpu.memory_space<vmem>>
          %dma_wait3A_155 = arith.constant 0 : i32
          %dma_wait3A_156 = arith.constant 0 : i32
          %dma_wait3A_157 = tpu.memref_slice %arg12[%dma_wait3A_155, %dma_wait3A_156] : memref<10112x128xf32, #tpu.memory_space<vmem_shared>> -> memref<10112x128xf32, #tpu.memory_space<vmem_shared>>
          tpu.wait_indirect_dma semaphore(%run_scoped3A_145 : memref<!tpu.dma_semaphore, #tpu.memory_space<semaphore_mem>>) src(%arg16 : memref<80x128xf32, #tpu.memory_space<vmem>>) dst(%dma_wait3A_157 : memref<10112x128xf32, #tpu.memory_space<vmem_shared>>)
          tpu.yield
        }) : () -> ()
      }
      %scan3A_23 = arith.constant 11 : i32
    } else {
    }
    %barrier3A_14 = arith.constant 0 : index
    tpu.barrier barrier_id(%barrier3A_14)
    %mul3A_15 = arith.constant 632 : i32
    %mul3A_16 = arith.muli %arg1, %mul3A_15 : i32
    %mul3A_17 = arith.constant 632 : i32
    %mul3A_18 = arith.muli %arg1, %mul3A_17 : i32
    "tpu.region"() ({
      %run_scoped3A = tpu.sem_alloc : memref<!tpu.dma_semaphore, #tpu.memory_space<semaphore_mem>>
      %dma_start3A = arith.constant 0 : i32
      %dma_start3A_19 = tpu.memref_slice %arg11[%arg0, %mul3A_18, %dma_start3A] : memref<2x10112x128xf32, #tpu.memory_space<hbm>> -> memref<1x632x128xf32, #tpu.memory_space<hbm>>
      %dma_start3A_20 = tpu.memref_squeeze %dma_start3A_19 : memref<1x632x128xf32, #tpu.memory_space<hbm>> -> memref<632x128xf32, #tpu.memory_space<hbm>>
      %dma_start3A_21 = arith.constant 0 : i32
      %dma_start3A_22 = tpu.memref_slice %arg12[%mul3A_16, %dma_start3A_21] : memref<10112x128xf32, #tpu.memory_space<vmem_shared>> -> memref<632x128xf32, #tpu.memory_space<vmem_shared>>
      tpu.enqueue_dma source(%dma_start3A_22 : memref<632x128xf32, #tpu.memory_space<vmem_shared>>) target(%dma_start3A_20 : memref<632x128xf32, #tpu.memory_space<hbm>>) target_semaphore(%run_scoped3A : memref<!tpu.dma_semaphore, #tpu.memory_space<semaphore_mem>>)
      %dma_wait3A = arith.constant 0 : i32
      %dma_wait3A_23 = tpu.memref_slice %arg11[%arg0, %mul3A_18, %dma_wait3A] : memref<2x10112x128xf32, #tpu.memory_space<hbm>> -> memref<1x632x128xf32, #tpu.memory_space<hbm>>
      %dma_wait3A_24 = tpu.memref_squeeze %dma_wait3A_23 : memref<1x632x128xf32, #tpu.memory_space<hbm>> -> memref<632x128xf32, #tpu.memory_space<hbm>>
      %dma_wait3A_25 = arith.constant 0 : i32
      %dma_wait3A_26 = tpu.memref_slice %arg12[%mul3A_16, %dma_wait3A_25] : memref<10112x128xf32, #tpu.memory_space<vmem_shared>> -> memref<632x128xf32, #tpu.memory_space<vmem_shared>>
      tpu.wait_dma2 semaphore(%run_scoped3A : memref<!tpu.dma_semaphore, #tpu.memory_space<semaphore_mem>>) src(%dma_wait3A_26 : memref<632x128xf32, #tpu.memory_space<vmem_shared>>) dst(%dma_wait3A_24 : memref<632x128xf32, #tpu.memory_space<hbm>>)
      tpu.yield
    }) : () -> ()
    return
  }
}

#map = affine_map<(d0, d1) -> (0, 0)>
#map1 = affine_map<(d0, d1) -> (0, 0, 0)>
module attributes {stable_mosaic.version = 14 : i64} {
  func.func @_cnt_body(%arg0: i32, %arg1: i32, %arg2: memref<2560x128xi32, #tpu.memory_space<hbm>>, %arg3: memref<10112x128xf32, #tpu.memory_space<hbm>>, %arg4: memref<128x128xf32, #tpu.memory_space<hbm>>, %arg5: memref<2x10112x128xf32, #tpu.memory_space<hbm>>, %arg6: memref<10112x128xf32, #tpu.memory_space<vmem_shared>>, %arg7: memref<8x128xi32, #tpu.memory_space<vmem>>, %arg8: memref<128x128xf32, #tpu.memory_space<vmem>>) attributes {dimension_semantics = [#tpu.dimension_semantics<core_parallel>, #tpu.dimension_semantics<subcore_parallel>], iteration_bounds = array<i64: 2, 16>, scalar_prefetch = 0 : i64, scratch_operands = 3 : i64, tpu.core_type = #tpu.core_type<sc_vector_subcore>, window_params = [{transform_indices = #map}, {transform_indices = #map}, {transform_indices = #map}, {transform_indices = #map1}]} {
    %mul3A = arith.constant 2 : i32
    %mul3A_0 = arith.muli %arg1, %mul3A : i32
    %add3A = arith.addi %mul3A_0, %arg0 : i32
    %mul3A_1 = arith.constant 632 : i32
    %mul3A_2 = arith.muli %arg1, %mul3A_1 : i32
    %mul3A_3 = arith.constant 632 : i32
    %mul3A_4 = arith.muli %arg1, %mul3A_3 : i32
    "tpu.region"() ({
      %run_scoped3A = tpu.sem_alloc : memref<!tpu.dma_semaphore, #tpu.memory_space<semaphore_mem>>
      %dma_start3A = arith.constant 0 : i32
      %dma_start3A_15 = tpu.memref_slice %arg6[%mul3A_4, %dma_start3A] : memref<10112x128xf32, #tpu.memory_space<vmem_shared>> -> memref<632x128xf32, #tpu.memory_space<vmem_shared>>
      %dma_start3A_16 = arith.constant 0 : i32
      %dma_start3A_17 = tpu.memref_slice %arg3[%mul3A_2, %dma_start3A_16] : memref<10112x128xf32, #tpu.memory_space<hbm>> -> memref<632x128xf32, #tpu.memory_space<hbm>>
      tpu.enqueue_dma source(%dma_start3A_17 : memref<632x128xf32, #tpu.memory_space<hbm>>) target(%dma_start3A_15 : memref<632x128xf32, #tpu.memory_space<vmem_shared>>) target_semaphore(%run_scoped3A : memref<!tpu.dma_semaphore, #tpu.memory_space<semaphore_mem>>)
      %dma_wait3A = arith.constant 0 : i32
      %dma_wait3A_18 = tpu.memref_slice %arg6[%mul3A_4, %dma_wait3A] : memref<10112x128xf32, #tpu.memory_space<vmem_shared>> -> memref<632x128xf32, #tpu.memory_space<vmem_shared>>
      %dma_wait3A_19 = arith.constant 0 : i32
      %dma_wait3A_20 = tpu.memref_slice %arg3[%mul3A_2, %dma_wait3A_19] : memref<10112x128xf32, #tpu.memory_space<hbm>> -> memref<632x128xf32, #tpu.memory_space<hbm>>
      tpu.wait_dma2 semaphore(%run_scoped3A : memref<!tpu.dma_semaphore, #tpu.memory_space<semaphore_mem>>) src(%dma_wait3A_20 : memref<632x128xf32, #tpu.memory_space<hbm>>) dst(%dma_wait3A_18 : memref<632x128xf32, #tpu.memory_space<vmem_shared>>)
      tpu.yield
    }) : () -> ()
    "tpu.region"() ({
      %run_scoped3A = tpu.sem_alloc : memref<!tpu.dma_semaphore, #tpu.memory_space<semaphore_mem>>
      tpu.enqueue_dma source(%arg4 : memref<128x128xf32, #tpu.memory_space<hbm>>) target(%arg8 : memref<128x128xf32, #tpu.memory_space<vmem>>) target_semaphore(%run_scoped3A : memref<!tpu.dma_semaphore, #tpu.memory_space<semaphore_mem>>)
      tpu.wait_dma2 semaphore(%run_scoped3A : memref<!tpu.dma_semaphore, #tpu.memory_space<semaphore_mem>>) src(%arg4 : memref<128x128xf32, #tpu.memory_space<hbm>>) dst(%arg8 : memref<128x128xf32, #tpu.memory_space<vmem>>)
      tpu.yield
    }) : () -> ()
    %barrier3A = arith.constant 0 : index
    tpu.barrier barrier_id(%barrier3A)
    %scan3A = arith.constant 0 : i32
    %scan3A_5 = arith.constant 0 : i32
    %scan3A_6 = arith.constant 10 : i32
    %scan3A_7 = arith.addi %scan3A_5, %scan3A_6 : i32
    %scan3A_8 = arith.constant 1 : i32
    scf.for %scan3A_15 = %scan3A_5 to %scan3A_7 step %scan3A_8  : i32 {
      %mul3A_16 = arith.constant 80 : i32
      %mul3A_17 = arith.muli %add3A, %mul3A_16 : i32
      %mul3A_18 = arith.constant 8 : i32
      %mul3A_19 = arith.muli %scan3A_15, %mul3A_18 : i32
      %add3A_20 = arith.addi %mul3A_17, %mul3A_19 : i32
      "tpu.region"() ({
        %run_scoped3A = tpu.sem_alloc : memref<!tpu.dma_semaphore, #tpu.memory_space<semaphore_mem>>
        %dma_start3A = arith.constant 0 : i32
        %dma_start3A_27 = tpu.memref_slice %arg2[%add3A_20, %dma_start3A] : memref<2560x128xi32, #tpu.memory_space<hbm>> -> memref<8x128xi32, #tpu.memory_space<hbm>>
        %dma_start3A_28 = arith.constant 0 : i32
        %dma_start3A_29 = tpu.memref_slice %arg2[%add3A_20, %dma_start3A_28] : memref<2560x128xi32, #tpu.memory_space<hbm>> -> memref<8x128xi32, #tpu.memory_space<hbm>>
        tpu.enqueue_dma source(%dma_start3A_29 : memref<8x128xi32, #tpu.memory_space<hbm>>) target(%arg7 : memref<8x128xi32, #tpu.memory_space<vmem>>) target_semaphore(%run_scoped3A : memref<!tpu.dma_semaphore, #tpu.memory_space<semaphore_mem>>)
        %dma_wait3A = arith.constant 0 : i32
        %dma_wait3A_30 = tpu.memref_slice %arg2[%add3A_20, %dma_wait3A] : memref<2560x128xi32, #tpu.memory_space<hbm>> -> memref<8x128xi32, #tpu.memory_space<hbm>>
        %dma_wait3A_31 = arith.constant 0 : i32
        %dma_wait3A_32 = tpu.memref_slice %arg2[%add3A_20, %dma_wait3A_31] : memref<2560x128xi32, #tpu.memory_space<hbm>> -> memref<8x128xi32, #tpu.memory_space<hbm>>
        tpu.wait_dma2 semaphore(%run_scoped3A : memref<!tpu.dma_semaphore, #tpu.memory_space<semaphore_mem>>) src(%dma_wait3A_32 : memref<8x128xi32, #tpu.memory_space<hbm>>) dst(%arg7 : memref<8x128xi32, #tpu.memory_space<vmem>>)
        tpu.yield
      }) : () -> ()
      %scan3A_21 = arith.constant 0 : i32
      %scan3A_22 = arith.constant 0 : i32
      %scan3A_23 = arith.constant 8 : i32
      %scan3A_24 = arith.addi %scan3A_22, %scan3A_23 : i32
      %scan3A_25 = arith.constant 1 : i32
      scf.for %scan3A_27 = %scan3A_22 to %scan3A_24 step %scan3A_25  : i32 {
        "tpu.region"() ({
          %run_scoped3A = tpu.sem_alloc : memref<!tpu.dma_semaphore, #tpu.memory_space<semaphore_mem>>
          %dma_start3A = arith.constant 0 : i32
          %dma_start3A_28 = tpu.memref_slice %arg7[%scan3A_27, %dma_start3A] : memref<8x128xi32, #tpu.memory_space<vmem>> -> memref<1x128xi32, #tpu.memory_space<vmem>>
          %dma_start3A_29 = tpu.memref_squeeze %dma_start3A_28 : memref<1x128xi32, #tpu.memory_space<vmem>> -> memref<128xi32, #tpu.memory_space<vmem>>
          %dma_start3A_30 = arith.constant 0 : i32
          %dma_start3A_31 = arith.constant 0 : i32
          %dma_start3A_32 = tpu.memref_slice %arg6[%dma_start3A_30, %dma_start3A_31] : memref<10112x128xf32, #tpu.memory_space<vmem_shared>> -> memref<10112x128xf32, #tpu.memory_space<vmem_shared>>
          tpu.enqueue_indirect_dma source(%arg8 : memref<128x128xf32, #tpu.memory_space<vmem>>) target(%dma_start3A_32 : memref<10112x128xf32, #tpu.memory_space<vmem_shared>>) offsets(%dma_start3A_29 : memref<128xi32, #tpu.memory_space<vmem>>) semaphore(%run_scoped3A : memref<!tpu.dma_semaphore, #tpu.memory_space<semaphore_mem>>) {add = true}
          %dma_wait3A = arith.constant 0 : i32
          %dma_wait3A_33 = tpu.memref_slice %arg7[%scan3A_27, %dma_wait3A] : memref<8x128xi32, #tpu.memory_space<vmem>> -> memref<1x128xi32, #tpu.memory_space<vmem>>
          %dma_wait3A_34 = tpu.memref_squeeze %dma_wait3A_33 : memref<1x128xi32, #tpu.memory_space<vmem>> -> memref<128xi32, #tpu.memory_space<vmem>>
          %dma_wait3A_35 = arith.constant 0 : i32
          %dma_wait3A_36 = arith.constant 0 : i32
          %dma_wait3A_37 = tpu.memref_slice %arg6[%dma_wait3A_35, %dma_wait3A_36] : memref<10112x128xf32, #tpu.memory_space<vmem_shared>> -> memref<10112x128xf32, #tpu.memory_space<vmem_shared>>
          tpu.wait_indirect_dma semaphore(%run_scoped3A : memref<!tpu.dma_semaphore, #tpu.memory_space<semaphore_mem>>) src(%arg8 : memref<128x128xf32, #tpu.memory_space<vmem>>) dst(%dma_wait3A_37 : memref<10112x128xf32, #tpu.memory_space<vmem_shared>>)
          tpu.yield
        }) : () -> ()
      }
      %scan3A_26 = arith.constant 8 : i32
    }
    %scan3A_9 = arith.constant 10 : i32
    %barrier3A_10 = arith.constant 0 : index
    tpu.barrier barrier_id(%barrier3A_10)
    %mul3A_11 = arith.constant 632 : i32
    %mul3A_12 = arith.muli %arg1, %mul3A_11 : i32
    %mul3A_13 = arith.constant 632 : i32
    %mul3A_14 = arith.muli %arg1, %mul3A_13 : i32
    "tpu.region"() ({
      %run_scoped3A = tpu.sem_alloc : memref<!tpu.dma_semaphore, #tpu.memory_space<semaphore_mem>>
      %dma_start3A = arith.constant 0 : i32
      %dma_start3A_15 = tpu.memref_slice %arg5[%arg0, %mul3A_14, %dma_start3A] : memref<2x10112x128xf32, #tpu.memory_space<hbm>> -> memref<1x632x128xf32, #tpu.memory_space<hbm>>
      %dma_start3A_16 = tpu.memref_squeeze %dma_start3A_15 : memref<1x632x128xf32, #tpu.memory_space<hbm>> -> memref<632x128xf32, #tpu.memory_space<hbm>>
      %dma_start3A_17 = arith.constant 0 : i32
      %dma_start3A_18 = tpu.memref_slice %arg6[%mul3A_12, %dma_start3A_17] : memref<10112x128xf32, #tpu.memory_space<vmem_shared>> -> memref<632x128xf32, #tpu.memory_space<vmem_shared>>
      tpu.enqueue_dma source(%dma_start3A_18 : memref<632x128xf32, #tpu.memory_space<vmem_shared>>) target(%dma_start3A_16 : memref<632x128xf32, #tpu.memory_space<hbm>>) target_semaphore(%run_scoped3A : memref<!tpu.dma_semaphore, #tpu.memory_space<semaphore_mem>>)
      %dma_wait3A = arith.constant 0 : i32
      %dma_wait3A_19 = tpu.memref_slice %arg5[%arg0, %mul3A_14, %dma_wait3A] : memref<2x10112x128xf32, #tpu.memory_space<hbm>> -> memref<1x632x128xf32, #tpu.memory_space<hbm>>
      %dma_wait3A_20 = tpu.memref_squeeze %dma_wait3A_19 : memref<1x632x128xf32, #tpu.memory_space<hbm>> -> memref<632x128xf32, #tpu.memory_space<hbm>>
      %dma_wait3A_21 = arith.constant 0 : i32
      %dma_wait3A_22 = tpu.memref_slice %arg6[%mul3A_12, %dma_wait3A_21] : memref<10112x128xf32, #tpu.memory_space<vmem_shared>> -> memref<632x128xf32, #tpu.memory_space<vmem_shared>>
      tpu.wait_dma2 semaphore(%run_scoped3A : memref<!tpu.dma_semaphore, #tpu.memory_space<semaphore_mem>>) src(%dma_wait3A_22 : memref<632x128xf32, #tpu.memory_space<vmem_shared>>) dst(%dma_wait3A_20 : memref<632x128xf32, #tpu.memory_space<hbm>>)
      tpu.yield
    }) : () -> ()
    return
  }
}

#map = affine_map<(d0, d1) -> (0, 0)>
#map1 = affine_map<(d0, d1) -> (0, 0, 0)>
module attributes {stable_mosaic.version = 14 : i64} {
  func.func @_agg_body(%arg0: i32, %arg1: i32, %arg2: memref<10000x128xf32, #tpu.memory_space<hbm>>, %arg3: memref<10000x128xf32, #tpu.memory_space<hbm>>, %arg4: memref<10000x128xf32, #tpu.memory_space<hbm>>, %arg5: memref<10000x128xf32, #tpu.memory_space<hbm>>, %arg6: memref<10000x128xf32, #tpu.memory_space<hbm>>, %arg7: memref<10000x128xf32, #tpu.memory_space<hbm>>, %arg8: memref<4096x80xi32, #tpu.memory_space<hbm>>, %arg9: memref<4096x80xi32, #tpu.memory_space<hbm>>, %arg10: memref<10112x128xf32, #tpu.memory_space<hbm>>, %arg11: memref<2x10112x128xf32, #tpu.memory_space<hbm>>, %arg12: memref<10112x128xf32, #tpu.memory_space<vmem_shared>>, %arg13: memref<8x80xi32, #tpu.memory_space<vmem>>, %arg14: memref<8x80xi32, #tpu.memory_space<vmem>>, %arg15: memref<80x128xf32, #tpu.memory_space<vmem>>, %arg16: memref<80x128xf32, #tpu.memory_space<vmem>>, %arg17: memref<80x128xf32, #tpu.memory_space<vmem>>, %arg18: memref<!tpu.dma_semaphore, #tpu.memory_space<semaphore_mem>>, %arg19: memref<!tpu.dma_semaphore, #tpu.memory_space<semaphore_mem>>, %arg20: memref<!tpu.dma_semaphore, #tpu.memory_space<semaphore_mem>>) attributes {dimension_semantics = [#tpu.dimension_semantics<core_parallel>, #tpu.dimension_semantics<subcore_parallel>], iteration_bounds = array<i64: 2, 16>, scalar_prefetch = 0 : i64, scratch_operands = 9 : i64, tpu.core_type = #tpu.core_type<sc_vector_subcore>, window_params = [{transform_indices = #map}, {transform_indices = #map}, {transform_indices = #map}, {transform_indices = #map}, {transform_indices = #map}, {transform_indices = #map}, {transform_indices = #map}, {transform_indices = #map}, {transform_indices = #map}, {transform_indices = #map1}]} {
    %mul3A = arith.constant 632 : i32
    %mul3A_0 = arith.muli %arg1, %mul3A : i32
    %mul3A_1 = arith.constant 632 : i32
    %mul3A_2 = arith.muli %arg1, %mul3A_1 : i32
    "tpu.region"() ({
      %run_scoped3A = tpu.sem_alloc : memref<!tpu.dma_semaphore, #tpu.memory_space<semaphore_mem>>
      %dma_start3A = arith.constant 0 : i32
      %dma_start3A_19 = tpu.memref_slice %arg12[%mul3A_2, %dma_start3A] : memref<10112x128xf32, #tpu.memory_space<vmem_shared>> -> memref<632x128xf32, #tpu.memory_space<vmem_shared>>
      %dma_start3A_20 = arith.constant 0 : i32
      %dma_start3A_21 = tpu.memref_slice %arg10[%mul3A_0, %dma_start3A_20] : memref<10112x128xf32, #tpu.memory_space<hbm>> -> memref<632x128xf32, #tpu.memory_space<hbm>>
      tpu.enqueue_dma source(%dma_start3A_21 : memref<632x128xf32, #tpu.memory_space<hbm>>) target(%dma_start3A_19 : memref<632x128xf32, #tpu.memory_space<vmem_shared>>) target_semaphore(%run_scoped3A : memref<!tpu.dma_semaphore, #tpu.memory_space<semaphore_mem>>)
      %dma_wait3A = arith.constant 0 : i32
      %dma_wait3A_22 = tpu.memref_slice %arg12[%mul3A_2, %dma_wait3A] : memref<10112x128xf32, #tpu.memory_space<vmem_shared>> -> memref<632x128xf32, #tpu.memory_space<vmem_shared>>
      %dma_wait3A_23 = arith.constant 0 : i32
      %dma_wait3A_24 = tpu.memref_slice %arg10[%mul3A_0, %dma_wait3A_23] : memref<10112x128xf32, #tpu.memory_space<hbm>> -> memref<632x128xf32, #tpu.memory_space<hbm>>
      tpu.wait_dma2 semaphore(%run_scoped3A : memref<!tpu.dma_semaphore, #tpu.memory_space<semaphore_mem>>) src(%dma_wait3A_24 : memref<632x128xf32, #tpu.memory_space<hbm>>) dst(%dma_wait3A_22 : memref<632x128xf32, #tpu.memory_space<vmem_shared>>)
      tpu.yield
    }) : () -> ()
    %barrier3A = arith.constant 0 : index
    tpu.barrier barrier_id(%barrier3A)
    %mul3A_3 = arith.constant 256 : i32
    %mul3A_4 = arith.muli %arg1, %mul3A_3 : i32
    %eq3A = arith.constant 0 : i32
    %eq3A_5 = arith.cmpi eq, %arg0, %eq3A : i32
    %jit3A = arith.constant 0 : i32
    %jit3A_6 = arith.constant 168 : i32
    %select_n3A = arith.select %eq3A_5, %jit3A, %jit3A_6 : i32
    %add3A = arith.addi %mul3A_4, %select_n3A : i32
    %eq3A_7 = arith.constant 0 : i32
    %eq3A_8 = arith.cmpi eq, %arg0, %eq3A_7 : i32
    %convert_element_type3A = arith.extui %eq3A_8 : i1 to i32
    %cond3A = arith.constant 0 : i32
    %cond3A_9 = arith.cmpi ne, %convert_element_type3A, %cond3A : i32
    scf.if %cond3A_9 {
      %scan3A = arith.constant 0 : i32
      %scan3A_19 = arith.constant 0 : i32
      %scan3A_20 = arith.constant 21 : i32
      %scan3A_21 = arith.addi %scan3A_19, %scan3A_20 : i32
      %scan3A_22 = arith.constant 1 : i32
      scf.for %scan3A_24 = %scan3A_19 to %scan3A_21 step %scan3A_22  : i32 {
        %mul3A_25 = arith.constant 8 : i32
        %mul3A_26 = arith.muli %scan3A_24, %mul3A_25 : i32
        %add3A_27 = arith.addi %add3A, %mul3A_26 : i32
        "tpu.region"() ({
          %run_scoped3A_145 = tpu.sem_alloc : memref<!tpu.dma_semaphore, #tpu.memory_space<semaphore_mem>>
          %dma_start3A_146 = arith.constant 0 : i32
          %dma_start3A_147 = tpu.memref_slice %arg8[%add3A_27, %dma_start3A_146] : memref<4096x80xi32, #tpu.memory_space<hbm>> -> memref<8x80xi32, #tpu.memory_space<hbm>>
          %dma_start3A_148 = arith.constant 0 : i32
          %dma_start3A_149 = tpu.memref_slice %arg8[%add3A_27, %dma_start3A_148] : memref<4096x80xi32, #tpu.memory_space<hbm>> -> memref<8x80xi32, #tpu.memory_space<hbm>>
          tpu.enqueue_dma source(%dma_start3A_149 : memref<8x80xi32, #tpu.memory_space<hbm>>) target(%arg13 : memref<8x80xi32, #tpu.memory_space<vmem>>) target_semaphore(%run_scoped3A_145 : memref<!tpu.dma_semaphore, #tpu.memory_space<semaphore_mem>>)
          %dma_wait3A_150 = arith.constant 0 : i32
          %dma_wait3A_151 = tpu.memref_slice %arg8[%add3A_27, %dma_wait3A_150] : memref<4096x80xi32, #tpu.memory_space<hbm>> -> memref<8x80xi32, #tpu.memory_space<hbm>>
          %dma_wait3A_152 = arith.constant 0 : i32
          %dma_wait3A_153 = tpu.memref_slice %arg8[%add3A_27, %dma_wait3A_152] : memref<4096x80xi32, #tpu.memory_space<hbm>> -> memref<8x80xi32, #tpu.memory_space<hbm>>
          tpu.wait_dma2 semaphore(%run_scoped3A_145 : memref<!tpu.dma_semaphore, #tpu.memory_space<semaphore_mem>>) src(%dma_wait3A_153 : memref<8x80xi32, #tpu.memory_space<hbm>>) dst(%arg13 : memref<8x80xi32, #tpu.memory_space<vmem>>)
          tpu.yield
        }) : () -> ()
        "tpu.region"() ({
          %run_scoped3A_145 = tpu.sem_alloc : memref<!tpu.dma_semaphore, #tpu.memory_space<semaphore_mem>>
          %dma_start3A_146 = arith.constant 0 : i32
          %dma_start3A_147 = tpu.memref_slice %arg9[%add3A_27, %dma_start3A_146] : memref<4096x80xi32, #tpu.memory_space<hbm>> -> memref<8x80xi32, #tpu.memory_space<hbm>>
          %dma_start3A_148 = arith.constant 0 : i32
          %dma_start3A_149 = tpu.memref_slice %arg9[%add3A_27, %dma_start3A_148] : memref<4096x80xi32, #tpu.memory_space<hbm>> -> memref<8x80xi32, #tpu.memory_space<hbm>>
          tpu.enqueue_dma source(%dma_start3A_149 : memref<8x80xi32, #tpu.memory_space<hbm>>) target(%arg14 : memref<8x80xi32, #tpu.memory_space<vmem>>) target_semaphore(%run_scoped3A_145 : memref<!tpu.dma_semaphore, #tpu.memory_space<semaphore_mem>>)
          %dma_wait3A_150 = arith.constant 0 : i32
          %dma_wait3A_151 = tpu.memref_slice %arg9[%add3A_27, %dma_wait3A_150] : memref<4096x80xi32, #tpu.memory_space<hbm>> -> memref<8x80xi32, #tpu.memory_space<hbm>>
          %dma_wait3A_152 = arith.constant 0 : i32
          %dma_wait3A_153 = tpu.memref_slice %arg9[%add3A_27, %dma_wait3A_152] : memref<4096x80xi32, #tpu.memory_space<hbm>> -> memref<8x80xi32, #tpu.memory_space<hbm>>
          tpu.wait_dma2 semaphore(%run_scoped3A_145 : memref<!tpu.dma_semaphore, #tpu.memory_space<semaphore_mem>>) src(%dma_wait3A_153 : memref<8x80xi32, #tpu.memory_space<hbm>>) dst(%arg14 : memref<8x80xi32, #tpu.memory_space<vmem>>)
          tpu.yield
        }) : () -> ()
        %dma_start3A = arith.constant 0 : i32
        %dma_start3A_28 = arith.constant 0 : i32
        %dma_start3A_29 = tpu.memref_slice %arg13[%dma_start3A, %dma_start3A_28] : memref<8x80xi32, #tpu.memory_space<vmem>> -> memref<1x80xi32, #tpu.memory_space<vmem>>
        %dma_start3A_30 = tpu.memref_squeeze %dma_start3A_29 : memref<1x80xi32, #tpu.memory_space<vmem>> -> memref<80xi32, #tpu.memory_space<vmem>>
        %dma_start3A_31 = arith.constant 0 : i32
        %dma_start3A_32 = arith.constant 0 : i32
        %dma_start3A_33 = tpu.memref_slice %arg2[%dma_start3A_31, %dma_start3A_32] : memref<10000x128xf32, #tpu.memory_space<hbm>> -> memref<10000x128xf32, #tpu.memory_space<hbm>>
        tpu.enqueue_indirect_dma source(%dma_start3A_33 : memref<10000x128xf32, #tpu.memory_space<hbm>>) target(%arg15 : memref<80x128xf32, #tpu.memory_space<vmem>>) offsets(%dma_start3A_30 : memref<80xi32, #tpu.memory_space<vmem>>) semaphore(%arg18 : memref<!tpu.dma_semaphore, #tpu.memory_space<semaphore_mem>>)
        %dma_start3A_34 = arith.constant 1 : i32
        %dma_start3A_35 = arith.constant 0 : i32
        %dma_start3A_36 = tpu.memref_slice %arg13[%dma_start3A_34, %dma_start3A_35] : memref<8x80xi32, #tpu.memory_space<vmem>> -> memref<1x80xi32, #tpu.memory_space<vmem>>
        %dma_start3A_37 = tpu.memref_squeeze %dma_start3A_36 : memref<1x80xi32, #tpu.memory_space<vmem>> -> memref<80xi32, #tpu.memory_space<vmem>>
        %dma_start3A_38 = arith.constant 0 : i32
        %dma_start3A_39 = arith.constant 0 : i32
        %dma_start3A_40 = tpu.memref_slice %arg4[%dma_start3A_38, %dma_start3A_39] : memref<10000x128xf32, #tpu.memory_space<hbm>> -> memref<10000x128xf32, #tpu.memory_space<hbm>>
        tpu.enqueue_indirect_dma source(%dma_start3A_40 : memref<10000x128xf32, #tpu.memory_space<hbm>>) target(%arg16 : memref<80x128xf32, #tpu.memory_space<vmem>>) offsets(%dma_start3A_37 : memref<80xi32, #tpu.memory_space<vmem>>) semaphore(%arg19 : memref<!tpu.dma_semaphore, #tpu.memory_space<semaphore_mem>>)
        %dma_start3A_41 = arith.constant 2 : i32
        %dma_start3A_42 = arith.constant 0 : i32
        %dma_start3A_43 = tpu.memref_slice %arg13[%dma_start3A_41, %dma_start3A_42] : memref<8x80xi32, #tpu.memory_space<vmem>> -> memref<1x80xi32, #tpu.memory_space<vmem>>
        %dma_start3A_44 = tpu.memref_squeeze %dma_start3A_43 : memref<1x80xi32, #tpu.memory_space<vmem>> -> memref<80xi32, #tpu.memory_space<vmem>>
        %dma_start3A_45 = arith.constant 0 : i32
        %dma_start3A_46 = arith.constant 0 : i32
        %dma_start3A_47 = tpu.memref_slice %arg6[%dma_start3A_45, %dma_start3A_46] : memref<10000x128xf32, #tpu.memory_space<hbm>> -> memref<10000x128xf32, #tpu.memory_space<hbm>>
        tpu.enqueue_indirect_dma source(%dma_start3A_47 : memref<10000x128xf32, #tpu.memory_space<hbm>>) target(%arg17 : memref<80x128xf32, #tpu.memory_space<vmem>>) offsets(%dma_start3A_44 : memref<80xi32, #tpu.memory_space<vmem>>) semaphore(%arg20 : memref<!tpu.dma_semaphore, #tpu.memory_space<semaphore_mem>>)
        %dma_wait3A = arith.constant 0 : i32
        %dma_wait3A_48 = arith.constant 0 : i32
        %dma_wait3A_49 = tpu.memref_slice %arg13[%dma_wait3A, %dma_wait3A_48] : memref<8x80xi32, #tpu.memory_space<vmem>> -> memref<1x80xi32, #tpu.memory_space<vmem>>
        %dma_wait3A_50 = tpu.memref_squeeze %dma_wait3A_49 : memref<1x80xi32, #tpu.memory_space<vmem>> -> memref<80xi32, #tpu.memory_space<vmem>>
        %dma_wait3A_51 = arith.constant 0 : i32
        %dma_wait3A_52 = arith.constant 0 : i32
        %dma_wait3A_53 = tpu.memref_slice %arg2[%dma_wait3A_51, %dma_wait3A_52] : memref<10000x128xf32, #tpu.memory_space<hbm>> -> memref<10000x128xf32, #tpu.memory_space<hbm>>
        tpu.wait_indirect_dma semaphore(%arg18 : memref<!tpu.dma_semaphore, #tpu.memory_space<semaphore_mem>>) src(%dma_wait3A_53 : memref<10000x128xf32, #tpu.memory_space<hbm>>) dst(%arg15 : memref<80x128xf32, #tpu.memory_space<vmem>>)
        %run_scoped3A = arith.constant 0 : i32
        "tpu.region"() ({
          %run_scoped3A_145 = tpu.sem_alloc : memref<!tpu.dma_semaphore, #tpu.memory_space<semaphore_mem>>
          %dma_start3A_146 = arith.constant 0 : i32
          %dma_start3A_147 = tpu.memref_slice %arg14[%run_scoped3A, %dma_start3A_146] : memref<8x80xi32, #tpu.memory_space<vmem>> -> memref<1x80xi32, #tpu.memory_space<vmem>>
          %dma_start3A_148 = tpu.memref_squeeze %dma_start3A_147 : memref<1x80xi32, #tpu.memory_space<vmem>> -> memref<80xi32, #tpu.memory_space<vmem>>
          %dma_start3A_149 = arith.constant 0 : i32
          %dma_start3A_150 = arith.constant 0 : i32
          %dma_start3A_151 = tpu.memref_slice %arg12[%dma_start3A_149, %dma_start3A_150] : memref<10112x128xf32, #tpu.memory_space<vmem_shared>> -> memref<10112x128xf32, #tpu.memory_space<vmem_shared>>
          tpu.enqueue_indirect_dma source(%arg15 : memref<80x128xf32, #tpu.memory_space<vmem>>) target(%dma_start3A_151 : memref<10112x128xf32, #tpu.memory_space<vmem_shared>>) offsets(%dma_start3A_148 : memref<80xi32, #tpu.memory_space<vmem>>) semaphore(%run_scoped3A_145 : memref<!tpu.dma_semaphore, #tpu.memory_space<semaphore_mem>>) {add = true}
          %dma_wait3A_152 = arith.constant 0 : i32
          %dma_wait3A_153 = tpu.memref_slice %arg14[%run_scoped3A, %dma_wait3A_152] : memref<8x80xi32, #tpu.memory_space<vmem>> -> memref<1x80xi32, #tpu.memory_space<vmem>>
          %dma_wait3A_154 = tpu.memref_squeeze %dma_wait3A_153 : memref<1x80xi32, #tpu.memory_space<vmem>> -> memref<80xi32, #tpu.memory_space<vmem>>
          %dma_wait3A_155 = arith.constant 0 : i32
          %dma_wait3A_156 = arith.constant 0 : i32
          %dma_wait3A_157 = tpu.memref_slice %arg12[%dma_wait3A_155, %dma_wait3A_156] : memref<10112x128xf32, #tpu.memory_space<vmem_shared>> -> memref<10112x128xf32, #tpu.memory_space<vmem_shared>>
          tpu.wait_indirect_dma semaphore(%run_scoped3A_145 : memref<!tpu.dma_semaphore, #tpu.memory_space<semaphore_mem>>) src(%arg15 : memref<80x128xf32, #tpu.memory_space<vmem>>) dst(%dma_wait3A_157 : memref<10112x128xf32, #tpu.memory_space<vmem_shared>>)
          tpu.yield
        }) : () -> ()
        %dma_start3A_54 = arith.constant 3 : i32
        %dma_start3A_55 = arith.constant 0 : i32
        %dma_start3A_56 = tpu.memref_slice %arg13[%dma_start3A_54, %dma_start3A_55] : memref<8x80xi32, #tpu.memory_space<vmem>> -> memref<1x80xi32, #tpu.memory_space<vmem>>
        %dma_start3A_57 = tpu.memref_squeeze %dma_start3A_56 : memref<1x80xi32, #tpu.memory_space<vmem>> -> memref<80xi32, #tpu.memory_space<vmem>>
        %dma_start3A_58 = arith.constant 0 : i32
        %dma_start3A_59 = arith.constant 0 : i32
        %dma_start3A_60 = tpu.memref_slice %arg2[%dma_start3A_58, %dma_start3A_59] : memref<10000x128xf32, #tpu.memory_space<hbm>> -> memref<10000x128xf32, #tpu.memory_space<hbm>>
        tpu.enqueue_indirect_dma source(%dma_start3A_60 : memref<10000x128xf32, #tpu.memory_space<hbm>>) target(%arg15 : memref<80x128xf32, #tpu.memory_space<vmem>>) offsets(%dma_start3A_57 : memref<80xi32, #tpu.memory_space<vmem>>) semaphore(%arg18 : memref<!tpu.dma_semaphore, #tpu.memory_space<semaphore_mem>>)
        %dma_wait3A_61 = arith.constant 1 : i32
        %dma_wait3A_62 = arith.constant 0 : i32
        %dma_wait3A_63 = tpu.memref_slice %arg13[%dma_wait3A_61, %dma_wait3A_62] : memref<8x80xi32, #tpu.memory_space<vmem>> -> memref<1x80xi32, #tpu.memory_space<vmem>>
        %dma_wait3A_64 = tpu.memref_squeeze %dma_wait3A_63 : memref<1x80xi32, #tpu.memory_space<vmem>> -> memref<80xi32, #tpu.memory_space<vmem>>
        %dma_wait3A_65 = arith.constant 0 : i32
        %dma_wait3A_66 = arith.constant 0 : i32
        %dma_wait3A_67 = tpu.memref_slice %arg4[%dma_wait3A_65, %dma_wait3A_66] : memref<10000x128xf32, #tpu.memory_space<hbm>> -> memref<10000x128xf32, #tpu.memory_space<hbm>>
        tpu.wait_indirect_dma semaphore(%arg19 : memref<!tpu.dma_semaphore, #tpu.memory_space<semaphore_mem>>) src(%dma_wait3A_67 : memref<10000x128xf32, #tpu.memory_space<hbm>>) dst(%arg16 : memref<80x128xf32, #tpu.memory_space<vmem>>)
        %run_scoped3A_68 = arith.constant 1 : i32
        "tpu.region"() ({
          %run_scoped3A_145 = tpu.sem_alloc : memref<!tpu.dma_semaphore, #tpu.memory_space<semaphore_mem>>
          %dma_start3A_146 = arith.constant 0 : i32
          %dma_start3A_147 = tpu.memref_slice %arg14[%run_scoped3A_68, %dma_start3A_146] : memref<8x80xi32, #tpu.memory_space<vmem>> -> memref<1x80xi32, #tpu.memory_space<vmem>>
          %dma_start3A_148 = tpu.memref_squeeze %dma_start3A_147 : memref<1x80xi32, #tpu.memory_space<vmem>> -> memref<80xi32, #tpu.memory_space<vmem>>
          %dma_start3A_149 = arith.constant 0 : i32
          %dma_start3A_150 = arith.constant 0 : i32
          %dma_start3A_151 = tpu.memref_slice %arg12[%dma_start3A_149, %dma_start3A_150] : memref<10112x128xf32, #tpu.memory_space<vmem_shared>> -> memref<10112x128xf32, #tpu.memory_space<vmem_shared>>
          tpu.enqueue_indirect_dma source(%arg16 : memref<80x128xf32, #tpu.memory_space<vmem>>) target(%dma_start3A_151 : memref<10112x128xf32, #tpu.memory_space<vmem_shared>>) offsets(%dma_start3A_148 : memref<80xi32, #tpu.memory_space<vmem>>) semaphore(%run_scoped3A_145 : memref<!tpu.dma_semaphore, #tpu.memory_space<semaphore_mem>>) {add = true}
          %dma_wait3A_152 = arith.constant 0 : i32
          %dma_wait3A_153 = tpu.memref_slice %arg14[%run_scoped3A_68, %dma_wait3A_152] : memref<8x80xi32, #tpu.memory_space<vmem>> -> memref<1x80xi32, #tpu.memory_space<vmem>>
          %dma_wait3A_154 = tpu.memref_squeeze %dma_wait3A_153 : memref<1x80xi32, #tpu.memory_space<vmem>> -> memref<80xi32, #tpu.memory_space<vmem>>
          %dma_wait3A_155 = arith.constant 0 : i32
          %dma_wait3A_156 = arith.constant 0 : i32
          %dma_wait3A_157 = tpu.memref_slice %arg12[%dma_wait3A_155, %dma_wait3A_156] : memref<10112x128xf32, #tpu.memory_space<vmem_shared>> -> memref<10112x128xf32, #tpu.memory_space<vmem_shared>>
          tpu.wait_indirect_dma semaphore(%run_scoped3A_145 : memref<!tpu.dma_semaphore, #tpu.memory_space<semaphore_mem>>) src(%arg16 : memref<80x128xf32, #tpu.memory_space<vmem>>) dst(%dma_wait3A_157 : memref<10112x128xf32, #tpu.memory_space<vmem_shared>>)
          tpu.yield
        }) : () -> ()
        %dma_start3A_69 = arith.constant 4 : i32
        %dma_start3A_70 = arith.constant 0 : i32
        %dma_start3A_71 = tpu.memref_slice %arg13[%dma_start3A_69, %dma_start3A_70] : memref<8x80xi32, #tpu.memory_space<vmem>> -> memref<1x80xi32, #tpu.memory_space<vmem>>
        %dma_start3A_72 = tpu.memref_squeeze %dma_start3A_71 : memref<1x80xi32, #tpu.memory_space<vmem>> -> memref<80xi32, #tpu.memory_space<vmem>>
        %dma_start3A_73 = arith.constant 0 : i32
        %dma_start3A_74 = arith.constant 0 : i32
        %dma_start3A_75 = tpu.memref_slice %arg4[%dma_start3A_73, %dma_start3A_74] : memref<10000x128xf32, #tpu.memory_space<hbm>> -> memref<10000x128xf32, #tpu.memory_space<hbm>>
        tpu.enqueue_indirect_dma source(%dma_start3A_75 : memref<10000x128xf32, #tpu.memory_space<hbm>>) target(%arg16 : memref<80x128xf32, #tpu.memory_space<vmem>>) offsets(%dma_start3A_72 : memref<80xi32, #tpu.memory_space<vmem>>) semaphore(%arg19 : memref<!tpu.dma_semaphore, #tpu.memory_space<semaphore_mem>>)
        %dma_wait3A_76 = arith.constant 2 : i32
        %dma_wait3A_77 = arith.constant 0 : i32
        %dma_wait3A_78 = tpu.memref_slice %arg13[%dma_wait3A_76, %dma_wait3A_77] : memref<8x80xi32, #tpu.memory_space<vmem>> -> memref<1x80xi32, #tpu.memory_space<vmem>>
        %dma_wait3A_79 = tpu.memref_squeeze %dma_wait3A_78 : memref<1x80xi32, #tpu.memory_space<vmem>> -> memref<80xi32, #tpu.memory_space<vmem>>
        %dma_wait3A_80 = arith.constant 0 : i32
        %dma_wait3A_81 = arith.constant 0 : i32
        %dma_wait3A_82 = tpu.memref_slice %arg6[%dma_wait3A_80, %dma_wait3A_81] : memref<10000x128xf32, #tpu.memory_space<hbm>> -> memref<10000x128xf32, #tpu.memory_space<hbm>>
        tpu.wait_indirect_dma semaphore(%arg20 : memref<!tpu.dma_semaphore, #tpu.memory_space<semaphore_mem>>) src(%dma_wait3A_82 : memref<10000x128xf32, #tpu.memory_space<hbm>>) dst(%arg17 : memref<80x128xf32, #tpu.memory_space<vmem>>)
        %run_scoped3A_83 = arith.constant 2 : i32
        "tpu.region"() ({
          %run_scoped3A_145 = tpu.sem_alloc : memref<!tpu.dma_semaphore, #tpu.memory_space<semaphore_mem>>
          %dma_start3A_146 = arith.constant 0 : i32
          %dma_start3A_147 = tpu.memref_slice %arg14[%run_scoped3A_83, %dma_start3A_146] : memref<8x80xi32, #tpu.memory_space<vmem>> -> memref<1x80xi32, #tpu.memory_space<vmem>>
          %dma_start3A_148 = tpu.memref_squeeze %dma_start3A_147 : memref<1x80xi32, #tpu.memory_space<vmem>> -> memref<80xi32, #tpu.memory_space<vmem>>
          %dma_start3A_149 = arith.constant 0 : i32
          %dma_start3A_150 = arith.constant 0 : i32
          %dma_start3A_151 = tpu.memref_slice %arg12[%dma_start3A_149, %dma_start3A_150] : memref<10112x128xf32, #tpu.memory_space<vmem_shared>> -> memref<10112x128xf32, #tpu.memory_space<vmem_shared>>
          tpu.enqueue_indirect_dma source(%arg17 : memref<80x128xf32, #tpu.memory_space<vmem>>) target(%dma_start3A_151 : memref<10112x128xf32, #tpu.memory_space<vmem_shared>>) offsets(%dma_start3A_148 : memref<80xi32, #tpu.memory_space<vmem>>) semaphore(%run_scoped3A_145 : memref<!tpu.dma_semaphore, #tpu.memory_space<semaphore_mem>>) {add = true}
          %dma_wait3A_152 = arith.constant 0 : i32
          %dma_wait3A_153 = tpu.memref_slice %arg14[%run_scoped3A_83, %dma_wait3A_152] : memref<8x80xi32, #tpu.memory_space<vmem>> -> memref<1x80xi32, #tpu.memory_space<vmem>>
          %dma_wait3A_154 = tpu.memref_squeeze %dma_wait3A_153 : memref<1x80xi32, #tpu.memory_space<vmem>> -> memref<80xi32, #tpu.memory_space<vmem>>
          %dma_wait3A_155 = arith.constant 0 : i32
          %dma_wait3A_156 = arith.constant 0 : i32
          %dma_wait3A_157 = tpu.memref_slice %arg12[%dma_wait3A_155, %dma_wait3A_156] : memref<10112x128xf32, #tpu.memory_space<vmem_shared>> -> memref<10112x128xf32, #tpu.memory_space<vmem_shared>>
          tpu.wait_indirect_dma semaphore(%run_scoped3A_145 : memref<!tpu.dma_semaphore, #tpu.memory_space<semaphore_mem>>) src(%arg17 : memref<80x128xf32, #tpu.memory_space<vmem>>) dst(%dma_wait3A_157 : memref<10112x128xf32, #tpu.memory_space<vmem_shared>>)
          tpu.yield
        }) : () -> ()
        %dma_start3A_84 = arith.constant 5 : i32
        %dma_start3A_85 = arith.constant 0 : i32
        %dma_start3A_86 = tpu.memref_slice %arg13[%dma_start3A_84, %dma_start3A_85] : memref<8x80xi32, #tpu.memory_space<vmem>> -> memref<1x80xi32, #tpu.memory_space<vmem>>
        %dma_start3A_87 = tpu.memref_squeeze %dma_start3A_86 : memref<1x80xi32, #tpu.memory_space<vmem>> -> memref<80xi32, #tpu.memory_space<vmem>>
        %dma_start3A_88 = arith.constant 0 : i32
        %dma_start3A_89 = arith.constant 0 : i32
        %dma_start3A_90 = tpu.memref_slice %arg6[%dma_start3A_88, %dma_start3A_89] : memref<10000x128xf32, #tpu.memory_space<hbm>> -> memref<10000x128xf32, #tpu.memory_space<hbm>>
        tpu.enqueue_indirect_dma source(%dma_start3A_90 : memref<10000x128xf32, #tpu.memory_space<hbm>>) target(%arg17 : memref<80x128xf32, #tpu.memory_space<vmem>>) offsets(%dma_start3A_87 : memref<80xi32, #tpu.memory_space<vmem>>) semaphore(%arg20 : memref<!tpu.dma_semaphore, #tpu.memory_space<semaphore_mem>>)
        %dma_wait3A_91 = arith.constant 3 : i32
        %dma_wait3A_92 = arith.constant 0 : i32
        %dma_wait3A_93 = tpu.memref_slice %arg13[%dma_wait3A_91, %dma_wait3A_92] : memref<8x80xi32, #tpu.memory_space<vmem>> -> memref<1x80xi32, #tpu.memory_space<vmem>>
        %dma_wait3A_94 = tpu.memref_squeeze %dma_wait3A_93 : memref<1x80xi32, #tpu.memory_space<vmem>> -> memref<80xi32, #tpu.memory_space<vmem>>
        %dma_wait3A_95 = arith.constant 0 : i32
        %dma_wait3A_96 = arith.constant 0 : i32
        %dma_wait3A_97 = tpu.memref_slice %arg2[%dma_wait3A_95, %dma_wait3A_96] : memref<10000x128xf32, #tpu.memory_space<hbm>> -> memref<10000x128xf32, #tpu.memory_space<hbm>>
        tpu.wait_indirect_dma semaphore(%arg18 : memref<!tpu.dma_semaphore, #tpu.memory_space<semaphore_mem>>) src(%dma_wait3A_97 : memref<10000x128xf32, #tpu.memory_space<hbm>>) dst(%arg15 : memref<80x128xf32, #tpu.memory_space<vmem>>)
        %run_scoped3A_98 = arith.constant 3 : i32
        "tpu.region"() ({
          %run_scoped3A_145 = tpu.sem_alloc : memref<!tpu.dma_semaphore, #tpu.memory_space<semaphore_mem>>
          %dma_start3A_146 = arith.constant 0 : i32
          %dma_start3A_147 = tpu.memref_slice %arg14[%run_scoped3A_98, %dma_start3A_146] : memref<8x80xi32, #tpu.memory_space<vmem>> -> memref<1x80xi32, #tpu.memory_space<vmem>>
          %dma_start3A_148 = tpu.memref_squeeze %dma_start3A_147 : memref<1x80xi32, #tpu.memory_space<vmem>> -> memref<80xi32, #tpu.memory_space<vmem>>
          %dma_start3A_149 = arith.constant 0 : i32
          %dma_start3A_150 = arith.constant 0 : i32
          %dma_start3A_151 = tpu.memref_slice %arg12[%dma_start3A_149, %dma_start3A_150] : memref<10112x128xf32, #tpu.memory_space<vmem_shared>> -> memref<10112x128xf32, #tpu.memory_space<vmem_shared>>
          tpu.enqueue_indirect_dma source(%arg15 : memref<80x128xf32, #tpu.memory_space<vmem>>) target(%dma_start3A_151 : memref<10112x128xf32, #tpu.memory_space<vmem_shared>>) offsets(%dma_start3A_148 : memref<80xi32, #tpu.memory_space<vmem>>) semaphore(%run_scoped3A_145 : memref<!tpu.dma_semaphore, #tpu.memory_space<semaphore_mem>>) {add = true}
          %dma_wait3A_152 = arith.constant 0 : i32
          %dma_wait3A_153 = tpu.memref_slice %arg14[%run_scoped3A_98, %dma_wait3A_152] : memref<8x80xi32, #tpu.memory_space<vmem>> -> memref<1x80xi32, #tpu.memory_space<vmem>>
          %dma_wait3A_154 = tpu.memref_squeeze %dma_wait3A_153 : memref<1x80xi32, #tpu.memory_space<vmem>> -> memref<80xi32, #tpu.memory_space<vmem>>
          %dma_wait3A_155 = arith.constant 0 : i32
          %dma_wait3A_156 = arith.constant 0 : i32
          %dma_wait3A_157 = tpu.memref_slice %arg12[%dma_wait3A_155, %dma_wait3A_156] : memref<10112x128xf32, #tpu.memory_space<vmem_shared>> -> memref<10112x128xf32, #tpu.memory_space<vmem_shared>>
          tpu.wait_indirect_dma semaphore(%run_scoped3A_145 : memref<!tpu.dma_semaphore, #tpu.memory_space<semaphore_mem>>) src(%arg15 : memref<80x128xf32, #tpu.memory_space<vmem>>) dst(%dma_wait3A_157 : memref<10112x128xf32, #tpu.memory_space<vmem_shared>>)
          tpu.yield
        }) : () -> ()
        %dma_start3A_99 = arith.constant 6 : i32
        %dma_start3A_100 = arith.constant 0 : i32
        %dma_start3A_101 = tpu.memref_slice %arg13[%dma_start3A_99, %dma_start3A_100] : memref<8x80xi32, #tpu.memory_space<vmem>> -> memref<1x80xi32, #tpu.memory_space<vmem>>
        %dma_start3A_102 = tpu.memref_squeeze %dma_start3A_101 : memref<1x80xi32, #tpu.memory_space<vmem>> -> memref<80xi32, #tpu.memory_space<vmem>>
        %dma_start3A_103 = arith.constant 0 : i32
        %dma_start3A_104 = arith.constant 0 : i32
        %dma_start3A_105 = tpu.memref_slice %arg2[%dma_start3A_103, %dma_start3A_104] : memref<10000x128xf32, #tpu.memory_space<hbm>> -> memref<10000x128xf32, #tpu.memory_space<hbm>>
        tpu.enqueue_indirect_dma source(%dma_start3A_105 : memref<10000x128xf32, #tpu.memory_space<hbm>>) target(%arg15 : memref<80x128xf32, #tpu.memory_space<vmem>>) offsets(%dma_start3A_102 : memref<80xi32, #tpu.memory_space<vmem>>) semaphore(%arg18 : memref<!tpu.dma_semaphore, #tpu.memory_space<semaphore_mem>>)
        %dma_wait3A_106 = arith.constant 4 : i32
        %dma_wait3A_107 = arith.constant 0 : i32
        %dma_wait3A_108 = tpu.memref_slice %arg13[%dma_wait3A_106, %dma_wait3A_107] : memref<8x80xi32, #tpu.memory_space<vmem>> -> memref<1x80xi32, #tpu.memory_space<vmem>>
        %dma_wait3A_109 = tpu.memref_squeeze %dma_wait3A_108 : memref<1x80xi32, #tpu.memory_space<vmem>> -> memref<80xi32, #tpu.memory_space<vmem>>
        %dma_wait3A_110 = arith.constant 0 : i32
        %dma_wait3A_111 = arith.constant 0 : i32
        %dma_wait3A_112 = tpu.memref_slice %arg4[%dma_wait3A_110, %dma_wait3A_111] : memref<10000x128xf32, #tpu.memory_space<hbm>> -> memref<10000x128xf32, #tpu.memory_space<hbm>>
        tpu.wait_indirect_dma semaphore(%arg19 : memref<!tpu.dma_semaphore, #tpu.memory_space<semaphore_mem>>) src(%dma_wait3A_112 : memref<10000x128xf32, #tpu.memory_space<hbm>>) dst(%arg16 : memref<80x128xf32, #tpu.memory_space<vmem>>)
        %run_scoped3A_113 = arith.constant 4 : i32
        "tpu.region"() ({
          %run_scoped3A_145 = tpu.sem_alloc : memref<!tpu.dma_semaphore, #tpu.memory_space<semaphore_mem>>
          %dma_start3A_146 = arith.constant 0 : i32
          %dma_start3A_147 = tpu.memref_slice %arg14[%run_scoped3A_113, %dma_start3A_146] : memref<8x80xi32, #tpu.memory_space<vmem>> -> memref<1x80xi32, #tpu.memory_space<vmem>>
          %dma_start3A_148 = tpu.memref_squeeze %dma_start3A_147 : memref<1x80xi32, #tpu.memory_space<vmem>> -> memref<80xi32, #tpu.memory_space<vmem>>
          %dma_start3A_149 = arith.constant 0 : i32
          %dma_start3A_150 = arith.constant 0 : i32
          %dma_start3A_151 = tpu.memref_slice %arg12[%dma_start3A_149, %dma_start3A_150] : memref<10112x128xf32, #tpu.memory_space<vmem_shared>> -> memref<10112x128xf32, #tpu.memory_space<vmem_shared>>
          tpu.enqueue_indirect_dma source(%arg16 : memref<80x128xf32, #tpu.memory_space<vmem>>) target(%dma_start3A_151 : memref<10112x128xf32, #tpu.memory_space<vmem_shared>>) offsets(%dma_start3A_148 : memref<80xi32, #tpu.memory_space<vmem>>) semaphore(%run_scoped3A_145 : memref<!tpu.dma_semaphore, #tpu.memory_space<semaphore_mem>>) {add = true}
          %dma_wait3A_152 = arith.constant 0 : i32
          %dma_wait3A_153 = tpu.memref_slice %arg14[%run_scoped3A_113, %dma_wait3A_152] : memref<8x80xi32, #tpu.memory_space<vmem>> -> memref<1x80xi32, #tpu.memory_space<vmem>>
          %dma_wait3A_154 = tpu.memref_squeeze %dma_wait3A_153 : memref<1x80xi32, #tpu.memory_space<vmem>> -> memref<80xi32, #tpu.memory_space<vmem>>
          %dma_wait3A_155 = arith.constant 0 : i32
          %dma_wait3A_156 = arith.constant 0 : i32
          %dma_wait3A_157 = tpu.memref_slice %arg12[%dma_wait3A_155, %dma_wait3A_156] : memref<10112x128xf32, #tpu.memory_space<vmem_shared>> -> memref<10112x128xf32, #tpu.memory_space<vmem_shared>>
          tpu.wait_indirect_dma semaphore(%run_scoped3A_145 : memref<!tpu.dma_semaphore, #tpu.memory_space<semaphore_mem>>) src(%arg16 : memref<80x128xf32, #tpu.memory_space<vmem>>) dst(%dma_wait3A_157 : memref<10112x128xf32, #tpu.memory_space<vmem_shared>>)
          tpu.yield
        }) : () -> ()
        %dma_start3A_114 = arith.constant 7 : i32
        %dma_start3A_115 = arith.constant 0 : i32
        %dma_start3A_116 = tpu.memref_slice %arg13[%dma_start3A_114, %dma_start3A_115] : memref<8x80xi32, #tpu.memory_space<vmem>> -> memref<1x80xi32, #tpu.memory_space<vmem>>
        %dma_start3A_117 = tpu.memref_squeeze %dma_start3A_116 : memref<1x80xi32, #tpu.memory_space<vmem>> -> memref<80xi32, #tpu.memory_space<vmem>>
        %dma_start3A_118 = arith.constant 0 : i32
        %dma_start3A_119 = arith.constant 0 : i32
        %dma_start3A_120 = tpu.memref_slice %arg4[%dma_start3A_118, %dma_start3A_119] : memref<10000x128xf32, #tpu.memory_space<hbm>> -> memref<10000x128xf32, #tpu.memory_space<hbm>>
        tpu.enqueue_indirect_dma source(%dma_start3A_120 : memref<10000x128xf32, #tpu.memory_space<hbm>>) target(%arg16 : memref<80x128xf32, #tpu.memory_space<vmem>>) offsets(%dma_start3A_117 : memref<80xi32, #tpu.memory_space<vmem>>) semaphore(%arg19 : memref<!tpu.dma_semaphore, #tpu.memory_space<semaphore_mem>>)
        %dma_wait3A_121 = arith.constant 5 : i32
        %dma_wait3A_122 = arith.constant 0 : i32
        %dma_wait3A_123 = tpu.memref_slice %arg13[%dma_wait3A_121, %dma_wait3A_122] : memref<8x80xi32, #tpu.memory_space<vmem>> -> memref<1x80xi32, #tpu.memory_space<vmem>>
        %dma_wait3A_124 = tpu.memref_squeeze %dma_wait3A_123 : memref<1x80xi32, #tpu.memory_space<vmem>> -> memref<80xi32, #tpu.memory_space<vmem>>
        %dma_wait3A_125 = arith.constant 0 : i32
        %dma_wait3A_126 = arith.constant 0 : i32
        %dma_wait3A_127 = tpu.memref_slice %arg6[%dma_wait3A_125, %dma_wait3A_126] : memref<10000x128xf32, #tpu.memory_space<hbm>> -> memref<10000x128xf32, #tpu.memory_space<hbm>>
        tpu.wait_indirect_dma semaphore(%arg20 : memref<!tpu.dma_semaphore, #tpu.memory_space<semaphore_mem>>) src(%dma_wait3A_127 : memref<10000x128xf32, #tpu.memory_space<hbm>>) dst(%arg17 : memref<80x128xf32, #tpu.memory_space<vmem>>)
        %run_scoped3A_128 = arith.constant 5 : i32
        "tpu.region"() ({
          %run_scoped3A_145 = tpu.sem_alloc : memref<!tpu.dma_semaphore, #tpu.memory_space<semaphore_mem>>
          %dma_start3A_146 = arith.constant 0 : i32
          %dma_start3A_147 = tpu.memref_slice %arg14[%run_scoped3A_128, %dma_start3A_146] : memref<8x80xi32, #tpu.memory_space<vmem>> -> memref<1x80xi32, #tpu.memory_space<vmem>>
          %dma_start3A_148 = tpu.memref_squeeze %dma_start3A_147 : memref<1x80xi32, #tpu.memory_space<vmem>> -> memref<80xi32, #tpu.memory_space<vmem>>
          %dma_start3A_149 = arith.constant 0 : i32
          %dma_start3A_150 = arith.constant 0 : i32
          %dma_start3A_151 = tpu.memref_slice %arg12[%dma_start3A_149, %dma_start3A_150] : memref<10112x128xf32, #tpu.memory_space<vmem_shared>> -> memref<10112x128xf32, #tpu.memory_space<vmem_shared>>
          tpu.enqueue_indirect_dma source(%arg17 : memref<80x128xf32, #tpu.memory_space<vmem>>) target(%dma_start3A_151 : memref<10112x128xf32, #tpu.memory_space<vmem_shared>>) offsets(%dma_start3A_148 : memref<80xi32, #tpu.memory_space<vmem>>) semaphore(%run_scoped3A_145 : memref<!tpu.dma_semaphore, #tpu.memory_space<semaphore_mem>>) {add = true}
          %dma_wait3A_152 = arith.constant 0 : i32
          %dma_wait3A_153 = tpu.memref_slice %arg14[%run_scoped3A_128, %dma_wait3A_152] : memref<8x80xi32, #tpu.memory_space<vmem>> -> memref<1x80xi32, #tpu.memory_space<vmem>>
          %dma_wait3A_154 = tpu.memref_squeeze %dma_wait3A_153 : memref<1x80xi32, #tpu.memory_space<vmem>> -> memref<80xi32, #tpu.memory_space<vmem>>
          %dma_wait3A_155 = arith.constant 0 : i32
          %dma_wait3A_156 = arith.constant 0 : i32
          %dma_wait3A_157 = tpu.memref_slice %arg12[%dma_wait3A_155, %dma_wait3A_156] : memref<10112x128xf32, #tpu.memory_space<vmem_shared>> -> memref<10112x128xf32, #tpu.memory_space<vmem_shared>>
          tpu.wait_indirect_dma semaphore(%run_scoped3A_145 : memref<!tpu.dma_semaphore, #tpu.memory_space<semaphore_mem>>) src(%arg17 : memref<80x128xf32, #tpu.memory_space<vmem>>) dst(%dma_wait3A_157 : memref<10112x128xf32, #tpu.memory_space<vmem_shared>>)
          tpu.yield
        }) : () -> ()
        %dma_wait3A_129 = arith.constant 6 : i32
        %dma_wait3A_130 = arith.constant 0 : i32
        %dma_wait3A_131 = tpu.memref_slice %arg13[%dma_wait3A_129, %dma_wait3A_130] : memref<8x80xi32, #tpu.memory_space<vmem>> -> memref<1x80xi32, #tpu.memory_space<vmem>>
        %dma_wait3A_132 = tpu.memref_squeeze %dma_wait3A_131 : memref<1x80xi32, #tpu.memory_space<vmem>> -> memref<80xi32, #tpu.memory_space<vmem>>
        %dma_wait3A_133 = arith.constant 0 : i32
        %dma_wait3A_134 = arith.constant 0 : i32
        %dma_wait3A_135 = tpu.memref_slice %arg2[%dma_wait3A_133, %dma_wait3A_134] : memref<10000x128xf32, #tpu.memory_space<hbm>> -> memref<10000x128xf32, #tpu.memory_space<hbm>>
        tpu.wait_indirect_dma semaphore(%arg18 : memref<!tpu.dma_semaphore, #tpu.memory_space<semaphore_mem>>) src(%dma_wait3A_135 : memref<10000x128xf32, #tpu.memory_space<hbm>>) dst(%arg15 : memref<80x128xf32, #tpu.memory_space<vmem>>)
        %run_scoped3A_136 = arith.constant 6 : i32
        "tpu.region"() ({
          %run_scoped3A_145 = tpu.sem_alloc : memref<!tpu.dma_semaphore, #tpu.memory_space<semaphore_mem>>
          %dma_start3A_146 = arith.constant 0 : i32
          %dma_start3A_147 = tpu.memref_slice %arg14[%run_scoped3A_136, %dma_start3A_146] : memref<8x80xi32, #tpu.memory_space<vmem>> -> memref<1x80xi32, #tpu.memory_space<vmem>>
          %dma_start3A_148 = tpu.memref_squeeze %dma_start3A_147 : memref<1x80xi32, #tpu.memory_space<vmem>> -> memref<80xi32, #tpu.memory_space<vmem>>
          %dma_start3A_149 = arith.constant 0 : i32
          %dma_start3A_150 = arith.constant 0 : i32
          %dma_start3A_151 = tpu.memref_slice %arg12[%dma_start3A_149, %dma_start3A_150] : memref<10112x128xf32, #tpu.memory_space<vmem_shared>> -> memref<10112x128xf32, #tpu.memory_space<vmem_shared>>
          tpu.enqueue_indirect_dma source(%arg15 : memref<80x128xf32, #tpu.memory_space<vmem>>) target(%dma_start3A_151 : memref<10112x128xf32, #tpu.memory_space<vmem_shared>>) offsets(%dma_start3A_148 : memref<80xi32, #tpu.memory_space<vmem>>) semaphore(%run_scoped3A_145 : memref<!tpu.dma_semaphore, #tpu.memory_space<semaphore_mem>>) {add = true}
          %dma_wait3A_152 = arith.constant 0 : i32
          %dma_wait3A_153 = tpu.memref_slice %arg14[%run_scoped3A_136, %dma_wait3A_152] : memref<8x80xi32, #tpu.memory_space<vmem>> -> memref<1x80xi32, #tpu.memory_space<vmem>>
          %dma_wait3A_154 = tpu.memref_squeeze %dma_wait3A_153 : memref<1x80xi32, #tpu.memory_space<vmem>> -> memref<80xi32, #tpu.memory_space<vmem>>
          %dma_wait3A_155 = arith.constant 0 : i32
          %dma_wait3A_156 = arith.constant 0 : i32
          %dma_wait3A_157 = tpu.memref_slice %arg12[%dma_wait3A_155, %dma_wait3A_156] : memref<10112x128xf32, #tpu.memory_space<vmem_shared>> -> memref<10112x128xf32, #tpu.memory_space<vmem_shared>>
          tpu.wait_indirect_dma semaphore(%run_scoped3A_145 : memref<!tpu.dma_semaphore, #tpu.memory_space<semaphore_mem>>) src(%arg15 : memref<80x128xf32, #tpu.memory_space<vmem>>) dst(%dma_wait3A_157 : memref<10112x128xf32, #tpu.memory_space<vmem_shared>>)
          tpu.yield
        }) : () -> ()
        %dma_wait3A_137 = arith.constant 7 : i32
        %dma_wait3A_138 = arith.constant 0 : i32
        %dma_wait3A_139 = tpu.memref_slice %arg13[%dma_wait3A_137, %dma_wait3A_138] : memref<8x80xi32, #tpu.memory_space<vmem>> -> memref<1x80xi32, #tpu.memory_space<vmem>>
        %dma_wait3A_140 = tpu.memref_squeeze %dma_wait3A_139 : memref<1x80xi32, #tpu.memory_space<vmem>> -> memref<80xi32, #tpu.memory_space<vmem>>
        %dma_wait3A_141 = arith.constant 0 : i32
        %dma_wait3A_142 = arith.constant 0 : i32
        %dma_wait3A_143 = tpu.memref_slice %arg4[%dma_wait3A_141, %dma_wait3A_142] : memref<10000x128xf32, #tpu.memory_space<hbm>> -> memref<10000x128xf32, #tpu.memory_space<hbm>>
        tpu.wait_indirect_dma semaphore(%arg19 : memref<!tpu.dma_semaphore, #tpu.memory_space<semaphore_mem>>) src(%dma_wait3A_143 : memref<10000x128xf32, #tpu.memory_space<hbm>>) dst(%arg16 : memref<80x128xf32, #tpu.memory_space<vmem>>)
        %run_scoped3A_144 = arith.constant 7 : i32
        "tpu.region"() ({
          %run_scoped3A_145 = tpu.sem_alloc : memref<!tpu.dma_semaphore, #tpu.memory_space<semaphore_mem>>
          %dma_start3A_146 = arith.constant 0 : i32
          %dma_start3A_147 = tpu.memref_slice %arg14[%run_scoped3A_144, %dma_start3A_146] : memref<8x80xi32, #tpu.memory_space<vmem>> -> memref<1x80xi32, #tpu.memory_space<vmem>>
          %dma_start3A_148 = tpu.memref_squeeze %dma_start3A_147 : memref<1x80xi32, #tpu.memory_space<vmem>> -> memref<80xi32, #tpu.memory_space<vmem>>
          %dma_start3A_149 = arith.constant 0 : i32
          %dma_start3A_150 = arith.constant 0 : i32
          %dma_start3A_151 = tpu.memref_slice %arg12[%dma_start3A_149, %dma_start3A_150] : memref<10112x128xf32, #tpu.memory_space<vmem_shared>> -> memref<10112x128xf32, #tpu.memory_space<vmem_shared>>
          tpu.enqueue_indirect_dma source(%arg16 : memref<80x128xf32, #tpu.memory_space<vmem>>) target(%dma_start3A_151 : memref<10112x128xf32, #tpu.memory_space<vmem_shared>>) offsets(%dma_start3A_148 : memref<80xi32, #tpu.memory_space<vmem>>) semaphore(%run_scoped3A_145 : memref<!tpu.dma_semaphore, #tpu.memory_space<semaphore_mem>>) {add = true}
          %dma_wait3A_152 = arith.constant 0 : i32
          %dma_wait3A_153 = tpu.memref_slice %arg14[%run_scoped3A_144, %dma_wait3A_152] : memref<8x80xi32, #tpu.memory_space<vmem>> -> memref<1x80xi32, #tpu.memory_space<vmem>>
          %dma_wait3A_154 = tpu.memref_squeeze %dma_wait3A_153 : memref<1x80xi32, #tpu.memory_space<vmem>> -> memref<80xi32, #tpu.memory_space<vmem>>
          %dma_wait3A_155 = arith.constant 0 : i32
          %dma_wait3A_156 = arith.constant 0 : i32
          %dma_wait3A_157 = tpu.memref_slice %arg12[%dma_wait3A_155, %dma_wait3A_156] : memref<10112x128xf32, #tpu.memory_space<vmem_shared>> -> memref<10112x128xf32, #tpu.memory_space<vmem_shared>>
          tpu.wait_indirect_dma semaphore(%run_scoped3A_145 : memref<!tpu.dma_semaphore, #tpu.memory_space<semaphore_mem>>) src(%arg16 : memref<80x128xf32, #tpu.memory_space<vmem>>) dst(%dma_wait3A_157 : memref<10112x128xf32, #tpu.memory_space<vmem_shared>>)
          tpu.yield
        }) : () -> ()
      }
      %scan3A_23 = arith.constant 21 : i32
    } else {
    }
    %ne3A = arith.constant 0 : i32
    %ne3A_10 = arith.cmpi ne, %arg0, %ne3A : i32
    %convert_element_type3A_11 = arith.extui %ne3A_10 : i1 to i32
    %cond3A_12 = arith.constant 0 : i32
    %cond3A_13 = arith.cmpi ne, %convert_element_type3A_11, %cond3A_12 : i32
    scf.if %cond3A_13 {
      %scan3A = arith.constant 0 : i32
      %scan3A_19 = arith.constant 0 : i32
      %scan3A_20 = arith.constant 11 : i32
      %scan3A_21 = arith.addi %scan3A_19, %scan3A_20 : i32
      %scan3A_22 = arith.constant 1 : i32
      scf.for %scan3A_24 = %scan3A_19 to %scan3A_21 step %scan3A_22  : i32 {
        %mul3A_25 = arith.constant 8 : i32
        %mul3A_26 = arith.muli %scan3A_24, %mul3A_25 : i32
        %add3A_27 = arith.addi %add3A, %mul3A_26 : i32
        "tpu.region"() ({
          %run_scoped3A_145 = tpu.sem_alloc : memref<!tpu.dma_semaphore, #tpu.memory_space<semaphore_mem>>
          %dma_start3A_146 = arith.constant 0 : i32
          %dma_start3A_147 = tpu.memref_slice %arg8[%add3A_27, %dma_start3A_146] : memref<4096x80xi32, #tpu.memory_space<hbm>> -> memref<8x80xi32, #tpu.memory_space<hbm>>
          %dma_start3A_148 = arith.constant 0 : i32
          %dma_start3A_149 = tpu.memref_slice %arg8[%add3A_27, %dma_start3A_148] : memref<4096x80xi32, #tpu.memory_space<hbm>> -> memref<8x80xi32, #tpu.memory_space<hbm>>
          tpu.enqueue_dma source(%dma_start3A_149 : memref<8x80xi32, #tpu.memory_space<hbm>>) target(%arg13 : memref<8x80xi32, #tpu.memory_space<vmem>>) target_semaphore(%run_scoped3A_145 : memref<!tpu.dma_semaphore, #tpu.memory_space<semaphore_mem>>)
          %dma_wait3A_150 = arith.constant 0 : i32
          %dma_wait3A_151 = tpu.memref_slice %arg8[%add3A_27, %dma_wait3A_150] : memref<4096x80xi32, #tpu.memory_space<hbm>> -> memref<8x80xi32, #tpu.memory_space<hbm>>
          %dma_wait3A_152 = arith.constant 0 : i32
          %dma_wait3A_153 = tpu.memref_slice %arg8[%add3A_27, %dma_wait3A_152] : memref<4096x80xi32, #tpu.memory_space<hbm>> -> memref<8x80xi32, #tpu.memory_space<hbm>>
          tpu.wait_dma2 semaphore(%run_scoped3A_145 : memref<!tpu.dma_semaphore, #tpu.memory_space<semaphore_mem>>) src(%dma_wait3A_153 : memref<8x80xi32, #tpu.memory_space<hbm>>) dst(%arg13 : memref<8x80xi32, #tpu.memory_space<vmem>>)
          tpu.yield
        }) : () -> ()
        "tpu.region"() ({
          %run_scoped3A_145 = tpu.sem_alloc : memref<!tpu.dma_semaphore, #tpu.memory_space<semaphore_mem>>
          %dma_start3A_146 = arith.constant 0 : i32
          %dma_start3A_147 = tpu.memref_slice %arg9[%add3A_27, %dma_start3A_146] : memref<4096x80xi32, #tpu.memory_space<hbm>> -> memref<8x80xi32, #tpu.memory_space<hbm>>
          %dma_start3A_148 = arith.constant 0 : i32
          %dma_start3A_149 = tpu.memref_slice %arg9[%add3A_27, %dma_start3A_148] : memref<4096x80xi32, #tpu.memory_space<hbm>> -> memref<8x80xi32, #tpu.memory_space<hbm>>
          tpu.enqueue_dma source(%dma_start3A_149 : memref<8x80xi32, #tpu.memory_space<hbm>>) target(%arg14 : memref<8x80xi32, #tpu.memory_space<vmem>>) target_semaphore(%run_scoped3A_145 : memref<!tpu.dma_semaphore, #tpu.memory_space<semaphore_mem>>)
          %dma_wait3A_150 = arith.constant 0 : i32
          %dma_wait3A_151 = tpu.memref_slice %arg9[%add3A_27, %dma_wait3A_150] : memref<4096x80xi32, #tpu.memory_space<hbm>> -> memref<8x80xi32, #tpu.memory_space<hbm>>
          %dma_wait3A_152 = arith.constant 0 : i32
          %dma_wait3A_153 = tpu.memref_slice %arg9[%add3A_27, %dma_wait3A_152] : memref<4096x80xi32, #tpu.memory_space<hbm>> -> memref<8x80xi32, #tpu.memory_space<hbm>>
          tpu.wait_dma2 semaphore(%run_scoped3A_145 : memref<!tpu.dma_semaphore, #tpu.memory_space<semaphore_mem>>) src(%dma_wait3A_153 : memref<8x80xi32, #tpu.memory_space<hbm>>) dst(%arg14 : memref<8x80xi32, #tpu.memory_space<vmem>>)
          tpu.yield
        }) : () -> ()
        %dma_start3A = arith.constant 0 : i32
        %dma_start3A_28 = arith.constant 0 : i32
        %dma_start3A_29 = tpu.memref_slice %arg13[%dma_start3A, %dma_start3A_28] : memref<8x80xi32, #tpu.memory_space<vmem>> -> memref<1x80xi32, #tpu.memory_space<vmem>>
        %dma_start3A_30 = tpu.memref_squeeze %dma_start3A_29 : memref<1x80xi32, #tpu.memory_space<vmem>> -> memref<80xi32, #tpu.memory_space<vmem>>
        %dma_start3A_31 = arith.constant 0 : i32
        %dma_start3A_32 = arith.constant 0 : i32
        %dma_start3A_33 = tpu.memref_slice %arg3[%dma_start3A_31, %dma_start3A_32] : memref<10000x128xf32, #tpu.memory_space<hbm>> -> memref<10000x128xf32, #tpu.memory_space<hbm>>
        tpu.enqueue_indirect_dma source(%dma_start3A_33 : memref<10000x128xf32, #tpu.memory_space<hbm>>) target(%arg15 : memref<80x128xf32, #tpu.memory_space<vmem>>) offsets(%dma_start3A_30 : memref<80xi32, #tpu.memory_space<vmem>>) semaphore(%arg18 : memref<!tpu.dma_semaphore, #tpu.memory_space<semaphore_mem>>)
        %dma_start3A_34 = arith.constant 1 : i32
        %dma_start3A_35 = arith.constant 0 : i32
        %dma_start3A_36 = tpu.memref_slice %arg13[%dma_start3A_34, %dma_start3A_35] : memref<8x80xi32, #tpu.memory_space<vmem>> -> memref<1x80xi32, #tpu.memory_space<vmem>>
        %dma_start3A_37 = tpu.memref_squeeze %dma_start3A_36 : memref<1x80xi32, #tpu.memory_space<vmem>> -> memref<80xi32, #tpu.memory_space<vmem>>
        %dma_start3A_38 = arith.constant 0 : i32
        %dma_start3A_39 = arith.constant 0 : i32
        %dma_start3A_40 = tpu.memref_slice %arg5[%dma_start3A_38, %dma_start3A_39] : memref<10000x128xf32, #tpu.memory_space<hbm>> -> memref<10000x128xf32, #tpu.memory_space<hbm>>
        tpu.enqueue_indirect_dma source(%dma_start3A_40 : memref<10000x128xf32, #tpu.memory_space<hbm>>) target(%arg16 : memref<80x128xf32, #tpu.memory_space<vmem>>) offsets(%dma_start3A_37 : memref<80xi32, #tpu.memory_space<vmem>>) semaphore(%arg19 : memref<!tpu.dma_semaphore, #tpu.memory_space<semaphore_mem>>)
        %dma_start3A_41 = arith.constant 2 : i32
        %dma_start3A_42 = arith.constant 0 : i32
        %dma_start3A_43 = tpu.memref_slice %arg13[%dma_start3A_41, %dma_start3A_42] : memref<8x80xi32, #tpu.memory_space<vmem>> -> memref<1x80xi32, #tpu.memory_space<vmem>>
        %dma_start3A_44 = tpu.memref_squeeze %dma_start3A_43 : memref<1x80xi32, #tpu.memory_space<vmem>> -> memref<80xi32, #tpu.memory_space<vmem>>
        %dma_start3A_45 = arith.constant 0 : i32
        %dma_start3A_46 = arith.constant 0 : i32
        %dma_start3A_47 = tpu.memref_slice %arg7[%dma_start3A_45, %dma_start3A_46] : memref<10000x128xf32, #tpu.memory_space<hbm>> -> memref<10000x128xf32, #tpu.memory_space<hbm>>
        tpu.enqueue_indirect_dma source(%dma_start3A_47 : memref<10000x128xf32, #tpu.memory_space<hbm>>) target(%arg17 : memref<80x128xf32, #tpu.memory_space<vmem>>) offsets(%dma_start3A_44 : memref<80xi32, #tpu.memory_space<vmem>>) semaphore(%arg20 : memref<!tpu.dma_semaphore, #tpu.memory_space<semaphore_mem>>)
        %dma_wait3A = arith.constant 0 : i32
        %dma_wait3A_48 = arith.constant 0 : i32
        %dma_wait3A_49 = tpu.memref_slice %arg13[%dma_wait3A, %dma_wait3A_48] : memref<8x80xi32, #tpu.memory_space<vmem>> -> memref<1x80xi32, #tpu.memory_space<vmem>>
        %dma_wait3A_50 = tpu.memref_squeeze %dma_wait3A_49 : memref<1x80xi32, #tpu.memory_space<vmem>> -> memref<80xi32, #tpu.memory_space<vmem>>
        %dma_wait3A_51 = arith.constant 0 : i32
        %dma_wait3A_52 = arith.constant 0 : i32
        %dma_wait3A_53 = tpu.memref_slice %arg3[%dma_wait3A_51, %dma_wait3A_52] : memref<10000x128xf32, #tpu.memory_space<hbm>> -> memref<10000x128xf32, #tpu.memory_space<hbm>>
        tpu.wait_indirect_dma semaphore(%arg18 : memref<!tpu.dma_semaphore, #tpu.memory_space<semaphore_mem>>) src(%dma_wait3A_53 : memref<10000x128xf32, #tpu.memory_space<hbm>>) dst(%arg15 : memref<80x128xf32, #tpu.memory_space<vmem>>)
        %run_scoped3A = arith.constant 0 : i32
        "tpu.region"() ({
          %run_scoped3A_145 = tpu.sem_alloc : memref<!tpu.dma_semaphore, #tpu.memory_space<semaphore_mem>>
          %dma_start3A_146 = arith.constant 0 : i32
          %dma_start3A_147 = tpu.memref_slice %arg14[%run_scoped3A, %dma_start3A_146] : memref<8x80xi32, #tpu.memory_space<vmem>> -> memref<1x80xi32, #tpu.memory_space<vmem>>
          %dma_start3A_148 = tpu.memref_squeeze %dma_start3A_147 : memref<1x80xi32, #tpu.memory_space<vmem>> -> memref<80xi32, #tpu.memory_space<vmem>>
          %dma_start3A_149 = arith.constant 0 : i32
          %dma_start3A_150 = arith.constant 0 : i32
          %dma_start3A_151 = tpu.memref_slice %arg12[%dma_start3A_149, %dma_start3A_150] : memref<10112x128xf32, #tpu.memory_space<vmem_shared>> -> memref<10112x128xf32, #tpu.memory_space<vmem_shared>>
          tpu.enqueue_indirect_dma source(%arg15 : memref<80x128xf32, #tpu.memory_space<vmem>>) target(%dma_start3A_151 : memref<10112x128xf32, #tpu.memory_space<vmem_shared>>) offsets(%dma_start3A_148 : memref<80xi32, #tpu.memory_space<vmem>>) semaphore(%run_scoped3A_145 : memref<!tpu.dma_semaphore, #tpu.memory_space<semaphore_mem>>) {add = true}
          %dma_wait3A_152 = arith.constant 0 : i32
          %dma_wait3A_153 = tpu.memref_slice %arg14[%run_scoped3A, %dma_wait3A_152] : memref<8x80xi32, #tpu.memory_space<vmem>> -> memref<1x80xi32, #tpu.memory_space<vmem>>
          %dma_wait3A_154 = tpu.memref_squeeze %dma_wait3A_153 : memref<1x80xi32, #tpu.memory_space<vmem>> -> memref<80xi32, #tpu.memory_space<vmem>>
          %dma_wait3A_155 = arith.constant 0 : i32
          %dma_wait3A_156 = arith.constant 0 : i32
          %dma_wait3A_157 = tpu.memref_slice %arg12[%dma_wait3A_155, %dma_wait3A_156] : memref<10112x128xf32, #tpu.memory_space<vmem_shared>> -> memref<10112x128xf32, #tpu.memory_space<vmem_shared>>
          tpu.wait_indirect_dma semaphore(%run_scoped3A_145 : memref<!tpu.dma_semaphore, #tpu.memory_space<semaphore_mem>>) src(%arg15 : memref<80x128xf32, #tpu.memory_space<vmem>>) dst(%dma_wait3A_157 : memref<10112x128xf32, #tpu.memory_space<vmem_shared>>)
          tpu.yield
        }) : () -> ()
        %dma_start3A_54 = arith.constant 3 : i32
        %dma_start3A_55 = arith.constant 0 : i32
        %dma_start3A_56 = tpu.memref_slice %arg13[%dma_start3A_54, %dma_start3A_55] : memref<8x80xi32, #tpu.memory_space<vmem>> -> memref<1x80xi32, #tpu.memory_space<vmem>>
        %dma_start3A_57 = tpu.memref_squeeze %dma_start3A_56 : memref<1x80xi32, #tpu.memory_space<vmem>> -> memref<80xi32, #tpu.memory_space<vmem>>
        %dma_start3A_58 = arith.constant 0 : i32
        %dma_start3A_59 = arith.constant 0 : i32
        %dma_start3A_60 = tpu.memref_slice %arg3[%dma_start3A_58, %dma_start3A_59] : memref<10000x128xf32, #tpu.memory_space<hbm>> -> memref<10000x128xf32, #tpu.memory_space<hbm>>
        tpu.enqueue_indirect_dma source(%dma_start3A_60 : memref<10000x128xf32, #tpu.memory_space<hbm>>) target(%arg15 : memref<80x128xf32, #tpu.memory_space<vmem>>) offsets(%dma_start3A_57 : memref<80xi32, #tpu.memory_space<vmem>>) semaphore(%arg18 : memref<!tpu.dma_semaphore, #tpu.memory_space<semaphore_mem>>)
        %dma_wait3A_61 = arith.constant 1 : i32
        %dma_wait3A_62 = arith.constant 0 : i32
        %dma_wait3A_63 = tpu.memref_slice %arg13[%dma_wait3A_61, %dma_wait3A_62] : memref<8x80xi32, #tpu.memory_space<vmem>> -> memref<1x80xi32, #tpu.memory_space<vmem>>
        %dma_wait3A_64 = tpu.memref_squeeze %dma_wait3A_63 : memref<1x80xi32, #tpu.memory_space<vmem>> -> memref<80xi32, #tpu.memory_space<vmem>>
        %dma_wait3A_65 = arith.constant 0 : i32
        %dma_wait3A_66 = arith.constant 0 : i32
        %dma_wait3A_67 = tpu.memref_slice %arg5[%dma_wait3A_65, %dma_wait3A_66] : memref<10000x128xf32, #tpu.memory_space<hbm>> -> memref<10000x128xf32, #tpu.memory_space<hbm>>
        tpu.wait_indirect_dma semaphore(%arg19 : memref<!tpu.dma_semaphore, #tpu.memory_space<semaphore_mem>>) src(%dma_wait3A_67 : memref<10000x128xf32, #tpu.memory_space<hbm>>) dst(%arg16 : memref<80x128xf32, #tpu.memory_space<vmem>>)
        %run_scoped3A_68 = arith.constant 1 : i32
        "tpu.region"() ({
          %run_scoped3A_145 = tpu.sem_alloc : memref<!tpu.dma_semaphore, #tpu.memory_space<semaphore_mem>>
          %dma_start3A_146 = arith.constant 0 : i32
          %dma_start3A_147 = tpu.memref_slice %arg14[%run_scoped3A_68, %dma_start3A_146] : memref<8x80xi32, #tpu.memory_space<vmem>> -> memref<1x80xi32, #tpu.memory_space<vmem>>
          %dma_start3A_148 = tpu.memref_squeeze %dma_start3A_147 : memref<1x80xi32, #tpu.memory_space<vmem>> -> memref<80xi32, #tpu.memory_space<vmem>>
          %dma_start3A_149 = arith.constant 0 : i32
          %dma_start3A_150 = arith.constant 0 : i32
          %dma_start3A_151 = tpu.memref_slice %arg12[%dma_start3A_149, %dma_start3A_150] : memref<10112x128xf32, #tpu.memory_space<vmem_shared>> -> memref<10112x128xf32, #tpu.memory_space<vmem_shared>>
          tpu.enqueue_indirect_dma source(%arg16 : memref<80x128xf32, #tpu.memory_space<vmem>>) target(%dma_start3A_151 : memref<10112x128xf32, #tpu.memory_space<vmem_shared>>) offsets(%dma_start3A_148 : memref<80xi32, #tpu.memory_space<vmem>>) semaphore(%run_scoped3A_145 : memref<!tpu.dma_semaphore, #tpu.memory_space<semaphore_mem>>) {add = true}
          %dma_wait3A_152 = arith.constant 0 : i32
          %dma_wait3A_153 = tpu.memref_slice %arg14[%run_scoped3A_68, %dma_wait3A_152] : memref<8x80xi32, #tpu.memory_space<vmem>> -> memref<1x80xi32, #tpu.memory_space<vmem>>
          %dma_wait3A_154 = tpu.memref_squeeze %dma_wait3A_153 : memref<1x80xi32, #tpu.memory_space<vmem>> -> memref<80xi32, #tpu.memory_space<vmem>>
          %dma_wait3A_155 = arith.constant 0 : i32
          %dma_wait3A_156 = arith.constant 0 : i32
          %dma_wait3A_157 = tpu.memref_slice %arg12[%dma_wait3A_155, %dma_wait3A_156] : memref<10112x128xf32, #tpu.memory_space<vmem_shared>> -> memref<10112x128xf32, #tpu.memory_space<vmem_shared>>
          tpu.wait_indirect_dma semaphore(%run_scoped3A_145 : memref<!tpu.dma_semaphore, #tpu.memory_space<semaphore_mem>>) src(%arg16 : memref<80x128xf32, #tpu.memory_space<vmem>>) dst(%dma_wait3A_157 : memref<10112x128xf32, #tpu.memory_space<vmem_shared>>)
          tpu.yield
        }) : () -> ()
        %dma_start3A_69 = arith.constant 4 : i32
        %dma_start3A_70 = arith.constant 0 : i32
        %dma_start3A_71 = tpu.memref_slice %arg13[%dma_start3A_69, %dma_start3A_70] : memref<8x80xi32, #tpu.memory_space<vmem>> -> memref<1x80xi32, #tpu.memory_space<vmem>>
        %dma_start3A_72 = tpu.memref_squeeze %dma_start3A_71 : memref<1x80xi32, #tpu.memory_space<vmem>> -> memref<80xi32, #tpu.memory_space<vmem>>
        %dma_start3A_73 = arith.constant 0 : i32
        %dma_start3A_74 = arith.constant 0 : i32
        %dma_start3A_75 = tpu.memref_slice %arg5[%dma_start3A_73, %dma_start3A_74] : memref<10000x128xf32, #tpu.memory_space<hbm>> -> memref<10000x128xf32, #tpu.memory_space<hbm>>
        tpu.enqueue_indirect_dma source(%dma_start3A_75 : memref<10000x128xf32, #tpu.memory_space<hbm>>) target(%arg16 : memref<80x128xf32, #tpu.memory_space<vmem>>) offsets(%dma_start3A_72 : memref<80xi32, #tpu.memory_space<vmem>>) semaphore(%arg19 : memref<!tpu.dma_semaphore, #tpu.memory_space<semaphore_mem>>)
        %dma_wait3A_76 = arith.constant 2 : i32
        %dma_wait3A_77 = arith.constant 0 : i32
        %dma_wait3A_78 = tpu.memref_slice %arg13[%dma_wait3A_76, %dma_wait3A_77] : memref<8x80xi32, #tpu.memory_space<vmem>> -> memref<1x80xi32, #tpu.memory_space<vmem>>
        %dma_wait3A_79 = tpu.memref_squeeze %dma_wait3A_78 : memref<1x80xi32, #tpu.memory_space<vmem>> -> memref<80xi32, #tpu.memory_space<vmem>>
        %dma_wait3A_80 = arith.constant 0 : i32
        %dma_wait3A_81 = arith.constant 0 : i32
        %dma_wait3A_82 = tpu.memref_slice %arg7[%dma_wait3A_80, %dma_wait3A_81] : memref<10000x128xf32, #tpu.memory_space<hbm>> -> memref<10000x128xf32, #tpu.memory_space<hbm>>
        tpu.wait_indirect_dma semaphore(%arg20 : memref<!tpu.dma_semaphore, #tpu.memory_space<semaphore_mem>>) src(%dma_wait3A_82 : memref<10000x128xf32, #tpu.memory_space<hbm>>) dst(%arg17 : memref<80x128xf32, #tpu.memory_space<vmem>>)
        %run_scoped3A_83 = arith.constant 2 : i32
        "tpu.region"() ({
          %run_scoped3A_145 = tpu.sem_alloc : memref<!tpu.dma_semaphore, #tpu.memory_space<semaphore_mem>>
          %dma_start3A_146 = arith.constant 0 : i32
          %dma_start3A_147 = tpu.memref_slice %arg14[%run_scoped3A_83, %dma_start3A_146] : memref<8x80xi32, #tpu.memory_space<vmem>> -> memref<1x80xi32, #tpu.memory_space<vmem>>
          %dma_start3A_148 = tpu.memref_squeeze %dma_start3A_147 : memref<1x80xi32, #tpu.memory_space<vmem>> -> memref<80xi32, #tpu.memory_space<vmem>>
          %dma_start3A_149 = arith.constant 0 : i32
          %dma_start3A_150 = arith.constant 0 : i32
          %dma_start3A_151 = tpu.memref_slice %arg12[%dma_start3A_149, %dma_start3A_150] : memref<10112x128xf32, #tpu.memory_space<vmem_shared>> -> memref<10112x128xf32, #tpu.memory_space<vmem_shared>>
          tpu.enqueue_indirect_dma source(%arg17 : memref<80x128xf32, #tpu.memory_space<vmem>>) target(%dma_start3A_151 : memref<10112x128xf32, #tpu.memory_space<vmem_shared>>) offsets(%dma_start3A_148 : memref<80xi32, #tpu.memory_space<vmem>>) semaphore(%run_scoped3A_145 : memref<!tpu.dma_semaphore, #tpu.memory_space<semaphore_mem>>) {add = true}
          %dma_wait3A_152 = arith.constant 0 : i32
          %dma_wait3A_153 = tpu.memref_slice %arg14[%run_scoped3A_83, %dma_wait3A_152] : memref<8x80xi32, #tpu.memory_space<vmem>> -> memref<1x80xi32, #tpu.memory_space<vmem>>
          %dma_wait3A_154 = tpu.memref_squeeze %dma_wait3A_153 : memref<1x80xi32, #tpu.memory_space<vmem>> -> memref<80xi32, #tpu.memory_space<vmem>>
          %dma_wait3A_155 = arith.constant 0 : i32
          %dma_wait3A_156 = arith.constant 0 : i32
          %dma_wait3A_157 = tpu.memref_slice %arg12[%dma_wait3A_155, %dma_wait3A_156] : memref<10112x128xf32, #tpu.memory_space<vmem_shared>> -> memref<10112x128xf32, #tpu.memory_space<vmem_shared>>
          tpu.wait_indirect_dma semaphore(%run_scoped3A_145 : memref<!tpu.dma_semaphore, #tpu.memory_space<semaphore_mem>>) src(%arg17 : memref<80x128xf32, #tpu.memory_space<vmem>>) dst(%dma_wait3A_157 : memref<10112x128xf32, #tpu.memory_space<vmem_shared>>)
          tpu.yield
        }) : () -> ()
        %dma_start3A_84 = arith.constant 5 : i32
        %dma_start3A_85 = arith.constant 0 : i32
        %dma_start3A_86 = tpu.memref_slice %arg13[%dma_start3A_84, %dma_start3A_85] : memref<8x80xi32, #tpu.memory_space<vmem>> -> memref<1x80xi32, #tpu.memory_space<vmem>>
        %dma_start3A_87 = tpu.memref_squeeze %dma_start3A_86 : memref<1x80xi32, #tpu.memory_space<vmem>> -> memref<80xi32, #tpu.memory_space<vmem>>
        %dma_start3A_88 = arith.constant 0 : i32
        %dma_start3A_89 = arith.constant 0 : i32
        %dma_start3A_90 = tpu.memref_slice %arg7[%dma_start3A_88, %dma_start3A_89] : memref<10000x128xf32, #tpu.memory_space<hbm>> -> memref<10000x128xf32, #tpu.memory_space<hbm>>
        tpu.enqueue_indirect_dma source(%dma_start3A_90 : memref<10000x128xf32, #tpu.memory_space<hbm>>) target(%arg17 : memref<80x128xf32, #tpu.memory_space<vmem>>) offsets(%dma_start3A_87 : memref<80xi32, #tpu.memory_space<vmem>>) semaphore(%arg20 : memref<!tpu.dma_semaphore, #tpu.memory_space<semaphore_mem>>)
        %dma_wait3A_91 = arith.constant 3 : i32
        %dma_wait3A_92 = arith.constant 0 : i32
        %dma_wait3A_93 = tpu.memref_slice %arg13[%dma_wait3A_91, %dma_wait3A_92] : memref<8x80xi32, #tpu.memory_space<vmem>> -> memref<1x80xi32, #tpu.memory_space<vmem>>
        %dma_wait3A_94 = tpu.memref_squeeze %dma_wait3A_93 : memref<1x80xi32, #tpu.memory_space<vmem>> -> memref<80xi32, #tpu.memory_space<vmem>>
        %dma_wait3A_95 = arith.constant 0 : i32
        %dma_wait3A_96 = arith.constant 0 : i32
        %dma_wait3A_97 = tpu.memref_slice %arg3[%dma_wait3A_95, %dma_wait3A_96] : memref<10000x128xf32, #tpu.memory_space<hbm>> -> memref<10000x128xf32, #tpu.memory_space<hbm>>
        tpu.wait_indirect_dma semaphore(%arg18 : memref<!tpu.dma_semaphore, #tpu.memory_space<semaphore_mem>>) src(%dma_wait3A_97 : memref<10000x128xf32, #tpu.memory_space<hbm>>) dst(%arg15 : memref<80x128xf32, #tpu.memory_space<vmem>>)
        %run_scoped3A_98 = arith.constant 3 : i32
        "tpu.region"() ({
          %run_scoped3A_145 = tpu.sem_alloc : memref<!tpu.dma_semaphore, #tpu.memory_space<semaphore_mem>>
          %dma_start3A_146 = arith.constant 0 : i32
          %dma_start3A_147 = tpu.memref_slice %arg14[%run_scoped3A_98, %dma_start3A_146] : memref<8x80xi32, #tpu.memory_space<vmem>> -> memref<1x80xi32, #tpu.memory_space<vmem>>
          %dma_start3A_148 = tpu.memref_squeeze %dma_start3A_147 : memref<1x80xi32, #tpu.memory_space<vmem>> -> memref<80xi32, #tpu.memory_space<vmem>>
          %dma_start3A_149 = arith.constant 0 : i32
          %dma_start3A_150 = arith.constant 0 : i32
          %dma_start3A_151 = tpu.memref_slice %arg12[%dma_start3A_149, %dma_start3A_150] : memref<10112x128xf32, #tpu.memory_space<vmem_shared>> -> memref<10112x128xf32, #tpu.memory_space<vmem_shared>>
          tpu.enqueue_indirect_dma source(%arg15 : memref<80x128xf32, #tpu.memory_space<vmem>>) target(%dma_start3A_151 : memref<10112x128xf32, #tpu.memory_space<vmem_shared>>) offsets(%dma_start3A_148 : memref<80xi32, #tpu.memory_space<vmem>>) semaphore(%run_scoped3A_145 : memref<!tpu.dma_semaphore, #tpu.memory_space<semaphore_mem>>) {add = true}
          %dma_wait3A_152 = arith.constant 0 : i32
          %dma_wait3A_153 = tpu.memref_slice %arg14[%run_scoped3A_98, %dma_wait3A_152] : memref<8x80xi32, #tpu.memory_space<vmem>> -> memref<1x80xi32, #tpu.memory_space<vmem>>
          %dma_wait3A_154 = tpu.memref_squeeze %dma_wait3A_153 : memref<1x80xi32, #tpu.memory_space<vmem>> -> memref<80xi32, #tpu.memory_space<vmem>>
          %dma_wait3A_155 = arith.constant 0 : i32
          %dma_wait3A_156 = arith.constant 0 : i32
          %dma_wait3A_157 = tpu.memref_slice %arg12[%dma_wait3A_155, %dma_wait3A_156] : memref<10112x128xf32, #tpu.memory_space<vmem_shared>> -> memref<10112x128xf32, #tpu.memory_space<vmem_shared>>
          tpu.wait_indirect_dma semaphore(%run_scoped3A_145 : memref<!tpu.dma_semaphore, #tpu.memory_space<semaphore_mem>>) src(%arg15 : memref<80x128xf32, #tpu.memory_space<vmem>>) dst(%dma_wait3A_157 : memref<10112x128xf32, #tpu.memory_space<vmem_shared>>)
          tpu.yield
        }) : () -> ()
        %dma_start3A_99 = arith.constant 6 : i32
        %dma_start3A_100 = arith.constant 0 : i32
        %dma_start3A_101 = tpu.memref_slice %arg13[%dma_start3A_99, %dma_start3A_100] : memref<8x80xi32, #tpu.memory_space<vmem>> -> memref<1x80xi32, #tpu.memory_space<vmem>>
        %dma_start3A_102 = tpu.memref_squeeze %dma_start3A_101 : memref<1x80xi32, #tpu.memory_space<vmem>> -> memref<80xi32, #tpu.memory_space<vmem>>
        %dma_start3A_103 = arith.constant 0 : i32
        %dma_start3A_104 = arith.constant 0 : i32
        %dma_start3A_105 = tpu.memref_slice %arg3[%dma_start3A_103, %dma_start3A_104] : memref<10000x128xf32, #tpu.memory_space<hbm>> -> memref<10000x128xf32, #tpu.memory_space<hbm>>
        tpu.enqueue_indirect_dma source(%dma_start3A_105 : memref<10000x128xf32, #tpu.memory_space<hbm>>) target(%arg15 : memref<80x128xf32, #tpu.memory_space<vmem>>) offsets(%dma_start3A_102 : memref<80xi32, #tpu.memory_space<vmem>>) semaphore(%arg18 : memref<!tpu.dma_semaphore, #tpu.memory_space<semaphore_mem>>)
        %dma_wait3A_106 = arith.constant 4 : i32
        %dma_wait3A_107 = arith.constant 0 : i32
        %dma_wait3A_108 = tpu.memref_slice %arg13[%dma_wait3A_106, %dma_wait3A_107] : memref<8x80xi32, #tpu.memory_space<vmem>> -> memref<1x80xi32, #tpu.memory_space<vmem>>
        %dma_wait3A_109 = tpu.memref_squeeze %dma_wait3A_108 : memref<1x80xi32, #tpu.memory_space<vmem>> -> memref<80xi32, #tpu.memory_space<vmem>>
        %dma_wait3A_110 = arith.constant 0 : i32
        %dma_wait3A_111 = arith.constant 0 : i32
        %dma_wait3A_112 = tpu.memref_slice %arg5[%dma_wait3A_110, %dma_wait3A_111] : memref<10000x128xf32, #tpu.memory_space<hbm>> -> memref<10000x128xf32, #tpu.memory_space<hbm>>
        tpu.wait_indirect_dma semaphore(%arg19 : memref<!tpu.dma_semaphore, #tpu.memory_space<semaphore_mem>>) src(%dma_wait3A_112 : memref<10000x128xf32, #tpu.memory_space<hbm>>) dst(%arg16 : memref<80x128xf32, #tpu.memory_space<vmem>>)
        %run_scoped3A_113 = arith.constant 4 : i32
        "tpu.region"() ({
          %run_scoped3A_145 = tpu.sem_alloc : memref<!tpu.dma_semaphore, #tpu.memory_space<semaphore_mem>>
          %dma_start3A_146 = arith.constant 0 : i32
          %dma_start3A_147 = tpu.memref_slice %arg14[%run_scoped3A_113, %dma_start3A_146] : memref<8x80xi32, #tpu.memory_space<vmem>> -> memref<1x80xi32, #tpu.memory_space<vmem>>
          %dma_start3A_148 = tpu.memref_squeeze %dma_start3A_147 : memref<1x80xi32, #tpu.memory_space<vmem>> -> memref<80xi32, #tpu.memory_space<vmem>>
          %dma_start3A_149 = arith.constant 0 : i32
          %dma_start3A_150 = arith.constant 0 : i32
          %dma_start3A_151 = tpu.memref_slice %arg12[%dma_start3A_149, %dma_start3A_150] : memref<10112x128xf32, #tpu.memory_space<vmem_shared>> -> memref<10112x128xf32, #tpu.memory_space<vmem_shared>>
          tpu.enqueue_indirect_dma source(%arg16 : memref<80x128xf32, #tpu.memory_space<vmem>>) target(%dma_start3A_151 : memref<10112x128xf32, #tpu.memory_space<vmem_shared>>) offsets(%dma_start3A_148 : memref<80xi32, #tpu.memory_space<vmem>>) semaphore(%run_scoped3A_145 : memref<!tpu.dma_semaphore, #tpu.memory_space<semaphore_mem>>) {add = true}
          %dma_wait3A_152 = arith.constant 0 : i32
          %dma_wait3A_153 = tpu.memref_slice %arg14[%run_scoped3A_113, %dma_wait3A_152] : memref<8x80xi32, #tpu.memory_space<vmem>> -> memref<1x80xi32, #tpu.memory_space<vmem>>
          %dma_wait3A_154 = tpu.memref_squeeze %dma_wait3A_153 : memref<1x80xi32, #tpu.memory_space<vmem>> -> memref<80xi32, #tpu.memory_space<vmem>>
          %dma_wait3A_155 = arith.constant 0 : i32
          %dma_wait3A_156 = arith.constant 0 : i32
          %dma_wait3A_157 = tpu.memref_slice %arg12[%dma_wait3A_155, %dma_wait3A_156] : memref<10112x128xf32, #tpu.memory_space<vmem_shared>> -> memref<10112x128xf32, #tpu.memory_space<vmem_shared>>
          tpu.wait_indirect_dma semaphore(%run_scoped3A_145 : memref<!tpu.dma_semaphore, #tpu.memory_space<semaphore_mem>>) src(%arg16 : memref<80x128xf32, #tpu.memory_space<vmem>>) dst(%dma_wait3A_157 : memref<10112x128xf32, #tpu.memory_space<vmem_shared>>)
          tpu.yield
        }) : () -> ()
        %dma_start3A_114 = arith.constant 7 : i32
        %dma_start3A_115 = arith.constant 0 : i32
        %dma_start3A_116 = tpu.memref_slice %arg13[%dma_start3A_114, %dma_start3A_115] : memref<8x80xi32, #tpu.memory_space<vmem>> -> memref<1x80xi32, #tpu.memory_space<vmem>>
        %dma_start3A_117 = tpu.memref_squeeze %dma_start3A_116 : memref<1x80xi32, #tpu.memory_space<vmem>> -> memref<80xi32, #tpu.memory_space<vmem>>
        %dma_start3A_118 = arith.constant 0 : i32
        %dma_start3A_119 = arith.constant 0 : i32
        %dma_start3A_120 = tpu.memref_slice %arg5[%dma_start3A_118, %dma_start3A_119] : memref<10000x128xf32, #tpu.memory_space<hbm>> -> memref<10000x128xf32, #tpu.memory_space<hbm>>
        tpu.enqueue_indirect_dma source(%dma_start3A_120 : memref<10000x128xf32, #tpu.memory_space<hbm>>) target(%arg16 : memref<80x128xf32, #tpu.memory_space<vmem>>) offsets(%dma_start3A_117 : memref<80xi32, #tpu.memory_space<vmem>>) semaphore(%arg19 : memref<!tpu.dma_semaphore, #tpu.memory_space<semaphore_mem>>)
        %dma_wait3A_121 = arith.constant 5 : i32
        %dma_wait3A_122 = arith.constant 0 : i32
        %dma_wait3A_123 = tpu.memref_slice %arg13[%dma_wait3A_121, %dma_wait3A_122] : memref<8x80xi32, #tpu.memory_space<vmem>> -> memref<1x80xi32, #tpu.memory_space<vmem>>
        %dma_wait3A_124 = tpu.memref_squeeze %dma_wait3A_123 : memref<1x80xi32, #tpu.memory_space<vmem>> -> memref<80xi32, #tpu.memory_space<vmem>>
        %dma_wait3A_125 = arith.constant 0 : i32
        %dma_wait3A_126 = arith.constant 0 : i32
        %dma_wait3A_127 = tpu.memref_slice %arg7[%dma_wait3A_125, %dma_wait3A_126] : memref<10000x128xf32, #tpu.memory_space<hbm>> -> memref<10000x128xf32, #tpu.memory_space<hbm>>
        tpu.wait_indirect_dma semaphore(%arg20 : memref<!tpu.dma_semaphore, #tpu.memory_space<semaphore_mem>>) src(%dma_wait3A_127 : memref<10000x128xf32, #tpu.memory_space<hbm>>) dst(%arg17 : memref<80x128xf32, #tpu.memory_space<vmem>>)
        %run_scoped3A_128 = arith.constant 5 : i32
        "tpu.region"() ({
          %run_scoped3A_145 = tpu.sem_alloc : memref<!tpu.dma_semaphore, #tpu.memory_space<semaphore_mem>>
          %dma_start3A_146 = arith.constant 0 : i32
          %dma_start3A_147 = tpu.memref_slice %arg14[%run_scoped3A_128, %dma_start3A_146] : memref<8x80xi32, #tpu.memory_space<vmem>> -> memref<1x80xi32, #tpu.memory_space<vmem>>
          %dma_start3A_148 = tpu.memref_squeeze %dma_start3A_147 : memref<1x80xi32, #tpu.memory_space<vmem>> -> memref<80xi32, #tpu.memory_space<vmem>>
          %dma_start3A_149 = arith.constant 0 : i32
          %dma_start3A_150 = arith.constant 0 : i32
          %dma_start3A_151 = tpu.memref_slice %arg12[%dma_start3A_149, %dma_start3A_150] : memref<10112x128xf32, #tpu.memory_space<vmem_shared>> -> memref<10112x128xf32, #tpu.memory_space<vmem_shared>>
          tpu.enqueue_indirect_dma source(%arg17 : memref<80x128xf32, #tpu.memory_space<vmem>>) target(%dma_start3A_151 : memref<10112x128xf32, #tpu.memory_space<vmem_shared>>) offsets(%dma_start3A_148 : memref<80xi32, #tpu.memory_space<vmem>>) semaphore(%run_scoped3A_145 : memref<!tpu.dma_semaphore, #tpu.memory_space<semaphore_mem>>) {add = true}
          %dma_wait3A_152 = arith.constant 0 : i32
          %dma_wait3A_153 = tpu.memref_slice %arg14[%run_scoped3A_128, %dma_wait3A_152] : memref<8x80xi32, #tpu.memory_space<vmem>> -> memref<1x80xi32, #tpu.memory_space<vmem>>
          %dma_wait3A_154 = tpu.memref_squeeze %dma_wait3A_153 : memref<1x80xi32, #tpu.memory_space<vmem>> -> memref<80xi32, #tpu.memory_space<vmem>>
          %dma_wait3A_155 = arith.constant 0 : i32
          %dma_wait3A_156 = arith.constant 0 : i32
          %dma_wait3A_157 = tpu.memref_slice %arg12[%dma_wait3A_155, %dma_wait3A_156] : memref<10112x128xf32, #tpu.memory_space<vmem_shared>> -> memref<10112x128xf32, #tpu.memory_space<vmem_shared>>
          tpu.wait_indirect_dma semaphore(%run_scoped3A_145 : memref<!tpu.dma_semaphore, #tpu.memory_space<semaphore_mem>>) src(%arg17 : memref<80x128xf32, #tpu.memory_space<vmem>>) dst(%dma_wait3A_157 : memref<10112x128xf32, #tpu.memory_space<vmem_shared>>)
          tpu.yield
        }) : () -> ()
        %dma_wait3A_129 = arith.constant 6 : i32
        %dma_wait3A_130 = arith.constant 0 : i32
        %dma_wait3A_131 = tpu.memref_slice %arg13[%dma_wait3A_129, %dma_wait3A_130] : memref<8x80xi32, #tpu.memory_space<vmem>> -> memref<1x80xi32, #tpu.memory_space<vmem>>
        %dma_wait3A_132 = tpu.memref_squeeze %dma_wait3A_131 : memref<1x80xi32, #tpu.memory_space<vmem>> -> memref<80xi32, #tpu.memory_space<vmem>>
        %dma_wait3A_133 = arith.constant 0 : i32
        %dma_wait3A_134 = arith.constant 0 : i32
        %dma_wait3A_135 = tpu.memref_slice %arg3[%dma_wait3A_133, %dma_wait3A_134] : memref<10000x128xf32, #tpu.memory_space<hbm>> -> memref<10000x128xf32, #tpu.memory_space<hbm>>
        tpu.wait_indirect_dma semaphore(%arg18 : memref<!tpu.dma_semaphore, #tpu.memory_space<semaphore_mem>>) src(%dma_wait3A_135 : memref<10000x128xf32, #tpu.memory_space<hbm>>) dst(%arg15 : memref<80x128xf32, #tpu.memory_space<vmem>>)
        %run_scoped3A_136 = arith.constant 6 : i32
        "tpu.region"() ({
          %run_scoped3A_145 = tpu.sem_alloc : memref<!tpu.dma_semaphore, #tpu.memory_space<semaphore_mem>>
          %dma_start3A_146 = arith.constant 0 : i32
          %dma_start3A_147 = tpu.memref_slice %arg14[%run_scoped3A_136, %dma_start3A_146] : memref<8x80xi32, #tpu.memory_space<vmem>> -> memref<1x80xi32, #tpu.memory_space<vmem>>
          %dma_start3A_148 = tpu.memref_squeeze %dma_start3A_147 : memref<1x80xi32, #tpu.memory_space<vmem>> -> memref<80xi32, #tpu.memory_space<vmem>>
          %dma_start3A_149 = arith.constant 0 : i32
          %dma_start3A_150 = arith.constant 0 : i32
          %dma_start3A_151 = tpu.memref_slice %arg12[%dma_start3A_149, %dma_start3A_150] : memref<10112x128xf32, #tpu.memory_space<vmem_shared>> -> memref<10112x128xf32, #tpu.memory_space<vmem_shared>>
          tpu.enqueue_indirect_dma source(%arg15 : memref<80x128xf32, #tpu.memory_space<vmem>>) target(%dma_start3A_151 : memref<10112x128xf32, #tpu.memory_space<vmem_shared>>) offsets(%dma_start3A_148 : memref<80xi32, #tpu.memory_space<vmem>>) semaphore(%run_scoped3A_145 : memref<!tpu.dma_semaphore, #tpu.memory_space<semaphore_mem>>) {add = true}
          %dma_wait3A_152 = arith.constant 0 : i32
          %dma_wait3A_153 = tpu.memref_slice %arg14[%run_scoped3A_136, %dma_wait3A_152] : memref<8x80xi32, #tpu.memory_space<vmem>> -> memref<1x80xi32, #tpu.memory_space<vmem>>
          %dma_wait3A_154 = tpu.memref_squeeze %dma_wait3A_153 : memref<1x80xi32, #tpu.memory_space<vmem>> -> memref<80xi32, #tpu.memory_space<vmem>>
          %dma_wait3A_155 = arith.constant 0 : i32
          %dma_wait3A_156 = arith.constant 0 : i32
          %dma_wait3A_157 = tpu.memref_slice %arg12[%dma_wait3A_155, %dma_wait3A_156] : memref<10112x128xf32, #tpu.memory_space<vmem_shared>> -> memref<10112x128xf32, #tpu.memory_space<vmem_shared>>
          tpu.wait_indirect_dma semaphore(%run_scoped3A_145 : memref<!tpu.dma_semaphore, #tpu.memory_space<semaphore_mem>>) src(%arg15 : memref<80x128xf32, #tpu.memory_space<vmem>>) dst(%dma_wait3A_157 : memref<10112x128xf32, #tpu.memory_space<vmem_shared>>)
          tpu.yield
        }) : () -> ()
        %dma_wait3A_137 = arith.constant 7 : i32
        %dma_wait3A_138 = arith.constant 0 : i32
        %dma_wait3A_139 = tpu.memref_slice %arg13[%dma_wait3A_137, %dma_wait3A_138] : memref<8x80xi32, #tpu.memory_space<vmem>> -> memref<1x80xi32, #tpu.memory_space<vmem>>
        %dma_wait3A_140 = tpu.memref_squeeze %dma_wait3A_139 : memref<1x80xi32, #tpu.memory_space<vmem>> -> memref<80xi32, #tpu.memory_space<vmem>>
        %dma_wait3A_141 = arith.constant 0 : i32
        %dma_wait3A_142 = arith.constant 0 : i32
        %dma_wait3A_143 = tpu.memref_slice %arg5[%dma_wait3A_141, %dma_wait3A_142] : memref<10000x128xf32, #tpu.memory_space<hbm>> -> memref<10000x128xf32, #tpu.memory_space<hbm>>
        tpu.wait_indirect_dma semaphore(%arg19 : memref<!tpu.dma_semaphore, #tpu.memory_space<semaphore_mem>>) src(%dma_wait3A_143 : memref<10000x128xf32, #tpu.memory_space<hbm>>) dst(%arg16 : memref<80x128xf32, #tpu.memory_space<vmem>>)
        %run_scoped3A_144 = arith.constant 7 : i32
        "tpu.region"() ({
          %run_scoped3A_145 = tpu.sem_alloc : memref<!tpu.dma_semaphore, #tpu.memory_space<semaphore_mem>>
          %dma_start3A_146 = arith.constant 0 : i32
          %dma_start3A_147 = tpu.memref_slice %arg14[%run_scoped3A_144, %dma_start3A_146] : memref<8x80xi32, #tpu.memory_space<vmem>> -> memref<1x80xi32, #tpu.memory_space<vmem>>
          %dma_start3A_148 = tpu.memref_squeeze %dma_start3A_147 : memref<1x80xi32, #tpu.memory_space<vmem>> -> memref<80xi32, #tpu.memory_space<vmem>>
          %dma_start3A_149 = arith.constant 0 : i32
          %dma_start3A_150 = arith.constant 0 : i32
          %dma_start3A_151 = tpu.memref_slice %arg12[%dma_start3A_149, %dma_start3A_150] : memref<10112x128xf32, #tpu.memory_space<vmem_shared>> -> memref<10112x128xf32, #tpu.memory_space<vmem_shared>>
          tpu.enqueue_indirect_dma source(%arg16 : memref<80x128xf32, #tpu.memory_space<vmem>>) target(%dma_start3A_151 : memref<10112x128xf32, #tpu.memory_space<vmem_shared>>) offsets(%dma_start3A_148 : memref<80xi32, #tpu.memory_space<vmem>>) semaphore(%run_scoped3A_145 : memref<!tpu.dma_semaphore, #tpu.memory_space<semaphore_mem>>) {add = true}
          %dma_wait3A_152 = arith.constant 0 : i32
          %dma_wait3A_153 = tpu.memref_slice %arg14[%run_scoped3A_144, %dma_wait3A_152] : memref<8x80xi32, #tpu.memory_space<vmem>> -> memref<1x80xi32, #tpu.memory_space<vmem>>
          %dma_wait3A_154 = tpu.memref_squeeze %dma_wait3A_153 : memref<1x80xi32, #tpu.memory_space<vmem>> -> memref<80xi32, #tpu.memory_space<vmem>>
          %dma_wait3A_155 = arith.constant 0 : i32
          %dma_wait3A_156 = arith.constant 0 : i32
          %dma_wait3A_157 = tpu.memref_slice %arg12[%dma_wait3A_155, %dma_wait3A_156] : memref<10112x128xf32, #tpu.memory_space<vmem_shared>> -> memref<10112x128xf32, #tpu.memory_space<vmem_shared>>
          tpu.wait_indirect_dma semaphore(%run_scoped3A_145 : memref<!tpu.dma_semaphore, #tpu.memory_space<semaphore_mem>>) src(%arg16 : memref<80x128xf32, #tpu.memory_space<vmem>>) dst(%dma_wait3A_157 : memref<10112x128xf32, #tpu.memory_space<vmem_shared>>)
          tpu.yield
        }) : () -> ()
      }
      %scan3A_23 = arith.constant 11 : i32
    } else {
    }
    %barrier3A_14 = arith.constant 0 : index
    tpu.barrier barrier_id(%barrier3A_14)
    %mul3A_15 = arith.constant 632 : i32
    %mul3A_16 = arith.muli %arg1, %mul3A_15 : i32
    %mul3A_17 = arith.constant 632 : i32
    %mul3A_18 = arith.muli %arg1, %mul3A_17 : i32
    "tpu.region"() ({
      %run_scoped3A = tpu.sem_alloc : memref<!tpu.dma_semaphore, #tpu.memory_space<semaphore_mem>>
      %dma_start3A = arith.constant 0 : i32
      %dma_start3A_19 = tpu.memref_slice %arg11[%arg0, %mul3A_18, %dma_start3A] : memref<2x10112x128xf32, #tpu.memory_space<hbm>> -> memref<1x632x128xf32, #tpu.memory_space<hbm>>
      %dma_start3A_20 = tpu.memref_squeeze %dma_start3A_19 : memref<1x632x128xf32, #tpu.memory_space<hbm>> -> memref<632x128xf32, #tpu.memory_space<hbm>>
      %dma_start3A_21 = arith.constant 0 : i32
      %dma_start3A_22 = tpu.memref_slice %arg12[%mul3A_16, %dma_start3A_21] : memref<10112x128xf32, #tpu.memory_space<vmem_shared>> -> memref<632x128xf32, #tpu.memory_space<vmem_shared>>
      tpu.enqueue_dma source(%dma_start3A_22 : memref<632x128xf32, #tpu.memory_space<vmem_shared>>) target(%dma_start3A_20 : memref<632x128xf32, #tpu.memory_space<hbm>>) target_semaphore(%run_scoped3A : memref<!tpu.dma_semaphore, #tpu.memory_space<semaphore_mem>>)
      %dma_wait3A = arith.constant 0 : i32
      %dma_wait3A_23 = tpu.memref_slice %arg11[%arg0, %mul3A_18, %dma_wait3A] : memref<2x10112x128xf32, #tpu.memory_space<hbm>> -> memref<1x632x128xf32, #tpu.memory_space<hbm>>
      %dma_wait3A_24 = tpu.memref_squeeze %dma_wait3A_23 : memref<1x632x128xf32, #tpu.memory_space<hbm>> -> memref<632x128xf32, #tpu.memory_space<hbm>>
      %dma_wait3A_25 = arith.constant 0 : i32
      %dma_wait3A_26 = tpu.memref_slice %arg12[%mul3A_16, %dma_wait3A_25] : memref<10112x128xf32, #tpu.memory_space<vmem_shared>> -> memref<632x128xf32, #tpu.memory_space<vmem_shared>>
      tpu.wait_dma2 semaphore(%run_scoped3A : memref<!tpu.dma_semaphore, #tpu.memory_space<semaphore_mem>>) src(%dma_wait3A_26 : memref<632x128xf32, #tpu.memory_space<vmem_shared>>) dst(%dma_wait3A_24 : memref<632x128xf32, #tpu.memory_space<hbm>>)
      tpu.yield
    }) : () -> ()
    return
  }
}

module attributes {stable_mosaic.version = 14 : i64} {
  func.func @_tc_layer_body(%arg0: i32, %arg1: memref<2x1000x128xf32, #tpu.memory_space<vmem>>, %arg2: memref<2x1000x128xf32, #tpu.memory_space<vmem>>, %arg3: memref<1000x128xf32, #tpu.memory_space<vmem>>, %arg4: memref<128x128xf32, #tpu.memory_space<vmem>>, %arg5: memref<128x128xf32, #tpu.memory_space<vmem>>, %arg6: memref<1x128xf32, #tpu.memory_space<vmem>>, %arg7: memref<1000x128xf32, #tpu.memory_space<vmem>>) attributes {dimension_semantics = [#tpu.dimension_semantics<arbitrary>], iteration_bounds = array<i64: 10>, scalar_prefetch = 0 : i64, scratch_operands = 0 : i64, tpu.core_type = #tpu.core_type<tc>, window_params = [{transform_indices = @transform_0, window_bounds = array<i64: 2, 1000, 128>}, {transform_indices = @transform_1, window_bounds = array<i64: 2, 1000, 128>}, {transform_indices = @transform_2, window_bounds = array<i64: 1000, 128>}, {pipeline_mode = #tpu.pipeline_mode<synchronous>, transform_indices = @transform_3, window_bounds = array<i64: 128, 128>}, {pipeline_mode = #tpu.pipeline_mode<synchronous>, transform_indices = @transform_4, window_bounds = array<i64: 128, 128>}, {pipeline_mode = #tpu.pipeline_mode<synchronous>, transform_indices = @transform_5, window_bounds = array<i64: 1, 128>}, {transform_indices = @transform_6, window_bounds = array<i64: 1000, 128>}]} {
    %get3A = arith.constant 0 : index
    %get3A_0 = arith.constant 0 : index
    %get3A_1 = arith.constant 0 : index
    %get3A_2 = vector.load %arg1[%get3A, %get3A_0, %get3A_1] : memref<2x1000x128xf32, #tpu.memory_space<vmem>>, vector<1x1000x128xf32>
    %get3A_3 = vector.shape_cast %get3A_2 : vector<1x1000x128xf32> to vector<1000x128xf32>
    %get3A_4 = arith.constant 1 : index
    %get3A_5 = arith.constant 0 : index
    %get3A_6 = arith.constant 0 : index
    %get3A_7 = vector.load %arg1[%get3A_4, %get3A_5, %get3A_6] : memref<2x1000x128xf32, #tpu.memory_space<vmem>>, vector<1x1000x128xf32>
    %get3A_8 = vector.shape_cast %get3A_7 : vector<1x1000x128xf32> to vector<1000x128xf32>
    %add3A = arith.addf %get3A_3, %get3A_8 : vector<1000x128xf32>
    %get3A_9 = arith.constant 0 : index
    %get3A_10 = arith.constant 0 : index
    %get3A_11 = arith.constant 0 : index
    %get3A_12 = vector.load %arg2[%get3A_9, %get3A_10, %get3A_11] : memref<2x1000x128xf32, #tpu.memory_space<vmem>>, vector<1x1000x128xf32>
    %get3A_13 = vector.shape_cast %get3A_12 : vector<1x1000x128xf32> to vector<1000x128xf32>
    %get3A_14 = arith.constant 1 : index
    %get3A_15 = arith.constant 0 : index
    %get3A_16 = arith.constant 0 : index
    %get3A_17 = vector.load %arg2[%get3A_14, %get3A_15, %get3A_16] : memref<2x1000x128xf32, #tpu.memory_space<vmem>>, vector<1x1000x128xf32>
    %get3A_18 = vector.shape_cast %get3A_17 : vector<1x1000x128xf32> to vector<1000x128xf32>
    %add3A_19 = arith.addf %get3A_13, %get3A_18 : vector<1000x128xf32>
    %slice3A = vector.extract_strided_slice %add3A_19 {offsets = [0, 0], sizes = [1000, 1], strides = [1, 1]} : vector<1000x128xf32> to vector<1000x1xf32>
    %max3A = arith.constant 1.000000e+00 : f32
    %max3A_20 = vector.broadcast %max3A : f32 to vector<1000x1xf32>
    %max3A_21 = arith.maximumf %slice3A, %max3A_20 : vector<1000x1xf32>
    %div3A = vector.broadcast %max3A_21 : vector<1000x1xf32> to vector<1000x128xf32>
    %div3A_22 = arith.divf %add3A, %div3A : vector<1000x128xf32>
    %get3A_23 = arith.constant 0 : index
    %get3A_24 = arith.constant 0 : index
    %get3A_25 = vector.load %arg4[%get3A_23, %get3A_24] : memref<128x128xf32, #tpu.memory_space<vmem>>, vector<128x128xf32>
    %dot_general3A = arith.constant dense<0.000000e+00> : vector<1000x128xf32>
    %dot_general3A_26 = tpu.matmul %div3A_22, %get3A_25, %dot_general3A {dimension_numbers = #tpu.dot_dimension_numbers<[1], [0], [0], [1], [0, 0, 1, 1], [], []>, transpose_lhs_hint = false} : vector<1000x128xf32>, vector<128x128xf32>, vector<1000x128xf32> -> vector<1000x128xf32>
    %get3A_27 = arith.constant 0 : index
    %get3A_28 = arith.constant 0 : index
    %get3A_29 = vector.load %arg3[%get3A_27, %get3A_28] : memref<1000x128xf32, #tpu.memory_space<vmem>>, vector<1000x128xf32>
    %get3A_30 = arith.constant 0 : index
    %get3A_31 = arith.constant 0 : index
    %get3A_32 = vector.load %arg5[%get3A_30, %get3A_31] : memref<128x128xf32, #tpu.memory_space<vmem>>, vector<128x128xf32>
    %dot_general3A_33 = arith.constant dense<0.000000e+00> : vector<1000x128xf32>
    %dot_general3A_34 = tpu.matmul %get3A_29, %get3A_32, %dot_general3A_33 {dimension_numbers = #tpu.dot_dimension_numbers<[1], [0], [0], [1], [0, 0, 1, 1], [], []>, transpose_lhs_hint = false} : vector<1000x128xf32>, vector<128x128xf32>, vector<1000x128xf32> -> vector<1000x128xf32>
    %add3A_35 = arith.addf %dot_general3A_26, %dot_general3A_34 : vector<1000x128xf32>
    %get3A_36 = arith.constant 0 : index
    %get3A_37 = arith.constant 0 : index
    %get3A_38 = vector.load %arg6[%get3A_36, %get3A_37] : memref<1x128xf32, #tpu.memory_space<vmem>>, vector<1x128xf32>
    %add3A_39 = vector.broadcast %get3A_38 : vector<1x128xf32> to vector<1000x128xf32>
    %add3A_40 = arith.addf %add3A_35, %add3A_39 : vector<1000x128xf32>
    %max3A_41 = arith.constant 0.000000e+00 : f32
    %max3A_42 = vector.broadcast %max3A_41 : f32 to vector<1000x128xf32>
    %max3A_43 = arith.maximumf %add3A_40, %max3A_42 : vector<1000x128xf32>
    %swap3A = arith.constant 0 : index
    %swap3A_44 = arith.constant 0 : index
    %swap3A_45 = vector.load %arg7[%swap3A, %swap3A_44] : memref<1000x128xf32, #tpu.memory_space<vmem>>, vector<1000x128xf32>
    tpu.vector_store %arg7[%swap3A, %swap3A_44], %max3A_43 {strides = array<i32>} : memref<1000x128xf32, #tpu.memory_space<vmem>>, vector<1000x128xf32>,
    return
  }
  func.func @transform_0(%arg0: i32) -> (i32, i32, i32) {
    %c0_i32 = arith.constant 0 : i32
    %c0_i32_0 = arith.constant 0 : i32
    %c0_i32_1 = arith.constant 0 : i32
    return %c0_i32, %arg0, %c0_i32_0 : i32, i32, i32
  }
  func.func @transform_1(%arg0: i32) -> (i32, i32, i32) {
    %c0_i32 = arith.constant 0 : i32
    %c0_i32_0 = arith.constant 0 : i32
    %c0_i32_1 = arith.constant 0 : i32
    return %c0_i32, %arg0, %c0_i32_0 : i32, i32, i32
  }
  func.func @transform_2(%arg0: i32) -> (i32, i32) {
    %c0_i32 = arith.constant 0 : i32
    %c0_i32_0 = arith.constant 0 : i32
    return %arg0, %c0_i32 : i32, i32
  }
  func.func @transform_3(%arg0: i32) -> (i32, i32) {
    %c0_i32 = arith.constant 0 : i32
    %c0_i32_0 = arith.constant 0 : i32
    %c0_i32_1 = arith.constant 0 : i32
    return %c0_i32, %c0_i32_0 : i32, i32
  }
  func.func @transform_4(%arg0: i32) -> (i32, i32) {
    %c0_i32 = arith.constant 0 : i32
    %c0_i32_0 = arith.constant 0 : i32
    %c0_i32_1 = arith.constant 0 : i32
    return %c0_i32, %c0_i32_0 : i32, i32
  }
  func.func @transform_5(%arg0: i32) -> (i32, i32) {
    %c0_i32 = arith.constant 0 : i32
    %c0_i32_0 = arith.constant 0 : i32
    %c0_i32_1 = arith.constant 0 : i32
    return %c0_i32, %c0_i32_0 : i32, i32
  }
  func.func @transform_6(%arg0: i32) -> (i32, i32) {
    %c0_i32 = arith.constant 0 : i32
    %c0_i32_0 = arith.constant 0 : i32
    return %arg0, %c0_i32 : i32, i32
  }
}

module attributes {stable_mosaic.version = 14 : i64} {
  func.func @_tc_layer_body(%arg0: i32, %arg1: memref<2x1000x128xf32, #tpu.memory_space<vmem>>, %arg2: memref<2x1000x128xf32, #tpu.memory_space<vmem>>, %arg3: memref<1000x128xf32, #tpu.memory_space<vmem>>, %arg4: memref<128x128xf32, #tpu.memory_space<vmem>>, %arg5: memref<128x128xf32, #tpu.memory_space<vmem>>, %arg6: memref<1x128xf32, #tpu.memory_space<vmem>>, %arg7: memref<1000x128xf32, #tpu.memory_space<vmem>>) attributes {dimension_semantics = [#tpu.dimension_semantics<arbitrary>], iteration_bounds = array<i64: 10>, scalar_prefetch = 0 : i64, scratch_operands = 0 : i64, tpu.core_type = #tpu.core_type<tc>, window_params = [{transform_indices = @transform_0, window_bounds = array<i64: 2, 1000, 128>}, {transform_indices = @transform_1, window_bounds = array<i64: 2, 1000, 128>}, {transform_indices = @transform_2, window_bounds = array<i64: 1000, 128>}, {pipeline_mode = #tpu.pipeline_mode<synchronous>, transform_indices = @transform_3, window_bounds = array<i64: 128, 128>}, {pipeline_mode = #tpu.pipeline_mode<synchronous>, transform_indices = @transform_4, window_bounds = array<i64: 128, 128>}, {pipeline_mode = #tpu.pipeline_mode<synchronous>, transform_indices = @transform_5, window_bounds = array<i64: 1, 128>}, {transform_indices = @transform_6, window_bounds = array<i64: 1000, 128>}]} {
    %get3A = arith.constant 0 : index
    %get3A_0 = arith.constant 0 : index
    %get3A_1 = arith.constant 0 : index
    %get3A_2 = vector.load %arg1[%get3A, %get3A_0, %get3A_1] : memref<2x1000x128xf32, #tpu.memory_space<vmem>>, vector<1x1000x128xf32>
    %get3A_3 = vector.shape_cast %get3A_2 : vector<1x1000x128xf32> to vector<1000x128xf32>
    %get3A_4 = arith.constant 1 : index
    %get3A_5 = arith.constant 0 : index
    %get3A_6 = arith.constant 0 : index
    %get3A_7 = vector.load %arg1[%get3A_4, %get3A_5, %get3A_6] : memref<2x1000x128xf32, #tpu.memory_space<vmem>>, vector<1x1000x128xf32>
    %get3A_8 = vector.shape_cast %get3A_7 : vector<1x1000x128xf32> to vector<1000x128xf32>
    %add3A = arith.addf %get3A_3, %get3A_8 : vector<1000x128xf32>
    %get3A_9 = arith.constant 0 : index
    %get3A_10 = arith.constant 0 : index
    %get3A_11 = arith.constant 0 : index
    %get3A_12 = vector.load %arg2[%get3A_9, %get3A_10, %get3A_11] : memref<2x1000x128xf32, #tpu.memory_space<vmem>>, vector<1x1000x128xf32>
    %get3A_13 = vector.shape_cast %get3A_12 : vector<1x1000x128xf32> to vector<1000x128xf32>
    %get3A_14 = arith.constant 1 : index
    %get3A_15 = arith.constant 0 : index
    %get3A_16 = arith.constant 0 : index
    %get3A_17 = vector.load %arg2[%get3A_14, %get3A_15, %get3A_16] : memref<2x1000x128xf32, #tpu.memory_space<vmem>>, vector<1x1000x128xf32>
    %get3A_18 = vector.shape_cast %get3A_17 : vector<1x1000x128xf32> to vector<1000x128xf32>
    %add3A_19 = arith.addf %get3A_13, %get3A_18 : vector<1000x128xf32>
    %slice3A = vector.extract_strided_slice %add3A_19 {offsets = [0, 0], sizes = [1000, 1], strides = [1, 1]} : vector<1000x128xf32> to vector<1000x1xf32>
    %max3A = arith.constant 1.000000e+00 : f32
    %max3A_20 = vector.broadcast %max3A : f32 to vector<1000x1xf32>
    %max3A_21 = arith.maximumf %slice3A, %max3A_20 : vector<1000x1xf32>
    %div3A = vector.broadcast %max3A_21 : vector<1000x1xf32> to vector<1000x128xf32>
    %div3A_22 = arith.divf %add3A, %div3A : vector<1000x128xf32>
    %get3A_23 = arith.constant 0 : index
    %get3A_24 = arith.constant 0 : index
    %get3A_25 = vector.load %arg4[%get3A_23, %get3A_24] : memref<128x128xf32, #tpu.memory_space<vmem>>, vector<128x128xf32>
    %dot_general3A = arith.constant dense<0.000000e+00> : vector<1000x128xf32>
    %dot_general3A_26 = tpu.matmul %div3A_22, %get3A_25, %dot_general3A {dimension_numbers = #tpu.dot_dimension_numbers<[1], [0], [0], [1], [0, 0, 1, 1], [], []>, transpose_lhs_hint = false} : vector<1000x128xf32>, vector<128x128xf32>, vector<1000x128xf32> -> vector<1000x128xf32>
    %get3A_27 = arith.constant 0 : index
    %get3A_28 = arith.constant 0 : index
    %get3A_29 = vector.load %arg3[%get3A_27, %get3A_28] : memref<1000x128xf32, #tpu.memory_space<vmem>>, vector<1000x128xf32>
    %get3A_30 = arith.constant 0 : index
    %get3A_31 = arith.constant 0 : index
    %get3A_32 = vector.load %arg5[%get3A_30, %get3A_31] : memref<128x128xf32, #tpu.memory_space<vmem>>, vector<128x128xf32>
    %dot_general3A_33 = arith.constant dense<0.000000e+00> : vector<1000x128xf32>
    %dot_general3A_34 = tpu.matmul %get3A_29, %get3A_32, %dot_general3A_33 {dimension_numbers = #tpu.dot_dimension_numbers<[1], [0], [0], [1], [0, 0, 1, 1], [], []>, transpose_lhs_hint = false} : vector<1000x128xf32>, vector<128x128xf32>, vector<1000x128xf32> -> vector<1000x128xf32>
    %add3A_35 = arith.addf %dot_general3A_26, %dot_general3A_34 : vector<1000x128xf32>
    %get3A_36 = arith.constant 0 : index
    %get3A_37 = arith.constant 0 : index
    %get3A_38 = vector.load %arg6[%get3A_36, %get3A_37] : memref<1x128xf32, #tpu.memory_space<vmem>>, vector<1x128xf32>
    %add3A_39 = vector.broadcast %get3A_38 : vector<1x128xf32> to vector<1000x128xf32>
    %add3A_40 = arith.addf %add3A_35, %add3A_39 : vector<1000x128xf32>
    %swap3A = arith.constant 0 : index
    %swap3A_41 = arith.constant 0 : index
    %swap3A_42 = vector.load %arg7[%swap3A, %swap3A_41] : memref<1000x128xf32, #tpu.memory_space<vmem>>, vector<1000x128xf32>
    tpu.vector_store %arg7[%swap3A, %swap3A_41], %add3A_40 {strides = array<i32>} : memref<1000x128xf32, #tpu.memory_space<vmem>>, vector<1000x128xf32>,
    return
  }
  func.func @transform_0(%arg0: i32) -> (i32, i32, i32) {
    %c0_i32 = arith.constant 0 : i32
    %c0_i32_0 = arith.constant 0 : i32
    %c0_i32_1 = arith.constant 0 : i32
    return %c0_i32, %arg0, %c0_i32_0 : i32, i32, i32
  }
  func.func @transform_1(%arg0: i32) -> (i32, i32, i32) {
    %c0_i32 = arith.constant 0 : i32
    %c0_i32_0 = arith.constant 0 : i32
    %c0_i32_1 = arith.constant 0 : i32
    return %c0_i32, %arg0, %c0_i32_0 : i32, i32, i32
  }
  func.func @transform_2(%arg0: i32) -> (i32, i32) {
    %c0_i32 = arith.constant 0 : i32
    %c0_i32_0 = arith.constant 0 : i32
    return %arg0, %c0_i32 : i32, i32
  }
  func.func @transform_3(%arg0: i32) -> (i32, i32) {
    %c0_i32 = arith.constant 0 : i32
    %c0_i32_0 = arith.constant 0 : i32
    %c0_i32_1 = arith.constant 0 : i32
    return %c0_i32, %c0_i32_0 : i32, i32
  }
  func.func @transform_4(%arg0: i32) -> (i32, i32) {
    %c0_i32 = arith.constant 0 : i32
    %c0_i32_0 = arith.constant 0 : i32
    %c0_i32_1 = arith.constant 0 : i32
    return %c0_i32, %c0_i32_0 : i32, i32
  }
  func.func @transform_5(%arg0: i32) -> (i32, i32) {
    %c0_i32 = arith.constant 0 : i32
    %c0_i32_0 = arith.constant 0 : i32
    %c0_i32_1 = arith.constant 0 : i32
    return %c0_i32, %c0_i32_0 : i32, i32
  }
  func.func @transform_6(%arg0: i32) -> (i32, i32) {
    %c0_i32 = arith.constant 0 : i32
    %c0_i32_0 = arith.constant 0 : i32
    return %arg0, %c0_i32 : i32, i32
  }
}

</mosaic_0001>

<sc_bundles>
// kernel: kernel.10.cloned.1.call-start
scs
__scs_entry_jumppad:
0x0: {  	(pc) =	sbr.rel $0x88, $3  }
0x1: {  	(tag) =	ssettag $0x0;
	lr =	simm.s32 $0x1  }
0x2: {  	[smem:$0x3F99] =	sst lr;
	_ =	strace $0xD0000000  }
0x3: {  	_ = 	snop  }
0x4: {  	_ = 	snop  }
0x5: {  	_ = 	snop  }
0x6: {  	_ = 	snop  }
0x7: {  	_ = 	snop  }
__scs_overlays_trampoline_lowered:
0x8: {  	[smem:$0x3FA8] =	sst s0  }
0x9: {  	[smem:$0x3FA9] =	sst s1  }
0xa: {  	[smem:$0x3FAA] =	sst s2  }
0xb: {  	[smem:$0x3FAB] =	sst s3  }
0xc: {  	[smem:$0x3FAC] =	sst s4  }
0xd: {  	[smem:$0x3FAD] =	sst s5  }
0xe: {  	[smem:$0x3FAE] =	sst s6  }
0xf: {  	[smem:$0x3FAF] =	sst s7  }
0x10: {  	[smem:$0x3FB0] =	sst s8  }
0x11: {  	[smem:$0x3FB1] =	sst s9;
	s0 =	simm.s32 @!p0 $0x0  }
0x12: {  	s1 =	sld [smem:$0x3F97];
	s0 =	simm.s32 @p0 $0x1  }
0x13: {  	[smem:$0x3FB2] =	sst s0;
	s0 =	simm.s32 @!p1 $0x0  }
0x14: {  	s2 =	sld [smem:$0x3F96];
	s0 =	simm.s32 @p1 $0x1  }
0x15: {  	[smem:$0x3FB3] =	sst s0;
	s0 =	simm.s32 @!p2 $0x0  }
0x16: {  	s3 =	sld [smem:$0x3FDB];
	s0 =	simm.s32 @p2 $0x1  }
0x17: {  	s4 =	simm.s32 $0x1BF5;
	[smem:$0x3FB5] =	sst s0  }
0x18: {  	s0 =	sld [smem:$0x3F98];
	_ =	swait.ge [sflag:s4], $0x0  }
0x19: {  	s7 =	sld [smem:$0x3F99]  }
0x1a: {  	s8 =	sadd.s32 $0xFFFFE003, lr  }
0x1b: {  	s9 =	sadd.s32 $0xFFFFFEF7, lr;
	s5 =	simm.s32 $0xFFFFFFFF;
	p2 =	slt.u32 s8, $0xFFFFF086  }
0x1c: {  	p1 =	slt.u32 s9, $0xF7A;
	s5 =	simm.s32 @!p2 $0x0  }
0x1d: {  	s5 =	simm.s32 @p1 $0x1;
	p0 =	seq.s32 s7, s2  }
0x1e: {  	s7 =	smul.u32 @!p0 $0xF7A, s2;
	p2 =	seq.s32 @!p0 s5, $0x0  }
0x1f: {  	s9 =	smul.u32 $0xF7A, s1;
	s8 =	simm.s32 @!p0 $0x1BF5;
	p2 =	por !p2, p0  }
0x20: {  	[sflag:s8] =	ssyncset.s32 @!p0 $0xFFFFF086;
	s6 =	sadd.s32 @!p0 s3, s7;
	s7 =	simm.s32 @!p0 $0x108  }
0x21: {  	s3 =	sadd.s32 s3, s9;
	s6 =	sadd.s32 @!p0 $0x88, s6;
	s7 =	simm.s32 @p2 $0x1082  }
0x22: {  	[simem:s7], [sflag:s8] =	dma.local @!p0 [hbm:s6], $0xF7A  }
0x23: {  	s9 =	sor.u32 $0xD0000000, s2;
	s6 =	simm.s32 $0x108;
	_ =	swait.ge @!p0 [sflag:s8], $0x0  }
0x24: {  	s3 =	sadd.s32 $0x88, s3;
	s6 =	simm.s32 @!p1 $0x1082;
	[sflag:s4] =	ssyncset.s32 $0xFFFFF086  }
0x25: {  	[simem:s6], [sflag:s4] =	dma.local [hbm:s3], $0xF7A  }
0x26: {  	[smem:$0x3F99] =	sst s1;
	(tag) =	ssettag s2;
	_ =	strace s9  }
0x27: {  	s1 =	sld [smem:$0x3FA9]  }
0x28: {  	s2 =	sld [smem:$0x3FAA]  }
0x29: {  	s4 =	sld [smem:$0x3FAC]  }
0x2a: {  	p0 =	seq.s32 s5, $0x0;
	s5 =	sld [smem:$0x3FAD]  }
0x2b: {  	s6 =	sld [smem:$0x3FAE]  }
0x2c: {  	s7 =	sld [smem:$0x3FAF]  }
0x2d: {  	s3 =	simm.s32 $0x108;
	s8 =	sld [smem:$0x3FB0]  }
0x2e: {  	s3 =	simm.s32 @!p0 $0x1082;
	s9 =	sld [smem:$0x3FB1]  }
0x2f: {  	lr =	sadd.s32 s0, s3;
	s0 =	sld [smem:$0x3FA8]  }
0x30: {  	s3 =	sld [smem:$0x3FAB]  }
0x31: {  	[smem:$0x3FB4] =	sst s10  }
0x32: {  	s10 =	sld [smem:$0x3FB2];
	_ =	sdelay $0x3  }
0x33: {  	p0 =	seq.s32 s10, $0x1;
	s10 =	sld [smem:$0x3FB4];
	_ =	sdelay $0x3  }
0x34: {  	[smem:$0x3FB4] =	sst s10  }
0x35: {  	s10 =	sld [smem:$0x3FB3];
	_ =	sdelay $0x3  }
0x36: {  	p1 =	seq.s32 s10, $0x1;
	s10 =	sld [smem:$0x3FB4];
	_ =	sdelay $0x3  }
0x37: {  	[smem:$0x3FB4] =	sst s10  }
0x38: {  	s10 =	sld [smem:$0x3FB5]  }
0x39: {  	_ = 	snop;
	(pc) =	sbr.ind lr, $3  }
0x3a: {  	_ = 	snop  }
0x3b: {  	_ = 	snop  }
0x3c: {  	p2 =	seq.s32 s10, $0x1;
	s10 =	sld [smem:$0x3FB4]  }
0x3d: {  	_ =	shalt  }
0x3e: {  	_ =	shalt  }
0x3f: {  	_ =	shalt  }
0x40: {  	_ =	shalt  }
0x41: {  	_ =	shalt  }
0x42: {  	_ =	shalt  }
0x43: {  	_ =	shalt  }
0x44: {  	_ =	shalt  }
0x45: {  	_ =	shalt  }
0x46: {  	_ =	shalt  }
0x47: {  	_ =	shalt  }
0x48: {  	_ =	shalt  }
0x49: {  	_ =	shalt  }
0x4a: {  	_ =	shalt  }
0x4b: {  	_ =	shalt  }
0x4c: {  	_ =	shalt  }
0x4d: {  	_ =	shalt  }
0x4e: {  	_ =	shalt  }
0x4f: {  	_ =	shalt  }
0x50: {  	_ =	shalt  }
0x51: {  	_ =	shalt  }
0x52: {  	_ =	shalt  }
0x53: {  	_ =	shalt  }
0x54: {  	_ =	shalt  }
0x55: {  	_ =	shalt  }
0x56: {  	_ =	shalt  }
0x57: {  	_ =	shalt  }
0x58: {  	_ =	shalt  }
0x59: {  	_ =	shalt  }
0x5a: {  	_ =	shalt  }
0x5b: {  	_ =	shalt  }
0x5c: {  	_ =	shalt  }
0x5d: {  	_ =	shalt  }
0x5e: {  	_ =	shalt  }
0x5f: {  	_ =	shalt  }
0x60: {  	_ =	shalt  }
0x61: {  	_ =	shalt  }
0x62: {  	_ =	shalt  }
0x63: {  	_ =	shalt  }
0x64: {  	_ =	shalt  }
0x65: {  	_ =	shalt  }
0x66: {  	_ =	shalt  }
0x67: {  	_ =	shalt  }
0x68: {  	_ =	shalt  }
0x69: {  	_ =	shalt  }
0x6a: {  	_ =	shalt  }
0x6b: {  	_ =	shalt  }
0x6c: {  	_ =	shalt  }
0x6d: {  	_ =	shalt  }
0x6e: {  	_ =	shalt  }
0x6f: {  	_ =	shalt  }
0x70: {  	_ =	shalt  }
0x71: {  	_ =	shalt  }
0x72: {  	_ =	shalt  }
0x73: {  	_ =	shalt  }
0x74: {  	_ =	shalt  }
0x75: {  	_ =	shalt  }
0x76: {  	_ =	shalt  }
0x77: {  	_ =	shalt  }
0x78: {  	_ =	shalt  }
0x79: {  	_ =	shalt  }
0x7a: {  	_ =	shalt  }
0x7b: {  	_ =	shalt  }
0x7c: {  	_ =	shalt  }
0x7d: {  	_ =	shalt  }
0x7e: {  	_ =	shalt  }
0x7f: {  	_ =	shalt  }
0x80: {  	_ =	shalt  }
0x81: {  	_ =	shalt  }
0x82: {  	_ =	shalt  }
0x83: {  	_ =	shalt  }
0x84: {  	_ =	shalt  }
0x85: {  	_ =	shalt  }
0x86: {  	_ =	shalt  }
0x87: {  	_ =	shalt  }
.Lfunc_end0:
.L_simem_size_0:
called_computation.1_lowered:
.L_overlay_start_0:
0x88: {  	s2 =	sld [smem:$0x3FD9]  }
0x89: {  	s3 =	sld [smem:$0x3FFE];
	_ =	sdelay $0x1  }
0x8a: {  	s1 =	srdreg.scid  }
0x8b: {  	s0 =	sand.u32 $0x1, s1  }
0x8c: {  	s17 =	sshll.u32 s0, $0xA;
	s2 =	sadd.s32 s3, s2  }
0x8d: {  	s2 =	sadd.s32 s2, s17  }
0x8e: {  	[smem:$0x3FC0] =	sst s2  }
0x8f: {  	_ = 	snop  }
0x90: {  	s4 =	sld [smem:$0x3FC9]  }
0x91: {  	s18 =	sld [smem:$0x3FD0];
	(tm) =	ssettm $0x1  }
0x92: {  	s19 =	sld [smem:$0x3FFB];
	_ =	sdelay $0x3  }
0x93: {  	_ =	strace s19  }
0x94: {  	s2 =	sld [smem:$0x3FFC];
	_ =	sdelay $0x3  }
0x95: {  	_ =	strace s2  }
0x96: {  	s2 =	sld [smem:$0x3FFD];
	_ =	sdelay $0x3  }
0x97: {  	_ =	strace s2  }
0x98: {  	_ =	strace $0x8FFFFFFF  }
0x99: {  	s20 =	sld [smem:$0x3FDB];
	_ =	sdelay $0x1  }
0x9a: {  	s5 =	simm.s32 $_scs_section_size  }
0x9b: {  	s6 =	simm.s32 $_size__tile_overlayer_lowered;
	s7 =	simm.s32 $_tile_overlayer_lowered  }
0x9c: {  	s8 =	simm.s32 $0x1BFF;
	s21 =	sshll.u32 s7, $0x1;
	s5 =	sadd.s32 s5, s20  }
0x9d: {  	s22 =	simm.s32 $0x0;
	s6 =	sshll.u32 s6, $0x1;
	s7 =	sadd.s32 s21, s5  }
0x9e: {  	[timem:s22], [sflag:s8] =	dma.local [hbm:s7], s6  }
0x9f: {  	_ =	swait.ge [sflag:s8], s6  }
0xa0: {  	s6 =	ssub.s32 $0x0, s6;
	[sflag:s8] =	ssyncset.done $0x0  }
0xa1: {  	[sflag:s8] =	ssyncadd.s32 s6;
	_ =	sdelay $0x1  }
0xa2: {  	s23 =	simm.s32 $0x1B8B  }
0xa3: {  	_ =	swait.ge [sflag:s23], $0x1  }
0xa4: {  	[sflag:s23] =	ssyncset.done $0x0  }
0xa5: {  	[sflag:s23] =	ssyncadd.s32 $0xFFFFFFFF  }
0xa6: {  	s6 =	sld [smem:$0x0]  }
0xa7: {  	s7 =	sand.u32 $0xFFFFFFFE, s1  }
0xa8: {  	p0 =	sne.s32 s1, s7  }
0xa9: {  	s7 =	sshll.u32 @p0 s7, $0xE  }
0xaa: {  	s7 =	sadd.s32 @p0 $0x11B8D, s7;
	s8 =	sshll.u32 @p0 s6, $0x11  }
0xab: {  	s7 =	sor.u32 @p0 s8, s7  }
0xac: {  	[sflag:s7] =	ssyncadd.remote.s32 @p0 $0x1;
	_ =	sdelay $0x1  }
0xad: {  	s7 =	simm.s32 @p0 $0x1B8D  }
0xae: {  	_ =	swait.eq @p0 [sflag:s7], $0x1  }
0xaf: {  	[sflag:s7] =	ssyncadd.s32 @p0 $0xFFFFFFFF  }
0xb0: {  	s8 =	sshll.u32 @!p0 s1, $0xE  }
0xb1: {  	s8 =	sor.u32 @!p0 $0x4000, s8;
	s7 =	simm.s32 @!p0 $0x1B8D  }
0xb2: {  	s6 =	sshll.u32 @!p0 s6, $0x11;
	s8 =	sadd.s32 @!p0 $0x11B8D, s8;
	_ =	swait.eq @!p0 [sflag:s7], $0x1  }
0xb3: {  	s6 =	sor.u32 @!p0 s6, s8;
	[sflag:s7] =	ssyncadd.s32 @!p0 $0xFFFFFFFF  }
0xb4: {  	s25 =	simm.s32 $0x1B8E;
	s24 =	sld [smem:$0x3FFE];
	[sflag:s6] =	ssyncadd.remote.s32 @!p0 $0x1  }
0xb5: {  	s26 =	simm.s32 $execute0_lowered;
	[smem:$0x3FD2] =	sst s25  }
0xb6: {  	s7 =	sshll.u32 s26, $0x1;
	_ =	strace $0x80000049;
	[dreg:$0x1] =	wrdreg $0xFFFFFFFF  }
0xb7: {  	s28 =	simm.s32 $_size_execute0_lowered;
	s5 =	sadd.s32 s5, s7;
	[dreg:$0x0] =	wrdreg $0x0  }
0xb8: {  	s7 =	sshll.u32 s28, $0x1;
	[dreg:$0x2] =	wrdreg s5  }
0xb9: {  	[dreg:$0x3] =	wrdreg s7  }
0xba: {  	[dreg:$0x4] =	wrdreg $0xC0  }
0xbb: {  	_ =	task [dreg:s22], $0x5FFFF  }
0xbc: {  	[dreg:$0x1] =	wrdreg $0xFFFFFFFF  }
0xbd: {  	[dreg:$0x0] =	wrdreg $0x60  }
0xbe: {  	[dreg:$0x2] =	wrdreg s4  }
0xbf: {  	[dreg:$0x3] =	wrdreg s24  }
0xc0: {  	[dreg:$0x4] =	wrdreg s18  }
0xc1: {  	[dreg:$0x5] =	wrdreg $0x0  }
0xc2: {  	[dreg:$0x6] =	wrdreg $0xA  }
0xc3: {  	_ =	task.clear_ibuf [dreg:s22], $0x7FFFF;
	_ =	strace $0x90000049  }
0xc4: {  	s29 =	simm.s32 $0xA;
	_ =	strace $0x8000004B  }
0xc5: {  	_ =	swait.ge [sflag:s29], $0x1  }
0xc6: {  	[sflag:s29] =	ssyncadd.s32 $0xFFFFFFFF  }
0xc7: {  	_ =	strace $0x9000004B  }
0xc8: {  	_ =	sfence  }
0xc9: {  	s30 =	sld [smem:$0x0];
	_ =	sdelay $0x2  }
0xca: {  	s31 =	sshll.u32 s1, $0xD;
	s1 =	sshrl.u32 s1, $0x2  }
0xcb: {  	s4 =	sand.u32 $0x4000, s31;
	s1 =	sadd.s32 s1, s30  }
0xcc: {  	s0 =	sor.u32 s4, s0;
	s1 =	sshll.u32 s1, $0x11  }
0xcd: {  	s0 =	sor.u32 s1, s0  }
0xce: {  	s0 =	sadd.s32 $0x8F2B, s0  }
0xcf: {  	[sflag:s0] =	ssyncadd.remote.s32 $0x1  }
0xd0: {  	_ =	sfence.sel $0xFFFF  }
0xd1: {  	[dreg:$0x0] =	wrdreg $0xFFFFFFFF;
	(pc) =	sbr.abs _section_cstart, $3  }
0xd2: {  	[dreg:$0x1] =	wrdreg $0xFFFFFFFF  }
0xd3: {  	_ =	task.clear_ibuf [dreg:s22], $0x2FFFF;
	_ =	strace $0x9FFFFFFF  }
0xd4: {  	(tm) =	ssettm $0x7FFFFFFF  }
0xd5: {  	_ =	shalt  }
tec
execute0_lowered:
.L_overlay_start_1:
0x0: {  	(tag) =	ssettag $0x1  }
0x1: {  	s0 =	rddreg [dreg:$0x1]  }
0x2: {  	s3 =	rddreg [dreg:$0x3]  }
0x3: {  	s5 =	simm.s32 $0x0;
	s15 =	stileid.u32;
	s2 =	srdreg.scid  }
0x4: {  	s17 =	simm.s32 $0x4;
	s18 =	simm.s32 $0x13C00;
	s19 =	simm.s32 $0x14000  }
0x5: {  	s20 =	simm.s32 $0x50;
	s21 =	simm.s32 $0x14400;
	s29 =	simm.s32 $0x2  }
0x6: {  	s16 =	simm.s32 $0x14080;
	s1 =	simm.s32 $0x14180;
	s30 =	simm.s32 $0x13F00  }
0x7: {  	s31 =	simm.s32 $0x0;
	[smem:$0x7FF] =	sst s5;
	s6 =	sadd.s32 $0x119400, s0  }
0x8: {  	s4 =	smul.u32 $0x13C00, s15;
	s2 =	sand.u32 $0x1, s2;
	s7 =	sadd.s32 $0xF2200, s0  }
0x9: {  	s10 =	sshll.u32 s15, $0xC;
	s8 =	sadd.s32 $0xCB000, s0;
	s9 =	sadd.s32 $0xA3E00, s0  }
0xa: {  	s22 =	smul.u32 $0x4F000, s15;
	s24 =	sshll.u32 s15, $0x6;
	_ =	strace $0x8000004A  }
0xb: {  	s11 =	smul.u32 $0x13C000, s2;
	s10 =	sadd.s32 s10, s0;
	s13 =	ssub.s32 $0x2, s2  }
0xc: {  	s14 =	ssub.s32 $0x0, s2;
	s28 =	sor.u32 $0x1C04, s24;
	p0 =	sne.s32 s2, $0x0  }
0xd: {  	s2 =	simm.s32 $0x13E00;
	s24 =	simm.s32 $0x13E80;
	s12 =	sshrl.u32 s4, $0x3  }
0xe: {  	s23 =	sshrl.u32 s13, $0x1;
	s25 =	sand.u32 $0xA80, s14;
	[dreg:$0x6] =	wrdreg s28  }
0xf: {  	s4 =	sadd.s32 s4, s11;
	s12 =	sadd.s32 s12, s0;
	s11 =	sshrl.u32 s22, $0x2  }
0x10: {  	s26 =	sadd.s32 s25, s10;
	s25 =	simm.s32 $0x19400;
	s22 =	simm.s32 $0x14100  }
0x11: {  	s4 =	sshrl.u32 s4, $0x3;
	s11 =	sadd.s32 s11, s3;
	s12 =	sadd.s32 $0xD600, s12  }
0x12: {  	s14 =	sadd.s32 $0x93E00, s26;
	s15 =	sadd.s32 $0x83E00, s26;
	s26 =	simm.s32 $0x1  }
.Ltmp0:
0x13: {  	s0 =	sadd.s32 s4, s0;
	s4 =	ssub.s32 s13, s23;
	(pc) =	sbr.rel .LBB2_1-.Ltmp0, $4  }
0x14: {  	[dreg:$0x5] =	wrdreg s12;
	s10 =	sshrl.u32 s11, $0x3;
	s12 =	simm.s32 $0x13C80  }
0x15: {  	s23 =	simm.s32 $0x16C00;
	s0 =	sadd.s32 $0x140600, s0;
	[dreg:$0x9] =	wrdreg s10  }
0x16: {  	s13 =	simm.s32 $0x13D00;
	s4 =	smax.u32 s4, $0x1;
	[dreg:$0x7] =	wrdreg s0  }
0x17: {  	s11 =	simm.s32 $0x13D80;
	[dreg:$0x8] =	wrdreg s4;
	s0 =	simm.s32 $0x3  }
.LBB2_7:
0x18: {  	s4 =	sadd.s32 s28, s15;
	[sflag:s17] =	ssyncadd.s32 $0xFFFFD800  }
0x19: {  	[tilespmem:s18], [sflag:$0x4] =	stream.linear.gather [hbm4b:s4+s5], $0x400, $0x38;
	[tilespmem:$0x1BC00] =	vst v63  }
0x1a: {  	_ =	swait.ge [sflag:s17], $0x400  }
0x1b: {  	[sflag:s17] =	ssyncset.done $0x0  }
0x1c: {  	s28 =	sadd.s32 s28, s14;
	[sflag:s17] =	ssyncadd.s32 $0xFFFFFC00  }
0x1d: {  	[tilespmem:s19], [sflag:$0x4] =	stream.linear.gather [hbm4b:s28+s5], $0x400, $0x38;
	[tilespmem:$0x1BC00] =	vst v63  }
0x1e: {  	_ =	swait.ge [sflag:s17], $0x400  }
0x1f: {  	[sflag:s17] =	ssyncset.done $0x0  }
0x20: {  	[sflag:s17] =	ssyncadd.s32 $0xFFFFFC00  }
0x21: {  	[tilespmem:s21], [sflag:$0x1] =	stream.indirect.gather [hbm4b:s6+s20], $0x80, s18, s20, $0xb8;
	[tilespmem:$0x1BC00] =	vst v63  }
0x22: {  	_ = 	snop  }
0x23: {  	[tilespmem:s23], [sflag:$0x2] =	stream.indirect.gather [hbm4b:s8+s20], $0x80, s12, s20, $0xb8;
	[tilespmem:$0x1BC00] =	vst v63  }
0x24: {  	_ = 	snop  }
0x25: {  	[tilespmem:s25], [sflag:$0x3] =	stream.indirect.gather [hbm4b:s10+s20], $0x80, s13, s20, $0xb8;
	[tilespmem:$0x1BC00] =	vst v63  }
0x26: {  	_ =	swait.ge [sflag:s26], $0x2800  }
0x27: {  	[sflag:s26] =	ssyncset.done $0x0  }
0x28: {  	[sflag:s26] =	ssyncadd.s32 $0xFFFFD800  }
0x29: {  	[spmem:s3] =	stream.indirect.scatter.add.f32 [tilespmem:s21], [sflag:$0x4], $0x80, s19, s20, $0xb8;
	[tilespmem:$0x1BC00] =	vst v63  }
0x2a: {  	_ =	swait.ge [sflag:s17], $0x2800  }
0x2b: {  	[sflag:s17] =	ssyncset.done $0x0  }
0x2c: {  	[sflag:s17] =	ssyncadd.s32 $0xFFFFD800  }
0x2d: {  	[tilespmem:s21], [sflag:$0x1] =	stream.indirect.gather [hbm4b:s6+s20], $0x80, s11, s20, $0xb8;
	[tilespmem:$0x1BC00] =	vst v63  }
0x2e: {  	_ =	swait.ge [sflag:s29], $0x2800  }
0x2f: {  	[sflag:s29] =	ssyncset.done $0x0  }
0x30: {  	[sflag:s29] =	ssyncadd.s32 $0xFFFFD800  }
0x31: {  	[spmem:s3] =	stream.indirect.scatter.add.f32 [tilespmem:s23], [sflag:$0x4], $0x80, s16, s20, $0xb8;
	[tilespmem:$0x1BC00] =	vst v63  }
0x32: {  	_ =	swait.ge [sflag:s17], $0x2800  }
0x33: {  	[sflag:s17] =	ssyncset.done $0x0  }
0x34: {  	[sflag:s17] =	ssyncadd.s32 $0xFFFFD800  }
0x35: {  	[tilespmem:s23], [sflag:$0x2] =	stream.indirect.gather [hbm4b:s8+s20], $0x80, s2, s20, $0xb8;
	[tilespmem:$0x1BC00] =	vst v63  }
0x36: {  	_ =	swait.ge [sflag:s0], $0x2800  }
0x37: {  	[sflag:s0] =	ssyncset.done $0x0  }
0x38: {  	[sflag:s0] =	ssyncadd.s32 $0xFFFFD800  }
0x39: {  	[spmem:s3] =	stream.indirect.scatter.add.f32 [tilespmem:s25], [sflag:$0x4], $0x80, s22, s20, $0xb8;
	[tilespmem:$0x1BC00] =	vst v63  }
0x3a: {  	_ =	swait.ge [sflag:s17], $0x2800  }
0x3b: {  	[sflag:s17] =	ssyncset.done $0x0  }
0x3c: {  	[sflag:s17] =	ssyncadd.s32 $0xFFFFD800  }
0x3d: {  	[tilespmem:s25], [sflag:$0x3] =	stream.indirect.gather [hbm4b:s10+s20], $0x80, s24, s20, $0xb8;
	[tilespmem:$0x1BC00] =	vst v63  }
0x3e: {  	_ =	swait.ge [sflag:s26], $0x2800  }
0x3f: {  	[sflag:s26] =	ssyncset.done $0x0  }
0x40: {  	[sflag:s26] =	ssyncadd.s32 $0xFFFFD800  }
0x41: {  	[spmem:s3] =	stream.indirect.scatter.add.f32 [tilespmem:s21], [sflag:$0x4], $0x80, s1, s20, $0xb8;
	[tilespmem:$0x1BC00] =	vst v63  }
0x42: {  	_ =	swait.ge [sflag:s17], $0x2800  }
0x43: {  	[sflag:s17] =	ssyncset.done $0x0  }
0x44: {  	s12 =	simm.s32 $0x13F00;
	[sflag:s17] =	ssyncadd.s32 $0xFFFFD800  }
0x45: {  	[tilespmem:s21], [sflag:$0x1] =	stream.indirect.gather [hbm4b:s6+s20], $0x80, s12, s20, $0xb8;
	[tilespmem:$0x1BC00] =	vst v63  }
0x46: {  	_ =	swait.ge [sflag:s29], $0x2800  }
0x47: {  	[sflag:s29] =	ssyncset.done $0x0  }
0x48: {  	s13 =	simm.s32 $0x14200;
	[sflag:s29] =	ssyncadd.s32 $0xFFFFD800  }
0x49: {  	[spmem:s3] =	stream.indirect.scatter.add.f32 [tilespmem:s23], [sflag:$0x4], $0x80, s13, s20, $0xb8;
	[tilespmem:$0x1BC00] =	vst v63  }
0x4a: {  	_ =	swait.ge [sflag:s17], $0x2800  }
0x4b: {  	[sflag:s17] =	ssyncset.done $0x0  }
0x4c: {  	s16 =	simm.s32 $0x13F80;
	[sflag:s17] =	ssyncadd.s32 $0xFFFFD800  }
0x4d: {  	[tilespmem:s23], [sflag:$0x2] =	stream.indirect.gather [hbm4b:s8+s20], $0x80, s16, s20, $0xb8;
	[tilespmem:$0x1BC00] =	vst v63  }
0x4e: {  	_ =	swait.ge [sflag:s0], $0x2800  }
0x4f: {  	[sflag:s0] =	ssyncset.done $0x0  }
0x50: {  	s22 =	simm.s32 $0x14280;
	[sflag:s0] =	ssyncadd.s32 $0xFFFFD800  }
0x51: {  	[spmem:s3] =	stream.indirect.scatter.add.f32 [tilespmem:s25], [sflag:$0x4], $0x80, s22, s20, $0xb8;
	[tilespmem:$0x1BC00] =	vst v63  }
0x52: {  	_ =	swait.ge [sflag:s17], $0x2800  }
0x53: {  	[sflag:s17] =	ssyncset.done $0x0  }
0x54: {  	[sflag:s17] =	ssyncadd.s32 $0xFFFFD800  }
0x55: {  	_ =	swait.ge [sflag:s26], $0x2800  }
0x56: {  	[sflag:s26] =	ssyncset.done $0x0  }
0x57: {  	s24 =	simm.s32 $0x14300;
	[sflag:s26] =	ssyncadd.s32 $0xFFFFD800  }
0x58: {  	[spmem:s3] =	stream.indirect.scatter.add.f32 [tilespmem:s21], [sflag:$0x4], $0x80, s24, s20, $0xb8;
	[tilespmem:$0x1BC00] =	vst v63  }
0x59: {  	_ =	swait.ge [sflag:s17], $0x2800  }
0x5a: {  	[sflag:s17] =	ssyncset.done $0x0  }
0x5b: {  	[sflag:s17] =	ssyncadd.s32 $0xFFFFD800  }
0x5c: {  	s30 =	simm.s32 $0x13F00;
	_ =	swait.ge [sflag:s29], $0x2800  }
0x5d: {  	s28 =	simm.s32 $0x14380;
	s11 =	simm.s32 $0x13D80;
	[sflag:s29] =	ssyncset.done $0x0  }
0x5e: {  	s2 =	simm.s32 $0x13E00;
	s1 =	simm.s32 $0x14180;
	[sflag:s29] =	ssyncadd.s32 $0xFFFFD800  }
0x5f: {  	[spmem:s3] =	stream.indirect.scatter.add.f32 [tilespmem:s23], [sflag:$0x4], $0x80, s28, s20, $0xb8;
	[tilespmem:$0x1BC00] =	vst v63  }
0x60: {  	s12 =	simm.s32 $0x13C80;
	s13 =	simm.s32 $0x13D00;
	_ =	swait.ge [sflag:s17], $0x2800  }
0x61: {  	s16 =	simm.s32 $0x14080;
	s22 =	simm.s32 $0x14100;
	[sflag:s17] =	ssyncset.done $0x0  }
0x62: {  	s24 =	simm.s32 $0x13E80;
	s31 =	rddreg [dreg:$0xa];
	[sflag:s17] =	ssyncadd.s32 $0xFFFFD800  }
.LBB2_8:
0x63: {  	[bflag:$0x0] =	sbarrier.arrive $0xFFFF  }
0x64: {  	s28 =	rddreg [dreg:$0x6]  }
0x65: {  	s4 =	rddreg [dreg:$0x7]  }
0x66: {  	s10 =	rddreg [dreg:$0x9]  }
0x67: {  	[hbm:s4], [sflag:s28] =	dma.local [spmem:s10], $0x2780  }
0x68: {  	_ =	swait.ge [sflag:s17], $0x2780  }
0x69: {  	s31 =	sadd.s32 $0x1, s31;
	s4 =	rddreg [dreg:$0x8]  }
0x6a: {  	p1 =	sne.s32 s31, s4  }
.Ltmp1:
0x6b: {  	_ = 	snop;
	(pc) =	sbr.rel @!p1 .LBB2_9-.Ltmp1, $3  }
0x6c: {  	_ =	sdelay $0x1  }
0x6d: {  	[sflag:s17] =	ssyncset.done $0x0  }
0x6e: {  	[sflag:s17] =	ssyncadd.s32 $0xFFFFD880  }
.LBB2_1:
0x6f: {  	[dreg:$0xa] =	wrdreg s31  }
0x70: {  	s4 =	rddreg [dreg:$0x5]  }
0x71: {  	[spmem:s10], [sflag:s28] =	dma.local [hbm:s4], $0x2780  }
.Ltmp2:
0x72: {  	_ =	swait.ge [sflag:s17], $0x2780;
	(pc) =	sbr.rel @p0 .LBB2_5-.Ltmp2, $3  }
0x73: {  	[sflag:s17] =	ssyncset.done $0x0  }
0x74: {  	[sflag:s17] =	ssyncadd.s32 $0xFFFFD880  }
0x75: {  	[bflag:$0x0] =	sbarrier.arrive $0xFFFF;
	_ =	sdelay $0x1  }
0x76: {  	s28 =	sadd.s32 $0x0, s15  }
0x77: {  	[tilespmem:s18], [sflag:$0x4] =	stream.linear.gather [hbm4b:s28+s5], $0x400, $0x38;
	[tilespmem:$0x1BC00] =	vst v63  }
0x78: {  	_ =	swait.ge [sflag:s17], $0x400  }
0x79: {  	[sflag:s17] =	ssyncset.done $0x0  }
0x7a: {  	s28 =	sadd.s32 $0x0, s14;
	[sflag:s17] =	ssyncadd.s32 $0xFFFFFC00  }
0x7b: {  	[tilespmem:s19], [sflag:$0x4] =	stream.linear.gather [hbm4b:s28+s5], $0x400, $0x38;
	[tilespmem:$0x1BC00] =	vst v63  }
0x7c: {  	_ =	swait.ge [sflag:s17], $0x400  }
0x7d: {  	[sflag:s17] =	ssyncset.done $0x0  }
0x7e: {  	[sflag:s17] =	ssyncadd.s32 $0xFFFFFC00  }
0x7f: {  	s4 =	rddreg [dreg:$0x0]  }
0x80: {  	[tilespmem:s21], [sflag:$0x1] =	stream.indirect.gather [hbm4b:s4+s20], $0x80, s18, s20, $0xb8;
	[tilespmem:$0x1BC00] =	vst v63  }
0x81: {  	_ = 	snop  }
0x82: {  	[tilespmem:s23], [sflag:$0x2] =	stream.indirect.gather [hbm4b:s7+s20], $0x80, s12, s20, $0xb8;
	[tilespmem:$0x1BC00] =	vst v63  }
0x83: {  	_ = 	snop  }
0x84: {  	[tilespmem:s25], [sflag:$0x3] =	stream.indirect.gather [hbm4b:s9+s20], $0x80, s13, s20, $0xb8;
	[tilespmem:$0x1BC00] =	vst v63  }
0x85: {  	_ =	swait.ge [sflag:s26], $0x2800  }
0x86: {  	[sflag:s26] =	ssyncset.done $0x0  }
0x87: {  	[sflag:s26] =	ssyncadd.s32 $0xFFFFD800  }
0x88: {  	[spmem:s3] =	stream.indirect.scatter.add.f32 [tilespmem:s21], [sflag:$0x4], $0x80, s19, s20, $0xb8;
	[tilespmem:$0x1BC00] =	vst v63  }
0x89: {  	_ =	swait.ge [sflag:s17], $0x2800  }
0x8a: {  	[sflag:s17] =	ssyncset.done $0x0  }
0x8b: {  	[sflag:s17] =	ssyncadd.s32 $0xFFFFD800  }
0x8c: {  	[tilespmem:s21], [sflag:$0x1] =	stream.indirect.gather [hbm4b:s4+s20], $0x80, s11, s20, $0xb8;
	[tilespmem:$0x1BC00] =	vst v63  }
0x8d: {  	_ =	swait.ge [sflag:s29], $0x2800  }
0x8e: {  	[sflag:s29] =	ssyncset.done $0x0  }
0x8f: {  	[sflag:s29] =	ssyncadd.s32 $0xFFFFD800  }
0x90: {  	[spmem:s3] =	stream.indirect.scatter.add.f32 [tilespmem:s23], [sflag:$0x4], $0x80, s16, s20, $0xb8;
	[tilespmem:$0x1BC00] =	vst v63  }
0x91: {  	_ =	swait.ge [sflag:s17], $0x2800  }
0x92: {  	[sflag:s17] =	ssyncset.done $0x0  }
0x93: {  	[sflag:s17] =	ssyncadd.s32 $0xFFFFD800  }
0x94: {  	[tilespmem:s23], [sflag:$0x2] =	stream.indirect.gather [hbm4b:s7+s20], $0x80, s2, s20, $0xb8;
	[tilespmem:$0x1BC00] =	vst v63  }
0x95: {  	_ =	swait.ge [sflag:s0], $0x2800  }
0x96: {  	[sflag:s0] =	ssyncset.done $0x0  }
0x97: {  	[sflag:s0] =	ssyncadd.s32 $0xFFFFD800  }
0x98: {  	[spmem:s3] =	stream.indirect.scatter.add.f32 [tilespmem:s25], [sflag:$0x4], $0x80, s22, s20, $0xb8;
	[tilespmem:$0x1BC00] =	vst v63  }
0x99: {  	_ =	swait.ge [sflag:s17], $0x2800  }
0x9a: {  	[sflag:s17] =	ssyncset.done $0x0  }
0x9b: {  	[sflag:s17] =	ssyncadd.s32 $0xFFFFD800  }
0x9c: {  	[tilespmem:s25], [sflag:$0x3] =	stream.indirect.gather [hbm4b:s9+s20], $0x80, s24, s20, $0xb8;
	[tilespmem:$0x1BC00] =	vst v63  }
0x9d: {  	_ =	swait.ge [sflag:s26], $0x2800  }
0x9e: {  	[sflag:s26] =	ssyncset.done $0x0  }
0x9f: {  	[sflag:s26] =	ssyncadd.s32 $0xFFFFD800  }
0xa0: {  	[spmem:s3] =	stream.indirect.scatter.add.f32 [tilespmem:s21], [sflag:$0x4], $0x80, s1, s20, $0xb8;
	[tilespmem:$0x1BC00] =	vst v63  }
0xa1: {  	_ =	swait.ge [sflag:s17], $0x2800  }
0xa2: {  	[sflag:s17] =	ssyncset.done $0x0  }
0xa3: {  	[sflag:s17] =	ssyncadd.s32 $0xFFFFD800  }
0xa4: {  	[tilespmem:s21], [sflag:$0x1] =	stream.indirect.gather [hbm4b:s4+s20], $0x80, s30, s20, $0xb8;
	[tilespmem:$0x1BC00] =	vst v63  }
0xa5: {  	_ =	swait.ge [sflag:s29], $0x2800  }
0xa6: {  	[sflag:s29] =	ssyncset.done $0x0  }
0xa7: {  	s13 =	simm.s32 $0x14200;
	[sflag:s29] =	ssyncadd.s32 $0xFFFFD800  }
0xa8: {  	[spmem:s3] =	stream.indirect.scatter.add.f32 [tilespmem:s23], [sflag:$0x4], $0x80, s13, s20, $0xb8;
	[tilespmem:$0x1BC00] =	vst v63  }
0xa9: {  	_ =	swait.ge [sflag:s17], $0x2800  }
0xaa: {  	[sflag:s17] =	ssyncset.done $0x0  }
0xab: {  	s16 =	simm.s32 $0x13F80;
	[sflag:s17] =	ssyncadd.s32 $0xFFFFD800  }
0xac: {  	[tilespmem:s23], [sflag:$0x2] =	stream.indirect.gather [hbm4b:s7+s20], $0x80, s16, s20, $0xb8;
	[tilespmem:$0x1BC00] =	vst v63  }
0xad: {  	_ =	swait.ge [sflag:s0], $0x2800  }
0xae: {  	[sflag:s0] =	ssyncset.done $0x0  }
0xaf: {  	s22 =	simm.s32 $0x14280;
	[sflag:s0] =	ssyncadd.s32 $0xFFFFD800  }
0xb0: {  	[spmem:s3] =	stream.indirect.scatter.add.f32 [tilespmem:s25], [sflag:$0x4], $0x80, s22, s20, $0xb8;
	[tilespmem:$0x1BC00] =	vst v63  }
0xb1: {  	_ =	swait.ge [sflag:s17], $0x2800  }
0xb2: {  	[sflag:s17] =	ssyncset.done $0x0  }
0xb3: {  	[sflag:s17] =	ssyncadd.s32 $0xFFFFD800  }
0xb4: {  	_ =	swait.ge [sflag:s26], $0x2800  }
0xb5: {  	[sflag:s26] =	ssyncset.done $0x0  }
0xb6: {  	s24 =	simm.s32 $0x14300;
	[sflag:s26] =	ssyncadd.s32 $0xFFFFD800  }
0xb7: {  	[spmem:s3] =	stream.indirect.scatter.add.f32 [tilespmem:s21], [sflag:$0x4], $0x80, s24, s20, $0xb8;
	[tilespmem:$0x1BC00] =	vst v63  }
0xb8: {  	_ =	swait.ge [sflag:s17], $0x2800  }
0xb9: {  	[sflag:s17] =	ssyncset.done $0x0  }
0xba: {  	s31 =	simm.s32 $0x14380;
	[sflag:s17] =	ssyncadd.s32 $0xFFFFD800  }
0xbb: {  	s28 =	simm.s32 $0x80;
	s12 =	simm.s32 $0x13C80;
	_ =	swait.ge [sflag:s29], $0x2800  }
0xbc: {  	s11 =	simm.s32 $0x13D80;
	s2 =	simm.s32 $0x13E00;
	[sflag:s29] =	ssyncset.done $0x0  }
0xbd: {  	s1 =	simm.s32 $0x14180;
	s30 =	simm.s32 $0x100;
	[sflag:s29] =	ssyncadd.s32 $0xFFFFD800  }
0xbe: {  	[spmem:s3] =	stream.indirect.scatter.add.f32 [tilespmem:s23], [sflag:$0x4], $0x80, s31, s20, $0xb8;
	[tilespmem:$0x1BC00] =	vst v63  }
0xbf: {  	s13 =	simm.s32 $0x13D00;
	s16 =	simm.s32 $0x14080;
	_ =	swait.ge [sflag:s17], $0x2800  }
0xc0: {  	s22 =	simm.s32 $0x14100;
	s24 =	simm.s32 $0x13E80;
	[sflag:s17] =	ssyncset.done $0x0  }
.LBB2_3:
0xc1: {  	s4 =	sadd.s32 s28, s15;
	[sflag:s17] =	ssyncadd.s32 $0xFFFFD800  }
0xc2: {  	[tilespmem:s18], [sflag:$0x4] =	stream.linear.gather [hbm4b:s4+s5], $0x400, $0x38;
	[tilespmem:$0x1BC00] =	vst v63  }
0xc3: {  	_ =	swait.ge [sflag:s17], $0x400  }
0xc4: {  	[sflag:s17] =	ssyncset.done $0x0  }
0xc5: {  	s10 =	smov.u32 s30;
	s4 =	sadd.s32 s28, s14;
	[sflag:s17] =	ssyncadd.s32 $0xFFFFFC00  }
0xc6: {  	[tilespmem:s19], [sflag:$0x4] =	stream.linear.gather [hbm4b:s4+s5], $0x400, $0x38;
	[tilespmem:$0x1BC00] =	vst v63  }
0xc7: {  	s28 =	smov.u32 s10;
	s10 =	rddreg [dreg:$0x0];
	_ =	swait.ge [sflag:s17], $0x400  }
0xc8: {  	[sflag:s17] =	ssyncset.done $0x0  }
0xc9: {  	[sflag:s17] =	ssyncadd.s32 $0xFFFFFC00  }
0xca: {  	[tilespmem:s21], [sflag:$0x1] =	stream.indirect.gather [hbm4b:s10+s20], $0x80, s18, s20, $0xb8;
	[tilespmem:$0x1BC00] =	vst v63  }
0xcb: {  	_ = 	snop  }
0xcc: {  	[tilespmem:s23], [sflag:$0x2] =	stream.indirect.gather [hbm4b:s7+s20], $0x80, s12, s20, $0xb8;
	[tilespmem:$0x1BC00] =	vst v63  }
0xcd: {  	_ = 	snop  }
0xce: {  	[tilespmem:s25], [sflag:$0x3] =	stream.indirect.gather [hbm4b:s9+s20], $0x80, s13, s20, $0xb8;
	[tilespmem:$0x1BC00] =	vst v63  }
0xcf: {  	_ =	swait.ge [sflag:s26], $0x2800  }
0xd0: {  	[sflag:s26] =	ssyncset.done $0x0  }
0xd1: {  	[sflag:s26] =	ssyncadd.s32 $0xFFFFD800  }
0xd2: {  	[spmem:s3] =	stream.indirect.scatter.add.f32 [tilespmem:s21], [sflag:$0x4], $0x80, s19, s20, $0xb8;
	[tilespmem:$0x1BC00] =	vst v63  }
0xd3: {  	_ =	swait.ge [sflag:s17], $0x2800  }
0xd4: {  	[sflag:s17] =	ssyncset.done $0x0  }
0xd5: {  	[sflag:s17] =	ssyncadd.s32 $0xFFFFD800  }
0xd6: {  	[tilespmem:s21], [sflag:$0x1] =	stream.indirect.gather [hbm4b:s10+s20], $0x80, s11, s20, $0xb8;
	[tilespmem:$0x1BC00] =	vst v63  }
0xd7: {  	_ =	swait.ge [sflag:s29], $0x2800  }
0xd8: {  	[sflag:s29] =	ssyncset.done $0x0  }
0xd9: {  	[sflag:s29] =	ssyncadd.s32 $0xFFFFD800  }
0xda: {  	[spmem:s3] =	stream.indirect.scatter.add.f32 [tilespmem:s23], [sflag:$0x4], $0x80, s16, s20, $0xb8;
	[tilespmem:$0x1BC00] =	vst v63  }
0xdb: {  	_ =	swait.ge [sflag:s17], $0x2800  }
0xdc: {  	[sflag:s17] =	ssyncset.done $0x0  }
0xdd: {  	[sflag:s17] =	ssyncadd.s32 $0xFFFFD800  }
0xde: {  	[tilespmem:s23], [sflag:$0x2] =	stream.indirect.gather [hbm4b:s7+s20], $0x80, s2, s20, $0xb8;
	[tilespmem:$0x1BC00] =	vst v63  }
0xdf: {  	_ =	swait.ge [sflag:s0], $0x2800  }
0xe0: {  	[sflag:s0] =	ssyncset.done $0x0  }
0xe1: {  	[sflag:s0] =	ssyncadd.s32 $0xFFFFD800  }
0xe2: {  	[spmem:s3] =	stream.indirect.scatter.add.f32 [tilespmem:s25], [sflag:$0x4], $0x80, s22, s20, $0xb8;
	[tilespmem:$0x1BC00] =	vst v63  }
0xe3: {  	_ =	swait.ge [sflag:s17], $0x2800  }
0xe4: {  	[sflag:s17] =	ssyncset.done $0x0  }
0xe5: {  	[sflag:s17] =	ssyncadd.s32 $0xFFFFD800  }
0xe6: {  	[tilespmem:s25], [sflag:$0x3] =	stream.indirect.gather [hbm4b:s9+s20], $0x80, s24, s20, $0xb8;
	[tilespmem:$0x1BC00] =	vst v63  }
0xe7: {  	_ =	swait.ge [sflag:s26], $0x2800  }
0xe8: {  	[sflag:s26] =	ssyncset.done $0x0  }
0xe9: {  	[sflag:s26] =	ssyncadd.s32 $0xFFFFD800  }
0xea: {  	[spmem:s3] =	stream.indirect.scatter.add.f32 [tilespmem:s21], [sflag:$0x4], $0x80, s1, s20, $0xb8;
	[tilespmem:$0x1BC00] =	vst v63  }
0xeb: {  	_ =	swait.ge [sflag:s17], $0x2800  }
0xec: {  	[sflag:s17] =	ssyncset.done $0x0  }
0xed: {  	s4 =	simm.s32 $0x13F00;
	[sflag:s17] =	ssyncadd.s32 $0xFFFFD800  }
0xee: {  	[tilespmem:s21], [sflag:$0x1] =	stream.indirect.gather [hbm4b:s10+s20], $0x80, s4, s20, $0xb8;
	[tilespmem:$0x1BC00] =	vst v63  }
0xef: {  	_ =	swait.ge [sflag:s29], $0x2800  }
0xf0: {  	[sflag:s29] =	ssyncset.done $0x0  }
0xf1: {  	s4 =	simm.s32 $0x14200;
	[sflag:s29] =	ssyncadd.s32 $0xFFFFD800  }
0xf2: {  	[spmem:s3] =	stream.indirect.scatter.add.f32 [tilespmem:s23], [sflag:$0x4], $0x80, s4, s20, $0xb8;
	[tilespmem:$0x1BC00] =	vst v63  }
0xf3: {  	_ =	swait.ge [sflag:s17], $0x2800  }
0xf4: {  	[sflag:s17] =	ssyncset.done $0x0  }
0xf5: {  	s4 =	simm.s32 $0x13F80;
	[sflag:s17] =	ssyncadd.s32 $0xFFFFD800  }
0xf6: {  	[tilespmem:s23], [sflag:$0x2] =	stream.indirect.gather [hbm4b:s7+s20], $0x80, s4, s20, $0xb8;
	[tilespmem:$0x1BC00] =	vst v63  }
0xf7: {  	_ =	swait.ge [sflag:s0], $0x2800  }
0xf8: {  	[sflag:s0] =	ssyncset.done $0x0  }
0xf9: {  	s4 =	simm.s32 $0x14280;
	[sflag:s0] =	ssyncadd.s32 $0xFFFFD800  }
0xfa: {  	[spmem:s3] =	stream.indirect.scatter.add.f32 [tilespmem:s25], [sflag:$0x4], $0x80, s4, s20, $0xb8;
	[tilespmem:$0x1BC00] =	vst v63  }
0xfb: {  	_ =	swait.ge [sflag:s17], $0x2800  }
0xfc: {  	[sflag:s17] =	ssyncset.done $0x0  }
0xfd: {  	[sflag:s17] =	ssyncadd.s32 $0xFFFFD800  }
0xfe: {  	_ =	swait.ge [sflag:s26], $0x2800  }
0xff: {  	[sflag:s26] =	ssyncset.done $0x0  }
0x100: {  	s4 =	simm.s32 $0x14300;
	[sflag:s26] =	ssyncadd.s32 $0xFFFFD800  }
0x101: {  	[spmem:s3] =	stream.indirect.scatter.add.f32 [tilespmem:s21], [sflag:$0x4], $0x80, s4, s20, $0xb8;
	[tilespmem:$0x1BC00] =	vst v63  }
0x102: {  	_ =	swait.ge [sflag:s17], $0x2800  }
0x103: {  	[sflag:s17] =	ssyncset.done $0x0  }
0x104: {  	[sflag:s17] =	ssyncadd.s32 $0xFFFFD800  }
0x105: {  	p1 =	seq.s32 s30, $0xA00;
	_ =	swait.ge [sflag:s29], $0x2800  }
.Ltmp3:
0x106: {  	[sflag:s29] =	ssyncset.done $0x0;
	(pc) =	sbr.rel @!p1 .LBB2_3-.Ltmp3, $4  }
0x107: {  	s4 =	simm.s32 $0x14380;
	[sflag:s29] =	ssyncadd.s32 $0xFFFFD800  }
0x108: {  	[spmem:s3] =	stream.indirect.scatter.add.f32 [tilespmem:s23], [sflag:$0x4], $0x80, s4, s20, $0xb8;
	[tilespmem:$0x1BC00] =	vst v63  }
0x109: {  	s31 =	sadd.s32 $0x80, s30;
	_ =	swait.ge [sflag:s17], $0x2800  }
0x10a: {  	s30 =	smov.u32 s31;
	[sflag:s17] =	ssyncset.done $0x0  }
0x10b: {  	s4 =	sadd.s32 s28, s15;
	[sflag:s17] =	ssyncadd.s32 $0xFFFFD800  }
0x10c: {  	[tilespmem:s18], [sflag:$0x4] =	stream.linear.gather [hbm4b:s4+s5], $0x400, $0x38;
	[tilespmem:$0x1BC00] =	vst v63  }
0x10d: {  	_ =	swait.ge [sflag:s17], $0x400  }
0x10e: {  	[sflag:s17] =	ssyncset.done $0x0  }
0x10f: {  	s28 =	sadd.s32 s28, s14;
	[sflag:s17] =	ssyncadd.s32 $0xFFFFFC00  }
0x110: {  	[tilespmem:s19], [sflag:$0x4] =	stream.linear.gather [hbm4b:s28+s5], $0x400, $0x38;
	[tilespmem:$0x1BC00] =	vst v63  }
0x111: {  	_ =	swait.ge [sflag:s17], $0x400  }
0x112: {  	[sflag:s17] =	ssyncset.done $0x0  }
0x113: {  	[sflag:s17] =	ssyncadd.s32 $0xFFFFFC00  }
0x114: {  	[tilespmem:s21], [sflag:$0x1] =	stream.indirect.gather [hbm4b:s10+s20], $0x80, s18, s20, $0xb8;
	[tilespmem:$0x1BC00] =	vst v63  }
0x115: {  	_ = 	snop  }
0x116: {  	[tilespmem:s23], [sflag:$0x2] =	stream.indirect.gather [hbm4b:s7+s20], $0x80, s12, s20, $0xb8;
	[tilespmem:$0x1BC00] =	vst v63  }
0x117: {  	_ = 	snop  }
0x118: {  	[tilespmem:s25], [sflag:$0x3] =	stream.indirect.gather [hbm4b:s9+s20], $0x80, s13, s20, $0xb8;
	[tilespmem:$0x1BC00] =	vst v63  }
0x119: {  	_ =	swait.ge [sflag:s26], $0x2800  }
0x11a: {  	[sflag:s26] =	ssyncset.done $0x0  }
0x11b: {  	[sflag:s26] =	ssyncadd.s32 $0xFFFFD800  }
0x11c: {  	[spmem:s3] =	stream.indirect.scatter.add.f32 [tilespmem:s21], [sflag:$0x4], $0x80, s19, s20, $0xb8;
	[tilespmem:$0x1BC00] =	vst v63  }
0x11d: {  	_ =	swait.ge [sflag:s17], $0x2800  }
0x11e: {  	[sflag:s17] =	ssyncset.done $0x0  }
0x11f: {  	[sflag:s17] =	ssyncadd.s32 $0xFFFFD800  }
0x120: {  	[tilespmem:s21], [sflag:$0x1] =	stream.indirect.gather [hbm4b:s10+s20], $0x80, s11, s20, $0xb8;
	[tilespmem:$0x1BC00] =	vst v63  }
0x121: {  	_ =	swait.ge [sflag:s29], $0x2800  }
0x122: {  	[sflag:s29] =	ssyncset.done $0x0  }
0x123: {  	[sflag:s29] =	ssyncadd.s32 $0xFFFFD800  }
0x124: {  	[spmem:s3] =	stream.indirect.scatter.add.f32 [tilespmem:s23], [sflag:$0x4], $0x80, s16, s20, $0xb8;
	[tilespmem:$0x1BC00] =	vst v63  }
0x125: {  	_ =	swait.ge [sflag:s17], $0x2800  }
0x126: {  	[sflag:s17] =	ssyncset.done $0x0  }
0x127: {  	[sflag:s17] =	ssyncadd.s32 $0xFFFFD800  }
0x128: {  	[tilespmem:s23], [sflag:$0x2] =	stream.indirect.gather [hbm4b:s7+s20], $0x80, s2, s20, $0xb8;
	[tilespmem:$0x1BC00] =	vst v63  }
0x129: {  	_ =	swait.ge [sflag:s0], $0x2800  }
0x12a: {  	[sflag:s0] =	ssyncset.done $0x0  }
0x12b: {  	[sflag:s0] =	ssyncadd.s32 $0xFFFFD800  }
0x12c: {  	[spmem:s3] =	stream.indirect.scatter.add.f32 [tilespmem:s25], [sflag:$0x4], $0x80, s22, s20, $0xb8;
	[tilespmem:$0x1BC00] =	vst v63  }
0x12d: {  	_ =	swait.ge [sflag:s17], $0x2800  }
0x12e: {  	[sflag:s17] =	ssyncset.done $0x0  }
0x12f: {  	[sflag:s17] =	ssyncadd.s32 $0xFFFFD800  }
0x130: {  	[tilespmem:s25], [sflag:$0x3] =	stream.indirect.gather [hbm4b:s9+s20], $0x80, s24, s20, $0xb8;
	[tilespmem:$0x1BC00] =	vst v63  }
0x131: {  	_ =	swait.ge [sflag:s26], $0x2800  }
0x132: {  	[sflag:s26] =	ssyncset.done $0x0  }
0x133: {  	[sflag:s26] =	ssyncadd.s32 $0xFFFFD800  }
0x134: {  	[spmem:s3] =	stream.indirect.scatter.add.f32 [tilespmem:s21], [sflag:$0x4], $0x80, s1, s20, $0xb8;
	[tilespmem:$0x1BC00] =	vst v63  }
0x135: {  	_ =	swait.ge [sflag:s17], $0x2800  }
0x136: {  	[sflag:s17] =	ssyncset.done $0x0  }
0x137: {  	s12 =	simm.s32 $0x13F00;
	[sflag:s17] =	ssyncadd.s32 $0xFFFFD800  }
0x138: {  	[tilespmem:s21], [sflag:$0x1] =	stream.indirect.gather [hbm4b:s10+s20], $0x80, s12, s20, $0xb8;
	[tilespmem:$0x1BC00] =	vst v63  }
0x139: {  	_ =	swait.ge [sflag:s29], $0x2800  }
0x13a: {  	[sflag:s29] =	ssyncset.done $0x0  }
0x13b: {  	s13 =	simm.s32 $0x14200;
	[sflag:s29] =	ssyncadd.s32 $0xFFFFD800  }
0x13c: {  	[spmem:s3] =	stream.indirect.scatter.add.f32 [tilespmem:s23], [sflag:$0x4], $0x80, s13, s20, $0xb8;
	[tilespmem:$0x1BC00] =	vst v63  }
0x13d: {  	_ =	swait.ge [sflag:s17], $0x2800  }
0x13e: {  	[sflag:s17] =	ssyncset.done $0x0  }
0x13f: {  	s16 =	simm.s32 $0x13F80;
	[sflag:s17] =	ssyncadd.s32 $0xFFFFD800  }
0x140: {  	[tilespmem:s23], [sflag:$0x2] =	stream.indirect.gather [hbm4b:s7+s20], $0x80, s16, s20, $0xb8;
	[tilespmem:$0x1BC00] =	vst v63  }
0x141: {  	_ =	swait.ge [sflag:s0], $0x2800  }
0x142: {  	[sflag:s0] =	ssyncset.done $0x0  }
0x143: {  	s22 =	simm.s32 $0x14280;
	[sflag:s0] =	ssyncadd.s32 $0xFFFFD800  }
0x144: {  	[spmem:s3] =	stream.indirect.scatter.add.f32 [tilespmem:s25], [sflag:$0x4], $0x80, s22, s20, $0xb8;
	[tilespmem:$0x1BC00] =	vst v63  }
0x145: {  	_ =	swait.ge [sflag:s17], $0x2800  }
0x146: {  	[sflag:s17] =	ssyncset.done $0x0  }
0x147: {  	[sflag:s17] =	ssyncadd.s32 $0xFFFFD800  }
0x148: {  	_ =	swait.ge [sflag:s26], $0x2800  }
0x149: {  	[sflag:s26] =	ssyncset.done $0x0  }
0x14a: {  	s24 =	simm.s32 $0x14300;
	[sflag:s26] =	ssyncadd.s32 $0xFFFFD800  }
0x14b: {  	[spmem:s3] =	stream.indirect.scatter.add.f32 [tilespmem:s21], [sflag:$0x4], $0x80, s24, s20, $0xb8;
	[tilespmem:$0x1BC00] =	vst v63  }
0x14c: {  	_ =	swait.ge [sflag:s17], $0x2800  }
0x14d: {  	[sflag:s17] =	ssyncset.done $0x0  }
0x14e: {  	[sflag:s17] =	ssyncadd.s32 $0xFFFFD800  }
0x14f: {  	s30 =	simm.s32 $0x13F00;
	s28 =	simm.s32 $0x14380;
	_ =	swait.ge [sflag:s29], $0x2800  }
0x150: {  	s11 =	simm.s32 $0x13D80;
	s2 =	simm.s32 $0x13E00;
	[sflag:s29] =	ssyncset.done $0x0  }
.Ltmp4:
0x151: {  	s1 =	simm.s32 $0x14180;
	[sflag:s29] =	ssyncadd.s32 $0xFFFFD800;
	(pc) =	sbr.rel .LBB2_8-.Ltmp4, $4  }
0x152: {  	[spmem:s3] =	stream.indirect.scatter.add.f32 [tilespmem:s23], [sflag:$0x4], $0x80, s28, s20, $0xb8;
	[tilespmem:$0x1BC00] =	vst v63  }
0x153: {  	s12 =	simm.s32 $0x13C80;
	s13 =	simm.s32 $0x13D00;
	_ =	swait.ge [sflag:s17], $0x2800  }
0x154: {  	s16 =	simm.s32 $0x14080;
	s22 =	simm.s32 $0x14100;
	[sflag:s17] =	ssyncset.done $0x0  }
0x155: {  	s24 =	simm.s32 $0x13E80;
	s31 =	rddreg [dreg:$0xa];
	[sflag:s17] =	ssyncadd.s32 $0xFFFFD800  }
.LBB2_5:
0x156: {  	s4 =	sadd.s32 $0x0, s15  }
0x157: {  	[tilespmem:s18], [sflag:$0x4] =	stream.linear.gather [hbm4b:s4+s5], $0x400, $0x38;
	[tilespmem:$0x1BC00] =	vst v63  }
0x158: {  	_ =	swait.ge [sflag:s17], $0x400  }
0x159: {  	[sflag:s17] =	ssyncset.done $0x0  }
0x15a: {  	s10 =	sadd.s32 $0x0, s14;
	[sflag:s17] =	ssyncadd.s32 $0xFFFFFC00  }
0x15b: {  	[tilespmem:s19], [sflag:$0x4] =	stream.linear.gather [hbm4b:s10+s5], $0x400, $0x38;
	[tilespmem:$0x1BC00] =	vst v63  }
0x15c: {  	_ =	swait.ge [sflag:s17], $0x400  }
0x15d: {  	[sflag:s17] =	ssyncset.done $0x0  }
0x15e: {  	[sflag:s17] =	ssyncadd.s32 $0xFFFFFC00  }
0x15f: {  	[tilespmem:s21], [sflag:$0x1] =	stream.indirect.gather [hbm4b:s6+s20], $0x80, s18, s20, $0xb8;
	[tilespmem:$0x1BC00] =	vst v63  }
0x160: {  	_ = 	snop  }
0x161: {  	[tilespmem:s23], [sflag:$0x2] =	stream.indirect.gather [hbm4b:s8+s20], $0x80, s12, s20, $0xb8;
	[tilespmem:$0x1BC00] =	vst v63  }
0x162: {  	s12 =	rddreg [dreg:$0x2]  }
0x163: {  	[tilespmem:s25], [sflag:$0x3] =	stream.indirect.gather [hbm4b:s12+s20], $0x80, s13, s20, $0xb8;
	[tilespmem:$0x1BC00] =	vst v63  }
0x164: {  	_ =	swait.ge [sflag:s26], $0x2800  }
0x165: {  	[sflag:s26] =	ssyncset.done $0x0  }
0x166: {  	[sflag:s26] =	ssyncadd.s32 $0xFFFFD800  }
0x167: {  	[spmem:s3] =	stream.indirect.scatter.add.f32 [tilespmem:s21], [sflag:$0x4], $0x80, s19, s20, $0xb8;
	[tilespmem:$0x1BC00] =	vst v63  }
0x168: {  	_ =	swait.ge [sflag:s17], $0x2800  }
0x169: {  	[sflag:s17] =	ssyncset.done $0x0  }
0x16a: {  	[sflag:s17] =	ssyncadd.s32 $0xFFFFD800  }
0x16b: {  	[tilespmem:s21], [sflag:$0x1] =	stream.indirect.gather [hbm4b:s6+s20], $0x80, s11, s20, $0xb8;
	[tilespmem:$0x1BC00] =	vst v63  }
0x16c: {  	_ =	swait.ge [sflag:s29], $0x2800  }
0x16d: {  	[sflag:s29] =	ssyncset.done $0x0  }
0x16e: {  	[sflag:s29] =	ssyncadd.s32 $0xFFFFD800  }
0x16f: {  	[spmem:s3] =	stream.indirect.scatter.add.f32 [tilespmem:s23], [sflag:$0x4], $0x80, s16, s20, $0xb8;
	[tilespmem:$0x1BC00] =	vst v63  }
0x170: {  	_ =	swait.ge [sflag:s17], $0x2800  }
0x171: {  	[sflag:s17] =	ssyncset.done $0x0  }
0x172: {  	[sflag:s17] =	ssyncadd.s32 $0xFFFFD800  }
0x173: {  	[tilespmem:s23], [sflag:$0x2] =	stream.indirect.gather [hbm4b:s8+s20], $0x80, s2, s20, $0xb8;
	[tilespmem:$0x1BC00] =	vst v63  }
0x174: {  	_ =	swait.ge [sflag:s0], $0x2800  }
0x175: {  	[sflag:s0] =	ssyncset.done $0x0  }
0x176: {  	[sflag:s0] =	ssyncadd.s32 $0xFFFFD800  }
0x177: {  	[spmem:s3] =	stream.indirect.scatter.add.f32 [tilespmem:s25], [sflag:$0x4], $0x80, s22, s20, $0xb8;
	[tilespmem:$0x1BC00] =	vst v63  }
0x178: {  	_ =	swait.ge [sflag:s17], $0x2800  }
0x179: {  	[sflag:s17] =	ssyncset.done $0x0  }
0x17a: {  	[sflag:s17] =	ssyncadd.s32 $0xFFFFD800  }
0x17b: {  	[tilespmem:s25], [sflag:$0x3] =	stream.indirect.gather [hbm4b:s12+s20], $0x80, s24, s20, $0xb8;
	[tilespmem:$0x1BC00] =	vst v63  }
0x17c: {  	_ =	swait.ge [sflag:s26], $0x2800  }
0x17d: {  	[sflag:s26] =	ssyncset.done $0x0  }
0x17e: {  	[sflag:s26] =	ssyncadd.s32 $0xFFFFD800  }
0x17f: {  	[spmem:s3] =	stream.indirect.scatter.add.f32 [tilespmem:s21], [sflag:$0x4], $0x80, s1, s20, $0xb8;
	[tilespmem:$0x1BC00] =	vst v63  }
0x180: {  	_ =	swait.ge [sflag:s17], $0x2800  }
0x181: {  	[sflag:s17] =	ssyncset.done $0x0  }
0x182: {  	[sflag:s17] =	ssyncadd.s32 $0xFFFFD800  }
0x183: {  	[tilespmem:s21], [sflag:$0x1] =	stream.indirect.gather [hbm4b:s6+s20], $0x80, s30, s20, $0xb8;
	[tilespmem:$0x1BC00] =	vst v63  }
0x184: {  	_ =	swait.ge [sflag:s29], $0x2800  }
0x185: {  	[sflag:s29] =	ssyncset.done $0x0  }
0x186: {  	s13 =	simm.s32 $0x14200;
	[sflag:s29] =	ssyncadd.s32 $0xFFFFD800  }
0x187: {  	[spmem:s3] =	stream.indirect.scatter.add.f32 [tilespmem:s23], [sflag:$0x4], $0x80, s13, s20, $0xb8;
	[tilespmem:$0x1BC00] =	vst v63  }
0x188: {  	_ =	swait.ge [sflag:s17], $0x2800  }
0x189: {  	[sflag:s17] =	ssyncset.done $0x0  }
0x18a: {  	s16 =	simm.s32 $0x13F80;
	[sflag:s17] =	ssyncadd.s32 $0xFFFFD800  }
0x18b: {  	[tilespmem:s23], [sflag:$0x2] =	stream.indirect.gather [hbm4b:s8+s20], $0x80, s16, s20, $0xb8;
	[tilespmem:$0x1BC00] =	vst v63  }
0x18c: {  	_ =	swait.ge [sflag:s0], $0x2800  }
0x18d: {  	[sflag:s0] =	ssyncset.done $0x0  }
0x18e: {  	s22 =	simm.s32 $0x14280;
	[sflag:s0] =	ssyncadd.s32 $0xFFFFD800  }
0x18f: {  	[spmem:s3] =	stream.indirect.scatter.add.f32 [tilespmem:s25], [sflag:$0x4], $0x80, s22, s20, $0xb8;
	[tilespmem:$0x1BC00] =	vst v63  }
0x190: {  	_ =	swait.ge [sflag:s17], $0x2800  }
0x191: {  	[sflag:s17] =	ssyncset.done $0x0  }
0x192: {  	[sflag:s17] =	ssyncadd.s32 $0xFFFFD800  }
0x193: {  	_ =	swait.ge [sflag:s26], $0x2800  }
0x194: {  	[sflag:s26] =	ssyncset.done $0x0  }
0x195: {  	s24 =	simm.s32 $0x14300;
	[sflag:s26] =	ssyncadd.s32 $0xFFFFD800  }
0x196: {  	[spmem:s3] =	stream.indirect.scatter.add.f32 [tilespmem:s21], [sflag:$0x4], $0x80, s24, s20, $0xb8;
	[tilespmem:$0x1BC00] =	vst v63  }
0x197: {  	_ =	swait.ge [sflag:s17], $0x2800  }
0x198: {  	[sflag:s17] =	ssyncset.done $0x0  }
0x199: {  	s28 =	simm.s32 $0x80;
	[sflag:s17] =	ssyncadd.s32 $0xFFFFD800  }
0x19a: {  	s31 =	simm.s32 $0x100;
	s11 =	simm.s32 $0x13D80;
	_ =	swait.ge [sflag:s29], $0x2800  }
0x19b: {  	s2 =	simm.s32 $0x13E00;
	s12 =	simm.s32 $0x13C80;
	[sflag:s29] =	ssyncset.done $0x0  }
0x19c: {  	s1 =	simm.s32 $0x14180;
	s30 =	simm.s32 $0x14380;
	[sflag:s29] =	ssyncadd.s32 $0xFFFFD800  }
0x19d: {  	[spmem:s3] =	stream.indirect.scatter.add.f32 [tilespmem:s23], [sflag:$0x4], $0x80, s30, s20, $0xb8;
	[tilespmem:$0x1BC00] =	vst v63  }
0x19e: {  	s13 =	simm.s32 $0x13D00;
	s16 =	simm.s32 $0x14080;
	_ =	swait.ge [sflag:s17], $0x2800  }
0x19f: {  	s22 =	simm.s32 $0x14100;
	s24 =	simm.s32 $0x13E80;
	[sflag:s17] =	ssyncset.done $0x0  }
.LBB2_6:
0x1a0: {  	s4 =	sadd.s32 s28, s15;
	[sflag:s17] =	ssyncadd.s32 $0xFFFFD800  }
0x1a1: {  	[tilespmem:s18], [sflag:$0x4] =	stream.linear.gather [hbm4b:s4+s5], $0x400, $0x38;
	[tilespmem:$0x1BC00] =	vst v63  }
0x1a2: {  	_ =	swait.ge [sflag:s17], $0x400  }
0x1a3: {  	[sflag:s17] =	ssyncset.done $0x0  }
0x1a4: {  	s10 =	smov.u32 s31;
	s4 =	sadd.s32 s28, s14;
	[sflag:s17] =	ssyncadd.s32 $0xFFFFFC00  }
0x1a5: {  	[tilespmem:s19], [sflag:$0x4] =	stream.linear.gather [hbm4b:s4+s5], $0x400, $0x38;
	[tilespmem:$0x1BC00] =	vst v63  }
0x1a6: {  	s28 =	smov.u32 s10;
	s10 =	rddreg [dreg:$0x2];
	_ =	swait.ge [sflag:s17], $0x400  }
0x1a7: {  	[sflag:s17] =	ssyncset.done $0x0  }
0x1a8: {  	[sflag:s17] =	ssyncadd.s32 $0xFFFFFC00  }
0x1a9: {  	[tilespmem:s21], [sflag:$0x1] =	stream.indirect.gather [hbm4b:s6+s20], $0x80, s18, s20, $0xb8;
	[tilespmem:$0x1BC00] =	vst v63  }
0x1aa: {  	_ = 	snop  }
0x1ab: {  	[tilespmem:s23], [sflag:$0x2] =	stream.indirect.gather [hbm4b:s8+s20], $0x80, s12, s20, $0xb8;
	[tilespmem:$0x1BC00] =	vst v63  }
0x1ac: {  	_ = 	snop  }
0x1ad: {  	[tilespmem:s25], [sflag:$0x3] =	stream.indirect.gather [hbm4b:s10+s20], $0x80, s13, s20, $0xb8;
	[tilespmem:$0x1BC00] =	vst v63  }
0x1ae: {  	_ =	swait.ge [sflag:s26], $0x2800  }
0x1af: {  	[sflag:s26] =	ssyncset.done $0x0  }
0x1b0: {  	[sflag:s26] =	ssyncadd.s32 $0xFFFFD800  }
0x1b1: {  	[spmem:s3] =	stream.indirect.scatter.add.f32 [tilespmem:s21], [sflag:$0x4], $0x80, s19, s20, $0xb8;
	[tilespmem:$0x1BC00] =	vst v63  }
0x1b2: {  	_ =	swait.ge [sflag:s17], $0x2800  }
0x1b3: {  	[sflag:s17] =	ssyncset.done $0x0  }
0x1b4: {  	[sflag:s17] =	ssyncadd.s32 $0xFFFFD800  }
0x1b5: {  	[tilespmem:s21], [sflag:$0x1] =	stream.indirect.gather [hbm4b:s6+s20], $0x80, s11, s20, $0xb8;
	[tilespmem:$0x1BC00] =	vst v63  }
0x1b6: {  	_ =	swait.ge [sflag:s29], $0x2800  }
0x1b7: {  	[sflag:s29] =	ssyncset.done $0x0  }
0x1b8: {  	[sflag:s29] =	ssyncadd.s32 $0xFFFFD800  }
0x1b9: {  	[spmem:s3] =	stream.indirect.scatter.add.f32 [tilespmem:s23], [sflag:$0x4], $0x80, s16, s20, $0xb8;
	[tilespmem:$0x1BC00] =	vst v63  }
0x1ba: {  	_ =	swait.ge [sflag:s17], $0x2800  }
0x1bb: {  	[sflag:s17] =	ssyncset.done $0x0  }
0x1bc: {  	[sflag:s17] =	ssyncadd.s32 $0xFFFFD800  }
0x1bd: {  	[tilespmem:s23], [sflag:$0x2] =	stream.indirect.gather [hbm4b:s8+s20], $0x80, s2, s20, $0xb8;
	[tilespmem:$0x1BC00] =	vst v63  }
0x1be: {  	_ =	swait.ge [sflag:s0], $0x2800  }
0x1bf: {  	[sflag:s0] =	ssyncset.done $0x0  }
0x1c0: {  	[sflag:s0] =	ssyncadd.s32 $0xFFFFD800  }
0x1c1: {  	[spmem:s3] =	stream.indirect.scatter.add.f32 [tilespmem:s25], [sflag:$0x4], $0x80, s22, s20, $0xb8;
	[tilespmem:$0x1BC00] =	vst v63  }
0x1c2: {  	_ =	swait.ge [sflag:s17], $0x2800  }
0x1c3: {  	[sflag:s17] =	ssyncset.done $0x0  }
0x1c4: {  	[sflag:s17] =	ssyncadd.s32 $0xFFFFD800  }
0x1c5: {  	[tilespmem:s25], [sflag:$0x3] =	stream.indirect.gather [hbm4b:s10+s20], $0x80, s24, s20, $0xb8;
	[tilespmem:$0x1BC00] =	vst v63  }
0x1c6: {  	_ =	swait.ge [sflag:s26], $0x2800  }
0x1c7: {  	[sflag:s26] =	ssyncset.done $0x0  }
0x1c8: {  	[sflag:s26] =	ssyncadd.s32 $0xFFFFD800  }
0x1c9: {  	[spmem:s3] =	stream.indirect.scatter.add.f32 [tilespmem:s21], [sflag:$0x4], $0x80, s1, s20, $0xb8;
	[tilespmem:$0x1BC00] =	vst v63  }
0x1ca: {  	_ =	swait.ge [sflag:s17], $0x2800  }
0x1cb: {  	[sflag:s17] =	ssyncset.done $0x0  }
0x1cc: {  	s4 =	simm.s32 $0x13F00;
	[sflag:s17] =	ssyncadd.s32 $0xFFFFD800  }
0x1cd: {  	[tilespmem:s21], [sflag:$0x1] =	stream.indirect.gather [hbm4b:s6+s20], $0x80, s4, s20, $0xb8;
	[tilespmem:$0x1BC00] =	vst v63  }
0x1ce: {  	_ =	swait.ge [sflag:s29], $0x2800  }
0x1cf: {  	[sflag:s29] =	ssyncset.done $0x0  }
0x1d0: {  	s4 =	simm.s32 $0x14200;
	[sflag:s29] =	ssyncadd.s32 $0xFFFFD800  }
0x1d1: {  	[spmem:s3] =	stream.indirect.scatter.add.f32 [tilespmem:s23], [sflag:$0x4], $0x80, s4, s20, $0xb8;
	[tilespmem:$0x1BC00] =	vst v63  }
0x1d2: {  	_ =	swait.ge [sflag:s17], $0x2800  }
0x1d3: {  	[sflag:s17] =	ssyncset.done $0x0  }
0x1d4: {  	s4 =	simm.s32 $0x13F80;
	[sflag:s17] =	ssyncadd.s32 $0xFFFFD800  }
0x1d5: {  	[tilespmem:s23], [sflag:$0x2] =	stream.indirect.gather [hbm4b:s8+s20], $0x80, s4, s20, $0xb8;
	[tilespmem:$0x1BC00] =	vst v63  }
0x1d6: {  	_ =	swait.ge [sflag:s0], $0x2800  }
0x1d7: {  	[sflag:s0] =	ssyncset.done $0x0  }
0x1d8: {  	s4 =	simm.s32 $0x14280;
	[sflag:s0] =	ssyncadd.s32 $0xFFFFD800  }
0x1d9: {  	[spmem:s3] =	stream.indirect.scatter.add.f32 [tilespmem:s25], [sflag:$0x4], $0x80, s4, s20, $0xb8;
	[tilespmem:$0x1BC00] =	vst v63  }
0x1da: {  	_ =	swait.ge [sflag:s17], $0x2800  }
0x1db: {  	[sflag:s17] =	ssyncset.done $0x0  }
0x1dc: {  	[sflag:s17] =	ssyncadd.s32 $0xFFFFD800  }
0x1dd: {  	_ =	swait.ge [sflag:s26], $0x2800  }
0x1de: {  	[sflag:s26] =	ssyncset.done $0x0  }
0x1df: {  	s4 =	simm.s32 $0x14300;
	[sflag:s26] =	ssyncadd.s32 $0xFFFFD800  }
0x1e0: {  	[spmem:s3] =	stream.indirect.scatter.add.f32 [tilespmem:s21], [sflag:$0x4], $0x80, s4, s20, $0xb8;
	[tilespmem:$0x1BC00] =	vst v63  }
0x1e1: {  	_ =	swait.ge [sflag:s17], $0x2800  }
0x1e2: {  	[sflag:s17] =	ssyncset.done $0x0  }
0x1e3: {  	[sflag:s17] =	ssyncadd.s32 $0xFFFFD800  }
0x1e4: {  	p1 =	sne.s32 s31, $0x500;
	_ =	swait.ge [sflag:s29], $0x2800  }
.Ltmp5:
0x1e5: {  	[sflag:s29] =	ssyncset.done $0x0;
	(pc) =	sbr.rel @p1 .LBB2_6-.Ltmp5, $4  }
0x1e6: {  	s4 =	simm.s32 $0x14380;
	[sflag:s29] =	ssyncadd.s32 $0xFFFFD800  }
0x1e7: {  	[spmem:s3] =	stream.indirect.scatter.add.f32 [tilespmem:s23], [sflag:$0x4], $0x80, s4, s20, $0xb8;
	[tilespmem:$0x1BC00] =	vst v63  }
0x1e8: {  	s30 =	sadd.s32 $0x80, s31;
	_ =	swait.ge [sflag:s17], $0x2800  }
0x1e9: {  	s31 =	smov.u32 s30;
	[sflag:s17] =	ssyncset.done $0x0  }
.Ltmp6:
0x1ea: {  	_ = 	snop;
	(pc) =	sbr.rel .LBB2_7-.Ltmp6, $1  }
0x1eb: {  	_ =	sdelay $0x3  }
.LBB2_9:
0x1ec: {  	_ =	sfence.sel $0x180000  }
0x1ed: {  	[bflag:$0x0] =	sbarrier.arrive $0xFFFF  }
0x1ee: {  	_ =	strace $0x9000004A  }
0x1ef: {  	s0 =	stileid.u32;
	[bflag:$0x2] =	sbarrier.arrive $0xFFFF  }
0x1f0: {  	p0 =	sne.s32 s0, $0x0;
	s0 =	rddreg [dreg:$0x4]  }
0x1f1: {  	s0 =	sadd.s32 @!p0 $0x100000, s0  }
0x1f2: {  	[sflag:s0] =	ssyncadd.tile.s32 @!p0 $0x1;
	_ =	shalt  }
.Lfunc_end2:
_tile_overlayer_lowered:
.L_overlay_start_2:
0x1f3: {  	(tag) =	ssettag $0x2  }
0x1f4: {  	s0 =	rddreg [dreg:$0x0];
	s2 =	stileid.u32  }
0x1f5: {  	s1 =	rddreg [dreg:$0x1];
	p0 =	sne.s32 s2, $0x0  }
0x1f6: {  	s3 =	rddreg [dreg:$0x2];
	[bflag:$0x3] =	sbarrier.arrive $0xFFFF;
	s2 =	simm.s32 @!p0 $0x1C04  }
0x1f7: {  	[timem:s3], [sflag:s2] =	dma.local @!p0 [hbm:s0], s1  }
0x1f8: {  	s0 =	simm.s32 @!p0 $0x4  }
0x1f9: {  	_ =	swait.ge @!p0 [sflag:s0], s1  }
0x1fa: {  	s1 =	ssub.s32 @!p0 $0x0, s1;
	[sflag:s0] =	ssyncset.done @!p0 $0x0  }
0x1fb: {  	[sflag:s0] =	ssyncadd.s32 @!p0 s1  }
0x1fc: {  	[bflag:$0x3] =	sbarrier.arrive $0xFFFF  }
0x1fd: {  	_ =	shalt  }

// kernel: kernel.13.cloned.1.call-start
scs
__scs_entry_jumppad:
0x0: {  	(pc) =	sbr.rel $0x88, $3  }
0x1: {  	(tag) =	ssettag $0x0;
	lr =	simm.s32 $0x1  }
0x2: {  	[smem:$0x3F99] =	sst lr;
	_ =	strace $0xD0000000  }
0x3: {  	_ = 	snop  }
0x4: {  	_ = 	snop  }
0x5: {  	_ = 	snop  }
0x6: {  	_ = 	snop  }
0x7: {  	_ = 	snop  }
__scs_overlays_trampoline_lowered:
0x8: {  	[smem:$0x3FA8] =	sst s0  }
0x9: {  	[smem:$0x3FA9] =	sst s1  }
0xa: {  	[smem:$0x3FAA] =	sst s2  }
0xb: {  	[smem:$0x3FAB] =	sst s3  }
0xc: {  	[smem:$0x3FAC] =	sst s4  }
0xd: {  	[smem:$0x3FAD] =	sst s5  }
0xe: {  	[smem:$0x3FAE] =	sst s6  }
0xf: {  	[smem:$0x3FAF] =	sst s7  }
0x10: {  	[smem:$0x3FB0] =	sst s8  }
0x11: {  	[smem:$0x3FB1] =	sst s9;
	s0 =	simm.s32 @!p0 $0x0  }
0x12: {  	s1 =	sld [smem:$0x3F97];
	s0 =	simm.s32 @p0 $0x1  }
0x13: {  	[smem:$0x3FB2] =	sst s0;
	s0 =	simm.s32 @!p1 $0x0  }
0x14: {  	s2 =	sld [smem:$0x3F96];
	s0 =	simm.s32 @p1 $0x1  }
0x15: {  	[smem:$0x3FB3] =	sst s0;
	s0 =	simm.s32 @!p2 $0x0  }
0x16: {  	s3 =	sld [smem:$0x3FDB];
	s0 =	simm.s32 @p2 $0x1  }
0x17: {  	s4 =	simm.s32 $0x1BF5;
	[smem:$0x3FB5] =	sst s0  }
0x18: {  	s0 =	sld [smem:$0x3F98];
	_ =	swait.ge [sflag:s4], $0x0  }
0x19: {  	s7 =	sld [smem:$0x3F99]  }
0x1a: {  	s8 =	sadd.s32 $0xFFFFE003, lr  }
0x1b: {  	s9 =	sadd.s32 $0xFFFFFEF7, lr;
	s5 =	simm.s32 $0xFFFFFFFF;
	p2 =	slt.u32 s8, $0xFFFFF086  }
0x1c: {  	p1 =	slt.u32 s9, $0xF7A;
	s5 =	simm.s32 @!p2 $0x0  }
0x1d: {  	s5 =	simm.s32 @p1 $0x1;
	p0 =	seq.s32 s7, s2  }
0x1e: {  	s7 =	smul.u32 @!p0 $0xF7A, s2;
	p2 =	seq.s32 @!p0 s5, $0x0  }
0x1f: {  	s9 =	smul.u32 $0xF7A, s1;
	s8 =	simm.s32 @!p0 $0x1BF5;
	p2 =	por !p2, p0  }
0x20: {  	[sflag:s8] =	ssyncset.s32 @!p0 $0xFFFFF086;
	s6 =	sadd.s32 @!p0 s3, s7;
	s7 =	simm.s32 @!p0 $0x108  }
0x21: {  	s3 =	sadd.s32 s3, s9;
	s6 =	sadd.s32 @!p0 $0x88, s6;
	s7 =	simm.s32 @p2 $0x1082  }
0x22: {  	[simem:s7], [sflag:s8] =	dma.local @!p0 [hbm:s6], $0xF7A  }
0x23: {  	s9 =	sor.u32 $0xD0000000, s2;
	s6 =	simm.s32 $0x108;
	_ =	swait.ge @!p0 [sflag:s8], $0x0  }
0x24: {  	s3 =	sadd.s32 $0x88, s3;
	s6 =	simm.s32 @!p1 $0x1082;
	[sflag:s4] =	ssyncset.s32 $0xFFFFF086  }
0x25: {  	[simem:s6], [sflag:s4] =	dma.local [hbm:s3], $0xF7A  }
0x26: {  	[smem:$0x3F99] =	sst s1;
	(tag) =	ssettag s2;
	_ =	strace s9  }
0x27: {  	s1 =	sld [smem:$0x3FA9]  }
0x28: {  	s2 =	sld [smem:$0x3FAA]  }
0x29: {  	s4 =	sld [smem:$0x3FAC]  }
0x2a: {  	p0 =	seq.s32 s5, $0x0;
	s5 =	sld [smem:$0x3FAD]  }
0x2b: {  	s6 =	sld [smem:$0x3FAE]  }
0x2c: {  	s7 =	sld [smem:$0x3FAF]  }
0x2d: {  	s3 =	simm.s32 $0x108;
	s8 =	sld [smem:$0x3FB0]  }
0x2e: {  	s3 =	simm.s32 @!p0 $0x1082;
	s9 =	sld [smem:$0x3FB1]  }
0x2f: {  	lr =	sadd.s32 s0, s3;
	s0 =	sld [smem:$0x3FA8]  }
0x30: {  	s3 =	sld [smem:$0x3FAB]  }
0x31: {  	[smem:$0x3FB4] =	sst s10  }
0x32: {  	s10 =	sld [smem:$0x3FB2];
	_ =	sdelay $0x3  }
0x33: {  	p0 =	seq.s32 s10, $0x1;
	s10 =	sld [smem:$0x3FB4];
	_ =	sdelay $0x3  }
0x34: {  	[smem:$0x3FB4] =	sst s10  }
0x35: {  	s10 =	sld [smem:$0x3FB3];
	_ =	sdelay $0x3  }
0x36: {  	p1 =	seq.s32 s10, $0x1;
	s10 =	sld [smem:$0x3FB4];
	_ =	sdelay $0x3  }
0x37: {  	[smem:$0x3FB4] =	sst s10  }
0x38: {  	s10 =	sld [smem:$0x3FB5]  }
0x39: {  	_ = 	snop;
	(pc) =	sbr.ind lr, $3  }
0x3a: {  	_ = 	snop  }
0x3b: {  	_ = 	snop  }
0x3c: {  	p2 =	seq.s32 s10, $0x1;
	s10 =	sld [smem:$0x3FB4]  }
0x3d: {  	_ =	shalt  }
0x3e: {  	_ =	shalt  }
0x3f: {  	_ =	shalt  }
0x40: {  	_ =	shalt  }
0x41: {  	_ =	shalt  }
0x42: {  	_ =	shalt  }
0x43: {  	_ =	shalt  }
0x44: {  	_ =	shalt  }
0x45: {  	_ =	shalt  }
0x46: {  	_ =	shalt  }
0x47: {  	_ =	shalt  }
0x48: {  	_ =	shalt  }
0x49: {  	_ =	shalt  }
0x4a: {  	_ =	shalt  }
0x4b: {  	_ =	shalt  }
0x4c: {  	_ =	shalt  }
0x4d: {  	_ =	shalt  }
0x4e: {  	_ =	shalt  }
0x4f: {  	_ =	shalt  }
0x50: {  	_ =	shalt  }
0x51: {  	_ =	shalt  }
0x52: {  	_ =	shalt  }
0x53: {  	_ =	shalt  }
0x54: {  	_ =	shalt  }
0x55: {  	_ =	shalt  }
0x56: {  	_ =	shalt  }
0x57: {  	_ =	shalt  }
0x58: {  	_ =	shalt  }
0x59: {  	_ =	shalt  }
0x5a: {  	_ =	shalt  }
0x5b: {  	_ =	shalt  }
0x5c: {  	_ =	shalt  }
0x5d: {  	_ =	shalt  }
0x5e: {  	_ =	shalt  }
0x5f: {  	_ =	shalt  }
0x60: {  	_ =	shalt  }
0x61: {  	_ =	shalt  }
0x62: {  	_ =	shalt  }
0x63: {  	_ =	shalt  }
0x64: {  	_ =	shalt  }
0x65: {  	_ =	shalt  }
0x66: {  	_ =	shalt  }
0x67: {  	_ =	shalt  }
0x68: {  	_ =	shalt  }
0x69: {  	_ =	shalt  }
0x6a: {  	_ =	shalt  }
0x6b: {  	_ =	shalt  }
0x6c: {  	_ =	shalt  }
0x6d: {  	_ =	shalt  }
0x6e: {  	_ =	shalt  }
0x6f: {  	_ =	shalt  }
0x70: {  	_ =	shalt  }
0x71: {  	_ =	shalt  }
0x72: {  	_ =	shalt  }
0x73: {  	_ =	shalt  }
0x74: {  	_ =	shalt  }
0x75: {  	_ =	shalt  }
0x76: {  	_ =	shalt  }
0x77: {  	_ =	shalt  }
0x78: {  	_ =	shalt  }
0x79: {  	_ =	shalt  }
0x7a: {  	_ =	shalt  }
0x7b: {  	_ =	shalt  }
0x7c: {  	_ =	shalt  }
0x7d: {  	_ =	shalt  }
0x7e: {  	_ =	shalt  }
0x7f: {  	_ =	shalt  }
0x80: {  	_ =	shalt  }
0x81: {  	_ =	shalt  }
0x82: {  	_ =	shalt  }
0x83: {  	_ =	shalt  }
0x84: {  	_ =	shalt  }
0x85: {  	_ =	shalt  }
0x86: {  	_ =	shalt  }
0x87: {  	_ =	shalt  }
.Lfunc_end0:
.L_simem_size_0:
called_computation.2_lowered:
.L_overlay_start_0:
0x88: {  	s2 =	sld [smem:$0x3FD9]  }
0x89: {  	s3 =	sld [smem:$0x3FFE];
	_ =	sdelay $0x1  }
0x8a: {  	s1 =	srdreg.scid  }
0x8b: {  	s0 =	sand.u32 $0x1, s1  }
0x8c: {  	s17 =	sshll.u32 s0, $0xA;
	s2 =	sadd.s32 s3, s2  }
0x8d: {  	s2 =	sadd.s32 s2, s17  }
0x8e: {  	[smem:$0x3FC0] =	sst s2  }
0x8f: {  	_ = 	snop  }
0x90: {  	s2 =	sld [smem:$0x3FD0];
	(tm) =	ssettm $0x1  }
0x91: {  	s18 =	sld [smem:$0x3FFB];
	_ =	sdelay $0x3  }
0x92: {  	_ =	strace s18  }
0x93: {  	s3 =	sld [smem:$0x3FFC];
	_ =	sdelay $0x3  }
0x94: {  	_ =	strace s3  }
0x95: {  	s3 =	sld [smem:$0x3FFD];
	_ =	sdelay $0x3  }
0x96: {  	_ =	strace s3  }
0x97: {  	_ =	strace $0x8FFFFFFF  }
0x98: {  	s19 =	sld [smem:$0x3FDB];
	_ =	sdelay $0x1  }
0x99: {  	s4 =	simm.s32 $_scs_section_size  }
0x9a: {  	s5 =	simm.s32 $_size__tile_overlayer_lowered;
	s6 =	simm.s32 $_tile_overlayer_lowered  }
0x9b: {  	s22 =	simm.s32 $0x1BFF;
	s21 =	sshll.u32 s6, $0x1;
	s3 =	sadd.s32 s4, s19  }
0x9c: {  	s7 =	simm.s32 $0x0;
	s20 =	sshll.u32 s5, $0x1;
	s5 =	sadd.s32 s21, s3  }
0x9d: {  	[timem:s7], [sflag:s22] =	dma.local [hbm:s5], s20  }
0x9e: {  	_ =	swait.ge [sflag:s22], s20  }
0x9f: {  	s4 =	ssub.s32 $0x0, s20;
	[sflag:s22] =	ssyncset.done $0x0  }
0xa0: {  	[sflag:s22] =	ssyncadd.s32 s4;
	_ =	sdelay $0x1  }
0xa1: {  	s23 =	simm.s32 $0x1B8B  }
0xa2: {  	_ =	swait.ge [sflag:s23], $0x1  }
0xa3: {  	[sflag:s23] =	ssyncset.done $0x0  }
0xa4: {  	s25 =	simm.s32 $0x1B8E;
	s24 =	sld [smem:$0x3FFE];
	[sflag:s23] =	ssyncadd.s32 $0xFFFFFFFF  }
0xa5: {  	s26 =	simm.s32 $execute0_lowered;
	[smem:$0x3FD2] =	sst s25  }
0xa6: {  	s5 =	sshll.u32 s26, $0x1;
	_ =	strace $0x8000004C;
	[dreg:$0x1] =	wrdreg $0xFFFFFFFF  }
0xa7: {  	s28 =	simm.s32 $_size_execute0_lowered;
	s3 =	sadd.s32 s3, s5;
	[dreg:$0x0] =	wrdreg $0x0  }
0xa8: {  	s5 =	sshll.u32 s28, $0x1;
	[dreg:$0x2] =	wrdreg s3  }
0xa9: {  	[dreg:$0x3] =	wrdreg s5  }
0xaa: {  	[dreg:$0x4] =	wrdreg $0xC0  }
0xab: {  	_ =	task [dreg:s7], $0x5FFFF  }
0xac: {  	[dreg:$0x1] =	wrdreg $0xFFFFFFFF  }
0xad: {  	[dreg:$0x0] =	wrdreg $0x60  }
0xae: {  	[dreg:$0x2] =	wrdreg s2  }
0xaf: {  	[dreg:$0x3] =	wrdreg s24  }
0xb0: {  	[dreg:$0x4] =	wrdreg $0x0  }
0xb1: {  	[dreg:$0x5] =	wrdreg $0x9  }
0xb2: {  	_ =	task.clear_ibuf [dreg:s7], $0x6FFFF;
	_ =	strace $0x9000004C  }
0xb3: {  	s29 =	simm.s32 $0x9;
	_ =	strace $0x8000004E  }
0xb4: {  	_ =	swait.ge [sflag:s29], $0x1  }
0xb5: {  	[sflag:s29] =	ssyncadd.s32 $0xFFFFFFFF  }
0xb6: {  	_ =	strace $0x9000004E  }
0xb7: {  	_ =	sfence  }
0xb8: {  	s30 =	sld [smem:$0x0];
	_ =	sdelay $0x2  }
0xb9: {  	s31 =	sshll.u32 s1, $0xD;
	s1 =	sshrl.u32 s1, $0x2  }
0xba: {  	s3 =	sand.u32 $0x4000, s31;
	s1 =	sadd.s32 s1, s30  }
0xbb: {  	s0 =	sor.u32 s3, s0;
	s1 =	sshll.u32 s1, $0x11  }
0xbc: {  	s0 =	sor.u32 s1, s0  }
0xbd: {  	s0 =	sadd.s32 $0x8F2B, s0  }
0xbe: {  	[sflag:s0] =	ssyncadd.remote.s32 $0x1  }
0xbf: {  	_ =	sfence.sel $0xFFFF  }
0xc0: {  	[dreg:$0x0] =	wrdreg $0xFFFFFFFF;
	(pc) =	sbr.abs _section_cstart, $3  }
0xc1: {  	[dreg:$0x1] =	wrdreg $0xFFFFFFFF  }
0xc2: {  	_ =	task.clear_ibuf [dreg:s7], $0x2FFFF;
	_ =	strace $0x9FFFFFFF  }
0xc3: {  	(tm) =	ssettm $0x7FFFFFFF  }
tec
execute0_lowered:
.L_overlay_start_1:
0x0: {  	(tag) =	ssettag $0x1  }
0x1: {  	s0 =	rddreg [dreg:$0x1]  }
0x2: {  	s2 =	rddreg [dreg:$0x2]  }
0x3: {  	s4 =	simm.s32 $0x0;
	s16 =	stileid.u32;
	s3 =	srdreg.scid  }
0x4: {  	s17 =	simm.s32 $0x4;
	s18 =	simm.s32 $0x13C00;
	s19 =	simm.s32 $0x14000  }
0x5: {  	s20 =	simm.s32 $0x50;
	s21 =	simm.s32 $0x14400;
	s29 =	simm.s32 $0x2  }
0x6: {  	s28 =	simm.s32 $0x13E80;
	s1 =	simm.s32 $0x14180;
	[smem:$0x7FF] =	sst s4  }
0x7: {  	s31 =	simm.s32 $0x0;
	s5 =	sadd.s32 $0x140600, s0;
	s6 =	sadd.s32 $0x119400, s0  }
0x8: {  	s10 =	smul.u32 $0x13C00, s16;
	s3 =	sand.u32 $0x1, s3;
	s7 =	sadd.s32 $0xF2200, s0  }
0x9: {  	s11 =	sshll.u32 s16, $0xC;
	s8 =	sadd.s32 $0xCB000, s0;
	s9 =	sadd.s32 $0xA3E00, s0  }
0xa: {  	s22 =	smul.u32 $0x4F000, s16;
	s24 =	sshll.u32 s16, $0x6;
	s16 =	simm.s32 $0x14080  }
0xb: {  	_ =	strace $0x8000004D;
	s12 =	smul.u32 $0x13C000, s3;
	s11 =	sadd.s32 s11, s0  }
0xc: {  	s14 =	ssub.s32 $0x2, s3;
	s15 =	ssub.s32 $0x0, s3;
	s30 =	sor.u32 $0x1C04, s24  }
0xd: {  	p0 =	sne.s32 s3, $0x0;
	s24 =	simm.s32 $0x14100;
	s13 =	sshrl.u32 s10, $0x3  }
0xe: {  	s23 =	sshrl.u32 s14, $0x1;
	s25 =	sand.u32 $0xA80, s15;
	[dreg:$0x5] =	wrdreg s30  }
0xf: {  	s10 =	sadd.s32 s10, s12;
	s13 =	sadd.s32 s13, s0;
	s12 =	sshrl.u32 s22, $0x2  }
0x10: {  	s26 =	sadd.s32 s25, s11;
	s25 =	simm.s32 $0x19400;
	s11 =	simm.s32 $0x13D80  }
0x11: {  	s22 =	simm.s32 $0x13E00;
	s10 =	sshrl.u32 s10, $0x3;
	s12 =	sadd.s32 s12, s2  }
0x12: {  	s13 =	sadd.s32 $0xD600, s13;
	s15 =	sadd.s32 $0x83E00, s26;
	s0 =	sadd.s32 s10, s0  }
.Ltmp0:
0x13: {  	s10 =	ssub.s32 s14, s23;
	[dreg:$0x4] =	wrdreg s13;
	(pc) =	sbr.rel .LBB2_1-.Ltmp0, $4  }
0x14: {  	s14 =	sadd.s32 $0x93E00, s26;
	s23 =	simm.s32 $0x16C00;
	s0 =	sadd.s32 $0x167800, s0  }
0x15: {  	s13 =	simm.s32 $0x13D00;
	s10 =	smax.u32 s10, $0x1;
	[dreg:$0x6] =	wrdreg s0  }
0x16: {  	s26 =	simm.s32 $0x1;
	[dreg:$0x7] =	wrdreg s10;
	s10 =	sshrl.u32 s12, $0x3  }
0x17: {  	s12 =	simm.s32 $0x13C80;
	s0 =	simm.s32 $0x3;
	[dreg:$0x8] =	wrdreg s10  }
.LBB2_7:
0x18: {  	s3 =	sadd.s32 s30, s15;
	[sflag:s17] =	ssyncadd.s32 $0xFFFFD800  }
0x19: {  	[tilespmem:s18], [sflag:$0x4] =	stream.linear.gather [hbm4b:s3+s4], $0x400, $0x38;
	[tilespmem:$0x1BC00] =	vst v63  }
0x1a: {  	_ =	swait.ge [sflag:s17], $0x400  }
0x1b: {  	[sflag:s17] =	ssyncset.done $0x0  }
0x1c: {  	s30 =	sadd.s32 s30, s14;
	[sflag:s17] =	ssyncadd.s32 $0xFFFFFC00  }
0x1d: {  	[tilespmem:s19], [sflag:$0x4] =	stream.linear.gather [hbm4b:s30+s4], $0x400, $0x38;
	[tilespmem:$0x1BC00] =	vst v63  }
0x1e: {  	_ =	swait.ge [sflag:s17], $0x400  }
0x1f: {  	[sflag:s17] =	ssyncset.done $0x0  }
0x20: {  	[sflag:s17] =	ssyncadd.s32 $0xFFFFFC00  }
0x21: {  	[tilespmem:s21], [sflag:$0x1] =	stream.indirect.gather [hbm4b:s5+s20], $0x80, s18, s20, $0xb8;
	[tilespmem:$0x1BC00] =	vst v63  }
0x22: {  	_ = 	snop  }
0x23: {  	[tilespmem:s23], [sflag:$0x2] =	stream.indirect.gather [hbm4b:s7+s20], $0x80, s12, s20, $0xb8;
	[tilespmem:$0x1BC00] =	vst v63  }
0x24: {  	_ = 	snop  }
0x25: {  	[tilespmem:s25], [sflag:$0x3] =	stream.indirect.gather [hbm4b:s9+s20], $0x80, s13, s20, $0xb8;
	[tilespmem:$0x1BC00] =	vst v63  }
0x26: {  	_ =	swait.ge [sflag:s26], $0x2800  }
0x27: {  	[sflag:s26] =	ssyncset.done $0x0  }
0x28: {  	[sflag:s26] =	ssyncadd.s32 $0xFFFFD800  }
0x29: {  	[spmem:s2] =	stream.indirect.scatter.add.f32 [tilespmem:s21], [sflag:$0x4], $0x80, s19, s20, $0xb8;
	[tilespmem:$0x1BC00] =	vst v63  }
0x2a: {  	_ =	swait.ge [sflag:s17], $0x2800  }
0x2b: {  	[sflag:s17] =	ssyncset.done $0x0  }
0x2c: {  	[sflag:s17] =	ssyncadd.s32 $0xFFFFD800  }
0x2d: {  	[tilespmem:s21], [sflag:$0x1] =	stream.indirect.gather [hbm4b:s5+s20], $0x80, s11, s20, $0xb8;
	[tilespmem:$0x1BC00] =	vst v63  }
0x2e: {  	_ =	swait.ge [sflag:s29], $0x2800  }
0x2f: {  	[sflag:s29] =	ssyncset.done $0x0  }
0x30: {  	[sflag:s29] =	ssyncadd.s32 $0xFFFFD800  }
0x31: {  	[spmem:s2] =	stream.indirect.scatter.add.f32 [tilespmem:s23], [sflag:$0x4], $0x80, s16, s20, $0xb8;
	[tilespmem:$0x1BC00] =	vst v63  }
0x32: {  	_ =	swait.ge [sflag:s17], $0x2800  }
0x33: {  	[sflag:s17] =	ssyncset.done $0x0  }
0x34: {  	[sflag:s17] =	ssyncadd.s32 $0xFFFFD800  }
0x35: {  	[tilespmem:s23], [sflag:$0x2] =	stream.indirect.gather [hbm4b:s7+s20], $0x80, s22, s20, $0xb8;
	[tilespmem:$0x1BC00] =	vst v63  }
0x36: {  	_ =	swait.ge [sflag:s0], $0x2800  }
0x37: {  	[sflag:s0] =	ssyncset.done $0x0  }
0x38: {  	[sflag:s0] =	ssyncadd.s32 $0xFFFFD800  }
0x39: {  	[spmem:s2] =	stream.indirect.scatter.add.f32 [tilespmem:s25], [sflag:$0x4], $0x80, s24, s20, $0xb8;
	[tilespmem:$0x1BC00] =	vst v63  }
0x3a: {  	_ =	swait.ge [sflag:s17], $0x2800  }
0x3b: {  	[sflag:s17] =	ssyncset.done $0x0  }
0x3c: {  	[sflag:s17] =	ssyncadd.s32 $0xFFFFD800  }
0x3d: {  	[tilespmem:s25], [sflag:$0x3] =	stream.indirect.gather [hbm4b:s9+s20], $0x80, s28, s20, $0xb8;
	[tilespmem:$0x1BC00] =	vst v63  }
0x3e: {  	_ =	swait.ge [sflag:s26], $0x2800  }
0x3f: {  	[sflag:s26] =	ssyncset.done $0x0  }
0x40: {  	[sflag:s26] =	ssyncadd.s32 $0xFFFFD800  }
0x41: {  	[spmem:s2] =	stream.indirect.scatter.add.f32 [tilespmem:s21], [sflag:$0x4], $0x80, s1, s20, $0xb8;
	[tilespmem:$0x1BC00] =	vst v63  }
0x42: {  	_ =	swait.ge [sflag:s17], $0x2800  }
0x43: {  	[sflag:s17] =	ssyncset.done $0x0  }
0x44: {  	s13 =	simm.s32 $0x13F00;
	[sflag:s17] =	ssyncadd.s32 $0xFFFFD800  }
0x45: {  	[tilespmem:s21], [sflag:$0x1] =	stream.indirect.gather [hbm4b:s5+s20], $0x80, s13, s20, $0xb8;
	[tilespmem:$0x1BC00] =	vst v63  }
0x46: {  	_ =	swait.ge [sflag:s29], $0x2800  }
0x47: {  	[sflag:s29] =	ssyncset.done $0x0  }
0x48: {  	[sflag:s29] =	ssyncadd.s32 $0xFFFFD800  }
0x49: {  	[spmem:s2] =	stream.indirect.scatter.add.f32 [tilespmem:s23], [sflag:$0x4], $0x80, s10, s20, $0xb8;
	[tilespmem:$0x1BC00] =	vst v63  }
0x4a: {  	_ =	swait.ge [sflag:s17], $0x2800  }
0x4b: {  	[sflag:s17] =	ssyncset.done $0x0  }
0x4c: {  	s16 =	simm.s32 $0x13F80;
	[sflag:s17] =	ssyncadd.s32 $0xFFFFD800  }
0x4d: {  	[tilespmem:s23], [sflag:$0x2] =	stream.indirect.gather [hbm4b:s7+s20], $0x80, s16, s20, $0xb8;
	[tilespmem:$0x1BC00] =	vst v63  }
0x4e: {  	_ =	swait.ge [sflag:s0], $0x2800  }
0x4f: {  	[sflag:s0] =	ssyncset.done $0x0  }
0x50: {  	s22 =	simm.s32 $0x14280;
	[sflag:s0] =	ssyncadd.s32 $0xFFFFD800  }
0x51: {  	[spmem:s2] =	stream.indirect.scatter.add.f32 [tilespmem:s25], [sflag:$0x4], $0x80, s22, s20, $0xb8;
	[tilespmem:$0x1BC00] =	vst v63  }
0x52: {  	_ =	swait.ge [sflag:s17], $0x2800  }
0x53: {  	[sflag:s17] =	ssyncset.done $0x0  }
0x54: {  	[sflag:s17] =	ssyncadd.s32 $0xFFFFD800  }
0x55: {  	_ =	swait.ge [sflag:s26], $0x2800  }
0x56: {  	[sflag:s26] =	ssyncset.done $0x0  }
0x57: {  	s24 =	simm.s32 $0x14300;
	[sflag:s26] =	ssyncadd.s32 $0xFFFFD800  }
0x58: {  	[spmem:s2] =	stream.indirect.scatter.add.f32 [tilespmem:s21], [sflag:$0x4], $0x80, s24, s20, $0xb8;
	[tilespmem:$0x1BC00] =	vst v63  }
0x59: {  	_ =	swait.ge [sflag:s17], $0x2800  }
0x5a: {  	[sflag:s17] =	ssyncset.done $0x0  }
0x5b: {  	[sflag:s17] =	ssyncadd.s32 $0xFFFFD800  }
0x5c: {  	_ =	swait.ge [sflag:s29], $0x2800  }
0x5d: {  	s30 =	simm.s32 $0x14380;
	[sflag:s29] =	ssyncset.done $0x0  }
0x5e: {  	s11 =	simm.s32 $0x13D80;
	s28 =	simm.s32 $0x13E80;
	[sflag:s29] =	ssyncadd.s32 $0xFFFFD800  }
0x5f: {  	[spmem:s2] =	stream.indirect.scatter.add.f32 [tilespmem:s23], [sflag:$0x4], $0x80, s30, s20, $0xb8;
	[tilespmem:$0x1BC00] =	vst v63  }
0x60: {  	s1 =	simm.s32 $0x14180;
	s13 =	simm.s32 $0x13D00;
	_ =	swait.ge [sflag:s17], $0x2800  }
0x61: {  	s16 =	simm.s32 $0x14080;
	s22 =	simm.s32 $0x13E00;
	[sflag:s17] =	ssyncset.done $0x0  }
0x62: {  	s24 =	simm.s32 $0x14100;
	s31 =	rddreg [dreg:$0x9];
	[sflag:s17] =	ssyncadd.s32 $0xFFFFD800  }
.LBB2_8:
0x63: {  	[bflag:$0x0] =	sbarrier.arrive $0xFFFF  }
0x64: {  	s30 =	rddreg [dreg:$0x5]  }
0x65: {  	s3 =	rddreg [dreg:$0x6]  }
0x66: {  	s10 =	rddreg [dreg:$0x8]  }
0x67: {  	[hbm:s3], [sflag:s30] =	dma.local [spmem:s10], $0x2780  }
0x68: {  	_ =	swait.ge [sflag:s17], $0x2780  }
0x69: {  	s31 =	sadd.s32 $0x1, s31;
	s3 =	rddreg [dreg:$0x7]  }
0x6a: {  	p1 =	sne.s32 s31, s3  }
.Ltmp1:
0x6b: {  	_ = 	snop;
	(pc) =	sbr.rel @!p1 .LBB2_9-.Ltmp1, $3  }
0x6c: {  	_ =	sdelay $0x1  }
0x6d: {  	[sflag:s17] =	ssyncset.done $0x0  }
0x6e: {  	[sflag:s17] =	ssyncadd.s32 $0xFFFFD880  }
.LBB2_1:
0x6f: {  	[dreg:$0x9] =	wrdreg s31  }
0x70: {  	s3 =	rddreg [dreg:$0x4]  }
0x71: {  	[spmem:s10], [sflag:s30] =	dma.local [hbm:s3], $0x2780  }
.Ltmp2:
0x72: {  	_ =	swait.ge [sflag:s17], $0x2780;
	(pc) =	sbr.rel @p0 .LBB2_5-.Ltmp2, $4  }
0x73: {  	[sflag:s17] =	ssyncset.done $0x0  }
0x74: {  	[sflag:s17] =	ssyncadd.s32 $0xFFFFD880  }
0x75: {  	[bflag:$0x0] =	sbarrier.arrive $0xFFFF  }
0x76: {  	s3 =	sadd.s32 $0x0, s15  }
0x77: {  	[tilespmem:s18], [sflag:$0x4] =	stream.linear.gather [hbm4b:s3+s4], $0x400, $0x38;
	[tilespmem:$0x1BC00] =	vst v63  }
0x78: {  	_ =	swait.ge [sflag:s17], $0x400  }
0x79: {  	[sflag:s17] =	ssyncset.done $0x0  }
0x7a: {  	s10 =	sadd.s32 $0x0, s14;
	[sflag:s17] =	ssyncadd.s32 $0xFFFFFC00  }
0x7b: {  	[tilespmem:s19], [sflag:$0x4] =	stream.linear.gather [hbm4b:s10+s4], $0x400, $0x38;
	[tilespmem:$0x1BC00] =	vst v63  }
0x7c: {  	_ =	swait.ge [sflag:s17], $0x400  }
0x7d: {  	[sflag:s17] =	ssyncset.done $0x0  }
0x7e: {  	[sflag:s17] =	ssyncadd.s32 $0xFFFFFC00  }
0x7f: {  	s10 =	rddreg [dreg:$0x0]  }
0x80: {  	[tilespmem:s21], [sflag:$0x1] =	stream.indirect.gather [hbm4b:s10+s20], $0x80, s18, s20, $0xb8;
	[tilespmem:$0x1BC00] =	vst v63  }
0x81: {  	_ = 	snop  }
0x82: {  	[tilespmem:s23], [sflag:$0x2] =	stream.indirect.gather [hbm4b:s6+s20], $0x80, s12, s20, $0xb8;
	[tilespmem:$0x1BC00] =	vst v63  }
0x83: {  	_ = 	snop  }
0x84: {  	[tilespmem:s25], [sflag:$0x3] =	stream.indirect.gather [hbm4b:s8+s20], $0x80, s13, s20, $0xb8;
	[tilespmem:$0x1BC00] =	vst v63  }
0x85: {  	_ =	swait.ge [sflag:s26], $0x2800  }
0x86: {  	[sflag:s26] =	ssyncset.done $0x0  }
0x87: {  	[sflag:s26] =	ssyncadd.s32 $0xFFFFD800  }
0x88: {  	[spmem:s2] =	stream.indirect.scatter.add.f32 [tilespmem:s21], [sflag:$0x4], $0x80, s19, s20, $0xb8;
	[tilespmem:$0x1BC00] =	vst v63  }
0x89: {  	_ =	swait.ge [sflag:s17], $0x2800  }
0x8a: {  	[sflag:s17] =	ssyncset.done $0x0  }
0x8b: {  	[sflag:s17] =	ssyncadd.s32 $0xFFFFD800  }
0x8c: {  	[tilespmem:s21], [sflag:$0x1] =	stream.indirect.gather [hbm4b:s10+s20], $0x80, s11, s20, $0xb8;
	[tilespmem:$0x1BC00] =	vst v63  }
0x8d: {  	_ =	swait.ge [sflag:s29], $0x2800  }
0x8e: {  	[sflag:s29] =	ssyncset.done $0x0  }
0x8f: {  	[sflag:s29] =	ssyncadd.s32 $0xFFFFD800  }
0x90: {  	[spmem:s2] =	stream.indirect.scatter.add.f32 [tilespmem:s23], [sflag:$0x4], $0x80, s16, s20, $0xb8;
	[tilespmem:$0x1BC00] =	vst v63  }
0x91: {  	_ =	swait.ge [sflag:s17], $0x2800  }
0x92: {  	[sflag:s17] =	ssyncset.done $0x0  }
0x93: {  	[sflag:s17] =	ssyncadd.s32 $0xFFFFD800  }
0x94: {  	[tilespmem:s23], [sflag:$0x2] =	stream.indirect.gather [hbm4b:s6+s20], $0x80, s22, s20, $0xb8;
	[tilespmem:$0x1BC00] =	vst v63  }
0x95: {  	_ =	swait.ge [sflag:s0], $0x2800  }
0x96: {  	[sflag:s0] =	ssyncset.done $0x0  }
0x97: {  	[sflag:s0] =	ssyncadd.s32 $0xFFFFD800  }
0x98: {  	[spmem:s2] =	stream.indirect.scatter.add.f32 [tilespmem:s25], [sflag:$0x4], $0x80, s24, s20, $0xb8;
	[tilespmem:$0x1BC00] =	vst v63  }
0x99: {  	_ =	swait.ge [sflag:s17], $0x2800  }
0x9a: {  	[sflag:s17] =	ssyncset.done $0x0  }
0x9b: {  	[sflag:s17] =	ssyncadd.s32 $0xFFFFD800  }
0x9c: {  	[tilespmem:s25], [sflag:$0x3] =	stream.indirect.gather [hbm4b:s8+s20], $0x80, s28, s20, $0xb8;
	[tilespmem:$0x1BC00] =	vst v63  }
0x9d: {  	_ =	swait.ge [sflag:s26], $0x2800  }
0x9e: {  	[sflag:s26] =	ssyncset.done $0x0  }
0x9f: {  	[sflag:s26] =	ssyncadd.s32 $0xFFFFD800  }
0xa0: {  	[spmem:s2] =	stream.indirect.scatter.add.f32 [tilespmem:s21], [sflag:$0x4], $0x80, s1, s20, $0xb8;
	[tilespmem:$0x1BC00] =	vst v63  }
0xa1: {  	_ =	swait.ge [sflag:s17], $0x2800  }
0xa2: {  	[sflag:s17] =	ssyncset.done $0x0  }
0xa3: {  	s11 =	simm.s32 $0x13F00;
	[sflag:s17] =	ssyncadd.s32 $0xFFFFD800  }
0xa4: {  	[tilespmem:s21], [sflag:$0x1] =	stream.indirect.gather [hbm4b:s10+s20], $0x80, s11, s20, $0xb8;
	[tilespmem:$0x1BC00] =	vst v63  }
0xa5: {  	_ =	swait.ge [sflag:s29], $0x2800  }
0xa6: {  	[sflag:s29] =	ssyncset.done $0x0  }
0xa7: {  	s12 =	simm.s32 $0x14200;
	[sflag:s29] =	ssyncadd.s32 $0xFFFFD800  }
0xa8: {  	[spmem:s2] =	stream.indirect.scatter.add.f32 [tilespmem:s23], [sflag:$0x4], $0x80, s12, s20, $0xb8;
	[tilespmem:$0x1BC00] =	vst v63  }
0xa9: {  	_ =	swait.ge [sflag:s17], $0x2800  }
0xaa: {  	[sflag:s17] =	ssyncset.done $0x0  }
0xab: {  	s13 =	simm.s32 $0x13F80;
	[sflag:s17] =	ssyncadd.s32 $0xFFFFD800  }
0xac: {  	[tilespmem:s23], [sflag:$0x2] =	stream.indirect.gather [hbm4b:s6+s20], $0x80, s13, s20, $0xb8;
	[tilespmem:$0x1BC00] =	vst v63  }
0xad: {  	_ =	swait.ge [sflag:s0], $0x2800  }
0xae: {  	[sflag:s0] =	ssyncset.done $0x0  }
0xaf: {  	s16 =	simm.s32 $0x14280;
	[sflag:s0] =	ssyncadd.s32 $0xFFFFD800  }
0xb0: {  	[spmem:s2] =	stream.indirect.scatter.add.f32 [tilespmem:s25], [sflag:$0x4], $0x80, s16, s20, $0xb8;
	[tilespmem:$0x1BC00] =	vst v63  }
0xb1: {  	_ =	swait.ge [sflag:s17], $0x2800  }
0xb2: {  	[sflag:s17] =	ssyncset.done $0x0  }
0xb3: {  	[sflag:s17] =	ssyncadd.s32 $0xFFFFD800  }
0xb4: {  	_ =	swait.ge [sflag:s26], $0x2800  }
0xb5: {  	[sflag:s26] =	ssyncset.done $0x0  }
0xb6: {  	s22 =	simm.s32 $0x14300;
	[sflag:s26] =	ssyncadd.s32 $0xFFFFD800  }
0xb7: {  	[spmem:s2] =	stream.indirect.scatter.add.f32 [tilespmem:s21], [sflag:$0x4], $0x80, s22, s20, $0xb8;
	[tilespmem:$0x1BC00] =	vst v63  }
0xb8: {  	_ =	swait.ge [sflag:s17], $0x2800  }
0xb9: {  	[sflag:s17] =	ssyncset.done $0x0  }
0xba: {  	[sflag:s17] =	ssyncadd.s32 $0xFFFFD800  }
0xbb: {  	s30 =	simm.s32 $0x80;
	s31 =	simm.s32 $0x100;
	_ =	swait.ge [sflag:s29], $0x2800  }
0xbc: {  	s24 =	simm.s32 $0x14380;
	s28 =	simm.s32 $0x13E80;
	[sflag:s29] =	ssyncset.done $0x0  }
0xbd: {  	s1 =	simm.s32 $0x14180;
	s11 =	simm.s32 $0x13D80;
	[sflag:s29] =	ssyncadd.s32 $0xFFFFD800  }
0xbe: {  	[spmem:s2] =	stream.indirect.scatter.add.f32 [tilespmem:s23], [sflag:$0x4], $0x80, s24, s20, $0xb8;
	[tilespmem:$0x1BC00] =	vst v63  }
0xbf: {  	s13 =	simm.s32 $0x13D00;
	s16 =	simm.s32 $0x14080;
	_ =	swait.ge [sflag:s17], $0x2800  }
0xc0: {  	s22 =	simm.s32 $0x13E00;
	s24 =	simm.s32 $0x14100;
	[sflag:s17] =	ssyncset.done $0x0  }
.LBB2_3:
0xc1: {  	s10 =	sadd.s32 s30, s15;
	[sflag:s17] =	ssyncadd.s32 $0xFFFFD800  }
0xc2: {  	[tilespmem:s18], [sflag:$0x4] =	stream.linear.gather [hbm4b:s10+s4], $0x400, $0x38;
	[tilespmem:$0x1BC00] =	vst v63  }
0xc3: {  	_ =	swait.ge [sflag:s17], $0x400  }
0xc4: {  	[sflag:s17] =	ssyncset.done $0x0  }
0xc5: {  	s10 =	sadd.s32 s30, s14;
	[sflag:s17] =	ssyncadd.s32 $0xFFFFFC00  }
0xc6: {  	[tilespmem:s19], [sflag:$0x4] =	stream.linear.gather [hbm4b:s10+s4], $0x400, $0x38;
	[tilespmem:$0x1BC00] =	vst v63  }
0xc7: {  	s10 =	rddreg [dreg:$0x0];
	_ =	swait.ge [sflag:s17], $0x400  }
0xc8: {  	[sflag:s17] =	ssyncset.done $0x0  }
0xc9: {  	s12 =	smov.u32 s31;
	[sflag:s17] =	ssyncadd.s32 $0xFFFFFC00  }
0xca: {  	[tilespmem:s21], [sflag:$0x1] =	stream.indirect.gather [hbm4b:s10+s20], $0x80, s18, s20, $0xb8;
	[tilespmem:$0x1BC00] =	vst v63  }
0xcb: {  	s30 =	smov.u32 s12;
	s12 =	simm.s32 $0x13C80  }
0xcc: {  	[tilespmem:s23], [sflag:$0x2] =	stream.indirect.gather [hbm4b:s6+s20], $0x80, s12, s20, $0xb8;
	[tilespmem:$0x1BC00] =	vst v63  }
0xcd: {  	_ = 	snop  }
0xce: {  	[tilespmem:s25], [sflag:$0x3] =	stream.indirect.gather [hbm4b:s8+s20], $0x80, s13, s20, $0xb8;
	[tilespmem:$0x1BC00] =	vst v63  }
0xcf: {  	_ =	swait.ge [sflag:s26], $0x2800  }
0xd0: {  	[sflag:s26] =	ssyncset.done $0x0  }
0xd1: {  	[sflag:s26] =	ssyncadd.s32 $0xFFFFD800  }
0xd2: {  	[spmem:s2] =	stream.indirect.scatter.add.f32 [tilespmem:s21], [sflag:$0x4], $0x80, s19, s20, $0xb8;
	[tilespmem:$0x1BC00] =	vst v63  }
0xd3: {  	_ =	swait.ge [sflag:s17], $0x2800  }
0xd4: {  	[sflag:s17] =	ssyncset.done $0x0  }
0xd5: {  	[sflag:s17] =	ssyncadd.s32 $0xFFFFD800  }
0xd6: {  	[tilespmem:s21], [sflag:$0x1] =	stream.indirect.gather [hbm4b:s10+s20], $0x80, s11, s20, $0xb8;
	[tilespmem:$0x1BC00] =	vst v63  }
0xd7: {  	_ =	swait.ge [sflag:s29], $0x2800  }
0xd8: {  	[sflag:s29] =	ssyncset.done $0x0  }
0xd9: {  	[sflag:s29] =	ssyncadd.s32 $0xFFFFD800  }
0xda: {  	[spmem:s2] =	stream.indirect.scatter.add.f32 [tilespmem:s23], [sflag:$0x4], $0x80, s16, s20, $0xb8;
	[tilespmem:$0x1BC00] =	vst v63  }
0xdb: {  	_ =	swait.ge [sflag:s17], $0x2800  }
0xdc: {  	[sflag:s17] =	ssyncset.done $0x0  }
0xdd: {  	[sflag:s17] =	ssyncadd.s32 $0xFFFFD800  }
0xde: {  	[tilespmem:s23], [sflag:$0x2] =	stream.indirect.gather [hbm4b:s6+s20], $0x80, s22, s20, $0xb8;
	[tilespmem:$0x1BC00] =	vst v63  }
0xdf: {  	_ =	swait.ge [sflag:s0], $0x2800  }
0xe0: {  	[sflag:s0] =	ssyncset.done $0x0  }
0xe1: {  	[sflag:s0] =	ssyncadd.s32 $0xFFFFD800  }
0xe2: {  	[spmem:s2] =	stream.indirect.scatter.add.f32 [tilespmem:s25], [sflag:$0x4], $0x80, s24, s20, $0xb8;
	[tilespmem:$0x1BC00] =	vst v63  }
0xe3: {  	_ =	swait.ge [sflag:s17], $0x2800  }
0xe4: {  	[sflag:s17] =	ssyncset.done $0x0  }
0xe5: {  	[sflag:s17] =	ssyncadd.s32 $0xFFFFD800  }
0xe6: {  	[tilespmem:s25], [sflag:$0x3] =	stream.indirect.gather [hbm4b:s8+s20], $0x80, s28, s20, $0xb8;
	[tilespmem:$0x1BC00] =	vst v63  }
0xe7: {  	_ =	swait.ge [sflag:s26], $0x2800  }
0xe8: {  	[sflag:s26] =	ssyncset.done $0x0  }
0xe9: {  	[sflag:s26] =	ssyncadd.s32 $0xFFFFD800  }
0xea: {  	[spmem:s2] =	stream.indirect.scatter.add.f32 [tilespmem:s21], [sflag:$0x4], $0x80, s1, s20, $0xb8;
	[tilespmem:$0x1BC00] =	vst v63  }
0xeb: {  	_ =	swait.ge [sflag:s17], $0x2800  }
0xec: {  	s3 =	sadd.s32 $0x80, s31;
	[sflag:s17] =	ssyncset.done $0x0  }
0xed: {  	p1 =	seq.s32 s31, $0xA00;
	s31 =	simm.s32 $0x13F00;
	[sflag:s17] =	ssyncadd.s32 $0xFFFFD800  }
0xee: {  	[tilespmem:s21], [sflag:$0x1] =	stream.indirect.gather [hbm4b:s10+s20], $0x80, s31, s20, $0xb8;
	[tilespmem:$0x1BC00] =	vst v63  }
0xef: {  	_ =	swait.ge [sflag:s29], $0x2800  }
0xf0: {  	[sflag:s29] =	ssyncset.done $0x0  }
0xf1: {  	s31 =	simm.s32 $0x14200;
	[sflag:s29] =	ssyncadd.s32 $0xFFFFD800  }
0xf2: {  	[spmem:s2] =	stream.indirect.scatter.add.f32 [tilespmem:s23], [sflag:$0x4], $0x80, s31, s20, $0xb8;
	[tilespmem:$0x1BC00] =	vst v63  }
0xf3: {  	_ =	swait.ge [sflag:s17], $0x2800  }
0xf4: {  	[sflag:s17] =	ssyncset.done $0x0  }
0xf5: {  	s31 =	simm.s32 $0x13F80;
	[sflag:s17] =	ssyncadd.s32 $0xFFFFD800  }
0xf6: {  	[tilespmem:s23], [sflag:$0x2] =	stream.indirect.gather [hbm4b:s6+s20], $0x80, s31, s20, $0xb8;
	[tilespmem:$0x1BC00] =	vst v63  }
0xf7: {  	_ =	swait.ge [sflag:s0], $0x2800  }
0xf8: {  	[sflag:s0] =	ssyncset.done $0x0  }
0xf9: {  	s31 =	simm.s32 $0x14280;
	[sflag:s0] =	ssyncadd.s32 $0xFFFFD800  }
0xfa: {  	[spmem:s2] =	stream.indirect.scatter.add.f32 [tilespmem:s25], [sflag:$0x4], $0x80, s31, s20, $0xb8;
	[tilespmem:$0x1BC00] =	vst v63  }
0xfb: {  	_ =	swait.ge [sflag:s17], $0x2800  }
0xfc: {  	[sflag:s17] =	ssyncset.done $0x0  }
0xfd: {  	[sflag:s17] =	ssyncadd.s32 $0xFFFFD800  }
0xfe: {  	_ =	swait.ge [sflag:s26], $0x2800  }
0xff: {  	[sflag:s26] =	ssyncset.done $0x0  }
0x100: {  	s31 =	simm.s32 $0x14300;
	[sflag:s26] =	ssyncadd.s32 $0xFFFFD800  }
0x101: {  	[spmem:s2] =	stream.indirect.scatter.add.f32 [tilespmem:s21], [sflag:$0x4], $0x80, s31, s20, $0xb8;
	[tilespmem:$0x1BC00] =	vst v63  }
0x102: {  	_ =	swait.ge [sflag:s17], $0x2800  }
0x103: {  	[sflag:s17] =	ssyncset.done $0x0  }
0x104: {  	[sflag:s17] =	ssyncadd.s32 $0xFFFFD800  }
0x105: {  	_ =	swait.ge [sflag:s29], $0x2800  }
.Ltmp3:
0x106: {  	[sflag:s29] =	ssyncset.done $0x0;
	(pc) =	sbr.rel @!p1 .LBB2_3-.Ltmp3, $4  }
0x107: {  	s31 =	simm.s32 $0x14380;
	[sflag:s29] =	ssyncadd.s32 $0xFFFFD800  }
0x108: {  	[spmem:s2] =	stream.indirect.scatter.add.f32 [tilespmem:s23], [sflag:$0x4], $0x80, s31, s20, $0xb8;
	[tilespmem:$0x1BC00] =	vst v63  }
0x109: {  	_ =	swait.ge [sflag:s17], $0x2800  }
0x10a: {  	s31 =	smov.u32 s3;
	[sflag:s17] =	ssyncset.done $0x0  }
0x10b: {  	s3 =	sadd.s32 s30, s15;
	[sflag:s17] =	ssyncadd.s32 $0xFFFFD800  }
0x10c: {  	[tilespmem:s18], [sflag:$0x4] =	stream.linear.gather [hbm4b:s3+s4], $0x400, $0x38;
	[tilespmem:$0x1BC00] =	vst v63  }
0x10d: {  	_ =	swait.ge [sflag:s17], $0x400  }
0x10e: {  	[sflag:s17] =	ssyncset.done $0x0  }
0x10f: {  	s30 =	sadd.s32 s30, s14;
	[sflag:s17] =	ssyncadd.s32 $0xFFFFFC00  }
0x110: {  	[tilespmem:s19], [sflag:$0x4] =	stream.linear.gather [hbm4b:s30+s4], $0x400, $0x38;
	[tilespmem:$0x1BC00] =	vst v63  }
0x111: {  	_ =	swait.ge [sflag:s17], $0x400  }
0x112: {  	[sflag:s17] =	ssyncset.done $0x0  }
0x113: {  	[sflag:s17] =	ssyncadd.s32 $0xFFFFFC00  }
0x114: {  	[tilespmem:s21], [sflag:$0x1] =	stream.indirect.gather [hbm4b:s10+s20], $0x80, s18, s20, $0xb8;
	[tilespmem:$0x1BC00] =	vst v63  }
0x115: {  	_ = 	snop  }
0x116: {  	[tilespmem:s23], [sflag:$0x2] =	stream.indirect.gather [hbm4b:s6+s20], $0x80, s12, s20, $0xb8;
	[tilespmem:$0x1BC00] =	vst v63  }
0x117: {  	_ = 	snop  }
0x118: {  	[tilespmem:s25], [sflag:$0x3] =	stream.indirect.gather [hbm4b:s8+s20], $0x80, s13, s20, $0xb8;
	[tilespmem:$0x1BC00] =	vst v63  }
0x119: {  	_ =	swait.ge [sflag:s26], $0x2800  }
0x11a: {  	[sflag:s26] =	ssyncset.done $0x0  }
0x11b: {  	[sflag:s26] =	ssyncadd.s32 $0xFFFFD800  }
0x11c: {  	[spmem:s2] =	stream.indirect.scatter.add.f32 [tilespmem:s21], [sflag:$0x4], $0x80, s19, s20, $0xb8;
	[tilespmem:$0x1BC00] =	vst v63  }
0x11d: {  	_ =	swait.ge [sflag:s17], $0x2800  }
0x11e: {  	[sflag:s17] =	ssyncset.done $0x0  }
0x11f: {  	[sflag:s17] =	ssyncadd.s32 $0xFFFFD800  }
0x120: {  	[tilespmem:s21], [sflag:$0x1] =	stream.indirect.gather [hbm4b:s10+s20], $0x80, s11, s20, $0xb8;
	[tilespmem:$0x1BC00] =	vst v63  }
0x121: {  	_ =	swait.ge [sflag:s29], $0x2800  }
0x122: {  	[sflag:s29] =	ssyncset.done $0x0  }
0x123: {  	[sflag:s29] =	ssyncadd.s32 $0xFFFFD800  }
0x124: {  	[spmem:s2] =	stream.indirect.scatter.add.f32 [tilespmem:s23], [sflag:$0x4], $0x80, s16, s20, $0xb8;
	[tilespmem:$0x1BC00] =	vst v63  }
0x125: {  	_ =	swait.ge [sflag:s17], $0x2800  }
0x126: {  	[sflag:s17] =	ssyncset.done $0x0  }
0x127: {  	[sflag:s17] =	ssyncadd.s32 $0xFFFFD800  }
0x128: {  	[tilespmem:s23], [sflag:$0x2] =	stream.indirect.gather [hbm4b:s6+s20], $0x80, s22, s20, $0xb8;
	[tilespmem:$0x1BC00] =	vst v63  }
0x129: {  	_ =	swait.ge [sflag:s0], $0x2800  }
0x12a: {  	[sflag:s0] =	ssyncset.done $0x0  }
0x12b: {  	[sflag:s0] =	ssyncadd.s32 $0xFFFFD800  }
0x12c: {  	[spmem:s2] =	stream.indirect.scatter.add.f32 [tilespmem:s25], [sflag:$0x4], $0x80, s24, s20, $0xb8;
	[tilespmem:$0x1BC00] =	vst v63  }
0x12d: {  	_ =	swait.ge [sflag:s17], $0x2800  }
0x12e: {  	[sflag:s17] =	ssyncset.done $0x0  }
0x12f: {  	[sflag:s17] =	ssyncadd.s32 $0xFFFFD800  }
0x130: {  	[tilespmem:s25], [sflag:$0x3] =	stream.indirect.gather [hbm4b:s8+s20], $0x80, s28, s20, $0xb8;
	[tilespmem:$0x1BC00] =	vst v63  }
0x131: {  	_ =	swait.ge [sflag:s26], $0x2800  }
0x132: {  	[sflag:s26] =	ssyncset.done $0x0  }
0x133: {  	[sflag:s26] =	ssyncadd.s32 $0xFFFFD800  }
0x134: {  	[spmem:s2] =	stream.indirect.scatter.add.f32 [tilespmem:s21], [sflag:$0x4], $0x80, s1, s20, $0xb8;
	[tilespmem:$0x1BC00] =	vst v63  }
0x135: {  	_ =	swait.ge [sflag:s17], $0x2800  }
0x136: {  	[sflag:s17] =	ssyncset.done $0x0  }
0x137: {  	s11 =	simm.s32 $0x13F00;
	[sflag:s17] =	ssyncadd.s32 $0xFFFFD800  }
0x138: {  	[tilespmem:s21], [sflag:$0x1] =	stream.indirect.gather [hbm4b:s10+s20], $0x80, s11, s20, $0xb8;
	[tilespmem:$0x1BC00] =	vst v63  }
0x139: {  	_ =	swait.ge [sflag:s29], $0x2800  }
0x13a: {  	[sflag:s29] =	ssyncset.done $0x0  }
0x13b: {  	s13 =	simm.s32 $0x14200;
	[sflag:s29] =	ssyncadd.s32 $0xFFFFD800  }
0x13c: {  	[spmem:s2] =	stream.indirect.scatter.add.f32 [tilespmem:s23], [sflag:$0x4], $0x80, s13, s20, $0xb8;
	[tilespmem:$0x1BC00] =	vst v63  }
0x13d: {  	_ =	swait.ge [sflag:s17], $0x2800  }
0x13e: {  	[sflag:s17] =	ssyncset.done $0x0  }
0x13f: {  	s16 =	simm.s32 $0x13F80;
	[sflag:s17] =	ssyncadd.s32 $0xFFFFD800  }
0x140: {  	[tilespmem:s23], [sflag:$0x2] =	stream.indirect.gather [hbm4b:s6+s20], $0x80, s16, s20, $0xb8;
	[tilespmem:$0x1BC00] =	vst v63  }
0x141: {  	_ =	swait.ge [sflag:s0], $0x2800  }
0x142: {  	[sflag:s0] =	ssyncset.done $0x0  }
0x143: {  	s22 =	simm.s32 $0x14280;
	[sflag:s0] =	ssyncadd.s32 $0xFFFFD800  }
0x144: {  	[spmem:s2] =	stream.indirect.scatter.add.f32 [tilespmem:s25], [sflag:$0x4], $0x80, s22, s20, $0xb8;
	[tilespmem:$0x1BC00] =	vst v63  }
0x145: {  	_ =	swait.ge [sflag:s17], $0x2800  }
0x146: {  	[sflag:s17] =	ssyncset.done $0x0  }
0x147: {  	[sflag:s17] =	ssyncadd.s32 $0xFFFFD800  }
0x148: {  	_ =	swait.ge [sflag:s26], $0x2800  }
0x149: {  	[sflag:s26] =	ssyncset.done $0x0  }
0x14a: {  	s24 =	simm.s32 $0x14300;
	[sflag:s26] =	ssyncadd.s32 $0xFFFFD800  }
0x14b: {  	[spmem:s2] =	stream.indirect.scatter.add.f32 [tilespmem:s21], [sflag:$0x4], $0x80, s24, s20, $0xb8;
	[tilespmem:$0x1BC00] =	vst v63  }
0x14c: {  	_ =	swait.ge [sflag:s17], $0x2800  }
0x14d: {  	[sflag:s17] =	ssyncset.done $0x0  }
0x14e: {  	[sflag:s17] =	ssyncadd.s32 $0xFFFFD800  }
0x14f: {  	_ =	swait.ge [sflag:s29], $0x2800  }
0x150: {  	s30 =	simm.s32 $0x14380;
	s28 =	simm.s32 $0x13E80;
	[sflag:s29] =	ssyncset.done $0x0  }
.Ltmp4:
0x151: {  	s1 =	simm.s32 $0x14180;
	[sflag:s29] =	ssyncadd.s32 $0xFFFFD800;
	(pc) =	sbr.rel .LBB2_8-.Ltmp4, $4  }
0x152: {  	[spmem:s2] =	stream.indirect.scatter.add.f32 [tilespmem:s23], [sflag:$0x4], $0x80, s30, s20, $0xb8;
	[tilespmem:$0x1BC00] =	vst v63  }
0x153: {  	s11 =	simm.s32 $0x13D80;
	s13 =	simm.s32 $0x13D00;
	_ =	swait.ge [sflag:s17], $0x2800  }
0x154: {  	s16 =	simm.s32 $0x14080;
	s22 =	simm.s32 $0x13E00;
	[sflag:s17] =	ssyncset.done $0x0  }
0x155: {  	s24 =	simm.s32 $0x14100;
	s31 =	rddreg [dreg:$0x9];
	[sflag:s17] =	ssyncadd.s32 $0xFFFFD800  }
.LBB2_5:
0x156: {  	[tilespmem:s18], [sflag:$0x4] =	stream.linear.gather [hbm4b:s3+s4], $0x400, $0x38;
	[tilespmem:$0x1BC00] =	vst v63  }
0x157: {  	_ =	swait.ge [sflag:s17], $0x400  }
0x158: {  	[sflag:s17] =	ssyncset.done $0x0  }
0x159: {  	s10 =	sadd.s32 $0x0, s14;
	[sflag:s17] =	ssyncadd.s32 $0xFFFFFC00  }
0x15a: {  	[tilespmem:s19], [sflag:$0x4] =	stream.linear.gather [hbm4b:s10+s4], $0x400, $0x38;
	[tilespmem:$0x1BC00] =	vst v63  }
0x15b: {  	_ =	swait.ge [sflag:s17], $0x400  }
0x15c: {  	[sflag:s17] =	ssyncset.done $0x0  }
0x15d: {  	[sflag:s17] =	ssyncadd.s32 $0xFFFFFC00  }
0x15e: {  	[tilespmem:s21], [sflag:$0x1] =	stream.indirect.gather [hbm4b:s5+s20], $0x80, s18, s20, $0xb8;
	[tilespmem:$0x1BC00] =	vst v63  }
0x15f: {  	_ = 	snop  }
0x160: {  	[tilespmem:s23], [sflag:$0x2] =	stream.indirect.gather [hbm4b:s7+s20], $0x80, s12, s20, $0xb8;
	[tilespmem:$0x1BC00] =	vst v63  }
0x161: {  	_ = 	snop  }
0x162: {  	[tilespmem:s25], [sflag:$0x3] =	stream.indirect.gather [hbm4b:s9+s20], $0x80, s13, s20, $0xb8;
	[tilespmem:$0x1BC00] =	vst v63  }
0x163: {  	_ =	swait.ge [sflag:s26], $0x2800  }
0x164: {  	[sflag:s26] =	ssyncset.done $0x0  }
0x165: {  	[sflag:s26] =	ssyncadd.s32 $0xFFFFD800  }
0x166: {  	[spmem:s2] =	stream.indirect.scatter.add.f32 [tilespmem:s21], [sflag:$0x4], $0x80, s19, s20, $0xb8;
	[tilespmem:$0x1BC00] =	vst v63  }
0x167: {  	_ =	swait.ge [sflag:s17], $0x2800  }
0x168: {  	[sflag:s17] =	ssyncset.done $0x0  }
0x169: {  	[sflag:s17] =	ssyncadd.s32 $0xFFFFD800  }
0x16a: {  	[tilespmem:s21], [sflag:$0x1] =	stream.indirect.gather [hbm4b:s5+s20], $0x80, s11, s20, $0xb8;
	[tilespmem:$0x1BC00] =	vst v63  }
0x16b: {  	_ =	swait.ge [sflag:s29], $0x2800  }
0x16c: {  	[sflag:s29] =	ssyncset.done $0x0  }
0x16d: {  	[sflag:s29] =	ssyncadd.s32 $0xFFFFD800  }
0x16e: {  	[spmem:s2] =	stream.indirect.scatter.add.f32 [tilespmem:s23], [sflag:$0x4], $0x80, s16, s20, $0xb8;
	[tilespmem:$0x1BC00] =	vst v63  }
0x16f: {  	_ =	swait.ge [sflag:s17], $0x2800  }
0x170: {  	[sflag:s17] =	ssyncset.done $0x0  }
0x171: {  	[sflag:s17] =	ssyncadd.s32 $0xFFFFD800  }
0x172: {  	[tilespmem:s23], [sflag:$0x2] =	stream.indirect.gather [hbm4b:s7+s20], $0x80, s22, s20, $0xb8;
	[tilespmem:$0x1BC00] =	vst v63  }
0x173: {  	_ =	swait.ge [sflag:s0], $0x2800  }
0x174: {  	[sflag:s0] =	ssyncset.done $0x0  }
0x175: {  	[sflag:s0] =	ssyncadd.s32 $0xFFFFD800  }
0x176: {  	[spmem:s2] =	stream.indirect.scatter.add.f32 [tilespmem:s25], [sflag:$0x4], $0x80, s24, s20, $0xb8;
	[tilespmem:$0x1BC00] =	vst v63  }
0x177: {  	_ =	swait.ge [sflag:s17], $0x2800  }
0x178: {  	[sflag:s17] =	ssyncset.done $0x0  }
0x179: {  	[sflag:s17] =	ssyncadd.s32 $0xFFFFD800  }
0x17a: {  	[tilespmem:s25], [sflag:$0x3] =	stream.indirect.gather [hbm4b:s9+s20], $0x80, s28, s20, $0xb8;
	[tilespmem:$0x1BC00] =	vst v63  }
0x17b: {  	_ =	swait.ge [sflag:s26], $0x2800  }
0x17c: {  	[sflag:s26] =	ssyncset.done $0x0  }
0x17d: {  	[sflag:s26] =	ssyncadd.s32 $0xFFFFD800  }
0x17e: {  	[spmem:s2] =	stream.indirect.scatter.add.f32 [tilespmem:s21], [sflag:$0x4], $0x80, s1, s20, $0xb8;
	[tilespmem:$0x1BC00] =	vst v63  }
0x17f: {  	_ =	swait.ge [sflag:s17], $0x2800  }
0x180: {  	[sflag:s17] =	ssyncset.done $0x0  }
0x181: {  	s12 =	simm.s32 $0x13F00;
	[sflag:s17] =	ssyncadd.s32 $0xFFFFD800  }
0x182: {  	[tilespmem:s21], [sflag:$0x1] =	stream.indirect.gather [hbm4b:s5+s20], $0x80, s12, s20, $0xb8;
	[tilespmem:$0x1BC00] =	vst v63  }
0x183: {  	_ =	swait.ge [sflag:s29], $0x2800  }
0x184: {  	[sflag:s29] =	ssyncset.done $0x0  }
0x185: {  	s13 =	simm.s32 $0x14200;
	[sflag:s29] =	ssyncadd.s32 $0xFFFFD800  }
0x186: {  	[spmem:s2] =	stream.indirect.scatter.add.f32 [tilespmem:s23], [sflag:$0x4], $0x80, s13, s20, $0xb8;
	[tilespmem:$0x1BC00] =	vst v63  }
0x187: {  	_ =	swait.ge [sflag:s17], $0x2800  }
0x188: {  	[sflag:s17] =	ssyncset.done $0x0  }
0x189: {  	s16 =	simm.s32 $0x13F80;
	[sflag:s17] =	ssyncadd.s32 $0xFFFFD800  }
0x18a: {  	[tilespmem:s23], [sflag:$0x2] =	stream.indirect.gather [hbm4b:s7+s20], $0x80, s16, s20, $0xb8;
	[tilespmem:$0x1BC00] =	vst v63  }
0x18b: {  	_ =	swait.ge [sflag:s0], $0x2800  }
0x18c: {  	[sflag:s0] =	ssyncset.done $0x0  }
0x18d: {  	s22 =	simm.s32 $0x14280;
	[sflag:s0] =	ssyncadd.s32 $0xFFFFD800  }
0x18e: {  	[spmem:s2] =	stream.indirect.scatter.add.f32 [tilespmem:s25], [sflag:$0x4], $0x80, s22, s20, $0xb8;
	[tilespmem:$0x1BC00] =	vst v63  }
0x18f: {  	_ =	swait.ge [sflag:s17], $0x2800  }
0x190: {  	[sflag:s17] =	ssyncset.done $0x0  }
0x191: {  	[sflag:s17] =	ssyncadd.s32 $0xFFFFD800  }
0x192: {  	_ =	swait.ge [sflag:s26], $0x2800  }
0x193: {  	[sflag:s26] =	ssyncset.done $0x0  }
0x194: {  	s24 =	simm.s32 $0x14300;
	[sflag:s26] =	ssyncadd.s32 $0xFFFFD800  }
0x195: {  	[spmem:s2] =	stream.indirect.scatter.add.f32 [tilespmem:s21], [sflag:$0x4], $0x80, s24, s20, $0xb8;
	[tilespmem:$0x1BC00] =	vst v63  }
0x196: {  	_ =	swait.ge [sflag:s17], $0x2800  }
0x197: {  	[sflag:s17] =	ssyncset.done $0x0  }
0x198: {  	[sflag:s17] =	ssyncadd.s32 $0xFFFFD800  }
0x199: {  	s31 =	simm.s32 $0x14380;
	s30 =	simm.s32 $0x80;
	_ =	swait.ge [sflag:s29], $0x2800  }
0x19a: {  	s3 =	simm.s32 $0x100;
	s11 =	simm.s32 $0x13D80;
	[sflag:s29] =	ssyncset.done $0x0  }
0x19b: {  	s28 =	simm.s32 $0x13E80;
	s1 =	simm.s32 $0x14180;
	[sflag:s29] =	ssyncadd.s32 $0xFFFFD800  }
0x19c: {  	[spmem:s2] =	stream.indirect.scatter.add.f32 [tilespmem:s23], [sflag:$0x4], $0x80, s31, s20, $0xb8;
	[tilespmem:$0x1BC00] =	vst v63  }
0x19d: {  	s13 =	simm.s32 $0x13D00;
	s16 =	simm.s32 $0x14080;
	_ =	swait.ge [sflag:s17], $0x2800  }
0x19e: {  	s22 =	simm.s32 $0x13E00;
	s24 =	simm.s32 $0x14100;
	[sflag:s17] =	ssyncset.done $0x0  }
.LBB2_6:
0x19f: {  	s10 =	sadd.s32 s30, s15  }
0x1a0: {  	[sflag:s17] =	ssyncadd.s32 $0xFFFFD800;
	s12 =	smov.u32 s3;
	s31 =	sadd.s32 $0x80, s3  }
0x1a1: {  	[tilespmem:s18], [sflag:$0x4] =	stream.linear.gather [hbm4b:s10+s4], $0x400, $0x38;
	[tilespmem:$0x1BC00] =	vst v63  }
0x1a2: {  	s10 =	simm.s32 $0x14200  }
0x1a3: {  	p1 =	sne.s32 s3, $0x500;
	_ =	swait.ge [sflag:s17], $0x400  }
0x1a4: {  	s3 =	sadd.s32 s30, s14;
	[sflag:s17] =	ssyncset.done $0x0  }
0x1a5: {  	s30 =	smov.u32 s12;
	s12 =	simm.s32 $0x13C80;
	[sflag:s17] =	ssyncadd.s32 $0xFFFFFC00  }
0x1a6: {  	[tilespmem:s19], [sflag:$0x4] =	stream.linear.gather [hbm4b:s3+s4], $0x400, $0x38;
	[tilespmem:$0x1BC00] =	vst v63  }
0x1a7: {  	_ =	swait.ge [sflag:s17], $0x400  }
0x1a8: {  	[sflag:s17] =	ssyncset.done $0x0  }
0x1a9: {  	[sflag:s17] =	ssyncadd.s32 $0xFFFFFC00  }
0x1aa: {  	[tilespmem:s21], [sflag:$0x1] =	stream.indirect.gather [hbm4b:s5+s20], $0x80, s18, s20, $0xb8;
	[tilespmem:$0x1BC00] =	vst v63  }
0x1ab: {  	_ = 	snop  }
0x1ac: {  	[tilespmem:s23], [sflag:$0x2] =	stream.indirect.gather [hbm4b:s7+s20], $0x80, s12, s20, $0xb8;
	[tilespmem:$0x1BC00] =	vst v63  }
0x1ad: {  	_ = 	snop  }
0x1ae: {  	[tilespmem:s25], [sflag:$0x3] =	stream.indirect.gather [hbm4b:s9+s20], $0x80, s13, s20, $0xb8;
	[tilespmem:$0x1BC00] =	vst v63  }
0x1af: {  	_ =	swait.ge [sflag:s26], $0x2800  }
0x1b0: {  	[sflag:s26] =	ssyncset.done $0x0  }
0x1b1: {  	[sflag:s26] =	ssyncadd.s32 $0xFFFFD800  }
0x1b2: {  	[spmem:s2] =	stream.indirect.scatter.add.f32 [tilespmem:s21], [sflag:$0x4], $0x80, s19, s20, $0xb8;
	[tilespmem:$0x1BC00] =	vst v63  }
0x1b3: {  	_ =	swait.ge [sflag:s17], $0x2800  }
0x1b4: {  	[sflag:s17] =	ssyncset.done $0x0  }
0x1b5: {  	[sflag:s17] =	ssyncadd.s32 $0xFFFFD800  }
0x1b6: {  	[tilespmem:s21], [sflag:$0x1] =	stream.indirect.gather [hbm4b:s5+s20], $0x80, s11, s20, $0xb8;
	[tilespmem:$0x1BC00] =	vst v63  }
0x1b7: {  	_ =	swait.ge [sflag:s29], $0x2800  }
0x1b8: {  	[sflag:s29] =	ssyncset.done $0x0  }
0x1b9: {  	[sflag:s29] =	ssyncadd.s32 $0xFFFFD800  }
0x1ba: {  	[spmem:s2] =	stream.indirect.scatter.add.f32 [tilespmem:s23], [sflag:$0x4], $0x80, s16, s20, $0xb8;
	[tilespmem:$0x1BC00] =	vst v63  }
0x1bb: {  	_ =	swait.ge [sflag:s17], $0x2800  }
0x1bc: {  	[sflag:s17] =	ssyncset.done $0x0  }
0x1bd: {  	[sflag:s17] =	ssyncadd.s32 $0xFFFFD800  }
0x1be: {  	[tilespmem:s23], [sflag:$0x2] =	stream.indirect.gather [hbm4b:s7+s20], $0x80, s22, s20, $0xb8;
	[tilespmem:$0x1BC00] =	vst v63  }
0x1bf: {  	_ =	swait.ge [sflag:s0], $0x2800  }
0x1c0: {  	[sflag:s0] =	ssyncset.done $0x0  }
0x1c1: {  	[sflag:s0] =	ssyncadd.s32 $0xFFFFD800  }
0x1c2: {  	[spmem:s2] =	stream.indirect.scatter.add.f32 [tilespmem:s25], [sflag:$0x4], $0x80, s24, s20, $0xb8;
	[tilespmem:$0x1BC00] =	vst v63  }
0x1c3: {  	_ =	swait.ge [sflag:s17], $0x2800  }
0x1c4: {  	[sflag:s17] =	ssyncset.done $0x0  }
0x1c5: {  	[sflag:s17] =	ssyncadd.s32 $0xFFFFD800  }
0x1c6: {  	[tilespmem:s25], [sflag:$0x3] =	stream.indirect.gather [hbm4b:s9+s20], $0x80, s28, s20, $0xb8;
	[tilespmem:$0x1BC00] =	vst v63  }
0x1c7: {  	_ =	swait.ge [sflag:s26], $0x2800  }
0x1c8: {  	[sflag:s26] =	ssyncset.done $0x0  }
0x1c9: {  	[sflag:s26] =	ssyncadd.s32 $0xFFFFD800  }
0x1ca: {  	[spmem:s2] =	stream.indirect.scatter.add.f32 [tilespmem:s21], [sflag:$0x4], $0x80, s1, s20, $0xb8;
	[tilespmem:$0x1BC00] =	vst v63  }
0x1cb: {  	_ =	swait.ge [sflag:s17], $0x2800  }
0x1cc: {  	[sflag:s17] =	ssyncset.done $0x0  }
0x1cd: {  	s3 =	simm.s32 $0x13F00;
	[sflag:s17] =	ssyncadd.s32 $0xFFFFD800  }
0x1ce: {  	[tilespmem:s21], [sflag:$0x1] =	stream.indirect.gather [hbm4b:s5+s20], $0x80, s3, s20, $0xb8;
	[tilespmem:$0x1BC00] =	vst v63  }
0x1cf: {  	_ =	swait.ge [sflag:s29], $0x2800  }
0x1d0: {  	[sflag:s29] =	ssyncset.done $0x0  }
0x1d1: {  	[sflag:s29] =	ssyncadd.s32 $0xFFFFD800  }
0x1d2: {  	[spmem:s2] =	stream.indirect.scatter.add.f32 [tilespmem:s23], [sflag:$0x4], $0x80, s10, s20, $0xb8;
	[tilespmem:$0x1BC00] =	vst v63  }
0x1d3: {  	_ =	swait.ge [sflag:s17], $0x2800  }
0x1d4: {  	[sflag:s17] =	ssyncset.done $0x0  }
0x1d5: {  	s3 =	simm.s32 $0x13F80;
	[sflag:s17] =	ssyncadd.s32 $0xFFFFD800  }
0x1d6: {  	[tilespmem:s23], [sflag:$0x2] =	stream.indirect.gather [hbm4b:s7+s20], $0x80, s3, s20, $0xb8;
	[tilespmem:$0x1BC00] =	vst v63  }
0x1d7: {  	_ =	swait.ge [sflag:s0], $0x2800  }
0x1d8: {  	[sflag:s0] =	ssyncset.done $0x0  }
0x1d9: {  	s3 =	simm.s32 $0x14280;
	[sflag:s0] =	ssyncadd.s32 $0xFFFFD800  }
0x1da: {  	[spmem:s2] =	stream.indirect.scatter.add.f32 [tilespmem:s25], [sflag:$0x4], $0x80, s3, s20, $0xb8;
	[tilespmem:$0x1BC00] =	vst v63  }
0x1db: {  	_ =	swait.ge [sflag:s17], $0x2800  }
0x1dc: {  	[sflag:s17] =	ssyncset.done $0x0  }
0x1dd: {  	[sflag:s17] =	ssyncadd.s32 $0xFFFFD800  }
0x1de: {  	_ =	swait.ge [sflag:s26], $0x2800  }
0x1df: {  	[sflag:s26] =	ssyncset.done $0x0  }
0x1e0: {  	s3 =	simm.s32 $0x14300;
	[sflag:s26] =	ssyncadd.s32 $0xFFFFD800  }
0x1e1: {  	[spmem:s2] =	stream.indirect.scatter.add.f32 [tilespmem:s21], [sflag:$0x4], $0x80, s3, s20, $0xb8;
	[tilespmem:$0x1BC00] =	vst v63  }
0x1e2: {  	_ =	swait.ge [sflag:s17], $0x2800  }
0x1e3: {  	[sflag:s17] =	ssyncset.done $0x0  }
0x1e4: {  	[sflag:s17] =	ssyncadd.s32 $0xFFFFD800  }
0x1e5: {  	_ =	swait.ge [sflag:s29], $0x2800  }
.Ltmp5:
0x1e6: {  	[sflag:s29] =	ssyncset.done $0x0;
	(pc) =	sbr.rel @p1 .LBB2_6-.Ltmp5, $4  }
0x1e7: {  	s3 =	simm.s32 $0x14380;
	[sflag:s29] =	ssyncadd.s32 $0xFFFFD800  }
0x1e8: {  	[spmem:s2] =	stream.indirect.scatter.add.f32 [tilespmem:s23], [sflag:$0x4], $0x80, s3, s20, $0xb8;
	[tilespmem:$0x1BC00] =	vst v63  }
0x1e9: {  	_ =	swait.ge [sflag:s17], $0x2800  }
0x1ea: {  	s3 =	smov.u32 s31;
	[sflag:s17] =	ssyncset.done $0x0  }
.Ltmp6:
0x1eb: {  	_ = 	snop;
	(pc) =	sbr.rel .LBB2_7-.Ltmp6, $1  }
0x1ec: {  	_ =	sdelay $0x3  }
.LBB2_9:
0x1ed: {  	_ =	sfence.sel $0x180000  }
0x1ee: {  	[bflag:$0x0] =	sbarrier.arrive $0xFFFF  }
0x1ef: {  	_ =	strace $0x9000004D  }
0x1f0: {  	s0 =	stileid.u32;
	[bflag:$0x2] =	sbarrier.arrive $0xFFFF  }
0x1f1: {  	p0 =	sne.s32 s0, $0x0;
	s0 =	rddreg [dreg:$0x3]  }
0x1f2: {  	s0 =	sadd.s32 @!p0 $0x100000, s0  }
0x1f3: {  	[sflag:s0] =	ssyncadd.tile.s32 @!p0 $0x1;
	_ =	shalt  }
.Lfunc_end2:
_tile_overlayer_lowered:
.L_overlay_start_2:
0x1f4: {  	(tag) =	ssettag $0x2  }
0x1f5: {  	s0 =	rddreg [dreg:$0x0];
	s2 =	stileid.u32  }
0x1f6: {  	s1 =	rddreg [dreg:$0x1];
	p0 =	sne.s32 s2, $0x0  }
0x1f7: {  	s3 =	rddreg [dreg:$0x2];
	[bflag:$0x3] =	sbarrier.arrive $0xFFFF;
	s2 =	simm.s32 @!p0 $0x1C04  }
0x1f8: {  	[timem:s3], [sflag:s2] =	dma.local @!p0 [hbm:s0], s1  }
0x1f9: {  	s0 =	simm.s32 @!p0 $0x4  }
0x1fa: {  	_ =	swait.ge @!p0 [sflag:s0], s1  }
0x1fb: {  	s1 =	ssub.s32 @!p0 $0x0, s1;
	[sflag:s0] =	ssyncset.done @!p0 $0x0  }
0x1fc: {  	[sflag:s0] =	ssyncadd.s32 @!p0 s1  }
0x1fd: {  	[bflag:$0x3] =	sbarrier.arrive $0xFFFF  }
0x1fe: {  	_ =	shalt  }

// kernel: kernel.7.cloned.1.call-start
scs
__scs_entry_jumppad:
0x0: {  	(pc) =	sbr.rel $0x88, $3  }
0x1: {  	(tag) =	ssettag $0x0;
	lr =	simm.s32 $0x1  }
0x2: {  	[smem:$0x3F99] =	sst lr;
	_ =	strace $0xD0000000  }
0x3: {  	_ = 	snop  }
0x4: {  	_ = 	snop  }
0x5: {  	_ = 	snop  }
0x6: {  	_ = 	snop  }
0x7: {  	_ = 	snop  }
__scs_overlays_trampoline_lowered:
0x8: {  	[smem:$0x3FA8] =	sst s0  }
0x9: {  	[smem:$0x3FA9] =	sst s1  }
0xa: {  	[smem:$0x3FAA] =	sst s2  }
0xb: {  	[smem:$0x3FAB] =	sst s3  }
0xc: {  	[smem:$0x3FAC] =	sst s4  }
0xd: {  	[smem:$0x3FAD] =	sst s5  }
0xe: {  	[smem:$0x3FAE] =	sst s6  }
0xf: {  	[smem:$0x3FAF] =	sst s7  }
0x10: {  	[smem:$0x3FB0] =	sst s8  }
0x11: {  	[smem:$0x3FB1] =	sst s9;
	s0 =	simm.s32 @!p0 $0x0  }
0x12: {  	s1 =	sld [smem:$0x3F97];
	s0 =	simm.s32 @p0 $0x1  }
0x13: {  	[smem:$0x3FB2] =	sst s0;
	s0 =	simm.s32 @!p1 $0x0  }
0x14: {  	s2 =	sld [smem:$0x3F96];
	s0 =	simm.s32 @p1 $0x1  }
0x15: {  	[smem:$0x3FB3] =	sst s0;
	s0 =	simm.s32 @!p2 $0x0  }
0x16: {  	s3 =	sld [smem:$0x3FDB];
	s0 =	simm.s32 @p2 $0x1  }
0x17: {  	s4 =	simm.s32 $0x1BF5;
	[smem:$0x3FB5] =	sst s0  }
0x18: {  	s0 =	sld [smem:$0x3F98];
	_ =	swait.ge [sflag:s4], $0x0  }
0x19: {  	s7 =	sld [smem:$0x3F99]  }
0x1a: {  	s8 =	sadd.s32 $0xFFFFE003, lr  }
0x1b: {  	s9 =	sadd.s32 $0xFFFFFEF7, lr;
	s5 =	simm.s32 $0xFFFFFFFF;
	p2 =	slt.u32 s8, $0xFFFFF086  }
0x1c: {  	p1 =	slt.u32 s9, $0xF7A;
	s5 =	simm.s32 @!p2 $0x0  }
0x1d: {  	s5 =	simm.s32 @p1 $0x1;
	p0 =	seq.s32 s7, s2  }
0x1e: {  	s7 =	smul.u32 @!p0 $0xF7A, s2;
	p2 =	seq.s32 @!p0 s5, $0x0  }
0x1f: {  	s9 =	smul.u32 $0xF7A, s1;
	s8 =	simm.s32 @!p0 $0x1BF5;
	p2 =	por !p2, p0  }
0x20: {  	[sflag:s8] =	ssyncset.s32 @!p0 $0xFFFFF086;
	s6 =	sadd.s32 @!p0 s3, s7;
	s7 =	simm.s32 @!p0 $0x108  }
0x21: {  	s3 =	sadd.s32 s3, s9;
	s6 =	sadd.s32 @!p0 $0x88, s6;
	s7 =	simm.s32 @p2 $0x1082  }
0x22: {  	[simem:s7], [sflag:s8] =	dma.local @!p0 [hbm:s6], $0xF7A  }
0x23: {  	s9 =	sor.u32 $0xD0000000, s2;
	s6 =	simm.s32 $0x108;
	_ =	swait.ge @!p0 [sflag:s8], $0x0  }
0x24: {  	s3 =	sadd.s32 $0x88, s3;
	s6 =	simm.s32 @!p1 $0x1082;
	[sflag:s4] =	ssyncset.s32 $0xFFFFF086  }
0x25: {  	[simem:s6], [sflag:s4] =	dma.local [hbm:s3], $0xF7A  }
0x26: {  	[smem:$0x3F99] =	sst s1;
	(tag) =	ssettag s2;
	_ =	strace s9  }
0x27: {  	s1 =	sld [smem:$0x3FA9]  }
0x28: {  	s2 =	sld [smem:$0x3FAA]  }
0x29: {  	s4 =	sld [smem:$0x3FAC]  }
0x2a: {  	p0 =	seq.s32 s5, $0x0;
	s5 =	sld [smem:$0x3FAD]  }
0x2b: {  	s6 =	sld [smem:$0x3FAE]  }
0x2c: {  	s7 =	sld [smem:$0x3FAF]  }
0x2d: {  	s3 =	simm.s32 $0x108;
	s8 =	sld [smem:$0x3FB0]  }
0x2e: {  	s3 =	simm.s32 @!p0 $0x1082;
	s9 =	sld [smem:$0x3FB1]  }
0x2f: {  	lr =	sadd.s32 s0, s3;
	s0 =	sld [smem:$0x3FA8]  }
0x30: {  	s3 =	sld [smem:$0x3FAB]  }
0x31: {  	[smem:$0x3FB4] =	sst s10  }
0x32: {  	s10 =	sld [smem:$0x3FB2];
	_ =	sdelay $0x3  }
0x33: {  	p0 =	seq.s32 s10, $0x1;
	s10 =	sld [smem:$0x3FB4];
	_ =	sdelay $0x3  }
0x34: {  	[smem:$0x3FB4] =	sst s10  }
0x35: {  	s10 =	sld [smem:$0x3FB3];
	_ =	sdelay $0x3  }
0x36: {  	p1 =	seq.s32 s10, $0x1;
	s10 =	sld [smem:$0x3FB4];
	_ =	sdelay $0x3  }
0x37: {  	[smem:$0x3FB4] =	sst s10  }
0x38: {  	s10 =	sld [smem:$0x3FB5]  }
0x39: {  	_ = 	snop;
	(pc) =	sbr.ind lr, $3  }
0x3a: {  	_ = 	snop  }
0x3b: {  	_ = 	snop  }
0x3c: {  	p2 =	seq.s32 s10, $0x1;
	s10 =	sld [smem:$0x3FB4]  }
0x3d: {  	_ =	shalt  }
0x3e: {  	_ =	shalt  }
0x3f: {  	_ =	shalt  }
0x40: {  	_ =	shalt  }
0x41: {  	_ =	shalt  }
0x42: {  	_ =	shalt  }
0x43: {  	_ =	shalt  }
0x44: {  	_ =	shalt  }
0x45: {  	_ =	shalt  }
0x46: {  	_ =	shalt  }
0x47: {  	_ =	shalt  }
0x48: {  	_ =	shalt  }
0x49: {  	_ =	shalt  }
0x4a: {  	_ =	shalt  }
0x4b: {  	_ =	shalt  }
0x4c: {  	_ =	shalt  }
0x4d: {  	_ =	shalt  }
0x4e: {  	_ =	shalt  }
0x4f: {  	_ =	shalt  }
0x50: {  	_ =	shalt  }
0x51: {  	_ =	shalt  }
0x52: {  	_ =	shalt  }
0x53: {  	_ =	shalt  }
0x54: {  	_ =	shalt  }
0x55: {  	_ =	shalt  }
0x56: {  	_ =	shalt  }
0x57: {  	_ =	shalt  }
0x58: {  	_ =	shalt  }
0x59: {  	_ =	shalt  }
0x5a: {  	_ =	shalt  }
0x5b: {  	_ =	shalt  }
0x5c: {  	_ =	shalt  }
0x5d: {  	_ =	shalt  }
0x5e: {  	_ =	shalt  }
0x5f: {  	_ =	shalt  }
0x60: {  	_ =	shalt  }
0x61: {  	_ =	shalt  }
0x62: {  	_ =	shalt  }
0x63: {  	_ =	shalt  }
0x64: {  	_ =	shalt  }
0x65: {  	_ =	shalt  }
0x66: {  	_ =	shalt  }
0x67: {  	_ =	shalt  }
0x68: {  	_ =	shalt  }
0x69: {  	_ =	shalt  }
0x6a: {  	_ =	shalt  }
0x6b: {  	_ =	shalt  }
0x6c: {  	_ =	shalt  }
0x6d: {  	_ =	shalt  }
0x6e: {  	_ =	shalt  }
0x6f: {  	_ =	shalt  }
0x70: {  	_ =	shalt  }
0x71: {  	_ =	shalt  }
0x72: {  	_ =	shalt  }
0x73: {  	_ =	shalt  }
0x74: {  	_ =	shalt  }
0x75: {  	_ =	shalt  }
0x76: {  	_ =	shalt  }
0x77: {  	_ =	shalt  }
0x78: {  	_ =	shalt  }
0x79: {  	_ =	shalt  }
0x7a: {  	_ =	shalt  }
0x7b: {  	_ =	shalt  }
0x7c: {  	_ =	shalt  }
0x7d: {  	_ =	shalt  }
0x7e: {  	_ =	shalt  }
0x7f: {  	_ =	shalt  }
0x80: {  	_ =	shalt  }
0x81: {  	_ =	shalt  }
0x82: {  	_ =	shalt  }
0x83: {  	_ =	shalt  }
0x84: {  	_ =	shalt  }
0x85: {  	_ =	shalt  }
0x86: {  	_ =	shalt  }
0x87: {  	_ =	shalt  }
.Lfunc_end0:
.L_simem_size_0:
called_computation_lowered:
.L_overlay_start_0:
0x88: {  	s2 =	sld [smem:$0x3FD9]  }
0x89: {  	s3 =	sld [smem:$0x3FFE];
	_ =	sdelay $0x1  }
0x8a: {  	s1 =	srdreg.scid  }
0x8b: {  	s0 =	sand.u32 $0x1, s1  }
0x8c: {  	s16 =	sshll.u32 s0, $0xA;
	s2 =	sadd.s32 s3, s2  }
0x8d: {  	s2 =	sadd.s32 s2, s16  }
0x8e: {  	[smem:$0x3FC0] =	sst s2  }
0x8f: {  	_ = 	snop  }
0x90: {  	(tm) =	ssettm $0x1  }
0x91: {  	s17 =	sld [smem:$0x3FFB];
	_ =	sdelay $0x3  }
0x92: {  	_ =	strace s17  }
0x93: {  	s2 =	sld [smem:$0x3FFC];
	_ =	sdelay $0x3  }
0x94: {  	_ =	strace s2  }
0x95: {  	s2 =	sld [smem:$0x3FFD];
	_ =	sdelay $0x3  }
0x96: {  	_ =	strace s2  }
0x97: {  	_ =	strace $0x8FFFFFFF  }
0x98: {  	s18 =	sld [smem:$0x3FDB];
	_ =	sdelay $0x1  }
0x99: {  	s19 =	simm.s32 $_scs_section_size  }
0x9a: {  	s4 =	simm.s32 $_size__tile_overlayer_lowered;
	s5 =	simm.s32 $_tile_overlayer_lowered  }
0x9b: {  	s22 =	simm.s32 $0x1BFF;
	s21 =	sshll.u32 s5, $0x1;
	s2 =	sadd.s32 s19, s18  }
0x9c: {  	s6 =	simm.s32 $0x0;
	s20 =	sshll.u32 s4, $0x1;
	s4 =	sadd.s32 s21, s2  }
0x9d: {  	[timem:s6], [sflag:s22] =	dma.local [hbm:s4], s20  }
0x9e: {  	_ =	swait.ge [sflag:s22], s20  }
0x9f: {  	s3 =	ssub.s32 $0x0, s20;
	[sflag:s22] =	ssyncset.done $0x0  }
0xa0: {  	[sflag:s22] =	ssyncadd.s32 s3;
	_ =	sdelay $0x1  }
0xa1: {  	s23 =	simm.s32 $0x1B8B  }
0xa2: {  	_ =	swait.ge [sflag:s23], $0x1  }
0xa3: {  	[sflag:s23] =	ssyncset.done $0x0  }
0xa4: {  	s25 =	simm.s32 $0x1B8E;
	s24 =	sld [smem:$0x3FFE];
	[sflag:s23] =	ssyncadd.s32 $0xFFFFFFFF  }
0xa5: {  	s26 =	simm.s32 $execute0_lowered;
	[smem:$0x3FD2] =	sst s25  }
0xa6: {  	s4 =	sshll.u32 s26, $0x1;
	_ =	strace $0x80000046;
	[dreg:$0x1] =	wrdreg $0xFFFFFFFF  }
0xa7: {  	s28 =	simm.s32 $_size_execute0_lowered;
	s2 =	sadd.s32 s2, s4;
	[dreg:$0x0] =	wrdreg $0x0  }
0xa8: {  	s4 =	sshll.u32 s28, $0x1;
	[dreg:$0x2] =	wrdreg s2  }
0xa9: {  	[dreg:$0x3] =	wrdreg s4  }
0xaa: {  	[dreg:$0x4] =	wrdreg $0xC0  }
0xab: {  	_ =	task [dreg:s6], $0x5FFFF  }
0xac: {  	[dreg:$0x1] =	wrdreg $0xFFFFFFFF  }
0xad: {  	[dreg:$0x0] =	wrdreg $0x60  }
0xae: {  	[dreg:$0x2] =	wrdreg s24  }
0xaf: {  	[dreg:$0x3] =	wrdreg $0x0  }
0xb0: {  	[dreg:$0x4] =	wrdreg $0x9  }
0xb1: {  	_ =	task.clear_ibuf [dreg:s6], $0x5FFFF;
	_ =	strace $0x90000046  }
0xb2: {  	s29 =	simm.s32 $0x9;
	_ =	strace $0x80000048  }
0xb3: {  	_ =	swait.ge [sflag:s29], $0x1  }
0xb4: {  	[sflag:s29] =	ssyncadd.s32 $0xFFFFFFFF  }
0xb5: {  	_ =	strace $0x90000048  }
0xb6: {  	_ =	sfence  }
0xb7: {  	s30 =	sld [smem:$0x0];
	_ =	sdelay $0x2  }
0xb8: {  	s31 =	sshll.u32 s1, $0xD;
	s1 =	sshrl.u32 s1, $0x2  }
0xb9: {  	s3 =	sand.u32 $0x4000, s31;
	s1 =	sadd.s32 s1, s30  }
0xba: {  	s0 =	sor.u32 s3, s0;
	s1 =	sshll.u32 s1, $0x11  }
0xbb: {  	s0 =	sor.u32 s1, s0  }
0xbc: {  	s0 =	sadd.s32 $0x8F2B, s0  }
0xbd: {  	[sflag:s0] =	ssyncadd.remote.s32 $0x1  }
0xbe: {  	_ =	sfence.sel $0xFFFF  }
0xbf: {  	[dreg:$0x0] =	wrdreg $0xFFFFFFFF;
	(pc) =	sbr.abs _section_cstart, $3  }
0xc0: {  	[dreg:$0x1] =	wrdreg $0xFFFFFFFF  }
0xc1: {  	_ =	task.clear_ibuf [dreg:s6], $0x2FFFF;
	_ =	strace $0x9FFFFFFF  }
0xc2: {  	(tm) =	ssettm $0x7FFFFFFF  }
0xc3: {  	_ =	shalt  }
tec
execute0_lowered:
.L_overlay_start_1:
0x0: {  	(tag) =	ssettag $0x1  }
0x1: {  	s5 =	rddreg [dreg:$0x0]  }
0x2: {  	s2 =	rddreg [dreg:$0x1]  }
0x3: {  	s0 =	rddreg [dreg:$0x2];
	s1 =	stileid.u32  }
0x4: {  	s6 =	srdreg.scid;
	s3 =	simm.s32 $0x0;
	s13 =	simm.s32 $0x13C00  }
0x5: {  	s14 =	simm.s32 $0x80;
	s15 =	simm.s32 $0x13C80;
	s16 =	simm.s32 $0x13D00  }
0x6: {  	s17 =	simm.s32 $0x13D80;
	s18 =	simm.s32 $0x13E00;
	s19 =	simm.s32 $0x13E80  }
0x7: {  	s20 =	simm.s32 $0x13F00;
	s21 =	simm.s32 $0x13F80;
	s4 =	smul.u32 $0xA00, s1  }
0x8: {  	s22 =	simm.s32 $0x0;
	s7 =	smul.u32 $0x13C00, s1;
	s6 =	sand.u32 $0x1, s6  }
0x9: {  	[smem:$0x7FF] =	sst s3;
	s11 =	smul.u32 $0x4F000, s1;
	s30 =	sshll.u32 s1, $0x6  }
0xa: {  	s8 =	smul.u32 $0x13C000, s6;
	_ =	strace $0x80000047;
	s25 =	ssub.s32 $0x2, s6  }
0xb: {  	s29 =	smul.u32 $0x500, s6;
	s6 =	sor.u32 $0x1C01, s30;
	s9 =	sshrl.u32 s7, $0x3  }
0xc: {  	s10 =	sadd.s32 s4, s5;
	s4 =	sadd.s32 $0xCE00, s5;
	s26 =	sshrl.u32 s25, $0x1  }
0xd: {  	s28 =	sshrl.u32 s11, $0x2;
	s11 =	simm.s32 $0x1;
	s9 =	sadd.s32 s9, s5  }
0xe: {  	s24 =	sadd.s32 s7, s8;
	s8 =	ssub.s32 s25, s26;
	s12 =	sadd.s32 s28, s2  }
0xf: {  	s31 =	sadd.s32 s29, s10;
	s7 =	sshrl.u32 s24, $0x3;
	s8 =	smax.u32 s8, $0x1  }
0x10: {  	s10 =	sshrl.u32 s12, $0x3;
	s12 =	simm.s32 $0x14000;
	s7 =	sadd.s32 s7, s5  }
0x11: {  	s5 =	sadd.s32 $0xD600, s9;
	s9 =	sadd.s32 $0x2E00, s31;
	s7 =	sadd.s32 $0x34E00, s7  }
.LBB2_1:
0x12: {  	[spmem:s10], [sflag:s6] =	dma.local [hbm:s5], $0x2780  }
0x13: {  	_ =	swait.ge [sflag:s11], $0x2780  }
0x14: {  	[sflag:s11] =	ssyncset.done $0x0  }
0x15: {  	[sflag:s11] =	ssyncadd.s32 $0xFFFFD880  }
0x16: {  	[tilespmem:s12], [sflag:$0x1] =	stream.linear.gather [hbm4b:s4+s3], $0x4000, $0x38;
	[tilespmem:$0x18000] =	vst v63  }
0x17: {  	_ =	swait.ge [sflag:s11], $0x4000  }
0x18: {  	[sflag:s11] =	ssyncset.done $0x0  }
0x19: {  	[sflag:s11] =	ssyncadd.s32 $0xFFFFC000  }
0x1a: {  	s23 =	sadd.s32 $0x0, s9;
	[bflag:$0x0] =	sbarrier.arrive $0xFFFF  }
0x1b: {  	[tilespmem:s13], [sflag:$0x1] =	stream.linear.gather [hbm4b:s23+s3], $0x400, $0x38;
	[tilespmem:$0x18000] =	vst v63  }
0x1c: {  	_ =	swait.ge [sflag:s11], $0x400  }
0x1d: {  	[sflag:s11] =	ssyncset.done $0x0  }
0x1e: {  	[sflag:s11] =	ssyncadd.s32 $0xFFFFFC00  }
0x1f: {  	[spmem:s2] =	stream.indirect.scatter.add.f32 [tilespmem:s12], [sflag:$0x1], $0x80, s13, s14, $0xb8;
	[tilespmem:$0x18000] =	vst v63  }
0x20: {  	_ =	swait.ge [sflag:s11], $0x4000  }
0x21: {  	[sflag:s11] =	ssyncset.done $0x0  }
0x22: {  	[sflag:s11] =	ssyncadd.s32 $0xFFFFC000  }
0x23: {  	[spmem:s2] =	stream.indirect.scatter.add.f32 [tilespmem:s12], [sflag:$0x1], $0x80, s15, s14, $0xb8;
	[tilespmem:$0x18000] =	vst v63  }
0x24: {  	_ =	swait.ge [sflag:s11], $0x4000  }
0x25: {  	[sflag:s11] =	ssyncset.done $0x0  }
0x26: {  	[sflag:s11] =	ssyncadd.s32 $0xFFFFC000  }
0x27: {  	[spmem:s2] =	stream.indirect.scatter.add.f32 [tilespmem:s12], [sflag:$0x1], $0x80, s16, s14, $0xb8;
	[tilespmem:$0x18000] =	vst v63  }
0x28: {  	_ =	swait.ge [sflag:s11], $0x4000  }
0x29: {  	[sflag:s11] =	ssyncset.done $0x0  }
0x2a: {  	[sflag:s11] =	ssyncadd.s32 $0xFFFFC000  }
0x2b: {  	[spmem:s2] =	stream.indirect.scatter.add.f32 [tilespmem:s12], [sflag:$0x1], $0x80, s17, s14, $0xb8;
	[tilespmem:$0x18000] =	vst v63  }
0x2c: {  	_ =	swait.ge [sflag:s11], $0x4000  }
0x2d: {  	[sflag:s11] =	ssyncset.done $0x0  }
0x2e: {  	[sflag:s11] =	ssyncadd.s32 $0xFFFFC000  }
0x2f: {  	[spmem:s2] =	stream.indirect.scatter.add.f32 [tilespmem:s12], [sflag:$0x1], $0x80, s18, s14, $0xb8;
	[tilespmem:$0x18000] =	vst v63  }
0x30: {  	_ =	swait.ge [sflag:s11], $0x4000  }
0x31: {  	[sflag:s11] =	ssyncset.done $0x0  }
0x32: {  	[sflag:s11] =	ssyncadd.s32 $0xFFFFC000  }
0x33: {  	[spmem:s2] =	stream.indirect.scatter.add.f32 [tilespmem:s12], [sflag:$0x1], $0x80, s19, s14, $0xb8;
	[tilespmem:$0x18000] =	vst v63  }
0x34: {  	_ =	swait.ge [sflag:s11], $0x4000  }
0x35: {  	[sflag:s11] =	ssyncset.done $0x0  }
0x36: {  	[sflag:s11] =	ssyncadd.s32 $0xFFFFC000  }
0x37: {  	[spmem:s2] =	stream.indirect.scatter.add.f32 [tilespmem:s12], [sflag:$0x1], $0x80, s20, s14, $0xb8;
	[tilespmem:$0x18000] =	vst v63  }
0x38: {  	_ =	swait.ge [sflag:s11], $0x4000  }
0x39: {  	[sflag:s11] =	ssyncset.done $0x0  }
0x3a: {  	[sflag:s11] =	ssyncadd.s32 $0xFFFFC000  }
0x3b: {  	[spmem:s2] =	stream.indirect.scatter.add.f32 [tilespmem:s12], [sflag:$0x1], $0x80, s21, s14, $0xb8;
	[tilespmem:$0x18000] =	vst v63  }
0x3c: {  	_ =	swait.ge [sflag:s11], $0x4000  }
0x3d: {  	s25 =	simm.s32 $0x100;
	s23 =	simm.s32 $0x80;
	[sflag:s11] =	ssyncset.done $0x0  }
.LBB2_2:
0x3e: {  	s26 =	sadd.s32 s23, s9  }
0x3f: {  	[sflag:s11] =	ssyncadd.s32 $0xFFFFC000;
	s23 =	smov.u32 s25;
	s24 =	sadd.s32 $0x80, s25  }
0x40: {  	[tilespmem:s13], [sflag:$0x1] =	stream.linear.gather [hbm4b:s26+s3], $0x400, $0x38;
	[tilespmem:$0x18000] =	vst v63  }
0x41: {  	p0 =	sne.s32 s25, $0x480;
	_ =	swait.ge [sflag:s11], $0x400  }
0x42: {  	[sflag:s11] =	ssyncset.done $0x0  }
0x43: {  	[sflag:s11] =	ssyncadd.s32 $0xFFFFFC00  }
0x44: {  	[spmem:s2] =	stream.indirect.scatter.add.f32 [tilespmem:s12], [sflag:$0x1], $0x80, s13, s14, $0xb8;
	[tilespmem:$0x18000] =	vst v63  }
0x45: {  	_ =	swait.ge [sflag:s11], $0x4000  }
0x46: {  	[sflag:s11] =	ssyncset.done $0x0  }
0x47: {  	[sflag:s11] =	ssyncadd.s32 $0xFFFFC000  }
0x48: {  	[spmem:s2] =	stream.indirect.scatter.add.f32 [tilespmem:s12], [sflag:$0x1], $0x80, s15, s14, $0xb8;
	[tilespmem:$0x18000] =	vst v63  }
0x49: {  	_ =	swait.ge [sflag:s11], $0x4000  }
0x4a: {  	[sflag:s11] =	ssyncset.done $0x0  }
0x4b: {  	[sflag:s11] =	ssyncadd.s32 $0xFFFFC000  }
0x4c: {  	[spmem:s2] =	stream.indirect.scatter.add.f32 [tilespmem:s12], [sflag:$0x1], $0x80, s16, s14, $0xb8;
	[tilespmem:$0x18000] =	vst v63  }
0x4d: {  	_ =	swait.ge [sflag:s11], $0x4000  }
0x4e: {  	[sflag:s11] =	ssyncset.done $0x0  }
0x4f: {  	[sflag:s11] =	ssyncadd.s32 $0xFFFFC000  }
0x50: {  	[spmem:s2] =	stream.indirect.scatter.add.f32 [tilespmem:s12], [sflag:$0x1], $0x80, s17, s14, $0xb8;
	[tilespmem:$0x18000] =	vst v63  }
0x51: {  	_ =	swait.ge [sflag:s11], $0x4000  }
0x52: {  	[sflag:s11] =	ssyncset.done $0x0  }
0x53: {  	[sflag:s11] =	ssyncadd.s32 $0xFFFFC000  }
0x54: {  	[spmem:s2] =	stream.indirect.scatter.add.f32 [tilespmem:s12], [sflag:$0x1], $0x80, s18, s14, $0xb8;
	[tilespmem:$0x18000] =	vst v63  }
0x55: {  	_ =	swait.ge [sflag:s11], $0x4000  }
0x56: {  	[sflag:s11] =	ssyncset.done $0x0  }
0x57: {  	[sflag:s11] =	ssyncadd.s32 $0xFFFFC000  }
0x58: {  	[spmem:s2] =	stream.indirect.scatter.add.f32 [tilespmem:s12], [sflag:$0x1], $0x80, s19, s14, $0xb8;
	[tilespmem:$0x18000] =	vst v63  }
0x59: {  	_ =	swait.ge [sflag:s11], $0x4000  }
0x5a: {  	[sflag:s11] =	ssyncset.done $0x0  }
0x5b: {  	[sflag:s11] =	ssyncadd.s32 $0xFFFFC000  }
0x5c: {  	[spmem:s2] =	stream.indirect.scatter.add.f32 [tilespmem:s12], [sflag:$0x1], $0x80, s20, s14, $0xb8;
	[tilespmem:$0x18000] =	vst v63  }
0x5d: {  	_ =	swait.ge [sflag:s11], $0x4000  }
.Ltmp0:
0x5e: {  	[sflag:s11] =	ssyncset.done $0x0;
	(pc) =	sbr.rel @p0 .LBB2_2-.Ltmp0, $4  }
0x5f: {  	[sflag:s11] =	ssyncadd.s32 $0xFFFFC000  }
0x60: {  	[spmem:s2] =	stream.indirect.scatter.add.f32 [tilespmem:s12], [sflag:$0x1], $0x80, s21, s14, $0xb8;
	[tilespmem:$0x18000] =	vst v63  }
0x61: {  	_ =	swait.ge [sflag:s11], $0x4000  }
0x62: {  	s25 =	smov.u32 s24;
	[sflag:s11] =	ssyncset.done $0x0  }
0x63: {  	s23 =	sadd.s32 s23, s9;
	[sflag:s11] =	ssyncadd.s32 $0xFFFFC000  }
0x64: {  	[tilespmem:s13], [sflag:$0x1] =	stream.linear.gather [hbm4b:s23+s3], $0x400, $0x38;
	[tilespmem:$0x18000] =	vst v63  }
0x65: {  	_ =	swait.ge [sflag:s11], $0x400  }
0x66: {  	[sflag:s11] =	ssyncset.done $0x0  }
0x67: {  	[sflag:s11] =	ssyncadd.s32 $0xFFFFFC00  }
0x68: {  	[spmem:s2] =	stream.indirect.scatter.add.f32 [tilespmem:s12], [sflag:$0x1], $0x80, s13, s14, $0xb8;
	[tilespmem:$0x18000] =	vst v63  }
0x69: {  	_ =	swait.ge [sflag:s11], $0x4000  }
0x6a: {  	[sflag:s11] =	ssyncset.done $0x0  }
0x6b: {  	[sflag:s11] =	ssyncadd.s32 $0xFFFFC000  }
0x6c: {  	[spmem:s2] =	stream.indirect.scatter.add.f32 [tilespmem:s12], [sflag:$0x1], $0x80, s15, s14, $0xb8;
	[tilespmem:$0x18000] =	vst v63  }
0x6d: {  	_ =	swait.ge [sflag:s11], $0x4000  }
0x6e: {  	[sflag:s11] =	ssyncset.done $0x0  }
0x6f: {  	[sflag:s11] =	ssyncadd.s32 $0xFFFFC000  }
0x70: {  	[spmem:s2] =	stream.indirect.scatter.add.f32 [tilespmem:s12], [sflag:$0x1], $0x80, s16, s14, $0xb8;
	[tilespmem:$0x18000] =	vst v63  }
0x71: {  	_ =	swait.ge [sflag:s11], $0x4000  }
0x72: {  	[sflag:s11] =	ssyncset.done $0x0  }
0x73: {  	[sflag:s11] =	ssyncadd.s32 $0xFFFFC000  }
0x74: {  	[spmem:s2] =	stream.indirect.scatter.add.f32 [tilespmem:s12], [sflag:$0x1], $0x80, s17, s14, $0xb8;
	[tilespmem:$0x18000] =	vst v63  }
0x75: {  	_ =	swait.ge [sflag:s11], $0x4000  }
0x76: {  	[sflag:s11] =	ssyncset.done $0x0  }
0x77: {  	[sflag:s11] =	ssyncadd.s32 $0xFFFFC000  }
0x78: {  	[spmem:s2] =	stream.indirect.scatter.add.f32 [tilespmem:s12], [sflag:$0x1], $0x80, s18, s14, $0xb8;
	[tilespmem:$0x18000] =	vst v63  }
0x79: {  	_ =	swait.ge [sflag:s11], $0x4000  }
0x7a: {  	[sflag:s11] =	ssyncset.done $0x0  }
0x7b: {  	[sflag:s11] =	ssyncadd.s32 $0xFFFFC000  }
0x7c: {  	[spmem:s2] =	stream.indirect.scatter.add.f32 [tilespmem:s12], [sflag:$0x1], $0x80, s19, s14, $0xb8;
	[tilespmem:$0x18000] =	vst v63  }
0x7d: {  	_ =	swait.ge [sflag:s11], $0x4000  }
0x7e: {  	[sflag:s11] =	ssyncset.done $0x0  }
0x7f: {  	[sflag:s11] =	ssyncadd.s32 $0xFFFFC000  }
0x80: {  	[spmem:s2] =	stream.indirect.scatter.add.f32 [tilespmem:s12], [sflag:$0x1], $0x80, s20, s14, $0xb8;
	[tilespmem:$0x18000] =	vst v63  }
0x81: {  	_ =	swait.ge [sflag:s11], $0x4000  }
0x82: {  	[sflag:s11] =	ssyncset.done $0x0  }
0x83: {  	[sflag:s11] =	ssyncadd.s32 $0xFFFFC000  }
0x84: {  	[spmem:s2] =	stream.indirect.scatter.add.f32 [tilespmem:s12], [sflag:$0x1], $0x80, s21, s14, $0xb8;
	[tilespmem:$0x18000] =	vst v63  }
0x85: {  	_ =	swait.ge [sflag:s11], $0x4000  }
0x86: {  	s22 =	sadd.s32 $0x1, s22;
	[sflag:s11] =	ssyncset.done $0x0  }
0x87: {  	p0 =	sne.s32 s22, s8;
	[sflag:s11] =	ssyncadd.s32 $0xFFFFC000  }
.Ltmp1:
0x88: {  	[bflag:$0x0] =	sbarrier.arrive $0xFFFF;
	(pc) =	sbr.rel @p0 .LBB2_1-.Ltmp1, $4  }
0x89: {  	[hbm:s7], [sflag:s6] =	dma.local [spmem:s10], $0x2780  }
0x8a: {  	_ =	swait.ge [sflag:s11], $0x2780  }
0x8b: {  	[sflag:s11] =	ssyncset.done $0x0  }
0x8c: {  	[sflag:s11] =	ssyncadd.s32 $0xFFFFD880  }
0x8d: {  	_ =	sfence.sel $0x180000  }
0x8e: {  	[bflag:$0x0] =	sbarrier.arrive $0xFFFF  }
0x8f: {  	p0 =	sne.s32 s1, $0x0;
	_ =	strace $0x90000047  }
0x90: {  	s0 =	sadd.s32 @!p0 $0x100000, s0;
	[bflag:$0x2] =	sbarrier.arrive $0xFFFF  }
0x91: {  	[sflag:s0] =	ssyncadd.tile.s32 @!p0 $0x1;
	_ =	shalt  }
.Lfunc_end2:
_tile_overlayer_lowered:
.L_overlay_start_2:
0x92: {  	(tag) =	ssettag $0x2  }
0x93: {  	s0 =	rddreg [dreg:$0x0];
	s2 =	stileid.u32  }
0x94: {  	s1 =	rddreg [dreg:$0x1];
	p0 =	sne.s32 s2, $0x0  }
0x95: {  	s3 =	rddreg [dreg:$0x2];
	[bflag:$0x3] =	sbarrier.arrive $0xFFFF;
	s2 =	simm.s32 @!p0 $0x1C01  }
0x96: {  	[timem:s3], [sflag:s2] =	dma.local @!p0 [hbm:s0], s1  }
0x97: {  	s0 =	simm.s32 @!p0 $0x1  }
0x98: {  	_ =	swait.ge @!p0 [sflag:s0], s1  }
0x99: {  	s1 =	ssub.s32 @!p0 $0x0, s1;
	[sflag:s0] =	ssyncset.done @!p0 $0x0  }
0x9a: {  	[sflag:s0] =	ssyncadd.s32 @!p0 s1  }
0x9b: {  	[bflag:$0x3] =	sbarrier.arrive $0xFFFF  }
0x9c: {  	_ =	shalt  }

</sc_bundles>
